<compile_context>
chip_gen: v7x
topology: tpu7x:2x2x1
jax: 0.10.2.dev20260603
libtpu: 0.0.44.dev20260713+nightly
codegen_flags: <defaults>
</compile_context>

<pallas_src>
import functools

import jax
import jax.numpy as jnp
import numpy as np
from jax import lax
from jax.experimental import pallas as pl
from jax.experimental.pallas import tpu as pltpu
from jax.experimental.pallas import tpu_sc as plsc

_B, _M, _NGT, _NPTS, _CFEAT = 4, 512, 32, 16384, 128
_R = 64
_FG = 32
_P = 512
_TWO_PI = 2.0 * np.pi


def _row_from_col(col, iota_i, iota_j, dtype):
    return jnp.sum(jnp.where(iota_i == iota_j, col.astype(dtype), 0), axis=0,
                   keepdims=True, dtype=dtype)


def _stage1_body(roi_ref, gt_ref, rpn_ref, d2_ref, params_ref, smalls_ref):
    roi = roi_ref[0]
    gt = gt_ref[0]
    f32 = jnp.float32

    rx, ry_, rz = roi[:, 0:1], roi[:, 1:2], roi[:, 2:3]
    rh, rw, rl = roi[:, 3:4], roi[:, 4:5], roi[:, 5:6]
    gx, gy, gz = gt[0:1, :], gt[1:2, :], gt[2:3, :]
    gh, gw, gl = gt[3:4, :], gt[4:5, :], gt[5:6, :]

    ax0, ax1 = rx - rl / 2, rx + rl / 2
    ay0, ay1 = ry_ - rh, ry_
    az0, az1 = rz - rw / 2, rz + rw / 2
    bx0, bx1 = gx - gl / 2, gx + gl / 2
    by0, by1 = gy - gh, gy
    bz0, bz1 = gz - gw / 2, gz + gw / 2

    ovx = jnp.maximum(jnp.minimum(ax1, bx1) - jnp.maximum(ax0, bx0), 0.0)
    ovy = jnp.maximum(jnp.minimum(ay1, by1) - jnp.maximum(ay0, by0), 0.0)
    ovz = jnp.maximum(jnp.minimum(az1, bz1) - jnp.maximum(az0, bz0), 0.0)
    inter = ovx * ovy * ovz
    va = (ax1 - ax0) * (ay1 - ay0) * (az1 - az0)
    vb = (bx1 - bx0) * (by1 - by0) * (bz1 - bz0)
    iou = inter / jnp.maximum(va + vb - inter, 1e-7)

    max_ov = jnp.max(iou, axis=1, keepdims=True)
    j32 = lax.broadcasted_iota(jnp.int32, (_M, _NGT), 1)
    asn = jnp.min(jnp.where(iou == max_ov, j32, _NGT), axis=1,
                  keepdims=True)

    ii = lax.broadcasted_iota(jnp.int32, (_M, _M), 0)
    jj = lax.broadcasted_iota(jnp.int32, (_M, _M), 1)
    valr = _row_from_col(max_ov, ii, jj, f32)
    valc = max_ov
    tie = (valr == valc) & (jj < ii)
    rank_fg = jnp.sum(((valr > valc) | tie).astype(jnp.int32), axis=1,
                      keepdims=True)
    rank_bg = jnp.sum(((valr < valc) | tie).astype(jnp.int32), axis=1,
                      keepdims=True)

    si = lax.broadcasted_iota(jnp.int32, (_R, _M), 0)
    fgr = _row_from_col(rank_fg, ii, jj, jnp.int32)
    bgr = _row_from_col(rank_bg, ii, jj, jnp.int32)
    oh = (((si < _FG) & (fgr == si)) |
          ((si >= _FG) & (bgr == si - _FG))).astype(f32)

    batch_rois = jnp.sum(oh[:, :, None] * roi[None, :, :], axis=1)
    batch_iou = jnp.sum(oh * valr, axis=1, keepdims=True)
    asnr = _row_from_col(asn, ii, jj, jnp.int32)
    asn_i = jnp.sum(oh.astype(jnp.int32) * asnr, axis=1, keepdims=True)
    gt_j = lax.broadcasted_iota(jnp.int32, (_R, _NGT), 1)
    oh2 = (asn_i == gt_j).astype(f32)
    batch_gt = jnp.sum(oh2[:, None, :] * gt[None, :, :], axis=2)

    cx, cy, cz = batch_rois[:, 0:1], batch_rois[:, 1:2], batch_rois[:, 2:3]
    ang = batch_rois[:, 6:7]
    ca, sa = jnp.cos(ang), jnp.sin(ang)

    px = rpn_ref[0, 0:1, :]
    py = rpn_ref[0, 1:2, :]
    pz = rpn_ref[0, 2:3, :]
    dx = px - cx
    dy = py - cy
    dz = pz - cz
    d2 = dx * dx + dy * dy + dz * dz
    d2_ref[0] = d2

    min_d2 = jnp.min(d2, axis=1, keepdims=True)

    bd2 = lax.bitcast_convert_type(d2, jnp.int32)
    def bis(_, lohi):
        lo, hi = lohi
        mid = lo + (hi - lo) // 2
        cnt = jnp.sum((bd2 <= mid).astype(jnp.int32), axis=1, keepdims=True)
        ge = cnt >= _P
        return jnp.where(ge, lo, mid + 1), jnp.where(ge, mid, hi)
    lo0 = jnp.zeros((_R, 1), jnp.int32)
    hi0 = jnp.full((_R, 1), 0x7F7FFFFF, jnp.int32)
    lo, _ = lax.fori_loop(0, 31, bis, (lo0, hi0))
    kth = lax.bitcast_convert_type(lo, f32)

    eh, ew, el = batch_rois[:, 3:4] + 2.0, batch_rois[:, 4:5] + 2.0, batch_rois[:, 5:6] + 2.0
    radius2 = (eh / 2) ** 2 + (ew / 2) ** 2 + (el / 2) ** 2
    valid = min_d2 <= radius2
    roi_ry = ang - jnp.floor(ang / _TWO_PI) * _TWO_PI

    gtx = batch_gt[:, 0:1] - cx
    gty = batch_gt[:, 1:2] - cy
    gtz = batch_gt[:, 2:3] - cz
    gxn = gtx * ca - gtz * sa
    gzn = gtx * sa + gtz * ca
    gry = batch_gt[:, 6:7] - roi_ry

    iou_v = batch_iou
    reg_valid = ((iou_v > 0.55) & valid).astype(f32)
    cls = jnp.where(iou_v > 0.6, 1.0, 0.0)
    invalid = (iou_v > 0.45) & (iou_v < 0.6)
    cls = jnp.where(jnp.logical_or(~valid, invalid), -1.0, cls)

    zero = jnp.zeros((_R, 1), f32)
    smalls = jnp.concatenate(
        [batch_rois,
         gxn, gty, gzn, batch_gt[:, 3:4], batch_gt[:, 4:5],
         batch_gt[:, 5:6], gry, zero,
         iou_v, cls, reg_valid, zero,
         zero, zero, zero, zero, zero, zero, zero, zero,
         zero, zero, zero, zero], axis=1)
    smalls_ref[0] = smalls

    ones16 = jnp.ones((_R, 16), f32)
    params = jnp.concatenate(
        [kth * ones16, cx * ones16, cy * ones16, cz * ones16,
         ca * ones16, sa * ones16], axis=1)
    params_ref[0] = params


def _stage1(roi8, gt_t, rpn_t):
    return pl.pallas_call(
        _stage1_body,
        grid=(_B,),
        in_specs=[
            pl.BlockSpec((1, _M, 8), lambda b: (b, 0, 0)),
            pl.BlockSpec((1, 8, _NGT), lambda b: (b, 0, 0)),
            pl.BlockSpec((1, 3, _NPTS), lambda b: (b, 0, 0)),
        ],
        out_specs=[
            pl.BlockSpec((1, _R, _NPTS), lambda b: (b, 0, 0)),
            pl.BlockSpec((1, _R, 96), lambda b: (b, 0, 0)),
            pl.BlockSpec((1, _R, 32), lambda b: (b, 0, 0)),
        ],
        out_shape=[
            jax.ShapeDtypeStruct((_B, _R, _NPTS), jnp.float32),
            jax.ShapeDtypeStruct((_B, _R, 96), jnp.float32),
            jax.ShapeDtypeStruct((_B, _R, 32), jnp.float32),
        ],
    )(roi8, gt_t, rpn_t)


_NROW = _B * _R
_NW = 32
_RPW = _NROW // _NW
_GDN = lax.GatherDimensionNumbers(
    offset_dims=(), collapsed_slice_dims=(0,), start_index_map=(0,))


def _perm(x, p):
    return lax.gather(x, p[:, None], dimension_numbers=_GDN,
                      slice_sizes=(1,),
                      mode=lax.GatherScatterMode.PROMISE_IN_BOUNDS)


def _lexless(ka, ia, kb, ib):
    return (ka < kb) | ((ka == kb) & (ia < ib))


def _stage2_kernel(d2_hbm, par_hbm, xyz_hbm, feat_hbm, out_xyz, out_feat,
                   d2v, parv, ck, ci, gi, xyzv, xtr, fv, fv2,
                   sem, sem2, osem0, osem1):
    i32 = jnp.int32
    iota = lax.iota(i32, 16)
    wid = lax.axis_index("s") * 2 + lax.axis_index("c")
    b = wid // (_R // _RPW)
    b_off = b * _NPTS
    pltpu.sync_copy(xyz_hbm.at[b], xyzv)

    def row_body(ri, _carry):
        r = wid * _RPW + ri
        pltpu.sync_copy(d2_hbm.at[r], d2v)
        pltpu.sync_copy(par_hbm.at[r], parv)
        kth = parv[pl.ds(0, 16)]
        cx = parv[pl.ds(16, 16)]
        cy = parv[pl.ds(32, 16)]
        cz = parv[pl.ds(48, 16)]
        ca = parv[pl.ds(64, 16)]
        sa = parv[pl.ds(80, 16)]

        def comp_body(i, off):
            for u in range(4):
                c = i * 4 + u
                v = d2v[pl.ds(c * 16, 16)]
                m = v <= kth
                csum = plsc.cumsum(m.astype(i32))
                pos = off + csum - 1
                valid = m & (pos < _P)
                plsc.store_scatter(ck, [pos], v, mask=valid)
                plsc.store_scatter(ci, [pos], iota + c * 16, mask=valid)
                off = off + plsc.all_reduce_population_count(m)
            return off
        lax.fori_loop(0, _NPTS // 64, comp_body, jnp.zeros((16,), i32))

        def ce_intra(v, k_phase, s):
            ka = ck[pl.ds(v * 16, 16)]
            ia = ci[pl.ds(v * 16, 16)]
            p = iota ^ s
            pk = _perm(ka, p)
            pi_ = _perm(ia, p)
            elem = v * 16 + iota
            asc_i = ((elem & k_phase) == 0).astype(jnp.int32)
            lower_i = ((iota & s) == 0).astype(jnp.int32)
            keep_i = (lower_i == asc_i).astype(jnp.int32)
            m_i = _lexless(ka, ia, pk, pi_).astype(jnp.int32)
            take_self = keep_i == m_i
            ck[pl.ds(v * 16, 16)] = jnp.where(take_self, ka, pk)
            ci[pl.ds(v * 16, 16)] = jnp.where(take_self, ia, pi_)

        def pre_body(v, _):
            for k_phase in (2, 4, 8, 16):
                s = k_phase // 2
                while s >= 1:
                    ce_intra(v, k_phase, s)
                    s //= 2
            return 0
        lax.fori_loop(0, _P // 16, pre_body, 0)

        for k_phase in (32, 64, 128, 256, 512):
            s = k_phase // 2
            while s >= 16:
                sv = s // 16

                def pair_body(p, _, sv=sv, k_phase=k_phase):
                    va = (p // sv) * (2 * sv) + (p % sv)
                    vb = va + sv
                    ka = ck[pl.ds(va * 16, 16)]
                    ia = ci[pl.ds(va * 16, 16)]
                    kb = ck[pl.ds(vb * 16, 16)]
                    ib = ci[pl.ds(vb * 16, 16)]
                    asc_v = (jnp.full((16,), va * 16, jnp.int32)
                             & k_phase) == 0
                    less = _lexless(ka, ia, kb, ib)
                    swap = jnp.where(asc_v, ~less, less)
                    ck[pl.ds(va * 16, 16)] = jnp.where(swap, kb, ka)
                    ci[pl.ds(va * 16, 16)] = jnp.where(swap, ib, ia)
                    ck[pl.ds(vb * 16, 16)] = jnp.where(swap, ka, kb)
                    ci[pl.ds(vb * 16, 16)] = jnp.where(swap, ia, ib)
                    return 0
                lax.fori_loop(0, _P // 32, pair_body, 0)
                s //= 2

            def post_body(v, _, k_phase=k_phase):
                for s_ in (8, 4, 2, 1):
                    ce_intra(v, k_phase, s_)
                return 0
            lax.fori_loop(0, _P // 16, post_body, 0)

        def gi_body(j, _):
            gi[pl.ds(j * 16, 16)] = ci[pl.ds(j * 16, 16)] + b_off
            return 0
        lax.fori_loop(0, _P // 16, gi_body, 0)
        bufs = (fv, fv2)
        gsem = (sem, sem2)
        osem = (osem0, osem1)
        pltpu.async_copy(feat_hbm.at[gi.at[pl.ds(0, 128)]], fv, sem)
        for c in range(4):
            cur = bufs[c % 2]
            pltpu.make_async_copy(feat_hbm.at[gi.at[pl.ds(c * 128, 128)]],
                                  cur, gsem[c % 2]).wait()
            if c < 3:
                nxt = (c + 1) % 2
                if c >= 1:
                    pltpu.make_async_copy(
                        bufs[nxt], out_feat.at[r, pl.ds((c - 1) * 128, 128)],
                        osem[nxt]).wait()
                pltpu.async_copy(
                    feat_hbm.at[gi.at[pl.ds((c + 1) * 128, 128)]],
                    bufs[nxt], gsem[nxt])
            pltpu.async_copy(cur, out_feat.at[r, pl.ds(c * 128, 128)],
                             osem[c % 2])
        pltpu.make_async_copy(fv, out_feat.at[r, pl.ds(2 * 128, 128)],
                              osem0).wait()
        pltpu.make_async_copy(fv2, out_feat.at[r, pl.ds(3 * 128, 128)],
                              osem1).wait()

        def tr_body(j, _):
            pidx3 = ci[pl.ds(j * 16, 16)] * 3
            out3 = (iota + j * 16) * 3
            x = plsc.load_gather(xyzv, [pidx3])
            y = plsc.load_gather(xyzv, [pidx3 + 1])
            z = plsc.load_gather(xyzv, [pidx3 + 2])
            dx = x - cx
            dy = y - cy
            dz = z - cz
            plsc.store_scatter(xtr, [out3], dx * ca - dz * sa)
            plsc.store_scatter(xtr, [out3 + 1], dy)
            plsc.store_scatter(xtr, [out3 + 2], dx * sa + dz * ca)
            return 0
        lax.fori_loop(0, _P // 16, tr_body, 0)
        pltpu.sync_copy(xtr, out_xyz.at[r])
        return 0

    lax.fori_loop(0, _RPW, row_body, 0)


def _stage2(d2, params, rpn_xyz, feat_flat):
    mesh = plsc.VectorSubcoreMesh(core_axis_name="c", subcore_axis_name="s")
    k = functools.partial(
        pl.kernel,
        mesh=mesh,
        compiler_params=pltpu.CompilerParams(needs_layout_passes=False),
        out_type=[
            jax.ShapeDtypeStruct((_NROW, _P * 3), jnp.float32),
            jax.ShapeDtypeStruct((_NROW, _P, _CFEAT), jnp.float32),
        ],
        scratch_types=[
            pltpu.VMEM((_NPTS,), jnp.float32),
            pltpu.VMEM((96,), jnp.float32),
            pltpu.VMEM((_P,), jnp.float32),
            pltpu.VMEM((_P,), jnp.int32),
            pltpu.VMEM((_P,), jnp.int32),
            pltpu.VMEM((_NPTS * 3,), jnp.float32),
            pltpu.VMEM((_P * 3,), jnp.float32),
            pltpu.VMEM((128, _CFEAT), jnp.float32),
            pltpu.VMEM((128, _CFEAT), jnp.float32),
            pltpu.SemaphoreType.DMA,
            pltpu.SemaphoreType.DMA,
            pltpu.SemaphoreType.DMA,
            pltpu.SemaphoreType.DMA,
        ],
    )(_stage2_kernel)
    return k(d2, params, rpn_xyz, feat_flat)


def kernel(roi_boxes3d, gt_boxes3d, rpn_xyz, pts_feature):
    roi8 = jnp.concatenate(
        [roi_boxes3d, jnp.zeros((_B, _M, 1), jnp.float32)], axis=-1)
    gt_t = jnp.swapaxes(gt_boxes3d, 1, 2)
    rpn_t = jnp.swapaxes(rpn_xyz, 1, 2)

    d2, params, smalls = _stage1(roi8, gt_t, rpn_t)

    sampled, pooled_feat = _stage2(
        d2.reshape(_NROW, _NPTS),
        params.reshape(_NROW, 96),
        rpn_xyz.reshape(_B, _NPTS * 3),
        pts_feature.reshape(_B * _NPTS, _CFEAT),
    )
    sampled = sampled.reshape(_NROW, _P, 3)

    batch_rois = smalls[:, :, 0:7].reshape(-1, 7)
    gt_can = smalls[:, :, 8:15].reshape(-1, 7)
    batch_iou = smalls[:, :, 16].reshape(-1)
    cls_label = smalls[:, :, 17].astype(jnp.int32).reshape(-1)
    reg_valid = smalls[:, :, 18].astype(jnp.int32).reshape(-1)

    return (sampled.reshape(-1, _P, 3),
            pooled_feat.reshape(-1, _P, _CFEAT),
            cls_label, reg_valid, gt_can, batch_iou,
            batch_rois.reshape(-1, 7))

# --- scband reference (transcript-rebuilt; emitter-appended) ---
"""Pipeline reference for scband-proposal-target-layer-69217692942974 (READ-ONLY COPY).

The authoritative reference and input builder live on the scoring server;
editing this copy changes nothing except your own understanding.
"""

import jax, jax.numpy as jnp
import numpy as np
from jax import lax

B, M, NGT, NPTS, CFEAT = 4, 512, 32, 16384, 128
ROI_PER_IMAGE = 64
FG_PER_IMAGE = 32
NUM_POINTS = 512
POOL_EXTRA_WIDTH = 1.0
REG_FG_THRESH = 0.55
CLS_FG_THRESH = 0.6
CLS_BG_THRESH = 0.45


def setup_inputs(seed: int = 0):
    key = jax.random.key(seed)
    ks = jax.random.split(key, 8)
    roi_center = jax.random.uniform(ks[0], (B, M, 3), minval=-20.0, maxval=20.0)
    roi_size = jax.random.uniform(ks[1], (B, M, 3), minval=1.0, maxval=4.0)
    roi_ry = jax.random.uniform(ks[2], (B, M, 1), minval=-np.pi, maxval=np.pi)
    roi_boxes3d = jnp.concatenate([roi_center, roi_size, roi_ry], axis=-1)
    gt_center = jax.random.uniform(ks[3], (B, NGT, 3), minval=-20.0, maxval=20.0)
    gt_size = jax.random.uniform(ks[4], (B, NGT, 3), minval=1.0, maxval=4.0)
    gt_ry = jax.random.uniform(ks[5], (B, NGT, 1), minval=-np.pi, maxval=np.pi)
    gt_cls = jnp.ones((B, NGT, 1), jnp.float32)
    gt_boxes3d = jnp.concatenate([gt_center, gt_size, gt_ry, gt_cls], axis=-1)
    rpn_xyz = jax.random.uniform(ks[6], (B, NPTS, 3), minval=-25.0, maxval=25.0)
    pts_feature = jax.random.normal(ks[7], (B, NPTS, CFEAT), jnp.float32)
    return {"roi_boxes3d": roi_boxes3d, "gt_boxes3d": gt_boxes3d, "rpn_xyz": rpn_xyz, "pts_feature": pts_feature}


def _corners(b):
    x, y, z, h, w, l = [b[..., i] for i in range(6)]
    return x - l / 2, x + l / 2, y - h, y, z - w / 2, z + w / 2


def _aa_iou3d(a, b):
    ax0, ax1, ay0, ay1, az0, az1 = _corners(a)
    bx0, bx1, by0, by1, bz0, bz1 = _corners(b)
    def ov(l0, h0, l1, h1):
        return jnp.maximum(jnp.minimum(h0[:, None], h1[None, :]) - jnp.maximum(l0[:, None], l1[None, :]), 0.0)
    inter = ov(ax0, ax1, bx0, bx1) * ov(ay0, ay1, by0, by1) * ov(az0, az1, bz0, bz1)
    va = (ax1 - ax0) * (ay1 - ay0) * (az1 - az0)
    vb = (bx1 - bx0) * (by1 - by0) * (bz1 - bz0)
    return inter / jnp.maximum(va[:, None] + vb[None, :] - inter, 1e-7)


def _forward(roi_boxes3d, gt_boxes3d, rpn_xyz, pts_feature):
    gt7 = gt_boxes3d[..., :7]
    iou = jax.vmap(_aa_iou3d)(roi_boxes3d, gt7)  # (B, M, N)
    max_ov = jnp.max(iou, -1)
    gt_asn = jnp.argmax(iou, -1)
    # deterministic fg/bg ROI sampling: top-k / bottom-k by max overlap
    _, fg_idx = lax.top_k(max_ov, FG_PER_IMAGE)
    _, bg_idx = lax.top_k(-max_ov, ROI_PER_IMAGE - FG_PER_IMAGE)
    sel = jnp.concatenate([fg_idx, bg_idx], -1)  # (B, R)
    batch_rois = jnp.take_along_axis(roi_boxes3d, sel[..., None], 1)
    asn = jnp.take_along_axis(gt_asn, sel, 1)
    batch_gt = jnp.take_along_axis(gt7, asn[..., None], 1)
    batch_iou = jnp.take_along_axis(max_ov, sel, 1)
    centers = batch_rois[..., :3]
    # roipool3d: nearest NUM_POINTS points per ROI
    d2 = jnp.sum((rpn_xyz[:, None, :, :] - centers[:, :, None, :]) ** 2, -1)  # (B, R, NPTS)
    _, pt_idx = lax.top_k(-d2, NUM_POINTS)
    def gather(arr, idx):
        flat = jax.vmap(lambda a, i: a[i])(arr, idx.reshape(idx.shape[0], -1))
        return flat.reshape(idx.shape + (arr.shape[-1],))
    pooled_xyz = gather(rpn_xyz, pt_idx)       # (B, R, P, 3)
    pooled_feat = gather(pts_feature, pt_idx)  # (B, R, P, C)
    ext = batch_rois[..., 3:6] + 2.0 * POOL_EXTRA_WIDTH
    radius2 = jnp.sum((ext / 2.0) ** 2, -1)
    empty_flag = jnp.min(d2, -1) > radius2
    valid_mask = ~empty_flag
    # canonical transform
    roi_ry = jnp.mod(batch_rois[..., 6:7], 2.0 * np.pi)
    sampled = pooled_xyz - centers[:, :, None, :]
    ang = batch_rois[..., 6]
    c = jnp.cos(ang)[..., None]
    s = jnp.sin(ang)[..., None]
    xn = sampled[..., 0] * c - sampled[..., 2] * s
    zn = sampled[..., 0] * s + sampled[..., 2] * c
    sampled = jnp.stack([xn, sampled[..., 1], zn], -1)
    gt_ct = jnp.concatenate([batch_gt[..., :3] - centers, batch_gt[..., 3:6], batch_gt[..., 6:7] - roi_ry], -1)
    c1 = jnp.cos(ang)
    s1 = jnp.sin(ang)
    gxn = gt_ct[..., 0] * c1 - gt_ct[..., 2] * s1
    gzn = gt_ct[..., 0] * s1 + gt_ct[..., 2] * c1
    gt_can = jnp.concatenate([gxn[..., None], gt_ct[..., 1:2], gzn[..., None], gt_ct[..., 3:]], -1)
    reg_valid = ((batch_iou > REG_FG_THRESH) & valid_mask).astype(jnp.int32)
    cls_label = (batch_iou > CLS_FG_THRESH).astype(jnp.int32)
    invalid = (batch_iou > CLS_BG_THRESH) & (batch_iou < CLS_FG_THRESH)
    cls_label = jnp.where((~valid_mask) | invalid, -1, cls_label)
    return (sampled.reshape(-1, NUM_POINTS, 3),
            pooled_feat.reshape(-1, NUM_POINTS, CFEAT),
            cls_label.reshape(-1),
            reg_valid.reshape(-1),
            gt_can.reshape(-1, 7),
            batch_iou.reshape(-1),
            batch_rois.reshape(-1, 7))


def reference(roi_boxes3d, gt_boxes3d, rpn_xyz, pts_feature):
    return _forward(roi_boxes3d, gt_boxes3d, rpn_xyz, pts_feature)

if __name__ == "__main__":
    import jax
    _d = setup_inputs()
    print(jax.jit(kernel)(*tuple(_d.values())))

</pallas_src>

<mosaic_0001>
#map = affine_map<(d0, d1) -> (0, 0)>
#map1 = affine_map<(d0, d1) -> (0, 0, 0)>
module attributes {stable_mosaic.version = 14 : i64} {
  func.func @_stage2_kernel(%arg0: i32, %arg1: i32, %arg2: memref<256x16384xf32, #tpu.memory_space<hbm>>, %arg3: memref<256x96xf32, #tpu.memory_space<hbm>>, %arg4: memref<4x49152xf32, #tpu.memory_space<hbm>>, %arg5: memref<65536x128xf32, #tpu.memory_space<hbm>>, %arg6: memref<256x1536xf32, #tpu.memory_space<hbm>>, %arg7: memref<256x512x128xf32, #tpu.memory_space<hbm>>, %arg8: memref<16384xf32, #tpu.memory_space<vmem>>, %arg9: memref<96xf32, #tpu.memory_space<vmem>>, %arg10: memref<512xf32, #tpu.memory_space<vmem>>, %arg11: memref<512xi32, #tpu.memory_space<vmem>>, %arg12: memref<512xi32, #tpu.memory_space<vmem>>, %arg13: memref<49152xf32, #tpu.memory_space<vmem>>, %arg14: memref<1536xf32, #tpu.memory_space<vmem>>, %arg15: memref<128x128xf32, #tpu.memory_space<vmem>>, %arg16: memref<128x128xf32, #tpu.memory_space<vmem>>, %arg17: memref<!tpu.dma_semaphore, #tpu.memory_space<semaphore_mem>>, %arg18: memref<!tpu.dma_semaphore, #tpu.memory_space<semaphore_mem>>, %arg19: memref<!tpu.dma_semaphore, #tpu.memory_space<semaphore_mem>>, %arg20: memref<!tpu.dma_semaphore, #tpu.memory_space<semaphore_mem>>) attributes {dimension_semantics = [#tpu.dimension_semantics<core_parallel>, #tpu.dimension_semantics<subcore_parallel>], iteration_bounds = array<i64: 2, 16>, scalar_prefetch = 0 : i64, scratch_operands = 13 : i64, tpu.core_type = #tpu.core_type<sc_vector_subcore>, window_params = [{transform_indices = #map}, {transform_indices = #map}, {transform_indices = #map}, {transform_indices = #map}, {transform_indices = #map}, {transform_indices = #map1}]} {
    %iota3A = tpu.iota {dimensions = array<i32: 0>} : vector<16xi32>
    %mul3A = arith.constant 2 : i32
    %mul3A_0 = arith.muli %arg1, %mul3A : i32
    %add3A = arith.addi %mul3A_0, %arg0 : i32
    %jit3A = arith.constant 8 : i32
    %div3A = arith.divsi %add3A, %jit3A : i32
    %sign3A = arith.constant 0 : i32
    %sign3A_1 = arith.cmpi sgt, %add3A, %sign3A : i32
    %sign3A_2 = arith.extui %sign3A_1 : i1 to i32
    %sign3A_3 = arith.constant 0 : i32
    %sign3A_4 = arith.cmpi slt, %add3A, %sign3A_3 : i32
    %sign3A_5 = arith.extui %sign3A_4 : i1 to i32
    %sign3A_6 = arith.subi %sign3A_2, %sign3A_5 : i32
    %sign3A_7 = arith.constant 0 : i32
    %sign3A_8 = arith.cmpi sgt, %jit3A, %sign3A_7 : i32
    %sign3A_9 = arith.extui %sign3A_8 : i1 to i32
    %sign3A_10 = arith.constant 0 : i32
    %sign3A_11 = arith.cmpi slt, %jit3A, %sign3A_10 : i32
    %sign3A_12 = arith.extui %sign3A_11 : i1 to i32
    %sign3A_13 = arith.subi %sign3A_9, %sign3A_12 : i32
    %ne3A = arith.cmpi ne, %sign3A_6, %sign3A_13 : i32
    %rem3A = arith.remsi %add3A, %jit3A : i32
    %ne3A_14 = arith.constant 0 : i32
    %ne3A_15 = arith.cmpi ne, %rem3A, %ne3A_14 : i32
    %and3A = arith.andi %ne3A, %ne3A_15 : i1
    %sub3A = arith.constant 1 : i32
    %sub3A_16 = arith.subi %div3A, %sub3A : i32
    %select_n3A = arith.select %and3A, %sub3A_16, %div3A : i32
    %mul3A_17 = arith.constant 16384 : i32
    %mul3A_18 = arith.muli %select_n3A, %mul3A_17 : i32
    "tpu.region"() ({
      %run_scoped3A = tpu.sem_alloc : memref<!tpu.dma_semaphore, #tpu.memory_space<semaphore_mem>>
      %dma_start3A = arith.constant 0 : i32
      %dma_start3A_25 = tpu.memref_slice %arg4[%select_n3A, %dma_start3A] : memref<4x49152xf32, #tpu.memory_space<hbm>> -> memref<1x49152xf32, #tpu.memory_space<hbm>>
      %dma_start3A_26 = tpu.memref_squeeze %dma_start3A_25 : memref<1x49152xf32, #tpu.memory_space<hbm>> -> memref<49152xf32, #tpu.memory_space<hbm>>
      %dma_start3A_27 = arith.constant 0 : i32
      %dma_start3A_28 = tpu.memref_slice %arg4[%select_n3A, %dma_start3A_27] : memref<4x49152xf32, #tpu.memory_space<hbm>> -> memref<1x49152xf32, #tpu.memory_space<hbm>>
      %dma_start3A_29 = tpu.memref_squeeze %dma_start3A_28 : memref<1x49152xf32, #tpu.memory_space<hbm>> -> memref<49152xf32, #tpu.memory_space<hbm>>
      tpu.enqueue_dma source(%dma_start3A_29 : memref<49152xf32, #tpu.memory_space<hbm>>) target(%arg13 : memref<49152xf32, #tpu.memory_space<vmem>>) target_semaphore(%run_scoped3A : memref<!tpu.dma_semaphore, #tpu.memory_space<semaphore_mem>>)
      %dma_wait3A = arith.constant 0 : i32
      %dma_wait3A_30 = tpu.memref_slice %arg4[%select_n3A, %dma_wait3A] : memref<4x49152xf32, #tpu.memory_space<hbm>> -> memref<1x49152xf32, #tpu.memory_space<hbm>>
      %dma_wait3A_31 = tpu.memref_squeeze %dma_wait3A_30 : memref<1x49152xf32, #tpu.memory_space<hbm>> -> memref<49152xf32, #tpu.memory_space<hbm>>
      %dma_wait3A_32 = arith.constant 0 : i32
      %dma_wait3A_33 = tpu.memref_slice %arg4[%select_n3A, %dma_wait3A_32] : memref<4x49152xf32, #tpu.memory_space<hbm>> -> memref<1x49152xf32, #tpu.memory_space<hbm>>
      %dma_wait3A_34 = tpu.memref_squeeze %dma_wait3A_33 : memref<1x49152xf32, #tpu.memory_space<hbm>> -> memref<49152xf32, #tpu.memory_space<hbm>>
      tpu.wait_dma2 semaphore(%run_scoped3A : memref<!tpu.dma_semaphore, #tpu.memory_space<semaphore_mem>>) src(%dma_wait3A_34 : memref<49152xf32, #tpu.memory_space<hbm>>) dst(%arg13 : memref<49152xf32, #tpu.memory_space<vmem>>)
      tpu.yield
    }) : () -> ()
    %scan3A = arith.constant 0 : i32
    %scan3A_19 = arith.constant 0 : i32
    %scan3A_20 = arith.constant 8 : i32
    %scan3A_21 = arith.addi %scan3A_19, %scan3A_20 : i32
    %scan3A_22 = arith.constant 1 : i32
    %scan3A_23 = scf.for %scan3A_25 = %scan3A_19 to %scan3A_21 step %scan3A_22 iter_args(%scan3A_26 = %scan3A) -> (i32)  : i32 {
      %mul3A_27 = arith.constant 8 : i32
      %mul3A_28 = arith.muli %add3A, %mul3A_27 : i32
      %add3A_29 = arith.addi %mul3A_28, %scan3A_25 : i32
      "tpu.region"() ({
        %run_scoped3A = tpu.sem_alloc : memref<!tpu.dma_semaphore, #tpu.memory_space<semaphore_mem>>
        %dma_start3A_312 = arith.constant 0 : i32
        %dma_start3A_313 = tpu.memref_slice %arg2[%add3A_29, %dma_start3A_312] : memref<256x16384xf32, #tpu.memory_space<hbm>> -> memref<1x16384xf32, #tpu.memory_space<hbm>>
        %dma_start3A_314 = tpu.memref_squeeze %dma_start3A_313 : memref<1x16384xf32, #tpu.memory_space<hbm>> -> memref<16384xf32, #tpu.memory_space<hbm>>
        %dma_start3A_315 = arith.constant 0 : i32
        %dma_start3A_316 = tpu.memref_slice %arg2[%add3A_29, %dma_start3A_315] : memref<256x16384xf32, #tpu.memory_space<hbm>> -> memref<1x16384xf32, #tpu.memory_space<hbm>>
        %dma_start3A_317 = tpu.memref_squeeze %dma_start3A_316 : memref<1x16384xf32, #tpu.memory_space<hbm>> -> memref<16384xf32, #tpu.memory_space<hbm>>
        tpu.enqueue_dma source(%dma_start3A_317 : memref<16384xf32, #tpu.memory_space<hbm>>) target(%arg8 : memref<16384xf32, #tpu.memory_space<vmem>>) target_semaphore(%run_scoped3A : memref<!tpu.dma_semaphore, #tpu.memory_space<semaphore_mem>>)
        %dma_wait3A_318 = arith.constant 0 : i32
        %dma_wait3A_319 = tpu.memref_slice %arg2[%add3A_29, %dma_wait3A_318] : memref<256x16384xf32, #tpu.memory_space<hbm>> -> memref<1x16384xf32, #tpu.memory_space<hbm>>
        %dma_wait3A_320 = tpu.memref_squeeze %dma_wait3A_319 : memref<1x16384xf32, #tpu.memory_space<hbm>> -> memref<16384xf32, #tpu.memory_space<hbm>>
        %dma_wait3A_321 = arith.constant 0 : i32
        %dma_wait3A_322 = tpu.memref_slice %arg2[%add3A_29, %dma_wait3A_321] : memref<256x16384xf32, #tpu.memory_space<hbm>> -> memref<1x16384xf32, #tpu.memory_space<hbm>>
        %dma_wait3A_323 = tpu.memref_squeeze %dma_wait3A_322 : memref<1x16384xf32, #tpu.memory_space<hbm>> -> memref<16384xf32, #tpu.memory_space<hbm>>
        tpu.wait_dma2 semaphore(%run_scoped3A : memref<!tpu.dma_semaphore, #tpu.memory_space<semaphore_mem>>) src(%dma_wait3A_323 : memref<16384xf32, #tpu.memory_space<hbm>>) dst(%arg8 : memref<16384xf32, #tpu.memory_space<vmem>>)
        tpu.yield
      }) : () -> ()
      "tpu.region"() ({
        %run_scoped3A = tpu.sem_alloc : memref<!tpu.dma_semaphore, #tpu.memory_space<semaphore_mem>>
        %dma_start3A_312 = arith.constant 0 : i32
        %dma_start3A_313 = tpu.memref_slice %arg3[%add3A_29, %dma_start3A_312] : memref<256x96xf32, #tpu.memory_space<hbm>> -> memref<1x96xf32, #tpu.memory_space<hbm>>
        %dma_start3A_314 = tpu.memref_squeeze %dma_start3A_313 : memref<1x96xf32, #tpu.memory_space<hbm>> -> memref<96xf32, #tpu.memory_space<hbm>>
        %dma_start3A_315 = arith.constant 0 : i32
        %dma_start3A_316 = tpu.memref_slice %arg3[%add3A_29, %dma_start3A_315] : memref<256x96xf32, #tpu.memory_space<hbm>> -> memref<1x96xf32, #tpu.memory_space<hbm>>
        %dma_start3A_317 = tpu.memref_squeeze %dma_start3A_316 : memref<1x96xf32, #tpu.memory_space<hbm>> -> memref<96xf32, #tpu.memory_space<hbm>>
        tpu.enqueue_dma source(%dma_start3A_317 : memref<96xf32, #tpu.memory_space<hbm>>) target(%arg9 : memref<96xf32, #tpu.memory_space<vmem>>) target_semaphore(%run_scoped3A : memref<!tpu.dma_semaphore, #tpu.memory_space<semaphore_mem>>)
        %dma_wait3A_318 = arith.constant 0 : i32
        %dma_wait3A_319 = tpu.memref_slice %arg3[%add3A_29, %dma_wait3A_318] : memref<256x96xf32, #tpu.memory_space<hbm>> -> memref<1x96xf32, #tpu.memory_space<hbm>>
        %dma_wait3A_320 = tpu.memref_squeeze %dma_wait3A_319 : memref<1x96xf32, #tpu.memory_space<hbm>> -> memref<96xf32, #tpu.memory_space<hbm>>
        %dma_wait3A_321 = arith.constant 0 : i32
        %dma_wait3A_322 = tpu.memref_slice %arg3[%add3A_29, %dma_wait3A_321] : memref<256x96xf32, #tpu.memory_space<hbm>> -> memref<1x96xf32, #tpu.memory_space<hbm>>
        %dma_wait3A_323 = tpu.memref_squeeze %dma_wait3A_322 : memref<1x96xf32, #tpu.memory_space<hbm>> -> memref<96xf32, #tpu.memory_space<hbm>>
        tpu.wait_dma2 semaphore(%run_scoped3A : memref<!tpu.dma_semaphore, #tpu.memory_space<semaphore_mem>>) src(%dma_wait3A_323 : memref<96xf32, #tpu.memory_space<hbm>>) dst(%arg9 : memref<96xf32, #tpu.memory_space<vmem>>)
        tpu.yield
      }) : () -> ()
      %get3A = arith.constant 0 : index
      %get3A_30 = tpu.vector_load %arg9[%get3A] {strides = array<i32>} : memref<96xf32, #tpu.memory_space<vmem>>, vector<16xf32>,
      %get3A_31 = arith.constant 16 : index
      %get3A_32 = tpu.vector_load %arg9[%get3A_31] {strides = array<i32>} : memref<96xf32, #tpu.memory_space<vmem>>, vector<16xf32>,
      %get3A_33 = arith.constant 32 : index
      %get3A_34 = tpu.vector_load %arg9[%get3A_33] {strides = array<i32>} : memref<96xf32, #tpu.memory_space<vmem>>, vector<16xf32>,
      %get3A_35 = arith.constant 48 : index
      %get3A_36 = tpu.vector_load %arg9[%get3A_35] {strides = array<i32>} : memref<96xf32, #tpu.memory_space<vmem>>, vector<16xf32>,
      %get3A_37 = arith.constant 64 : index
      %get3A_38 = tpu.vector_load %arg9[%get3A_37] {strides = array<i32>} : memref<96xf32, #tpu.memory_space<vmem>>, vector<16xf32>,
      %get3A_39 = arith.constant 80 : index
      %get3A_40 = tpu.vector_load %arg9[%get3A_39] {strides = array<i32>} : memref<96xf32, #tpu.memory_space<vmem>>, vector<16xf32>,
      %broadcast_in_dim3A = arith.constant 0 : i32
      %broadcast_in_dim3A_41 = vector.broadcast %broadcast_in_dim3A : i32 to vector<16xi32>
      %scan3A_42 = arith.constant 0 : i32
      %scan3A_43 = arith.constant 256 : i32
      %scan3A_44 = arith.addi %scan3A_42, %scan3A_43 : i32
      %scan3A_45 = arith.constant 1 : i32
      %scan3A_46 = scf.for %scan3A_312 = %scan3A_42 to %scan3A_44 step %scan3A_45 iter_args(%scan3A_313 = %broadcast_in_dim3A_41) -> (vector<16xi32>)  : i32 {
        %mul3A_314 = arith.constant 4 : i32
        %mul3A_315 = arith.muli %scan3A_312, %mul3A_314 : i32
        %add3A_316 = arith.constant 0 : i32
        %add3A_317 = arith.addi %mul3A_315, %add3A_316 : i32
        %mul3A_318 = arith.constant 16 : i32
        %mul3A_319 = arith.muli %add3A_317, %mul3A_318 : i32
        %get3A_320 = arith.index_cast %mul3A_319 : i32 to index
        %get3A_321 = tpu.vector_load %arg8[%get3A_320] {strides = array<i32>} : memref<16384xf32, #tpu.memory_space<vmem>>, vector<16xf32>,
        %le3A = arith.cmpf ole, %get3A_321, %get3A_30 : vector<16xf32>
        %convert_element_type3A = arith.extui %le3A : vector<16xi1> to vector<16xi32>
        %broadcast_in_dim3A_322 = arith.constant true
        %broadcast_in_dim3A_323 = vector.broadcast %broadcast_in_dim3A_322 : i1 to vector<16xi1>
        %masked_cumsum3A = tpu.scan <sum>, %convert_element_type3A masked %broadcast_in_dim3A_323 : vector<16xi32>, vector<16xi1> -> vector<16xi32>
        %add3A_324 = arith.addi %scan3A_313, %masked_cumsum3A : vector<16xi32>
        %sub3A_325 = arith.constant 1 : i32
        %sub3A_326 = vector.broadcast %sub3A_325 : i32 to vector<16xi32>
        %sub3A_327 = arith.subi %add3A_324, %sub3A_326 : vector<16xi32>
        %lt3A = arith.constant 512 : i32
        %lt3A_328 = vector.broadcast %lt3A : i32 to vector<16xi32>
        %lt3A_329 = arith.cmpi slt, %sub3A_327, %lt3A_328 : vector<16xi32>
        %and3A_330 = arith.andi %le3A, %lt3A_329 : vector<16xi1>
        tpu.vector_store_idx %arg10[%sub3A_327], %get3A_321 masked %and3A_330 : memref<512xf32, #tpu.memory_space<vmem>>[vector<16xi32>], vector<16xf32>, vector<16xi1>
        %mul3A_331 = arith.constant 16 : i32
        %mul3A_332 = arith.muli %add3A_317, %mul3A_331 : i32
        %add3A_333 = vector.broadcast %mul3A_332 : i32 to vector<16xi32>
        %add3A_334 = arith.addi %iota3A, %add3A_333 : vector<16xi32>
        tpu.vector_store_idx %arg11[%sub3A_327], %add3A_334 masked %and3A_330 : memref<512xi32, #tpu.memory_space<vmem>>[vector<16xi32>], vector<16xi32>, vector<16xi1>
        %all_reduce_population_count3A = tpu.all_reduce %le3A {dim = 0 : i64, kind = #tpu.reduction_kind<sum>} : vector<16xi1> -> vector<16xi32>
        %add3A_335 = arith.addi %scan3A_313, %all_reduce_population_count3A : vector<16xi32>
        %mul3A_336 = arith.constant 4 : i32
        %mul3A_337 = arith.muli %scan3A_312, %mul3A_336 : i32
        %add3A_338 = arith.constant 1 : i32
        %add3A_339 = arith.addi %mul3A_337, %add3A_338 : i32
        %mul3A_340 = arith.constant 16 : i32
        %mul3A_341 = arith.muli %add3A_339, %mul3A_340 : i32
        %get3A_342 = arith.index_cast %mul3A_341 : i32 to index
        %get3A_343 = tpu.vector_load %arg8[%get3A_342] {strides = array<i32>} : memref<16384xf32, #tpu.memory_space<vmem>>, vector<16xf32>,
        %le3A_344 = arith.cmpf ole, %get3A_343, %get3A_30 : vector<16xf32>
        %convert_element_type3A_345 = arith.extui %le3A_344 : vector<16xi1> to vector<16xi32>
        %broadcast_in_dim3A_346 = arith.constant true
        %broadcast_in_dim3A_347 = vector.broadcast %broadcast_in_dim3A_346 : i1 to vector<16xi1>
        %masked_cumsum3A_348 = tpu.scan <sum>, %convert_element_type3A_345 masked %broadcast_in_dim3A_347 : vector<16xi32>, vector<16xi1> -> vector<16xi32>
        %add3A_349 = arith.addi %add3A_335, %masked_cumsum3A_348 : vector<16xi32>
        %sub3A_350 = arith.constant 1 : i32
        %sub3A_351 = vector.broadcast %sub3A_350 : i32 to vector<16xi32>
        %sub3A_352 = arith.subi %add3A_349, %sub3A_351 : vector<16xi32>
        %lt3A_353 = arith.constant 512 : i32
        %lt3A_354 = vector.broadcast %lt3A_353 : i32 to vector<16xi32>
        %lt3A_355 = arith.cmpi slt, %sub3A_352, %lt3A_354 : vector<16xi32>
        %and3A_356 = arith.andi %le3A_344, %lt3A_355 : vector<16xi1>
        tpu.vector_store_idx %arg10[%sub3A_352], %get3A_343 masked %and3A_356 : memref<512xf32, #tpu.memory_space<vmem>>[vector<16xi32>], vector<16xf32>, vector<16xi1>
        %mul3A_357 = arith.constant 16 : i32
        %mul3A_358 = arith.muli %add3A_339, %mul3A_357 : i32
        %add3A_359 = vector.broadcast %mul3A_358 : i32 to vector<16xi32>
        %add3A_360 = arith.addi %iota3A, %add3A_359 : vector<16xi32>
        tpu.vector_store_idx %arg11[%sub3A_352], %add3A_360 masked %and3A_356 : memref<512xi32, #tpu.memory_space<vmem>>[vector<16xi32>], vector<16xi32>, vector<16xi1>
        %all_reduce_population_count3A_361 = tpu.all_reduce %le3A_344 {dim = 0 : i64, kind = #tpu.reduction_kind<sum>} : vector<16xi1> -> vector<16xi32>
        %add3A_362 = arith.addi %add3A_335, %all_reduce_population_count3A_361 : vector<16xi32>
        %mul3A_363 = arith.constant 4 : i32
        %mul3A_364 = arith.muli %scan3A_312, %mul3A_363 : i32
        %add3A_365 = arith.constant 2 : i32
        %add3A_366 = arith.addi %mul3A_364, %add3A_365 : i32
        %mul3A_367 = arith.constant 16 : i32
        %mul3A_368 = arith.muli %add3A_366, %mul3A_367 : i32
        %get3A_369 = arith.index_cast %mul3A_368 : i32 to index
        %get3A_370 = tpu.vector_load %arg8[%get3A_369] {strides = array<i32>} : memref<16384xf32, #tpu.memory_space<vmem>>, vector<16xf32>,
        %le3A_371 = arith.cmpf ole, %get3A_370, %get3A_30 : vector<16xf32>
        %convert_element_type3A_372 = arith.extui %le3A_371 : vector<16xi1> to vector<16xi32>
        %broadcast_in_dim3A_373 = arith.constant true
        %broadcast_in_dim3A_374 = vector.broadcast %broadcast_in_dim3A_373 : i1 to vector<16xi1>
        %masked_cumsum3A_375 = tpu.scan <sum>, %convert_element_type3A_372 masked %broadcast_in_dim3A_374 : vector<16xi32>, vector<16xi1> -> vector<16xi32>
        %add3A_376 = arith.addi %add3A_362, %masked_cumsum3A_375 : vector<16xi32>
        %sub3A_377 = arith.constant 1 : i32
        %sub3A_378 = vector.broadcast %sub3A_377 : i32 to vector<16xi32>
        %sub3A_379 = arith.subi %add3A_376, %sub3A_378 : vector<16xi32>
        %lt3A_380 = arith.constant 512 : i32
        %lt3A_381 = vector.broadcast %lt3A_380 : i32 to vector<16xi32>
        %lt3A_382 = arith.cmpi slt, %sub3A_379, %lt3A_381 : vector<16xi32>
        %and3A_383 = arith.andi %le3A_371, %lt3A_382 : vector<16xi1>
        tpu.vector_store_idx %arg10[%sub3A_379], %get3A_370 masked %and3A_383 : memref<512xf32, #tpu.memory_space<vmem>>[vector<16xi32>], vector<16xf32>, vector<16xi1>
        %mul3A_384 = arith.constant 16 : i32
        %mul3A_385 = arith.muli %add3A_366, %mul3A_384 : i32
        %add3A_386 = vector.broadcast %mul3A_385 : i32 to vector<16xi32>
        %add3A_387 = arith.addi %iota3A, %add3A_386 : vector<16xi32>
        tpu.vector_store_idx %arg11[%sub3A_379], %add3A_387 masked %and3A_383 : memref<512xi32, #tpu.memory_space<vmem>>[vector<16xi32>], vector<16xi32>, vector<16xi1>
        %all_reduce_population_count3A_388 = tpu.all_reduce %le3A_371 {dim = 0 : i64, kind = #tpu.reduction_kind<sum>} : vector<16xi1> -> vector<16xi32>
        %add3A_389 = arith.addi %add3A_362, %all_reduce_population_count3A_388 : vector<16xi32>
        %mul3A_390 = arith.constant 4 : i32
        %mul3A_391 = arith.muli %scan3A_312, %mul3A_390 : i32
        %add3A_392 = arith.constant 3 : i32
        %add3A_393 = arith.addi %mul3A_391, %add3A_392 : i32
        %mul3A_394 = arith.constant 16 : i32
        %mul3A_395 = arith.muli %add3A_393, %mul3A_394 : i32
        %get3A_396 = arith.index_cast %mul3A_395 : i32 to index
        %get3A_397 = tpu.vector_load %arg8[%get3A_396] {strides = array<i32>} : memref<16384xf32, #tpu.memory_space<vmem>>, vector<16xf32>,
        %le3A_398 = arith.cmpf ole, %get3A_397, %get3A_30 : vector<16xf32>
        %convert_element_type3A_399 = arith.extui %le3A_398 : vector<16xi1> to vector<16xi32>
        %broadcast_in_dim3A_400 = arith.constant true
        %broadcast_in_dim3A_401 = vector.broadcast %broadcast_in_dim3A_400 : i1 to vector<16xi1>
        %masked_cumsum3A_402 = tpu.scan <sum>, %convert_element_type3A_399 masked %broadcast_in_dim3A_401 : vector<16xi32>, vector<16xi1> -> vector<16xi32>
        %add3A_403 = arith.addi %add3A_389, %masked_cumsum3A_402 : vector<16xi32>
        %sub3A_404 = arith.constant 1 : i32
        %sub3A_405 = vector.broadcast %sub3A_404 : i32 to vector<16xi32>
        %sub3A_406 = arith.subi %add3A_403, %sub3A_405 : vector<16xi32>
        %lt3A_407 = arith.constant 512 : i32
        %lt3A_408 = vector.broadcast %lt3A_407 : i32 to vector<16xi32>
        %lt3A_409 = arith.cmpi slt, %sub3A_406, %lt3A_408 : vector<16xi32>
        %and3A_410 = arith.andi %le3A_398, %lt3A_409 : vector<16xi1>
        tpu.vector_store_idx %arg10[%sub3A_406], %get3A_397 masked %and3A_410 : memref<512xf32, #tpu.memory_space<vmem>>[vector<16xi32>], vector<16xf32>, vector<16xi1>
        %mul3A_411 = arith.constant 16 : i32
        %mul3A_412 = arith.muli %add3A_393, %mul3A_411 : i32
        %add3A_413 = vector.broadcast %mul3A_412 : i32 to vector<16xi32>
        %add3A_414 = arith.addi %iota3A, %add3A_413 : vector<16xi32>
        tpu.vector_store_idx %arg11[%sub3A_406], %add3A_414 masked %and3A_410 : memref<512xi32, #tpu.memory_space<vmem>>[vector<16xi32>], vector<16xi32>, vector<16xi1>
        %all_reduce_population_count3A_415 = tpu.all_reduce %le3A_398 {dim = 0 : i64, kind = #tpu.reduction_kind<sum>} : vector<16xi1> -> vector<16xi32>
        %add3A_416 = arith.addi %add3A_389, %all_reduce_population_count3A_415 : vector<16xi32>
        scf.yield %add3A_416 : vector<16xi32>
      }
      %scan3A_47 = arith.constant 256 : i32
      %scan3A_48 = arith.constant 0 : i32
      %scan3A_49 = arith.constant 0 : i32
      %scan3A_50 = arith.constant 32 : i32
      %scan3A_51 = arith.addi %scan3A_49, %scan3A_50 : i32
      %scan3A_52 = arith.constant 1 : i32
      %scan3A_53 = scf.for %scan3A_312 = %scan3A_49 to %scan3A_51 step %scan3A_52 iter_args(%scan3A_313 = %scan3A_48) -> (i32)  : i32 {
        %mul3A_314 = arith.constant 16 : i32
        %mul3A_315 = arith.muli %scan3A_312, %mul3A_314 : i32
        %get3A_316 = arith.index_cast %mul3A_315 : i32 to index
        %get3A_317 = tpu.vector_load %arg10[%get3A_316] {strides = array<i32>} : memref<512xf32, #tpu.memory_space<vmem>>, vector<16xf32>,
        %mul3A_318 = arith.constant 16 : i32
        %mul3A_319 = arith.muli %scan3A_312, %mul3A_318 : i32
        %get3A_320 = arith.index_cast %mul3A_319 : i32 to index
        %get3A_321 = tpu.vector_load %arg11[%get3A_320] {strides = array<i32>} : memref<512xi32, #tpu.memory_space<vmem>>, vector<16xi32>,
        %xor3A = arith.constant 1 : i32
        %xor3A_322 = vector.broadcast %xor3A : i32 to vector<16xi32>
        %xor3A_323 = arith.xori %iota3A, %xor3A_322 : vector<16xi32>
        %broadcast_in_dim3A_324 = vector.shape_cast %xor3A_323 : vector<16xi32> to vector<16x1xi32>
        %gather3A = vector.shape_cast %broadcast_in_dim3A_324 : vector<16x1xi32> to vector<16xi32>
        %gather3A_325 = tpu.dynamic_gather %get3A_317[%gather3A] in [0] : vector<16xf32>, vector<16xi32> -> vector<16xf32>
        %broadcast_in_dim3A_326 = vector.shape_cast %xor3A_323 : vector<16xi32> to vector<16x1xi32>
        %gather3A_327 = vector.shape_cast %broadcast_in_dim3A_326 : vector<16x1xi32> to vector<16xi32>
        %gather3A_328 = tpu.dynamic_gather %get3A_321[%gather3A_327] in [0] : vector<16xi32>, vector<16xi32> -> vector<16xi32>
        %mul3A_329 = arith.constant 16 : i32
        %mul3A_330 = arith.muli %scan3A_312, %mul3A_329 : i32
        %add3A_331 = vector.broadcast %mul3A_330 : i32 to vector<16xi32>
        %add3A_332 = arith.addi %add3A_331, %iota3A : vector<16xi32>
        %and3A_333 = arith.constant 2 : i32
        %and3A_334 = vector.broadcast %and3A_333 : i32 to vector<16xi32>
        %and3A_335 = arith.andi %add3A_332, %and3A_334 : vector<16xi32>
        %eq3A = arith.constant 0 : i32
        %eq3A_336 = vector.broadcast %eq3A : i32 to vector<16xi32>
        %eq3A_337 = arith.cmpi eq, %and3A_335, %eq3A_336 : vector<16xi32>
        %convert_element_type3A = arith.extui %eq3A_337 : vector<16xi1> to vector<16xi32>
        %and3A_338 = arith.constant 1 : i32
        %and3A_339 = vector.broadcast %and3A_338 : i32 to vector<16xi32>
        %and3A_340 = arith.andi %iota3A, %and3A_339 : vector<16xi32>
        %eq3A_341 = arith.constant 0 : i32
        %eq3A_342 = vector.broadcast %eq3A_341 : i32 to vector<16xi32>
        %eq3A_343 = arith.cmpi eq, %and3A_340, %eq3A_342 : vector<16xi32>
        %convert_element_type3A_344 = arith.extui %eq3A_343 : vector<16xi1> to vector<16xi32>
        %eq3A_345 = arith.cmpi eq, %convert_element_type3A_344, %convert_element_type3A : vector<16xi32>
        %convert_element_type3A_346 = arith.extui %eq3A_345 : vector<16xi1> to vector<16xi32>
        %lt3A = arith.cmpf olt, %get3A_317, %gather3A_325 : vector<16xf32>
        %eq3A_347 = arith.cmpf oeq, %get3A_317, %gather3A_325 : vector<16xf32>
        %lt3A_348 = arith.cmpi slt, %get3A_321, %gather3A_328 : vector<16xi32>
        %and3A_349 = arith.andi %eq3A_347, %lt3A_348 : vector<16xi1>
        %or3A = arith.ori %lt3A, %and3A_349 : vector<16xi1>
        %convert_element_type3A_350 = arith.extui %or3A : vector<16xi1> to vector<16xi32>
        %eq3A_351 = arith.cmpi eq, %convert_element_type3A_346, %convert_element_type3A_350 : vector<16xi32>
        %select_n3A_352 = arith.select %eq3A_351, %get3A_317, %gather3A_325 : vector<16xi1>, vector<16xf32>
        %mul3A_353 = arith.constant 16 : i32
        %mul3A_354 = arith.muli %scan3A_312, %mul3A_353 : i32
        %swap3A = arith.index_cast %mul3A_354 : i32 to index
        %swap3A_355 = tpu.vector_load %arg10[%swap3A] {strides = array<i32>} : memref<512xf32, #tpu.memory_space<vmem>>, vector<16xf32>,
        tpu.vector_store %arg10[%swap3A], %select_n3A_352 {strides = array<i32>} : memref<512xf32, #tpu.memory_space<vmem>>, vector<16xf32>,
        %select_n3A_356 = arith.select %eq3A_351, %get3A_321, %gather3A_328 : vector<16xi1>, vector<16xi32>
        %mul3A_357 = arith.constant 16 : i32
        %mul3A_358 = arith.muli %scan3A_312, %mul3A_357 : i32
        %swap3A_359 = arith.index_cast %mul3A_358 : i32 to index
        %swap3A_360 = tpu.vector_load %arg11[%swap3A_359] {strides = array<i32>} : memref<512xi32, #tpu.memory_space<vmem>>, vector<16xi32>,
        tpu.vector_store %arg11[%swap3A_359], %select_n3A_356 {strides = array<i32>} : memref<512xi32, #tpu.memory_space<vmem>>, vector<16xi32>,
        %mul3A_361 = arith.constant 16 : i32
        %mul3A_362 = arith.muli %scan3A_312, %mul3A_361 : i32
        %get3A_363 = arith.index_cast %mul3A_362 : i32 to index
        %get3A_364 = tpu.vector_load %arg10[%get3A_363] {strides = array<i32>} : memref<512xf32, #tpu.memory_space<vmem>>, vector<16xf32>,
        %mul3A_365 = arith.constant 16 : i32
        %mul3A_366 = arith.muli %scan3A_312, %mul3A_365 : i32
        %get3A_367 = arith.index_cast %mul3A_366 : i32 to index
        %get3A_368 = tpu.vector_load %arg11[%get3A_367] {strides = array<i32>} : memref<512xi32, #tpu.memory_space<vmem>>, vector<16xi32>,
        %xor3A_369 = arith.constant 2 : i32
        %xor3A_370 = vector.broadcast %xor3A_369 : i32 to vector<16xi32>
        %xor3A_371 = arith.xori %iota3A, %xor3A_370 : vector<16xi32>
        %broadcast_in_dim3A_372 = vector.shape_cast %xor3A_371 : vector<16xi32> to vector<16x1xi32>
        %gather3A_373 = vector.shape_cast %broadcast_in_dim3A_372 : vector<16x1xi32> to vector<16xi32>
        %gather3A_374 = tpu.dynamic_gather %get3A_364[%gather3A_373] in [0] : vector<16xf32>, vector<16xi32> -> vector<16xf32>
        %broadcast_in_dim3A_375 = vector.shape_cast %xor3A_371 : vector<16xi32> to vector<16x1xi32>
        %gather3A_376 = vector.shape_cast %broadcast_in_dim3A_375 : vector<16x1xi32> to vector<16xi32>
        %gather3A_377 = tpu.dynamic_gather %get3A_368[%gather3A_376] in [0] : vector<16xi32>, vector<16xi32> -> vector<16xi32>
        %mul3A_378 = arith.constant 16 : i32
        %mul3A_379 = arith.muli %scan3A_312, %mul3A_378 : i32
        %add3A_380 = vector.broadcast %mul3A_379 : i32 to vector<16xi32>
        %add3A_381 = arith.addi %add3A_380, %iota3A : vector<16xi32>
        %and3A_382 = arith.constant 4 : i32
        %and3A_383 = vector.broadcast %and3A_382 : i32 to vector<16xi32>
        %and3A_384 = arith.andi %add3A_381, %and3A_383 : vector<16xi32>
        %eq3A_385 = arith.constant 0 : i32
        %eq3A_386 = vector.broadcast %eq3A_385 : i32 to vector<16xi32>
        %eq3A_387 = arith.cmpi eq, %and3A_384, %eq3A_386 : vector<16xi32>
        %convert_element_type3A_388 = arith.extui %eq3A_387 : vector<16xi1> to vector<16xi32>
        %and3A_389 = arith.constant 2 : i32
        %and3A_390 = vector.broadcast %and3A_389 : i32 to vector<16xi32>
        %and3A_391 = arith.andi %iota3A, %and3A_390 : vector<16xi32>
        %eq3A_392 = arith.constant 0 : i32
        %eq3A_393 = vector.broadcast %eq3A_392 : i32 to vector<16xi32>
        %eq3A_394 = arith.cmpi eq, %and3A_391, %eq3A_393 : vector<16xi32>
        %convert_element_type3A_395 = arith.extui %eq3A_394 : vector<16xi1> to vector<16xi32>
        %eq3A_396 = arith.cmpi eq, %convert_element_type3A_395, %convert_element_type3A_388 : vector<16xi32>
        %convert_element_type3A_397 = arith.extui %eq3A_396 : vector<16xi1> to vector<16xi32>
        %lt3A_398 = arith.cmpf olt, %get3A_364, %gather3A_374 : vector<16xf32>
        %eq3A_399 = arith.cmpf oeq, %get3A_364, %gather3A_374 : vector<16xf32>
        %lt3A_400 = arith.cmpi slt, %get3A_368, %gather3A_377 : vector<16xi32>
        %and3A_401 = arith.andi %eq3A_399, %lt3A_400 : vector<16xi1>
        %or3A_402 = arith.ori %lt3A_398, %and3A_401 : vector<16xi1>
        %convert_element_type3A_403 = arith.extui %or3A_402 : vector<16xi1> to vector<16xi32>
        %eq3A_404 = arith.cmpi eq, %convert_element_type3A_397, %convert_element_type3A_403 : vector<16xi32>
        %select_n3A_405 = arith.select %eq3A_404, %get3A_364, %gather3A_374 : vector<16xi1>, vector<16xf32>
        %mul3A_406 = arith.constant 16 : i32
        %mul3A_407 = arith.muli %scan3A_312, %mul3A_406 : i32
        %swap3A_408 = arith.index_cast %mul3A_407 : i32 to index
        %swap3A_409 = tpu.vector_load %arg10[%swap3A_408] {strides = array<i32>} : memref<512xf32, #tpu.memory_space<vmem>>, vector<16xf32>,
        tpu.vector_store %arg10[%swap3A_408], %select_n3A_405 {strides = array<i32>} : memref<512xf32, #tpu.memory_space<vmem>>, vector<16xf32>,
        %select_n3A_410 = arith.select %eq3A_404, %get3A_368, %gather3A_377 : vector<16xi1>, vector<16xi32>
        %mul3A_411 = arith.constant 16 : i32
        %mul3A_412 = arith.muli %scan3A_312, %mul3A_411 : i32
        %swap3A_413 = arith.index_cast %mul3A_412 : i32 to index
        %swap3A_414 = tpu.vector_load %arg11[%swap3A_413] {strides = array<i32>} : memref<512xi32, #tpu.memory_space<vmem>>, vector<16xi32>,
        tpu.vector_store %arg11[%swap3A_413], %select_n3A_410 {strides = array<i32>} : memref<512xi32, #tpu.memory_space<vmem>>, vector<16xi32>,
        %mul3A_415 = arith.constant 16 : i32
        %mul3A_416 = arith.muli %scan3A_312, %mul3A_415 : i32
        %get3A_417 = arith.index_cast %mul3A_416 : i32 to index
        %get3A_418 = tpu.vector_load %arg10[%get3A_417] {strides = array<i32>} : memref<512xf32, #tpu.memory_space<vmem>>, vector<16xf32>,
        %mul3A_419 = arith.constant 16 : i32
        %mul3A_420 = arith.muli %scan3A_312, %mul3A_419 : i32
        %get3A_421 = arith.index_cast %mul3A_420 : i32 to index
        %get3A_422 = tpu.vector_load %arg11[%get3A_421] {strides = array<i32>} : memref<512xi32, #tpu.memory_space<vmem>>, vector<16xi32>,
        %xor3A_423 = arith.constant 1 : i32
        %xor3A_424 = vector.broadcast %xor3A_423 : i32 to vector<16xi32>
        %xor3A_425 = arith.xori %iota3A, %xor3A_424 : vector<16xi32>
        %broadcast_in_dim3A_426 = vector.shape_cast %xor3A_425 : vector<16xi32> to vector<16x1xi32>
        %gather3A_427 = vector.shape_cast %broadcast_in_dim3A_426 : vector<16x1xi32> to vector<16xi32>
        %gather3A_428 = tpu.dynamic_gather %get3A_418[%gather3A_427] in [0] : vector<16xf32>, vector<16xi32> -> vector<16xf32>
        %broadcast_in_dim3A_429 = vector.shape_cast %xor3A_425 : vector<16xi32> to vector<16x1xi32>
        %gather3A_430 = vector.shape_cast %broadcast_in_dim3A_429 : vector<16x1xi32> to vector<16xi32>
        %gather3A_431 = tpu.dynamic_gather %get3A_422[%gather3A_430] in [0] : vector<16xi32>, vector<16xi32> -> vector<16xi32>
        %mul3A_432 = arith.constant 16 : i32
        %mul3A_433 = arith.muli %scan3A_312, %mul3A_432 : i32
        %add3A_434 = vector.broadcast %mul3A_433 : i32 to vector<16xi32>
        %add3A_435 = arith.addi %add3A_434, %iota3A : vector<16xi32>
        %and3A_436 = arith.constant 4 : i32
        %and3A_437 = vector.broadcast %and3A_436 : i32 to vector<16xi32>
        %and3A_438 = arith.andi %add3A_435, %and3A_437 : vector<16xi32>
        %eq3A_439 = arith.constant 0 : i32
        %eq3A_440 = vector.broadcast %eq3A_439 : i32 to vector<16xi32>
        %eq3A_441 = arith.cmpi eq, %and3A_438, %eq3A_440 : vector<16xi32>
        %convert_element_type3A_442 = arith.extui %eq3A_441 : vector<16xi1> to vector<16xi32>
        %and3A_443 = arith.constant 1 : i32
        %and3A_444 = vector.broadcast %and3A_443 : i32 to vector<16xi32>
        %and3A_445 = arith.andi %iota3A, %and3A_444 : vector<16xi32>
        %eq3A_446 = arith.constant 0 : i32
        %eq3A_447 = vector.broadcast %eq3A_446 : i32 to vector<16xi32>
        %eq3A_448 = arith.cmpi eq, %and3A_445, %eq3A_447 : vector<16xi32>
        %convert_element_type3A_449 = arith.extui %eq3A_448 : vector<16xi1> to vector<16xi32>
        %eq3A_450 = arith.cmpi eq, %convert_element_type3A_449, %convert_element_type3A_442 : vector<16xi32>
        %convert_element_type3A_451 = arith.extui %eq3A_450 : vector<16xi1> to vector<16xi32>
        %lt3A_452 = arith.cmpf olt, %get3A_418, %gather3A_428 : vector<16xf32>
        %eq3A_453 = arith.cmpf oeq, %get3A_418, %gather3A_428 : vector<16xf32>
        %lt3A_454 = arith.cmpi slt, %get3A_422, %gather3A_431 : vector<16xi32>
        %and3A_455 = arith.andi %eq3A_453, %lt3A_454 : vector<16xi1>
        %or3A_456 = arith.ori %lt3A_452, %and3A_455 : vector<16xi1>
        %convert_element_type3A_457 = arith.extui %or3A_456 : vector<16xi1> to vector<16xi32>
        %eq3A_458 = arith.cmpi eq, %convert_element_type3A_451, %convert_element_type3A_457 : vector<16xi32>
        %select_n3A_459 = arith.select %eq3A_458, %get3A_418, %gather3A_428 : vector<16xi1>, vector<16xf32>
        %mul3A_460 = arith.constant 16 : i32
        %mul3A_461 = arith.muli %scan3A_312, %mul3A_460 : i32
        %swap3A_462 = arith.index_cast %mul3A_461 : i32 to index
        %swap3A_463 = tpu.vector_load %arg10[%swap3A_462] {strides = array<i32>} : memref<512xf32, #tpu.memory_space<vmem>>, vector<16xf32>,
        tpu.vector_store %arg10[%swap3A_462], %select_n3A_459 {strides = array<i32>} : memref<512xf32, #tpu.memory_space<vmem>>, vector<16xf32>,
        %select_n3A_464 = arith.select %eq3A_458, %get3A_422, %gather3A_431 : vector<16xi1>, vector<16xi32>
        %mul3A_465 = arith.constant 16 : i32
        %mul3A_466 = arith.muli %scan3A_312, %mul3A_465 : i32
        %swap3A_467 = arith.index_cast %mul3A_466 : i32 to index
        %swap3A_468 = tpu.vector_load %arg11[%swap3A_467] {strides = array<i32>} : memref<512xi32, #tpu.memory_space<vmem>>, vector<16xi32>,
        tpu.vector_store %arg11[%swap3A_467], %select_n3A_464 {strides = array<i32>} : memref<512xi32, #tpu.memory_space<vmem>>, vector<16xi32>,
        %mul3A_469 = arith.constant 16 : i32
        %mul3A_470 = arith.muli %scan3A_312, %mul3A_469 : i32
        %get3A_471 = arith.index_cast %mul3A_470 : i32 to index
        %get3A_472 = tpu.vector_load %arg10[%get3A_471] {strides = array<i32>} : memref<512xf32, #tpu.memory_space<vmem>>, vector<16xf32>,
        %mul3A_473 = arith.constant 16 : i32
        %mul3A_474 = arith.muli %scan3A_312, %mul3A_473 : i32
        %get3A_475 = arith.index_cast %mul3A_474 : i32 to index
        %get3A_476 = tpu.vector_load %arg11[%get3A_475] {strides = array<i32>} : memref<512xi32, #tpu.memory_space<vmem>>, vector<16xi32>,
        %xor3A_477 = arith.constant 4 : i32
        %xor3A_478 = vector.broadcast %xor3A_477 : i32 to vector<16xi32>
        %xor3A_479 = arith.xori %iota3A, %xor3A_478 : vector<16xi32>
        %broadcast_in_dim3A_480 = vector.shape_cast %xor3A_479 : vector<16xi32> to vector<16x1xi32>
        %gather3A_481 = vector.shape_cast %broadcast_in_dim3A_480 : vector<16x1xi32> to vector<16xi32>
        %gather3A_482 = tpu.dynamic_gather %get3A_472[%gather3A_481] in [0] : vector<16xf32>, vector<16xi32> -> vector<16xf32>
        %broadcast_in_dim3A_483 = vector.shape_cast %xor3A_479 : vector<16xi32> to vector<16x1xi32>
        %gather3A_484 = vector.shape_cast %broadcast_in_dim3A_483 : vector<16x1xi32> to vector<16xi32>
        %gather3A_485 = tpu.dynamic_gather %get3A_476[%gather3A_484] in [0] : vector<16xi32>, vector<16xi32> -> vector<16xi32>
        %mul3A_486 = arith.constant 16 : i32
        %mul3A_487 = arith.muli %scan3A_312, %mul3A_486 : i32
        %add3A_488 = vector.broadcast %mul3A_487 : i32 to vector<16xi32>
        %add3A_489 = arith.addi %add3A_488, %iota3A : vector<16xi32>
        %and3A_490 = arith.constant 8 : i32
        %and3A_491 = vector.broadcast %and3A_490 : i32 to vector<16xi32>
        %and3A_492 = arith.andi %add3A_489, %and3A_491 : vector<16xi32>
        %eq3A_493 = arith.constant 0 : i32
        %eq3A_494 = vector.broadcast %eq3A_493 : i32 to vector<16xi32>
        %eq3A_495 = arith.cmpi eq, %and3A_492, %eq3A_494 : vector<16xi32>
        %convert_element_type3A_496 = arith.extui %eq3A_495 : vector<16xi1> to vector<16xi32>
        %and3A_497 = arith.constant 4 : i32
        %and3A_498 = vector.broadcast %and3A_497 : i32 to vector<16xi32>
        %and3A_499 = arith.andi %iota3A, %and3A_498 : vector<16xi32>
        %eq3A_500 = arith.constant 0 : i32
        %eq3A_501 = vector.broadcast %eq3A_500 : i32 to vector<16xi32>
        %eq3A_502 = arith.cmpi eq, %and3A_499, %eq3A_501 : vector<16xi32>
        %convert_element_type3A_503 = arith.extui %eq3A_502 : vector<16xi1> to vector<16xi32>
        %eq3A_504 = arith.cmpi eq, %convert_element_type3A_503, %convert_element_type3A_496 : vector<16xi32>
        %convert_element_type3A_505 = arith.extui %eq3A_504 : vector<16xi1> to vector<16xi32>
        %lt3A_506 = arith.cmpf olt, %get3A_472, %gather3A_482 : vector<16xf32>
        %eq3A_507 = arith.cmpf oeq, %get3A_472, %gather3A_482 : vector<16xf32>
        %lt3A_508 = arith.cmpi slt, %get3A_476, %gather3A_485 : vector<16xi32>
        %and3A_509 = arith.andi %eq3A_507, %lt3A_508 : vector<16xi1>
        %or3A_510 = arith.ori %lt3A_506, %and3A_509 : vector<16xi1>
        %convert_element_type3A_511 = arith.extui %or3A_510 : vector<16xi1> to vector<16xi32>
        %eq3A_512 = arith.cmpi eq, %convert_element_type3A_505, %convert_element_type3A_511 : vector<16xi32>
        %select_n3A_513 = arith.select %eq3A_512, %get3A_472, %gather3A_482 : vector<16xi1>, vector<16xf32>
        %mul3A_514 = arith.constant 16 : i32
        %mul3A_515 = arith.muli %scan3A_312, %mul3A_514 : i32
        %swap3A_516 = arith.index_cast %mul3A_515 : i32 to index
        %swap3A_517 = tpu.vector_load %arg10[%swap3A_516] {strides = array<i32>} : memref<512xf32, #tpu.memory_space<vmem>>, vector<16xf32>,
        tpu.vector_store %arg10[%swap3A_516], %select_n3A_513 {strides = array<i32>} : memref<512xf32, #tpu.memory_space<vmem>>, vector<16xf32>,
        %select_n3A_518 = arith.select %eq3A_512, %get3A_476, %gather3A_485 : vector<16xi1>, vector<16xi32>
        %mul3A_519 = arith.constant 16 : i32
        %mul3A_520 = arith.muli %scan3A_312, %mul3A_519 : i32
        %swap3A_521 = arith.index_cast %mul3A_520 : i32 to index
        %swap3A_522 = tpu.vector_load %arg11[%swap3A_521] {strides = array<i32>} : memref<512xi32, #tpu.memory_space<vmem>>, vector<16xi32>,
        tpu.vector_store %arg11[%swap3A_521], %select_n3A_518 {strides = array<i32>} : memref<512xi32, #tpu.memory_space<vmem>>, vector<16xi32>,
        %mul3A_523 = arith.constant 16 : i32
        %mul3A_524 = arith.muli %scan3A_312, %mul3A_523 : i32
        %get3A_525 = arith.index_cast %mul3A_524 : i32 to index
        %get3A_526 = tpu.vector_load %arg10[%get3A_525] {strides = array<i32>} : memref<512xf32, #tpu.memory_space<vmem>>, vector<16xf32>,
        %mul3A_527 = arith.constant 16 : i32
        %mul3A_528 = arith.muli %scan3A_312, %mul3A_527 : i32
        %get3A_529 = arith.index_cast %mul3A_528 : i32 to index
        %get3A_530 = tpu.vector_load %arg11[%get3A_529] {strides = array<i32>} : memref<512xi32, #tpu.memory_space<vmem>>, vector<16xi32>,
        %xor3A_531 = arith.constant 2 : i32
        %xor3A_532 = vector.broadcast %xor3A_531 : i32 to vector<16xi32>
        %xor3A_533 = arith.xori %iota3A, %xor3A_532 : vector<16xi32>
        %broadcast_in_dim3A_534 = vector.shape_cast %xor3A_533 : vector<16xi32> to vector<16x1xi32>
        %gather3A_535 = vector.shape_cast %broadcast_in_dim3A_534 : vector<16x1xi32> to vector<16xi32>
        %gather3A_536 = tpu.dynamic_gather %get3A_526[%gather3A_535] in [0] : vector<16xf32>, vector<16xi32> -> vector<16xf32>
        %broadcast_in_dim3A_537 = vector.shape_cast %xor3A_533 : vector<16xi32> to vector<16x1xi32>
        %gather3A_538 = vector.shape_cast %broadcast_in_dim3A_537 : vector<16x1xi32> to vector<16xi32>
        %gather3A_539 = tpu.dynamic_gather %get3A_530[%gather3A_538] in [0] : vector<16xi32>, vector<16xi32> -> vector<16xi32>
        %mul3A_540 = arith.constant 16 : i32
        %mul3A_541 = arith.muli %scan3A_312, %mul3A_540 : i32
        %add3A_542 = vector.broadcast %mul3A_541 : i32 to vector<16xi32>
        %add3A_543 = arith.addi %add3A_542, %iota3A : vector<16xi32>
        %and3A_544 = arith.constant 8 : i32
        %and3A_545 = vector.broadcast %and3A_544 : i32 to vector<16xi32>
        %and3A_546 = arith.andi %add3A_543, %and3A_545 : vector<16xi32>
        %eq3A_547 = arith.constant 0 : i32
        %eq3A_548 = vector.broadcast %eq3A_547 : i32 to vector<16xi32>
        %eq3A_549 = arith.cmpi eq, %and3A_546, %eq3A_548 : vector<16xi32>
        %convert_element_type3A_550 = arith.extui %eq3A_549 : vector<16xi1> to vector<16xi32>
        %and3A_551 = arith.constant 2 : i32
        %and3A_552 = vector.broadcast %and3A_551 : i32 to vector<16xi32>
        %and3A_553 = arith.andi %iota3A, %and3A_552 : vector<16xi32>
        %eq3A_554 = arith.constant 0 : i32
        %eq3A_555 = vector.broadcast %eq3A_554 : i32 to vector<16xi32>
        %eq3A_556 = arith.cmpi eq, %and3A_553, %eq3A_555 : vector<16xi32>
        %convert_element_type3A_557 = arith.extui %eq3A_556 : vector<16xi1> to vector<16xi32>
        %eq3A_558 = arith.cmpi eq, %convert_element_type3A_557, %convert_element_type3A_550 : vector<16xi32>
        %convert_element_type3A_559 = arith.extui %eq3A_558 : vector<16xi1> to vector<16xi32>
        %lt3A_560 = arith.cmpf olt, %get3A_526, %gather3A_536 : vector<16xf32>
        %eq3A_561 = arith.cmpf oeq, %get3A_526, %gather3A_536 : vector<16xf32>
        %lt3A_562 = arith.cmpi slt, %get3A_530, %gather3A_539 : vector<16xi32>
        %and3A_563 = arith.andi %eq3A_561, %lt3A_562 : vector<16xi1>
        %or3A_564 = arith.ori %lt3A_560, %and3A_563 : vector<16xi1>
        %convert_element_type3A_565 = arith.extui %or3A_564 : vector<16xi1> to vector<16xi32>
        %eq3A_566 = arith.cmpi eq, %convert_element_type3A_559, %convert_element_type3A_565 : vector<16xi32>
        %select_n3A_567 = arith.select %eq3A_566, %get3A_526, %gather3A_536 : vector<16xi1>, vector<16xf32>
        %mul3A_568 = arith.constant 16 : i32
        %mul3A_569 = arith.muli %scan3A_312, %mul3A_568 : i32
        %swap3A_570 = arith.index_cast %mul3A_569 : i32 to index
        %swap3A_571 = tpu.vector_load %arg10[%swap3A_570] {strides = array<i32>} : memref<512xf32, #tpu.memory_space<vmem>>, vector<16xf32>,
        tpu.vector_store %arg10[%swap3A_570], %select_n3A_567 {strides = array<i32>} : memref<512xf32, #tpu.memory_space<vmem>>, vector<16xf32>,
        %select_n3A_572 = arith.select %eq3A_566, %get3A_530, %gather3A_539 : vector<16xi1>, vector<16xi32>
        %mul3A_573 = arith.constant 16 : i32
        %mul3A_574 = arith.muli %scan3A_312, %mul3A_573 : i32
        %swap3A_575 = arith.index_cast %mul3A_574 : i32 to index
        %swap3A_576 = tpu.vector_load %arg11[%swap3A_575] {strides = array<i32>} : memref<512xi32, #tpu.memory_space<vmem>>, vector<16xi32>,
        tpu.vector_store %arg11[%swap3A_575], %select_n3A_572 {strides = array<i32>} : memref<512xi32, #tpu.memory_space<vmem>>, vector<16xi32>,
        %mul3A_577 = arith.constant 16 : i32
        %mul3A_578 = arith.muli %scan3A_312, %mul3A_577 : i32
        %get3A_579 = arith.index_cast %mul3A_578 : i32 to index
        %get3A_580 = tpu.vector_load %arg10[%get3A_579] {strides = array<i32>} : memref<512xf32, #tpu.memory_space<vmem>>, vector<16xf32>,
        %mul3A_581 = arith.constant 16 : i32
        %mul3A_582 = arith.muli %scan3A_312, %mul3A_581 : i32
        %get3A_583 = arith.index_cast %mul3A_582 : i32 to index
        %get3A_584 = tpu.vector_load %arg11[%get3A_583] {strides = array<i32>} : memref<512xi32, #tpu.memory_space<vmem>>, vector<16xi32>,
        %xor3A_585 = arith.constant 1 : i32
        %xor3A_586 = vector.broadcast %xor3A_585 : i32 to vector<16xi32>
        %xor3A_587 = arith.xori %iota3A, %xor3A_586 : vector<16xi32>
        %broadcast_in_dim3A_588 = vector.shape_cast %xor3A_587 : vector<16xi32> to vector<16x1xi32>
        %gather3A_589 = vector.shape_cast %broadcast_in_dim3A_588 : vector<16x1xi32> to vector<16xi32>
        %gather3A_590 = tpu.dynamic_gather %get3A_580[%gather3A_589] in [0] : vector<16xf32>, vector<16xi32> -> vector<16xf32>
        %broadcast_in_dim3A_591 = vector.shape_cast %xor3A_587 : vector<16xi32> to vector<16x1xi32>
        %gather3A_592 = vector.shape_cast %broadcast_in_dim3A_591 : vector<16x1xi32> to vector<16xi32>
        %gather3A_593 = tpu.dynamic_gather %get3A_584[%gather3A_592] in [0] : vector<16xi32>, vector<16xi32> -> vector<16xi32>
        %mul3A_594 = arith.constant 16 : i32
        %mul3A_595 = arith.muli %scan3A_312, %mul3A_594 : i32
        %add3A_596 = vector.broadcast %mul3A_595 : i32 to vector<16xi32>
        %add3A_597 = arith.addi %add3A_596, %iota3A : vector<16xi32>
        %and3A_598 = arith.constant 8 : i32
        %and3A_599 = vector.broadcast %and3A_598 : i32 to vector<16xi32>
        %and3A_600 = arith.andi %add3A_597, %and3A_599 : vector<16xi32>
        %eq3A_601 = arith.constant 0 : i32
        %eq3A_602 = vector.broadcast %eq3A_601 : i32 to vector<16xi32>
        %eq3A_603 = arith.cmpi eq, %and3A_600, %eq3A_602 : vector<16xi32>
        %convert_element_type3A_604 = arith.extui %eq3A_603 : vector<16xi1> to vector<16xi32>
        %and3A_605 = arith.constant 1 : i32
        %and3A_606 = vector.broadcast %and3A_605 : i32 to vector<16xi32>
        %and3A_607 = arith.andi %iota3A, %and3A_606 : vector<16xi32>
        %eq3A_608 = arith.constant 0 : i32
        %eq3A_609 = vector.broadcast %eq3A_608 : i32 to vector<16xi32>
        %eq3A_610 = arith.cmpi eq, %and3A_607, %eq3A_609 : vector<16xi32>
        %convert_element_type3A_611 = arith.extui %eq3A_610 : vector<16xi1> to vector<16xi32>
        %eq3A_612 = arith.cmpi eq, %convert_element_type3A_611, %convert_element_type3A_604 : vector<16xi32>
        %convert_element_type3A_613 = arith.extui %eq3A_612 : vector<16xi1> to vector<16xi32>
        %lt3A_614 = arith.cmpf olt, %get3A_580, %gather3A_590 : vector<16xf32>
        %eq3A_615 = arith.cmpf oeq, %get3A_580, %gather3A_590 : vector<16xf32>
        %lt3A_616 = arith.cmpi slt, %get3A_584, %gather3A_593 : vector<16xi32>
        %and3A_617 = arith.andi %eq3A_615, %lt3A_616 : vector<16xi1>
        %or3A_618 = arith.ori %lt3A_614, %and3A_617 : vector<16xi1>
        %convert_element_type3A_619 = arith.extui %or3A_618 : vector<16xi1> to vector<16xi32>
        %eq3A_620 = arith.cmpi eq, %convert_element_type3A_613, %convert_element_type3A_619 : vector<16xi32>
        %select_n3A_621 = arith.select %eq3A_620, %get3A_580, %gather3A_590 : vector<16xi1>, vector<16xf32>
        %mul3A_622 = arith.constant 16 : i32
        %mul3A_623 = arith.muli %scan3A_312, %mul3A_622 : i32
        %swap3A_624 = arith.index_cast %mul3A_623 : i32 to index
        %swap3A_625 = tpu.vector_load %arg10[%swap3A_624] {strides = array<i32>} : memref<512xf32, #tpu.memory_space<vmem>>, vector<16xf32>,
        tpu.vector_store %arg10[%swap3A_624], %select_n3A_621 {strides = array<i32>} : memref<512xf32, #tpu.memory_space<vmem>>, vector<16xf32>,
        %select_n3A_626 = arith.select %eq3A_620, %get3A_584, %gather3A_593 : vector<16xi1>, vector<16xi32>
        %mul3A_627 = arith.constant 16 : i32
        %mul3A_628 = arith.muli %scan3A_312, %mul3A_627 : i32
        %swap3A_629 = arith.index_cast %mul3A_628 : i32 to index
        %swap3A_630 = tpu.vector_load %arg11[%swap3A_629] {strides = array<i32>} : memref<512xi32, #tpu.memory_space<vmem>>, vector<16xi32>,
        tpu.vector_store %arg11[%swap3A_629], %select_n3A_626 {strides = array<i32>} : memref<512xi32, #tpu.memory_space<vmem>>, vector<16xi32>,
        %mul3A_631 = arith.constant 16 : i32
        %mul3A_632 = arith.muli %scan3A_312, %mul3A_631 : i32
        %get3A_633 = arith.index_cast %mul3A_632 : i32 to index
        %get3A_634 = tpu.vector_load %arg10[%get3A_633] {strides = array<i32>} : memref<512xf32, #tpu.memory_space<vmem>>, vector<16xf32>,
        %mul3A_635 = arith.constant 16 : i32
        %mul3A_636 = arith.muli %scan3A_312, %mul3A_635 : i32
        %get3A_637 = arith.index_cast %mul3A_636 : i32 to index
        %get3A_638 = tpu.vector_load %arg11[%get3A_637] {strides = array<i32>} : memref<512xi32, #tpu.memory_space<vmem>>, vector<16xi32>,
        %xor3A_639 = arith.constant 8 : i32
        %xor3A_640 = vector.broadcast %xor3A_639 : i32 to vector<16xi32>
        %xor3A_641 = arith.xori %iota3A, %xor3A_640 : vector<16xi32>
        %broadcast_in_dim3A_642 = vector.shape_cast %xor3A_641 : vector<16xi32> to vector<16x1xi32>
        %gather3A_643 = vector.shape_cast %broadcast_in_dim3A_642 : vector<16x1xi32> to vector<16xi32>
        %gather3A_644 = tpu.dynamic_gather %get3A_634[%gather3A_643] in [0] : vector<16xf32>, vector<16xi32> -> vector<16xf32>
        %broadcast_in_dim3A_645 = vector.shape_cast %xor3A_641 : vector<16xi32> to vector<16x1xi32>
        %gather3A_646 = vector.shape_cast %broadcast_in_dim3A_645 : vector<16x1xi32> to vector<16xi32>
        %gather3A_647 = tpu.dynamic_gather %get3A_638[%gather3A_646] in [0] : vector<16xi32>, vector<16xi32> -> vector<16xi32>
        %mul3A_648 = arith.constant 16 : i32
        %mul3A_649 = arith.muli %scan3A_312, %mul3A_648 : i32
        %add3A_650 = vector.broadcast %mul3A_649 : i32 to vector<16xi32>
        %add3A_651 = arith.addi %add3A_650, %iota3A : vector<16xi32>
        %and3A_652 = arith.constant 16 : i32
        %and3A_653 = vector.broadcast %and3A_652 : i32 to vector<16xi32>
        %and3A_654 = arith.andi %add3A_651, %and3A_653 : vector<16xi32>
        %eq3A_655 = arith.constant 0 : i32
        %eq3A_656 = vector.broadcast %eq3A_655 : i32 to vector<16xi32>
        %eq3A_657 = arith.cmpi eq, %and3A_654, %eq3A_656 : vector<16xi32>
        %convert_element_type3A_658 = arith.extui %eq3A_657 : vector<16xi1> to vector<16xi32>
        %and3A_659 = arith.constant 8 : i32
        %and3A_660 = vector.broadcast %and3A_659 : i32 to vector<16xi32>
        %and3A_661 = arith.andi %iota3A, %and3A_660 : vector<16xi32>
        %eq3A_662 = arith.constant 0 : i32
        %eq3A_663 = vector.broadcast %eq3A_662 : i32 to vector<16xi32>
        %eq3A_664 = arith.cmpi eq, %and3A_661, %eq3A_663 : vector<16xi32>
        %convert_element_type3A_665 = arith.extui %eq3A_664 : vector<16xi1> to vector<16xi32>
        %eq3A_666 = arith.cmpi eq, %convert_element_type3A_665, %convert_element_type3A_658 : vector<16xi32>
        %convert_element_type3A_667 = arith.extui %eq3A_666 : vector<16xi1> to vector<16xi32>
        %lt3A_668 = arith.cmpf olt, %get3A_634, %gather3A_644 : vector<16xf32>
        %eq3A_669 = arith.cmpf oeq, %get3A_634, %gather3A_644 : vector<16xf32>
        %lt3A_670 = arith.cmpi slt, %get3A_638, %gather3A_647 : vector<16xi32>
        %and3A_671 = arith.andi %eq3A_669, %lt3A_670 : vector<16xi1>
        %or3A_672 = arith.ori %lt3A_668, %and3A_671 : vector<16xi1>
        %convert_element_type3A_673 = arith.extui %or3A_672 : vector<16xi1> to vector<16xi32>
        %eq3A_674 = arith.cmpi eq, %convert_element_type3A_667, %convert_element_type3A_673 : vector<16xi32>
        %select_n3A_675 = arith.select %eq3A_674, %get3A_634, %gather3A_644 : vector<16xi1>, vector<16xf32>
        %mul3A_676 = arith.constant 16 : i32
        %mul3A_677 = arith.muli %scan3A_312, %mul3A_676 : i32
        %swap3A_678 = arith.index_cast %mul3A_677 : i32 to index
        %swap3A_679 = tpu.vector_load %arg10[%swap3A_678] {strides = array<i32>} : memref<512xf32, #tpu.memory_space<vmem>>, vector<16xf32>,
        tpu.vector_store %arg10[%swap3A_678], %select_n3A_675 {strides = array<i32>} : memref<512xf32, #tpu.memory_space<vmem>>, vector<16xf32>,
        %select_n3A_680 = arith.select %eq3A_674, %get3A_638, %gather3A_647 : vector<16xi1>, vector<16xi32>
        %mul3A_681 = arith.constant 16 : i32
        %mul3A_682 = arith.muli %scan3A_312, %mul3A_681 : i32
        %swap3A_683 = arith.index_cast %mul3A_682 : i32 to index
        %swap3A_684 = tpu.vector_load %arg11[%swap3A_683] {strides = array<i32>} : memref<512xi32, #tpu.memory_space<vmem>>, vector<16xi32>,
        tpu.vector_store %arg11[%swap3A_683], %select_n3A_680 {strides = array<i32>} : memref<512xi32, #tpu.memory_space<vmem>>, vector<16xi32>,
        %mul3A_685 = arith.constant 16 : i32
        %mul3A_686 = arith.muli %scan3A_312, %mul3A_685 : i32
        %get3A_687 = arith.index_cast %mul3A_686 : i32 to index
        %get3A_688 = tpu.vector_load %arg10[%get3A_687] {strides = array<i32>} : memref<512xf32, #tpu.memory_space<vmem>>, vector<16xf32>,
        %mul3A_689 = arith.constant 16 : i32
        %mul3A_690 = arith.muli %scan3A_312, %mul3A_689 : i32
        %get3A_691 = arith.index_cast %mul3A_690 : i32 to index
        %get3A_692 = tpu.vector_load %arg11[%get3A_691] {strides = array<i32>} : memref<512xi32, #tpu.memory_space<vmem>>, vector<16xi32>,
        %xor3A_693 = arith.constant 4 : i32
        %xor3A_694 = vector.broadcast %xor3A_693 : i32 to vector<16xi32>
        %xor3A_695 = arith.xori %iota3A, %xor3A_694 : vector<16xi32>
        %broadcast_in_dim3A_696 = vector.shape_cast %xor3A_695 : vector<16xi32> to vector<16x1xi32>
        %gather3A_697 = vector.shape_cast %broadcast_in_dim3A_696 : vector<16x1xi32> to vector<16xi32>
        %gather3A_698 = tpu.dynamic_gather %get3A_688[%gather3A_697] in [0] : vector<16xf32>, vector<16xi32> -> vector<16xf32>
        %broadcast_in_dim3A_699 = vector.shape_cast %xor3A_695 : vector<16xi32> to vector<16x1xi32>
        %gather3A_700 = vector.shape_cast %broadcast_in_dim3A_699 : vector<16x1xi32> to vector<16xi32>
        %gather3A_701 = tpu.dynamic_gather %get3A_692[%gather3A_700] in [0] : vector<16xi32>, vector<16xi32> -> vector<16xi32>
        %mul3A_702 = arith.constant 16 : i32
        %mul3A_703 = arith.muli %scan3A_312, %mul3A_702 : i32
        %add3A_704 = vector.broadcast %mul3A_703 : i32 to vector<16xi32>
        %add3A_705 = arith.addi %add3A_704, %iota3A : vector<16xi32>
        %and3A_706 = arith.constant 16 : i32
        %and3A_707 = vector.broadcast %and3A_706 : i32 to vector<16xi32>
        %and3A_708 = arith.andi %add3A_705, %and3A_707 : vector<16xi32>
        %eq3A_709 = arith.constant 0 : i32
        %eq3A_710 = vector.broadcast %eq3A_709 : i32 to vector<16xi32>
        %eq3A_711 = arith.cmpi eq, %and3A_708, %eq3A_710 : vector<16xi32>
        %convert_element_type3A_712 = arith.extui %eq3A_711 : vector<16xi1> to vector<16xi32>
        %and3A_713 = arith.constant 4 : i32
        %and3A_714 = vector.broadcast %and3A_713 : i32 to vector<16xi32>
        %and3A_715 = arith.andi %iota3A, %and3A_714 : vector<16xi32>
        %eq3A_716 = arith.constant 0 : i32
        %eq3A_717 = vector.broadcast %eq3A_716 : i32 to vector<16xi32>
        %eq3A_718 = arith.cmpi eq, %and3A_715, %eq3A_717 : vector<16xi32>
        %convert_element_type3A_719 = arith.extui %eq3A_718 : vector<16xi1> to vector<16xi32>
        %eq3A_720 = arith.cmpi eq, %convert_element_type3A_719, %convert_element_type3A_712 : vector<16xi32>
        %convert_element_type3A_721 = arith.extui %eq3A_720 : vector<16xi1> to vector<16xi32>
        %lt3A_722 = arith.cmpf olt, %get3A_688, %gather3A_698 : vector<16xf32>
        %eq3A_723 = arith.cmpf oeq, %get3A_688, %gather3A_698 : vector<16xf32>
        %lt3A_724 = arith.cmpi slt, %get3A_692, %gather3A_701 : vector<16xi32>
        %and3A_725 = arith.andi %eq3A_723, %lt3A_724 : vector<16xi1>
        %or3A_726 = arith.ori %lt3A_722, %and3A_725 : vector<16xi1>
        %convert_element_type3A_727 = arith.extui %or3A_726 : vector<16xi1> to vector<16xi32>
        %eq3A_728 = arith.cmpi eq, %convert_element_type3A_721, %convert_element_type3A_727 : vector<16xi32>
        %select_n3A_729 = arith.select %eq3A_728, %get3A_688, %gather3A_698 : vector<16xi1>, vector<16xf32>
        %mul3A_730 = arith.constant 16 : i32
        %mul3A_731 = arith.muli %scan3A_312, %mul3A_730 : i32
        %swap3A_732 = arith.index_cast %mul3A_731 : i32 to index
        %swap3A_733 = tpu.vector_load %arg10[%swap3A_732] {strides = array<i32>} : memref<512xf32, #tpu.memory_space<vmem>>, vector<16xf32>,
        tpu.vector_store %arg10[%swap3A_732], %select_n3A_729 {strides = array<i32>} : memref<512xf32, #tpu.memory_space<vmem>>, vector<16xf32>,
        %select_n3A_734 = arith.select %eq3A_728, %get3A_692, %gather3A_701 : vector<16xi1>, vector<16xi32>
        %mul3A_735 = arith.constant 16 : i32
        %mul3A_736 = arith.muli %scan3A_312, %mul3A_735 : i32
        %swap3A_737 = arith.index_cast %mul3A_736 : i32 to index
        %swap3A_738 = tpu.vector_load %arg11[%swap3A_737] {strides = array<i32>} : memref<512xi32, #tpu.memory_space<vmem>>, vector<16xi32>,
        tpu.vector_store %arg11[%swap3A_737], %select_n3A_734 {strides = array<i32>} : memref<512xi32, #tpu.memory_space<vmem>>, vector<16xi32>,
        %mul3A_739 = arith.constant 16 : i32
        %mul3A_740 = arith.muli %scan3A_312, %mul3A_739 : i32
        %get3A_741 = arith.index_cast %mul3A_740 : i32 to index
        %get3A_742 = tpu.vector_load %arg10[%get3A_741] {strides = array<i32>} : memref<512xf32, #tpu.memory_space<vmem>>, vector<16xf32>,
        %mul3A_743 = arith.constant 16 : i32
        %mul3A_744 = arith.muli %scan3A_312, %mul3A_743 : i32
        %get3A_745 = arith.index_cast %mul3A_744 : i32 to index
        %get3A_746 = tpu.vector_load %arg11[%get3A_745] {strides = array<i32>} : memref<512xi32, #tpu.memory_space<vmem>>, vector<16xi32>,
        %xor3A_747 = arith.constant 2 : i32
        %xor3A_748 = vector.broadcast %xor3A_747 : i32 to vector<16xi32>
        %xor3A_749 = arith.xori %iota3A, %xor3A_748 : vector<16xi32>
        %broadcast_in_dim3A_750 = vector.shape_cast %xor3A_749 : vector<16xi32> to vector<16x1xi32>
        %gather3A_751 = vector.shape_cast %broadcast_in_dim3A_750 : vector<16x1xi32> to vector<16xi32>
        %gather3A_752 = tpu.dynamic_gather %get3A_742[%gather3A_751] in [0] : vector<16xf32>, vector<16xi32> -> vector<16xf32>
        %broadcast_in_dim3A_753 = vector.shape_cast %xor3A_749 : vector<16xi32> to vector<16x1xi32>
        %gather3A_754 = vector.shape_cast %broadcast_in_dim3A_753 : vector<16x1xi32> to vector<16xi32>
        %gather3A_755 = tpu.dynamic_gather %get3A_746[%gather3A_754] in [0] : vector<16xi32>, vector<16xi32> -> vector<16xi32>
        %mul3A_756 = arith.constant 16 : i32
        %mul3A_757 = arith.muli %scan3A_312, %mul3A_756 : i32
        %add3A_758 = vector.broadcast %mul3A_757 : i32 to vector<16xi32>
        %add3A_759 = arith.addi %add3A_758, %iota3A : vector<16xi32>
        %and3A_760 = arith.constant 16 : i32
        %and3A_761 = vector.broadcast %and3A_760 : i32 to vector<16xi32>
        %and3A_762 = arith.andi %add3A_759, %and3A_761 : vector<16xi32>
        %eq3A_763 = arith.constant 0 : i32
        %eq3A_764 = vector.broadcast %eq3A_763 : i32 to vector<16xi32>
        %eq3A_765 = arith.cmpi eq, %and3A_762, %eq3A_764 : vector<16xi32>
        %convert_element_type3A_766 = arith.extui %eq3A_765 : vector<16xi1> to vector<16xi32>
        %and3A_767 = arith.constant 2 : i32
        %and3A_768 = vector.broadcast %and3A_767 : i32 to vector<16xi32>
        %and3A_769 = arith.andi %iota3A, %and3A_768 : vector<16xi32>
        %eq3A_770 = arith.constant 0 : i32
        %eq3A_771 = vector.broadcast %eq3A_770 : i32 to vector<16xi32>
        %eq3A_772 = arith.cmpi eq, %and3A_769, %eq3A_771 : vector<16xi32>
        %convert_element_type3A_773 = arith.extui %eq3A_772 : vector<16xi1> to vector<16xi32>
        %eq3A_774 = arith.cmpi eq, %convert_element_type3A_773, %convert_element_type3A_766 : vector<16xi32>
        %convert_element_type3A_775 = arith.extui %eq3A_774 : vector<16xi1> to vector<16xi32>
        %lt3A_776 = arith.cmpf olt, %get3A_742, %gather3A_752 : vector<16xf32>
        %eq3A_777 = arith.cmpf oeq, %get3A_742, %gather3A_752 : vector<16xf32>
        %lt3A_778 = arith.cmpi slt, %get3A_746, %gather3A_755 : vector<16xi32>
        %and3A_779 = arith.andi %eq3A_777, %lt3A_778 : vector<16xi1>
        %or3A_780 = arith.ori %lt3A_776, %and3A_779 : vector<16xi1>
        %convert_element_type3A_781 = arith.extui %or3A_780 : vector<16xi1> to vector<16xi32>
        %eq3A_782 = arith.cmpi eq, %convert_element_type3A_775, %convert_element_type3A_781 : vector<16xi32>
        %select_n3A_783 = arith.select %eq3A_782, %get3A_742, %gather3A_752 : vector<16xi1>, vector<16xf32>
        %mul3A_784 = arith.constant 16 : i32
        %mul3A_785 = arith.muli %scan3A_312, %mul3A_784 : i32
        %swap3A_786 = arith.index_cast %mul3A_785 : i32 to index
        %swap3A_787 = tpu.vector_load %arg10[%swap3A_786] {strides = array<i32>} : memref<512xf32, #tpu.memory_space<vmem>>, vector<16xf32>,
        tpu.vector_store %arg10[%swap3A_786], %select_n3A_783 {strides = array<i32>} : memref<512xf32, #tpu.memory_space<vmem>>, vector<16xf32>,
        %select_n3A_788 = arith.select %eq3A_782, %get3A_746, %gather3A_755 : vector<16xi1>, vector<16xi32>
        %mul3A_789 = arith.constant 16 : i32
        %mul3A_790 = arith.muli %scan3A_312, %mul3A_789 : i32
        %swap3A_791 = arith.index_cast %mul3A_790 : i32 to index
        %swap3A_792 = tpu.vector_load %arg11[%swap3A_791] {strides = array<i32>} : memref<512xi32, #tpu.memory_space<vmem>>, vector<16xi32>,
        tpu.vector_store %arg11[%swap3A_791], %select_n3A_788 {strides = array<i32>} : memref<512xi32, #tpu.memory_space<vmem>>, vector<16xi32>,
        %mul3A_793 = arith.constant 16 : i32
        %mul3A_794 = arith.muli %scan3A_312, %mul3A_793 : i32
        %get3A_795 = arith.index_cast %mul3A_794 : i32 to index
        %get3A_796 = tpu.vector_load %arg10[%get3A_795] {strides = array<i32>} : memref<512xf32, #tpu.memory_space<vmem>>, vector<16xf32>,
        %mul3A_797 = arith.constant 16 : i32
        %mul3A_798 = arith.muli %scan3A_312, %mul3A_797 : i32
        %get3A_799 = arith.index_cast %mul3A_798 : i32 to index
        %get3A_800 = tpu.vector_load %arg11[%get3A_799] {strides = array<i32>} : memref<512xi32, #tpu.memory_space<vmem>>, vector<16xi32>,
        %xor3A_801 = arith.constant 1 : i32
        %xor3A_802 = vector.broadcast %xor3A_801 : i32 to vector<16xi32>
        %xor3A_803 = arith.xori %iota3A, %xor3A_802 : vector<16xi32>
        %broadcast_in_dim3A_804 = vector.shape_cast %xor3A_803 : vector<16xi32> to vector<16x1xi32>
        %gather3A_805 = vector.shape_cast %broadcast_in_dim3A_804 : vector<16x1xi32> to vector<16xi32>
        %gather3A_806 = tpu.dynamic_gather %get3A_796[%gather3A_805] in [0] : vector<16xf32>, vector<16xi32> -> vector<16xf32>
        %broadcast_in_dim3A_807 = vector.shape_cast %xor3A_803 : vector<16xi32> to vector<16x1xi32>
        %gather3A_808 = vector.shape_cast %broadcast_in_dim3A_807 : vector<16x1xi32> to vector<16xi32>
        %gather3A_809 = tpu.dynamic_gather %get3A_800[%gather3A_808] in [0] : vector<16xi32>, vector<16xi32> -> vector<16xi32>
        %mul3A_810 = arith.constant 16 : i32
        %mul3A_811 = arith.muli %scan3A_312, %mul3A_810 : i32
        %add3A_812 = vector.broadcast %mul3A_811 : i32 to vector<16xi32>
        %add3A_813 = arith.addi %add3A_812, %iota3A : vector<16xi32>
        %and3A_814 = arith.constant 16 : i32
        %and3A_815 = vector.broadcast %and3A_814 : i32 to vector<16xi32>
        %and3A_816 = arith.andi %add3A_813, %and3A_815 : vector<16xi32>
        %eq3A_817 = arith.constant 0 : i32
        %eq3A_818 = vector.broadcast %eq3A_817 : i32 to vector<16xi32>
        %eq3A_819 = arith.cmpi eq, %and3A_816, %eq3A_818 : vector<16xi32>
        %convert_element_type3A_820 = arith.extui %eq3A_819 : vector<16xi1> to vector<16xi32>
        %and3A_821 = arith.constant 1 : i32
        %and3A_822 = vector.broadcast %and3A_821 : i32 to vector<16xi32>
        %and3A_823 = arith.andi %iota3A, %and3A_822 : vector<16xi32>
        %eq3A_824 = arith.constant 0 : i32
        %eq3A_825 = vector.broadcast %eq3A_824 : i32 to vector<16xi32>
        %eq3A_826 = arith.cmpi eq, %and3A_823, %eq3A_825 : vector<16xi32>
        %convert_element_type3A_827 = arith.extui %eq3A_826 : vector<16xi1> to vector<16xi32>
        %eq3A_828 = arith.cmpi eq, %convert_element_type3A_827, %convert_element_type3A_820 : vector<16xi32>
        %convert_element_type3A_829 = arith.extui %eq3A_828 : vector<16xi1> to vector<16xi32>
        %lt3A_830 = arith.cmpf olt, %get3A_796, %gather3A_806 : vector<16xf32>
        %eq3A_831 = arith.cmpf oeq, %get3A_796, %gather3A_806 : vector<16xf32>
        %lt3A_832 = arith.cmpi slt, %get3A_800, %gather3A_809 : vector<16xi32>
        %and3A_833 = arith.andi %eq3A_831, %lt3A_832 : vector<16xi1>
        %or3A_834 = arith.ori %lt3A_830, %and3A_833 : vector<16xi1>
        %convert_element_type3A_835 = arith.extui %or3A_834 : vector<16xi1> to vector<16xi32>
        %eq3A_836 = arith.cmpi eq, %convert_element_type3A_829, %convert_element_type3A_835 : vector<16xi32>
        %select_n3A_837 = arith.select %eq3A_836, %get3A_796, %gather3A_806 : vector<16xi1>, vector<16xf32>
        %mul3A_838 = arith.constant 16 : i32
        %mul3A_839 = arith.muli %scan3A_312, %mul3A_838 : i32
        %swap3A_840 = arith.index_cast %mul3A_839 : i32 to index
        %swap3A_841 = tpu.vector_load %arg10[%swap3A_840] {strides = array<i32>} : memref<512xf32, #tpu.memory_space<vmem>>, vector<16xf32>,
        tpu.vector_store %arg10[%swap3A_840], %select_n3A_837 {strides = array<i32>} : memref<512xf32, #tpu.memory_space<vmem>>, vector<16xf32>,
        %select_n3A_842 = arith.select %eq3A_836, %get3A_800, %gather3A_809 : vector<16xi1>, vector<16xi32>
        %mul3A_843 = arith.constant 16 : i32
        %mul3A_844 = arith.muli %scan3A_312, %mul3A_843 : i32
        %swap3A_845 = arith.index_cast %mul3A_844 : i32 to index
        %swap3A_846 = tpu.vector_load %arg11[%swap3A_845] {strides = array<i32>} : memref<512xi32, #tpu.memory_space<vmem>>, vector<16xi32>,
        tpu.vector_store %arg11[%swap3A_845], %select_n3A_842 {strides = array<i32>} : memref<512xi32, #tpu.memory_space<vmem>>, vector<16xi32>,
        %scan3A_847 = arith.constant 0 : i32
        scf.yield %scan3A_847 : i32
      }
      %scan3A_54 = arith.constant 32 : i32
      %scan3A_55 = arith.constant 0 : i32
      %scan3A_56 = arith.constant 0 : i32
      %scan3A_57 = arith.constant 16 : i32
      %scan3A_58 = arith.addi %scan3A_56, %scan3A_57 : i32
      %scan3A_59 = arith.constant 1 : i32
      %scan3A_60 = scf.for %scan3A_312 = %scan3A_56 to %scan3A_58 step %scan3A_59 iter_args(%scan3A_313 = %scan3A_55) -> (i32)  : i32 {
        %jit3A_314 = arith.constant 1 : i32
        %div3A_315 = arith.divsi %scan3A_312, %jit3A_314 : i32
        %sign3A_316 = arith.constant 0 : i32
        %sign3A_317 = arith.cmpi sgt, %scan3A_312, %sign3A_316 : i32
        %sign3A_318 = arith.extui %sign3A_317 : i1 to i32
        %sign3A_319 = arith.constant 0 : i32
        %sign3A_320 = arith.cmpi slt, %scan3A_312, %sign3A_319 : i32
        %sign3A_321 = arith.extui %sign3A_320 : i1 to i32
        %sign3A_322 = arith.subi %sign3A_318, %sign3A_321 : i32
        %sign3A_323 = arith.constant 0 : i32
        %sign3A_324 = arith.cmpi sgt, %jit3A_314, %sign3A_323 : i32
        %sign3A_325 = arith.extui %sign3A_324 : i1 to i32
        %sign3A_326 = arith.constant 0 : i32
        %sign3A_327 = arith.cmpi slt, %jit3A_314, %sign3A_326 : i32
        %sign3A_328 = arith.extui %sign3A_327 : i1 to i32
        %sign3A_329 = arith.subi %sign3A_325, %sign3A_328 : i32
        %ne3A_330 = arith.cmpi ne, %sign3A_322, %sign3A_329 : i32
        %rem3A_331 = arith.remsi %scan3A_312, %jit3A_314 : i32
        %ne3A_332 = arith.constant 0 : i32
        %ne3A_333 = arith.cmpi ne, %rem3A_331, %ne3A_332 : i32
        %and3A_334 = arith.andi %ne3A_330, %ne3A_333 : i1
        %sub3A_335 = arith.constant 1 : i32
        %sub3A_336 = arith.subi %div3A_315, %sub3A_335 : i32
        %select_n3A_337 = arith.select %and3A_334, %sub3A_336, %div3A_315 : i32
        %mul3A_338 = arith.constant 2 : i32
        %mul3A_339 = arith.muli %select_n3A_337, %mul3A_338 : i32
        %jit3A_340 = arith.constant 1 : i32
        %eq3A = arith.constant 0 : i32
        %eq3A_341 = arith.cmpi eq, %jit3A_340, %eq3A : i32
        %jit3A_342 = arith.constant 1 : i32
        %select_n3A_343 = arith.select %eq3A_341, %jit3A_342, %jit3A_340 : i32
        %rem3A_344 = arith.remsi %scan3A_312, %select_n3A_343 : i32
        %ne3A_345 = arith.constant 0 : i32
        %ne3A_346 = arith.cmpi ne, %rem3A_344, %ne3A_345 : i32
        %lt3A = arith.constant 0 : i32
        %lt3A_347 = arith.cmpi slt, %rem3A_344, %lt3A : i32
        %lt3A_348 = arith.constant 0 : i32
        %lt3A_349 = arith.cmpi slt, %select_n3A_343, %lt3A_348 : i32
        %ne3A_350 = arith.xori %lt3A_347, %lt3A_349 : i1
        %and3A_351 = arith.andi %ne3A_350, %ne3A_346 : i1
        %add3A_352 = arith.addi %rem3A_344, %select_n3A_343 : i32
        %select_n3A_353 = arith.select %and3A_351, %add3A_352, %rem3A_344 : i32
        %add3A_354 = arith.addi %mul3A_339, %select_n3A_353 : i32
        %add3A_355 = arith.constant 1 : i32
        %add3A_356 = arith.addi %add3A_354, %add3A_355 : i32
        %mul3A_357 = arith.constant 16 : i32
        %mul3A_358 = arith.muli %add3A_354, %mul3A_357 : i32
        %get3A_359 = arith.index_cast %mul3A_358 : i32 to index
        %get3A_360 = tpu.vector_load %arg10[%get3A_359] {strides = array<i32>} : memref<512xf32, #tpu.memory_space<vmem>>, vector<16xf32>,
        %mul3A_361 = arith.constant 16 : i32
        %mul3A_362 = arith.muli %add3A_354, %mul3A_361 : i32
        %get3A_363 = arith.index_cast %mul3A_362 : i32 to index
        %get3A_364 = tpu.vector_load %arg11[%get3A_363] {strides = array<i32>} : memref<512xi32, #tpu.memory_space<vmem>>, vector<16xi32>,
        %mul3A_365 = arith.constant 16 : i32
        %mul3A_366 = arith.muli %add3A_356, %mul3A_365 : i32
        %get3A_367 = arith.index_cast %mul3A_366 : i32 to index
        %get3A_368 = tpu.vector_load %arg10[%get3A_367] {strides = array<i32>} : memref<512xf32, #tpu.memory_space<vmem>>, vector<16xf32>,
        %mul3A_369 = arith.constant 16 : i32
        %mul3A_370 = arith.muli %add3A_356, %mul3A_369 : i32
        %get3A_371 = arith.index_cast %mul3A_370 : i32 to index
        %get3A_372 = tpu.vector_load %arg11[%get3A_371] {strides = array<i32>} : memref<512xi32, #tpu.memory_space<vmem>>, vector<16xi32>,
        %mul3A_373 = arith.constant 16 : i32
        %mul3A_374 = arith.muli %add3A_354, %mul3A_373 : i32
        %broadcast_in_dim3A_375 = vector.broadcast %mul3A_374 : i32 to vector<16xi32>
        %and3A_376 = arith.constant 32 : i32
        %and3A_377 = vector.broadcast %and3A_376 : i32 to vector<16xi32>
        %and3A_378 = arith.andi %broadcast_in_dim3A_375, %and3A_377 : vector<16xi32>
        %eq3A_379 = arith.constant 0 : i32
        %eq3A_380 = vector.broadcast %eq3A_379 : i32 to vector<16xi32>
        %eq3A_381 = arith.cmpi eq, %and3A_378, %eq3A_380 : vector<16xi32>
        %lt3A_382 = arith.cmpf olt, %get3A_360, %get3A_368 : vector<16xf32>
        %eq3A_383 = arith.cmpf oeq, %get3A_360, %get3A_368 : vector<16xf32>
        %lt3A_384 = arith.cmpi slt, %get3A_364, %get3A_372 : vector<16xi32>
        %and3A_385 = arith.andi %eq3A_383, %lt3A_384 : vector<16xi1>
        %or3A = arith.ori %lt3A_382, %and3A_385 : vector<16xi1>
        %not3A = arith.constant dense<true> : vector<16xi1>
        %not3A_386 = arith.xori %or3A, %not3A : vector<16xi1>
        %select_n3A_387 = arith.select %eq3A_381, %not3A_386, %or3A : vector<16xi1>, vector<16xi1>
        %select_n3A_388 = arith.select %select_n3A_387, %get3A_368, %get3A_360 : vector<16xi1>, vector<16xf32>
        %mul3A_389 = arith.constant 16 : i32
        %mul3A_390 = arith.muli %add3A_354, %mul3A_389 : i32
        %swap3A = arith.index_cast %mul3A_390 : i32 to index
        %swap3A_391 = tpu.vector_load %arg10[%swap3A] {strides = array<i32>} : memref<512xf32, #tpu.memory_space<vmem>>, vector<16xf32>,
        tpu.vector_store %arg10[%swap3A], %select_n3A_388 {strides = array<i32>} : memref<512xf32, #tpu.memory_space<vmem>>, vector<16xf32>,
        %select_n3A_392 = arith.select %select_n3A_387, %get3A_372, %get3A_364 : vector<16xi1>, vector<16xi32>
        %mul3A_393 = arith.constant 16 : i32
        %mul3A_394 = arith.muli %add3A_354, %mul3A_393 : i32
        %swap3A_395 = arith.index_cast %mul3A_394 : i32 to index
        %swap3A_396 = tpu.vector_load %arg11[%swap3A_395] {strides = array<i32>} : memref<512xi32, #tpu.memory_space<vmem>>, vector<16xi32>,
        tpu.vector_store %arg11[%swap3A_395], %select_n3A_392 {strides = array<i32>} : memref<512xi32, #tpu.memory_space<vmem>>, vector<16xi32>,
        %select_n3A_397 = arith.select %select_n3A_387, %get3A_360, %get3A_368 : vector<16xi1>, vector<16xf32>
        %mul3A_398 = arith.constant 16 : i32
        %mul3A_399 = arith.muli %add3A_356, %mul3A_398 : i32
        %swap3A_400 = arith.index_cast %mul3A_399 : i32 to index
        %swap3A_401 = tpu.vector_load %arg10[%swap3A_400] {strides = array<i32>} : memref<512xf32, #tpu.memory_space<vmem>>, vector<16xf32>,
        tpu.vector_store %arg10[%swap3A_400], %select_n3A_397 {strides = array<i32>} : memref<512xf32, #tpu.memory_space<vmem>>, vector<16xf32>,
        %select_n3A_402 = arith.select %select_n3A_387, %get3A_364, %get3A_372 : vector<16xi1>, vector<16xi32>
        %mul3A_403 = arith.constant 16 : i32
        %mul3A_404 = arith.muli %add3A_356, %mul3A_403 : i32
        %swap3A_405 = arith.index_cast %mul3A_404 : i32 to index
        %swap3A_406 = tpu.vector_load %arg11[%swap3A_405] {strides = array<i32>} : memref<512xi32, #tpu.memory_space<vmem>>, vector<16xi32>,
        tpu.vector_store %arg11[%swap3A_405], %select_n3A_402 {strides = array<i32>} : memref<512xi32, #tpu.memory_space<vmem>>, vector<16xi32>,
        %scan3A_407 = arith.constant 0 : i32
        scf.yield %scan3A_407 : i32
      }
      %scan3A_61 = arith.constant 16 : i32
      %scan3A_62 = arith.constant 0 : i32
      %scan3A_63 = arith.constant 0 : i32
      %scan3A_64 = arith.constant 32 : i32
      %scan3A_65 = arith.addi %scan3A_63, %scan3A_64 : i32
      %scan3A_66 = arith.constant 1 : i32
      %scan3A_67 = scf.for %scan3A_312 = %scan3A_63 to %scan3A_65 step %scan3A_66 iter_args(%scan3A_313 = %scan3A_62) -> (i32)  : i32 {
        %mul3A_314 = arith.constant 16 : i32
        %mul3A_315 = arith.muli %scan3A_312, %mul3A_314 : i32
        %get3A_316 = arith.index_cast %mul3A_315 : i32 to index
        %get3A_317 = tpu.vector_load %arg10[%get3A_316] {strides = array<i32>} : memref<512xf32, #tpu.memory_space<vmem>>, vector<16xf32>,
        %mul3A_318 = arith.constant 16 : i32
        %mul3A_319 = arith.muli %scan3A_312, %mul3A_318 : i32
        %get3A_320 = arith.index_cast %mul3A_319 : i32 to index
        %get3A_321 = tpu.vector_load %arg11[%get3A_320] {strides = array<i32>} : memref<512xi32, #tpu.memory_space<vmem>>, vector<16xi32>,
        %xor3A = arith.constant 8 : i32
        %xor3A_322 = vector.broadcast %xor3A : i32 to vector<16xi32>
        %xor3A_323 = arith.xori %iota3A, %xor3A_322 : vector<16xi32>
        %broadcast_in_dim3A_324 = vector.shape_cast %xor3A_323 : vector<16xi32> to vector<16x1xi32>
        %gather3A = vector.shape_cast %broadcast_in_dim3A_324 : vector<16x1xi32> to vector<16xi32>
        %gather3A_325 = tpu.dynamic_gather %get3A_317[%gather3A] in [0] : vector<16xf32>, vector<16xi32> -> vector<16xf32>
        %broadcast_in_dim3A_326 = vector.shape_cast %xor3A_323 : vector<16xi32> to vector<16x1xi32>
        %gather3A_327 = vector.shape_cast %broadcast_in_dim3A_326 : vector<16x1xi32> to vector<16xi32>
        %gather3A_328 = tpu.dynamic_gather %get3A_321[%gather3A_327] in [0] : vector<16xi32>, vector<16xi32> -> vector<16xi32>
        %mul3A_329 = arith.constant 16 : i32
        %mul3A_330 = arith.muli %scan3A_312, %mul3A_329 : i32
        %add3A_331 = vector.broadcast %mul3A_330 : i32 to vector<16xi32>
        %add3A_332 = arith.addi %add3A_331, %iota3A : vector<16xi32>
        %and3A_333 = arith.constant 32 : i32
        %and3A_334 = vector.broadcast %and3A_333 : i32 to vector<16xi32>
        %and3A_335 = arith.andi %add3A_332, %and3A_334 : vector<16xi32>
        %eq3A = arith.constant 0 : i32
        %eq3A_336 = vector.broadcast %eq3A : i32 to vector<16xi32>
        %eq3A_337 = arith.cmpi eq, %and3A_335, %eq3A_336 : vector<16xi32>
        %convert_element_type3A = arith.extui %eq3A_337 : vector<16xi1> to vector<16xi32>
        %and3A_338 = arith.constant 8 : i32
        %and3A_339 = vector.broadcast %and3A_338 : i32 to vector<16xi32>
        %and3A_340 = arith.andi %iota3A, %and3A_339 : vector<16xi32>
        %eq3A_341 = arith.constant 0 : i32
        %eq3A_342 = vector.broadcast %eq3A_341 : i32 to vector<16xi32>
        %eq3A_343 = arith.cmpi eq, %and3A_340, %eq3A_342 : vector<16xi32>
        %convert_element_type3A_344 = arith.extui %eq3A_343 : vector<16xi1> to vector<16xi32>
        %eq3A_345 = arith.cmpi eq, %convert_element_type3A_344, %convert_element_type3A : vector<16xi32>
        %convert_element_type3A_346 = arith.extui %eq3A_345 : vector<16xi1> to vector<16xi32>
        %lt3A = arith.cmpf olt, %get3A_317, %gather3A_325 : vector<16xf32>
        %eq3A_347 = arith.cmpf oeq, %get3A_317, %gather3A_325 : vector<16xf32>
        %lt3A_348 = arith.cmpi slt, %get3A_321, %gather3A_328 : vector<16xi32>
        %and3A_349 = arith.andi %eq3A_347, %lt3A_348 : vector<16xi1>
        %or3A = arith.ori %lt3A, %and3A_349 : vector<16xi1>
        %convert_element_type3A_350 = arith.extui %or3A : vector<16xi1> to vector<16xi32>
        %eq3A_351 = arith.cmpi eq, %convert_element_type3A_346, %convert_element_type3A_350 : vector<16xi32>
        %select_n3A_352 = arith.select %eq3A_351, %get3A_317, %gather3A_325 : vector<16xi1>, vector<16xf32>
        %mul3A_353 = arith.constant 16 : i32
        %mul3A_354 = arith.muli %scan3A_312, %mul3A_353 : i32
        %swap3A = arith.index_cast %mul3A_354 : i32 to index
        %swap3A_355 = tpu.vector_load %arg10[%swap3A] {strides = array<i32>} : memref<512xf32, #tpu.memory_space<vmem>>, vector<16xf32>,
        tpu.vector_store %arg10[%swap3A], %select_n3A_352 {strides = array<i32>} : memref<512xf32, #tpu.memory_space<vmem>>, vector<16xf32>,
        %select_n3A_356 = arith.select %eq3A_351, %get3A_321, %gather3A_328 : vector<16xi1>, vector<16xi32>
        %mul3A_357 = arith.constant 16 : i32
        %mul3A_358 = arith.muli %scan3A_312, %mul3A_357 : i32
        %swap3A_359 = arith.index_cast %mul3A_358 : i32 to index
        %swap3A_360 = tpu.vector_load %arg11[%swap3A_359] {strides = array<i32>} : memref<512xi32, #tpu.memory_space<vmem>>, vector<16xi32>,
        tpu.vector_store %arg11[%swap3A_359], %select_n3A_356 {strides = array<i32>} : memref<512xi32, #tpu.memory_space<vmem>>, vector<16xi32>,
        %mul3A_361 = arith.constant 16 : i32
        %mul3A_362 = arith.muli %scan3A_312, %mul3A_361 : i32
        %get3A_363 = arith.index_cast %mul3A_362 : i32 to index
        %get3A_364 = tpu.vector_load %arg10[%get3A_363] {strides = array<i32>} : memref<512xf32, #tpu.memory_space<vmem>>, vector<16xf32>,
        %mul3A_365 = arith.constant 16 : i32
        %mul3A_366 = arith.muli %scan3A_312, %mul3A_365 : i32
        %get3A_367 = arith.index_cast %mul3A_366 : i32 to index
        %get3A_368 = tpu.vector_load %arg11[%get3A_367] {strides = array<i32>} : memref<512xi32, #tpu.memory_space<vmem>>, vector<16xi32>,
        %xor3A_369 = arith.constant 4 : i32
        %xor3A_370 = vector.broadcast %xor3A_369 : i32 to vector<16xi32>
        %xor3A_371 = arith.xori %iota3A, %xor3A_370 : vector<16xi32>
        %broadcast_in_dim3A_372 = vector.shape_cast %xor3A_371 : vector<16xi32> to vector<16x1xi32>
        %gather3A_373 = vector.shape_cast %broadcast_in_dim3A_372 : vector<16x1xi32> to vector<16xi32>
        %gather3A_374 = tpu.dynamic_gather %get3A_364[%gather3A_373] in [0] : vector<16xf32>, vector<16xi32> -> vector<16xf32>
        %broadcast_in_dim3A_375 = vector.shape_cast %xor3A_371 : vector<16xi32> to vector<16x1xi32>
        %gather3A_376 = vector.shape_cast %broadcast_in_dim3A_375 : vector<16x1xi32> to vector<16xi32>
        %gather3A_377 = tpu.dynamic_gather %get3A_368[%gather3A_376] in [0] : vector<16xi32>, vector<16xi32> -> vector<16xi32>
        %mul3A_378 = arith.constant 16 : i32
        %mul3A_379 = arith.muli %scan3A_312, %mul3A_378 : i32
        %add3A_380 = vector.broadcast %mul3A_379 : i32 to vector<16xi32>
        %add3A_381 = arith.addi %add3A_380, %iota3A : vector<16xi32>
        %and3A_382 = arith.constant 32 : i32
        %and3A_383 = vector.broadcast %and3A_382 : i32 to vector<16xi32>
        %and3A_384 = arith.andi %add3A_381, %and3A_383 : vector<16xi32>
        %eq3A_385 = arith.constant 0 : i32
        %eq3A_386 = vector.broadcast %eq3A_385 : i32 to vector<16xi32>
        %eq3A_387 = arith.cmpi eq, %and3A_384, %eq3A_386 : vector<16xi32>
        %convert_element_type3A_388 = arith.extui %eq3A_387 : vector<16xi1> to vector<16xi32>
        %and3A_389 = arith.constant 4 : i32
        %and3A_390 = vector.broadcast %and3A_389 : i32 to vector<16xi32>
        %and3A_391 = arith.andi %iota3A, %and3A_390 : vector<16xi32>
        %eq3A_392 = arith.constant 0 : i32
        %eq3A_393 = vector.broadcast %eq3A_392 : i32 to vector<16xi32>
        %eq3A_394 = arith.cmpi eq, %and3A_391, %eq3A_393 : vector<16xi32>
        %convert_element_type3A_395 = arith.extui %eq3A_394 : vector<16xi1> to vector<16xi32>
        %eq3A_396 = arith.cmpi eq, %convert_element_type3A_395, %convert_element_type3A_388 : vector<16xi32>
        %convert_element_type3A_397 = arith.extui %eq3A_396 : vector<16xi1> to vector<16xi32>
        %lt3A_398 = arith.cmpf olt, %get3A_364, %gather3A_374 : vector<16xf32>
        %eq3A_399 = arith.cmpf oeq, %get3A_364, %gather3A_374 : vector<16xf32>
        %lt3A_400 = arith.cmpi slt, %get3A_368, %gather3A_377 : vector<16xi32>
        %and3A_401 = arith.andi %eq3A_399, %lt3A_400 : vector<16xi1>
        %or3A_402 = arith.ori %lt3A_398, %and3A_401 : vector<16xi1>
        %convert_element_type3A_403 = arith.extui %or3A_402 : vector<16xi1> to vector<16xi32>
        %eq3A_404 = arith.cmpi eq, %convert_element_type3A_397, %convert_element_type3A_403 : vector<16xi32>
        %select_n3A_405 = arith.select %eq3A_404, %get3A_364, %gather3A_374 : vector<16xi1>, vector<16xf32>
        %mul3A_406 = arith.constant 16 : i32
        %mul3A_407 = arith.muli %scan3A_312, %mul3A_406 : i32
        %swap3A_408 = arith.index_cast %mul3A_407 : i32 to index
        %swap3A_409 = tpu.vector_load %arg10[%swap3A_408] {strides = array<i32>} : memref<512xf32, #tpu.memory_space<vmem>>, vector<16xf32>,
        tpu.vector_store %arg10[%swap3A_408], %select_n3A_405 {strides = array<i32>} : memref<512xf32, #tpu.memory_space<vmem>>, vector<16xf32>,
        %select_n3A_410 = arith.select %eq3A_404, %get3A_368, %gather3A_377 : vector<16xi1>, vector<16xi32>
        %mul3A_411 = arith.constant 16 : i32
        %mul3A_412 = arith.muli %scan3A_312, %mul3A_411 : i32
        %swap3A_413 = arith.index_cast %mul3A_412 : i32 to index
        %swap3A_414 = tpu.vector_load %arg11[%swap3A_413] {strides = array<i32>} : memref<512xi32, #tpu.memory_space<vmem>>, vector<16xi32>,
        tpu.vector_store %arg11[%swap3A_413], %select_n3A_410 {strides = array<i32>} : memref<512xi32, #tpu.memory_space<vmem>>, vector<16xi32>,
        %mul3A_415 = arith.constant 16 : i32
        %mul3A_416 = arith.muli %scan3A_312, %mul3A_415 : i32
        %get3A_417 = arith.index_cast %mul3A_416 : i32 to index
        %get3A_418 = tpu.vector_load %arg10[%get3A_417] {strides = array<i32>} : memref<512xf32, #tpu.memory_space<vmem>>, vector<16xf32>,
        %mul3A_419 = arith.constant 16 : i32
        %mul3A_420 = arith.muli %scan3A_312, %mul3A_419 : i32
        %get3A_421 = arith.index_cast %mul3A_420 : i32 to index
        %get3A_422 = tpu.vector_load %arg11[%get3A_421] {strides = array<i32>} : memref<512xi32, #tpu.memory_space<vmem>>, vector<16xi32>,
        %xor3A_423 = arith.constant 2 : i32
        %xor3A_424 = vector.broadcast %xor3A_423 : i32 to vector<16xi32>
        %xor3A_425 = arith.xori %iota3A, %xor3A_424 : vector<16xi32>
        %broadcast_in_dim3A_426 = vector.shape_cast %xor3A_425 : vector<16xi32> to vector<16x1xi32>
        %gather3A_427 = vector.shape_cast %broadcast_in_dim3A_426 : vector<16x1xi32> to vector<16xi32>
        %gather3A_428 = tpu.dynamic_gather %get3A_418[%gather3A_427] in [0] : vector<16xf32>, vector<16xi32> -> vector<16xf32>
        %broadcast_in_dim3A_429 = vector.shape_cast %xor3A_425 : vector<16xi32> to vector<16x1xi32>
        %gather3A_430 = vector.shape_cast %broadcast_in_dim3A_429 : vector<16x1xi32> to vector<16xi32>
        %gather3A_431 = tpu.dynamic_gather %get3A_422[%gather3A_430] in [0] : vector<16xi32>, vector<16xi32> -> vector<16xi32>
        %mul3A_432 = arith.constant 16 : i32
        %mul3A_433 = arith.muli %scan3A_312, %mul3A_432 : i32
        %add3A_434 = vector.broadcast %mul3A_433 : i32 to vector<16xi32>
        %add3A_435 = arith.addi %add3A_434, %iota3A : vector<16xi32>
        %and3A_436 = arith.constant 32 : i32
        %and3A_437 = vector.broadcast %and3A_436 : i32 to vector<16xi32>
        %and3A_438 = arith.andi %add3A_435, %and3A_437 : vector<16xi32>
        %eq3A_439 = arith.constant 0 : i32
        %eq3A_440 = vector.broadcast %eq3A_439 : i32 to vector<16xi32>
        %eq3A_441 = arith.cmpi eq, %and3A_438, %eq3A_440 : vector<16xi32>
        %convert_element_type3A_442 = arith.extui %eq3A_441 : vector<16xi1> to vector<16xi32>
        %and3A_443 = arith.constant 2 : i32
        %and3A_444 = vector.broadcast %and3A_443 : i32 to vector<16xi32>
        %and3A_445 = arith.andi %iota3A, %and3A_444 : vector<16xi32>
        %eq3A_446 = arith.constant 0 : i32
        %eq3A_447 = vector.broadcast %eq3A_446 : i32 to vector<16xi32>
        %eq3A_448 = arith.cmpi eq, %and3A_445, %eq3A_447 : vector<16xi32>
        %convert_element_type3A_449 = arith.extui %eq3A_448 : vector<16xi1> to vector<16xi32>
        %eq3A_450 = arith.cmpi eq, %convert_element_type3A_449, %convert_element_type3A_442 : vector<16xi32>
        %convert_element_type3A_451 = arith.extui %eq3A_450 : vector<16xi1> to vector<16xi32>
        %lt3A_452 = arith.cmpf olt, %get3A_418, %gather3A_428 : vector<16xf32>
        %eq3A_453 = arith.cmpf oeq, %get3A_418, %gather3A_428 : vector<16xf32>
        %lt3A_454 = arith.cmpi slt, %get3A_422, %gather3A_431 : vector<16xi32>
        %and3A_455 = arith.andi %eq3A_453, %lt3A_454 : vector<16xi1>
        %or3A_456 = arith.ori %lt3A_452, %and3A_455 : vector<16xi1>
        %convert_element_type3A_457 = arith.extui %or3A_456 : vector<16xi1> to vector<16xi32>
        %eq3A_458 = arith.cmpi eq, %convert_element_type3A_451, %convert_element_type3A_457 : vector<16xi32>
        %select_n3A_459 = arith.select %eq3A_458, %get3A_418, %gather3A_428 : vector<16xi1>, vector<16xf32>
        %mul3A_460 = arith.constant 16 : i32
        %mul3A_461 = arith.muli %scan3A_312, %mul3A_460 : i32
        %swap3A_462 = arith.index_cast %mul3A_461 : i32 to index
        %swap3A_463 = tpu.vector_load %arg10[%swap3A_462] {strides = array<i32>} : memref<512xf32, #tpu.memory_space<vmem>>, vector<16xf32>,
        tpu.vector_store %arg10[%swap3A_462], %select_n3A_459 {strides = array<i32>} : memref<512xf32, #tpu.memory_space<vmem>>, vector<16xf32>,
        %select_n3A_464 = arith.select %eq3A_458, %get3A_422, %gather3A_431 : vector<16xi1>, vector<16xi32>
        %mul3A_465 = arith.constant 16 : i32
        %mul3A_466 = arith.muli %scan3A_312, %mul3A_465 : i32
        %swap3A_467 = arith.index_cast %mul3A_466 : i32 to index
        %swap3A_468 = tpu.vector_load %arg11[%swap3A_467] {strides = array<i32>} : memref<512xi32, #tpu.memory_space<vmem>>, vector<16xi32>,
        tpu.vector_store %arg11[%swap3A_467], %select_n3A_464 {strides = array<i32>} : memref<512xi32, #tpu.memory_space<vmem>>, vector<16xi32>,
        %mul3A_469 = arith.constant 16 : i32
        %mul3A_470 = arith.muli %scan3A_312, %mul3A_469 : i32
        %get3A_471 = arith.index_cast %mul3A_470 : i32 to index
        %get3A_472 = tpu.vector_load %arg10[%get3A_471] {strides = array<i32>} : memref<512xf32, #tpu.memory_space<vmem>>, vector<16xf32>,
        %mul3A_473 = arith.constant 16 : i32
        %mul3A_474 = arith.muli %scan3A_312, %mul3A_473 : i32
        %get3A_475 = arith.index_cast %mul3A_474 : i32 to index
        %get3A_476 = tpu.vector_load %arg11[%get3A_475] {strides = array<i32>} : memref<512xi32, #tpu.memory_space<vmem>>, vector<16xi32>,
        %xor3A_477 = arith.constant 1 : i32
        %xor3A_478 = vector.broadcast %xor3A_477 : i32 to vector<16xi32>
        %xor3A_479 = arith.xori %iota3A, %xor3A_478 : vector<16xi32>
        %broadcast_in_dim3A_480 = vector.shape_cast %xor3A_479 : vector<16xi32> to vector<16x1xi32>
        %gather3A_481 = vector.shape_cast %broadcast_in_dim3A_480 : vector<16x1xi32> to vector<16xi32>
        %gather3A_482 = tpu.dynamic_gather %get3A_472[%gather3A_481] in [0] : vector<16xf32>, vector<16xi32> -> vector<16xf32>
        %broadcast_in_dim3A_483 = vector.shape_cast %xor3A_479 : vector<16xi32> to vector<16x1xi32>
        %gather3A_484 = vector.shape_cast %broadcast_in_dim3A_483 : vector<16x1xi32> to vector<16xi32>
        %gather3A_485 = tpu.dynamic_gather %get3A_476[%gather3A_484] in [0] : vector<16xi32>, vector<16xi32> -> vector<16xi32>
        %mul3A_486 = arith.constant 16 : i32
        %mul3A_487 = arith.muli %scan3A_312, %mul3A_486 : i32
        %add3A_488 = vector.broadcast %mul3A_487 : i32 to vector<16xi32>
        %add3A_489 = arith.addi %add3A_488, %iota3A : vector<16xi32>
        %and3A_490 = arith.constant 32 : i32
        %and3A_491 = vector.broadcast %and3A_490 : i32 to vector<16xi32>
        %and3A_492 = arith.andi %add3A_489, %and3A_491 : vector<16xi32>
        %eq3A_493 = arith.constant 0 : i32
        %eq3A_494 = vector.broadcast %eq3A_493 : i32 to vector<16xi32>
        %eq3A_495 = arith.cmpi eq, %and3A_492, %eq3A_494 : vector<16xi32>
        %convert_element_type3A_496 = arith.extui %eq3A_495 : vector<16xi1> to vector<16xi32>
        %and3A_497 = arith.constant 1 : i32
        %and3A_498 = vector.broadcast %and3A_497 : i32 to vector<16xi32>
        %and3A_499 = arith.andi %iota3A, %and3A_498 : vector<16xi32>
        %eq3A_500 = arith.constant 0 : i32
        %eq3A_501 = vector.broadcast %eq3A_500 : i32 to vector<16xi32>
        %eq3A_502 = arith.cmpi eq, %and3A_499, %eq3A_501 : vector<16xi32>
        %convert_element_type3A_503 = arith.extui %eq3A_502 : vector<16xi1> to vector<16xi32>
        %eq3A_504 = arith.cmpi eq, %convert_element_type3A_503, %convert_element_type3A_496 : vector<16xi32>
        %convert_element_type3A_505 = arith.extui %eq3A_504 : vector<16xi1> to vector<16xi32>
        %lt3A_506 = arith.cmpf olt, %get3A_472, %gather3A_482 : vector<16xf32>
        %eq3A_507 = arith.cmpf oeq, %get3A_472, %gather3A_482 : vector<16xf32>
        %lt3A_508 = arith.cmpi slt, %get3A_476, %gather3A_485 : vector<16xi32>
        %and3A_509 = arith.andi %eq3A_507, %lt3A_508 : vector<16xi1>
        %or3A_510 = arith.ori %lt3A_506, %and3A_509 : vector<16xi1>
        %convert_element_type3A_511 = arith.extui %or3A_510 : vector<16xi1> to vector<16xi32>
        %eq3A_512 = arith.cmpi eq, %convert_element_type3A_505, %convert_element_type3A_511 : vector<16xi32>
        %select_n3A_513 = arith.select %eq3A_512, %get3A_472, %gather3A_482 : vector<16xi1>, vector<16xf32>
        %mul3A_514 = arith.constant 16 : i32
        %mul3A_515 = arith.muli %scan3A_312, %mul3A_514 : i32
        %swap3A_516 = arith.index_cast %mul3A_515 : i32 to index
        %swap3A_517 = tpu.vector_load %arg10[%swap3A_516] {strides = array<i32>} : memref<512xf32, #tpu.memory_space<vmem>>, vector<16xf32>,
        tpu.vector_store %arg10[%swap3A_516], %select_n3A_513 {strides = array<i32>} : memref<512xf32, #tpu.memory_space<vmem>>, vector<16xf32>,
        %select_n3A_518 = arith.select %eq3A_512, %get3A_476, %gather3A_485 : vector<16xi1>, vector<16xi32>
        %mul3A_519 = arith.constant 16 : i32
        %mul3A_520 = arith.muli %scan3A_312, %mul3A_519 : i32
        %swap3A_521 = arith.index_cast %mul3A_520 : i32 to index
        %swap3A_522 = tpu.vector_load %arg11[%swap3A_521] {strides = array<i32>} : memref<512xi32, #tpu.memory_space<vmem>>, vector<16xi32>,
        tpu.vector_store %arg11[%swap3A_521], %select_n3A_518 {strides = array<i32>} : memref<512xi32, #tpu.memory_space<vmem>>, vector<16xi32>,
        %scan3A_523 = arith.constant 0 : i32
        scf.yield %scan3A_523 : i32
      }
      %scan3A_68 = arith.constant 32 : i32
      %scan3A_69 = arith.constant 0 : i32
      %scan3A_70 = arith.constant 0 : i32
      %scan3A_71 = arith.constant 16 : i32
      %scan3A_72 = arith.addi %scan3A_70, %scan3A_71 : i32
      %scan3A_73 = arith.constant 1 : i32
      %scan3A_74 = scf.for %scan3A_312 = %scan3A_70 to %scan3A_72 step %scan3A_73 iter_args(%scan3A_313 = %scan3A_69) -> (i32)  : i32 {
        %jit3A_314 = arith.constant 2 : i32
        %div3A_315 = arith.divsi %scan3A_312, %jit3A_314 : i32
        %sign3A_316 = arith.constant 0 : i32
        %sign3A_317 = arith.cmpi sgt, %scan3A_312, %sign3A_316 : i32
        %sign3A_318 = arith.extui %sign3A_317 : i1 to i32
        %sign3A_319 = arith.constant 0 : i32
        %sign3A_320 = arith.cmpi slt, %scan3A_312, %sign3A_319 : i32
        %sign3A_321 = arith.extui %sign3A_320 : i1 to i32
        %sign3A_322 = arith.subi %sign3A_318, %sign3A_321 : i32
        %sign3A_323 = arith.constant 0 : i32
        %sign3A_324 = arith.cmpi sgt, %jit3A_314, %sign3A_323 : i32
        %sign3A_325 = arith.extui %sign3A_324 : i1 to i32
        %sign3A_326 = arith.constant 0 : i32
        %sign3A_327 = arith.cmpi slt, %jit3A_314, %sign3A_326 : i32
        %sign3A_328 = arith.extui %sign3A_327 : i1 to i32
        %sign3A_329 = arith.subi %sign3A_325, %sign3A_328 : i32
        %ne3A_330 = arith.cmpi ne, %sign3A_322, %sign3A_329 : i32
        %rem3A_331 = arith.remsi %scan3A_312, %jit3A_314 : i32
        %ne3A_332 = arith.constant 0 : i32
        %ne3A_333 = arith.cmpi ne, %rem3A_331, %ne3A_332 : i32
        %and3A_334 = arith.andi %ne3A_330, %ne3A_333 : i1
        %sub3A_335 = arith.constant 1 : i32
        %sub3A_336 = arith.subi %div3A_315, %sub3A_335 : i32
        %select_n3A_337 = arith.select %and3A_334, %sub3A_336, %div3A_315 : i32
        %mul3A_338 = arith.constant 4 : i32
        %mul3A_339 = arith.muli %select_n3A_337, %mul3A_338 : i32
        %jit3A_340 = arith.constant 2 : i32
        %eq3A = arith.constant 0 : i32
        %eq3A_341 = arith.cmpi eq, %jit3A_340, %eq3A : i32
        %jit3A_342 = arith.constant 1 : i32
        %select_n3A_343 = arith.select %eq3A_341, %jit3A_342, %jit3A_340 : i32
        %rem3A_344 = arith.remsi %scan3A_312, %select_n3A_343 : i32
        %ne3A_345 = arith.constant 0 : i32
        %ne3A_346 = arith.cmpi ne, %rem3A_344, %ne3A_345 : i32
        %lt3A = arith.constant 0 : i32
        %lt3A_347 = arith.cmpi slt, %rem3A_344, %lt3A : i32
        %lt3A_348 = arith.constant 0 : i32
        %lt3A_349 = arith.cmpi slt, %select_n3A_343, %lt3A_348 : i32
        %ne3A_350 = arith.xori %lt3A_347, %lt3A_349 : i1
        %and3A_351 = arith.andi %ne3A_350, %ne3A_346 : i1
        %add3A_352 = arith.addi %rem3A_344, %select_n3A_343 : i32
        %select_n3A_353 = arith.select %and3A_351, %add3A_352, %rem3A_344 : i32
        %add3A_354 = arith.addi %mul3A_339, %select_n3A_353 : i32
        %add3A_355 = arith.constant 2 : i32
        %add3A_356 = arith.addi %add3A_354, %add3A_355 : i32
        %mul3A_357 = arith.constant 16 : i32
        %mul3A_358 = arith.muli %add3A_354, %mul3A_357 : i32
        %get3A_359 = arith.index_cast %mul3A_358 : i32 to index
        %get3A_360 = tpu.vector_load %arg10[%get3A_359] {strides = array<i32>} : memref<512xf32, #tpu.memory_space<vmem>>, vector<16xf32>,
        %mul3A_361 = arith.constant 16 : i32
        %mul3A_362 = arith.muli %add3A_354, %mul3A_361 : i32
        %get3A_363 = arith.index_cast %mul3A_362 : i32 to index
        %get3A_364 = tpu.vector_load %arg11[%get3A_363] {strides = array<i32>} : memref<512xi32, #tpu.memory_space<vmem>>, vector<16xi32>,
        %mul3A_365 = arith.constant 16 : i32
        %mul3A_366 = arith.muli %add3A_356, %mul3A_365 : i32
        %get3A_367 = arith.index_cast %mul3A_366 : i32 to index
        %get3A_368 = tpu.vector_load %arg10[%get3A_367] {strides = array<i32>} : memref<512xf32, #tpu.memory_space<vmem>>, vector<16xf32>,
        %mul3A_369 = arith.constant 16 : i32
        %mul3A_370 = arith.muli %add3A_356, %mul3A_369 : i32
        %get3A_371 = arith.index_cast %mul3A_370 : i32 to index
        %get3A_372 = tpu.vector_load %arg11[%get3A_371] {strides = array<i32>} : memref<512xi32, #tpu.memory_space<vmem>>, vector<16xi32>,
        %mul3A_373 = arith.constant 16 : i32
        %mul3A_374 = arith.muli %add3A_354, %mul3A_373 : i32
        %broadcast_in_dim3A_375 = vector.broadcast %mul3A_374 : i32 to vector<16xi32>
        %and3A_376 = arith.constant 64 : i32
        %and3A_377 = vector.broadcast %and3A_376 : i32 to vector<16xi32>
        %and3A_378 = arith.andi %broadcast_in_dim3A_375, %and3A_377 : vector<16xi32>
        %eq3A_379 = arith.constant 0 : i32
        %eq3A_380 = vector.broadcast %eq3A_379 : i32 to vector<16xi32>
        %eq3A_381 = arith.cmpi eq, %and3A_378, %eq3A_380 : vector<16xi32>
        %lt3A_382 = arith.cmpf olt, %get3A_360, %get3A_368 : vector<16xf32>
        %eq3A_383 = arith.cmpf oeq, %get3A_360, %get3A_368 : vector<16xf32>
        %lt3A_384 = arith.cmpi slt, %get3A_364, %get3A_372 : vector<16xi32>
        %and3A_385 = arith.andi %eq3A_383, %lt3A_384 : vector<16xi1>
        %or3A = arith.ori %lt3A_382, %and3A_385 : vector<16xi1>
        %not3A = arith.constant dense<true> : vector<16xi1>
        %not3A_386 = arith.xori %or3A, %not3A : vector<16xi1>
        %select_n3A_387 = arith.select %eq3A_381, %not3A_386, %or3A : vector<16xi1>, vector<16xi1>
        %select_n3A_388 = arith.select %select_n3A_387, %get3A_368, %get3A_360 : vector<16xi1>, vector<16xf32>
        %mul3A_389 = arith.constant 16 : i32
        %mul3A_390 = arith.muli %add3A_354, %mul3A_389 : i32
        %swap3A = arith.index_cast %mul3A_390 : i32 to index
        %swap3A_391 = tpu.vector_load %arg10[%swap3A] {strides = array<i32>} : memref<512xf32, #tpu.memory_space<vmem>>, vector<16xf32>,
        tpu.vector_store %arg10[%swap3A], %select_n3A_388 {strides = array<i32>} : memref<512xf32, #tpu.memory_space<vmem>>, vector<16xf32>,
        %select_n3A_392 = arith.select %select_n3A_387, %get3A_372, %get3A_364 : vector<16xi1>, vector<16xi32>
        %mul3A_393 = arith.constant 16 : i32
        %mul3A_394 = arith.muli %add3A_354, %mul3A_393 : i32
        %swap3A_395 = arith.index_cast %mul3A_394 : i32 to index
        %swap3A_396 = tpu.vector_load %arg11[%swap3A_395] {strides = array<i32>} : memref<512xi32, #tpu.memory_space<vmem>>, vector<16xi32>,
        tpu.vector_store %arg11[%swap3A_395], %select_n3A_392 {strides = array<i32>} : memref<512xi32, #tpu.memory_space<vmem>>, vector<16xi32>,
        %select_n3A_397 = arith.select %select_n3A_387, %get3A_360, %get3A_368 : vector<16xi1>, vector<16xf32>
        %mul3A_398 = arith.constant 16 : i32
        %mul3A_399 = arith.muli %add3A_356, %mul3A_398 : i32
        %swap3A_400 = arith.index_cast %mul3A_399 : i32 to index
        %swap3A_401 = tpu.vector_load %arg10[%swap3A_400] {strides = array<i32>} : memref<512xf32, #tpu.memory_space<vmem>>, vector<16xf32>,
        tpu.vector_store %arg10[%swap3A_400], %select_n3A_397 {strides = array<i32>} : memref<512xf32, #tpu.memory_space<vmem>>, vector<16xf32>,
        %select_n3A_402 = arith.select %select_n3A_387, %get3A_364, %get3A_372 : vector<16xi1>, vector<16xi32>
        %mul3A_403 = arith.constant 16 : i32
        %mul3A_404 = arith.muli %add3A_356, %mul3A_403 : i32
        %swap3A_405 = arith.index_cast %mul3A_404 : i32 to index
        %swap3A_406 = tpu.vector_load %arg11[%swap3A_405] {strides = array<i32>} : memref<512xi32, #tpu.memory_space<vmem>>, vector<16xi32>,
        tpu.vector_store %arg11[%swap3A_405], %select_n3A_402 {strides = array<i32>} : memref<512xi32, #tpu.memory_space<vmem>>, vector<16xi32>,
        %scan3A_407 = arith.constant 0 : i32
        scf.yield %scan3A_407 : i32
      }
      %scan3A_75 = arith.constant 16 : i32
      %scan3A_76 = arith.constant 0 : i32
      %scan3A_77 = arith.constant 0 : i32
      %scan3A_78 = arith.constant 16 : i32
      %scan3A_79 = arith.addi %scan3A_77, %scan3A_78 : i32
      %scan3A_80 = arith.constant 1 : i32
      %scan3A_81 = scf.for %scan3A_312 = %scan3A_77 to %scan3A_79 step %scan3A_80 iter_args(%scan3A_313 = %scan3A_76) -> (i32)  : i32 {
        %jit3A_314 = arith.constant 1 : i32
        %div3A_315 = arith.divsi %scan3A_312, %jit3A_314 : i32
        %sign3A_316 = arith.constant 0 : i32
        %sign3A_317 = arith.cmpi sgt, %scan3A_312, %sign3A_316 : i32
        %sign3A_318 = arith.extui %sign3A_317 : i1 to i32
        %sign3A_319 = arith.constant 0 : i32
        %sign3A_320 = arith.cmpi slt, %scan3A_312, %sign3A_319 : i32
        %sign3A_321 = arith.extui %sign3A_320 : i1 to i32
        %sign3A_322 = arith.subi %sign3A_318, %sign3A_321 : i32
        %sign3A_323 = arith.constant 0 : i32
        %sign3A_324 = arith.cmpi sgt, %jit3A_314, %sign3A_323 : i32
        %sign3A_325 = arith.extui %sign3A_324 : i1 to i32
        %sign3A_326 = arith.constant 0 : i32
        %sign3A_327 = arith.cmpi slt, %jit3A_314, %sign3A_326 : i32
        %sign3A_328 = arith.extui %sign3A_327 : i1 to i32
        %sign3A_329 = arith.subi %sign3A_325, %sign3A_328 : i32
        %ne3A_330 = arith.cmpi ne, %sign3A_322, %sign3A_329 : i32
        %rem3A_331 = arith.remsi %scan3A_312, %jit3A_314 : i32
        %ne3A_332 = arith.constant 0 : i32
        %ne3A_333 = arith.cmpi ne, %rem3A_331, %ne3A_332 : i32
        %and3A_334 = arith.andi %ne3A_330, %ne3A_333 : i1
        %sub3A_335 = arith.constant 1 : i32
        %sub3A_336 = arith.subi %div3A_315, %sub3A_335 : i32
        %select_n3A_337 = arith.select %and3A_334, %sub3A_336, %div3A_315 : i32
        %mul3A_338 = arith.constant 2 : i32
        %mul3A_339 = arith.muli %select_n3A_337, %mul3A_338 : i32
        %jit3A_340 = arith.constant 1 : i32
        %eq3A = arith.constant 0 : i32
        %eq3A_341 = arith.cmpi eq, %jit3A_340, %eq3A : i32
        %jit3A_342 = arith.constant 1 : i32
        %select_n3A_343 = arith.select %eq3A_341, %jit3A_342, %jit3A_340 : i32
        %rem3A_344 = arith.remsi %scan3A_312, %select_n3A_343 : i32
        %ne3A_345 = arith.constant 0 : i32
        %ne3A_346 = arith.cmpi ne, %rem3A_344, %ne3A_345 : i32
        %lt3A = arith.constant 0 : i32
        %lt3A_347 = arith.cmpi slt, %rem3A_344, %lt3A : i32
        %lt3A_348 = arith.constant 0 : i32
        %lt3A_349 = arith.cmpi slt, %select_n3A_343, %lt3A_348 : i32
        %ne3A_350 = arith.xori %lt3A_347, %lt3A_349 : i1
        %and3A_351 = arith.andi %ne3A_350, %ne3A_346 : i1
        %add3A_352 = arith.addi %rem3A_344, %select_n3A_343 : i32
        %select_n3A_353 = arith.select %and3A_351, %add3A_352, %rem3A_344 : i32
        %add3A_354 = arith.addi %mul3A_339, %select_n3A_353 : i32
        %add3A_355 = arith.constant 1 : i32
        %add3A_356 = arith.addi %add3A_354, %add3A_355 : i32
        %mul3A_357 = arith.constant 16 : i32
        %mul3A_358 = arith.muli %add3A_354, %mul3A_357 : i32
        %get3A_359 = arith.index_cast %mul3A_358 : i32 to index
        %get3A_360 = tpu.vector_load %arg10[%get3A_359] {strides = array<i32>} : memref<512xf32, #tpu.memory_space<vmem>>, vector<16xf32>,
        %mul3A_361 = arith.constant 16 : i32
        %mul3A_362 = arith.muli %add3A_354, %mul3A_361 : i32
        %get3A_363 = arith.index_cast %mul3A_362 : i32 to index
        %get3A_364 = tpu.vector_load %arg11[%get3A_363] {strides = array<i32>} : memref<512xi32, #tpu.memory_space<vmem>>, vector<16xi32>,
        %mul3A_365 = arith.constant 16 : i32
        %mul3A_366 = arith.muli %add3A_356, %mul3A_365 : i32
        %get3A_367 = arith.index_cast %mul3A_366 : i32 to index
        %get3A_368 = tpu.vector_load %arg10[%get3A_367] {strides = array<i32>} : memref<512xf32, #tpu.memory_space<vmem>>, vector<16xf32>,
        %mul3A_369 = arith.constant 16 : i32
        %mul3A_370 = arith.muli %add3A_356, %mul3A_369 : i32
        %get3A_371 = arith.index_cast %mul3A_370 : i32 to index
        %get3A_372 = tpu.vector_load %arg11[%get3A_371] {strides = array<i32>} : memref<512xi32, #tpu.memory_space<vmem>>, vector<16xi32>,
        %mul3A_373 = arith.constant 16 : i32
        %mul3A_374 = arith.muli %add3A_354, %mul3A_373 : i32
        %broadcast_in_dim3A_375 = vector.broadcast %mul3A_374 : i32 to vector<16xi32>
        %and3A_376 = arith.constant 64 : i32
        %and3A_377 = vector.broadcast %and3A_376 : i32 to vector<16xi32>
        %and3A_378 = arith.andi %broadcast_in_dim3A_375, %and3A_377 : vector<16xi32>
        %eq3A_379 = arith.constant 0 : i32
        %eq3A_380 = vector.broadcast %eq3A_379 : i32 to vector<16xi32>
        %eq3A_381 = arith.cmpi eq, %and3A_378, %eq3A_380 : vector<16xi32>
        %lt3A_382 = arith.cmpf olt, %get3A_360, %get3A_368 : vector<16xf32>
        %eq3A_383 = arith.cmpf oeq, %get3A_360, %get3A_368 : vector<16xf32>
        %lt3A_384 = arith.cmpi slt, %get3A_364, %get3A_372 : vector<16xi32>
        %and3A_385 = arith.andi %eq3A_383, %lt3A_384 : vector<16xi1>
        %or3A = arith.ori %lt3A_382, %and3A_385 : vector<16xi1>
        %not3A = arith.constant dense<true> : vector<16xi1>
        %not3A_386 = arith.xori %or3A, %not3A : vector<16xi1>
        %select_n3A_387 = arith.select %eq3A_381, %not3A_386, %or3A : vector<16xi1>, vector<16xi1>
        %select_n3A_388 = arith.select %select_n3A_387, %get3A_368, %get3A_360 : vector<16xi1>, vector<16xf32>
        %mul3A_389 = arith.constant 16 : i32
        %mul3A_390 = arith.muli %add3A_354, %mul3A_389 : i32
        %swap3A = arith.index_cast %mul3A_390 : i32 to index
        %swap3A_391 = tpu.vector_load %arg10[%swap3A] {strides = array<i32>} : memref<512xf32, #tpu.memory_space<vmem>>, vector<16xf32>,
        tpu.vector_store %arg10[%swap3A], %select_n3A_388 {strides = array<i32>} : memref<512xf32, #tpu.memory_space<vmem>>, vector<16xf32>,
        %select_n3A_392 = arith.select %select_n3A_387, %get3A_372, %get3A_364 : vector<16xi1>, vector<16xi32>
        %mul3A_393 = arith.constant 16 : i32
        %mul3A_394 = arith.muli %add3A_354, %mul3A_393 : i32
        %swap3A_395 = arith.index_cast %mul3A_394 : i32 to index
        %swap3A_396 = tpu.vector_load %arg11[%swap3A_395] {strides = array<i32>} : memref<512xi32, #tpu.memory_space<vmem>>, vector<16xi32>,
        tpu.vector_store %arg11[%swap3A_395], %select_n3A_392 {strides = array<i32>} : memref<512xi32, #tpu.memory_space<vmem>>, vector<16xi32>,
        %select_n3A_397 = arith.select %select_n3A_387, %get3A_360, %get3A_368 : vector<16xi1>, vector<16xf32>
        %mul3A_398 = arith.constant 16 : i32
        %mul3A_399 = arith.muli %add3A_356, %mul3A_398 : i32
        %swap3A_400 = arith.index_cast %mul3A_399 : i32 to index
        %swap3A_401 = tpu.vector_load %arg10[%swap3A_400] {strides = array<i32>} : memref<512xf32, #tpu.memory_space<vmem>>, vector<16xf32>,
        tpu.vector_store %arg10[%swap3A_400], %select_n3A_397 {strides = array<i32>} : memref<512xf32, #tpu.memory_space<vmem>>, vector<16xf32>,
        %select_n3A_402 = arith.select %select_n3A_387, %get3A_364, %get3A_372 : vector<16xi1>, vector<16xi32>
        %mul3A_403 = arith.constant 16 : i32
        %mul3A_404 = arith.muli %add3A_356, %mul3A_403 : i32
        %swap3A_405 = arith.index_cast %mul3A_404 : i32 to index
        %swap3A_406 = tpu.vector_load %arg11[%swap3A_405] {strides = array<i32>} : memref<512xi32, #tpu.memory_space<vmem>>, vector<16xi32>,
        tpu.vector_store %arg11[%swap3A_405], %select_n3A_402 {strides = array<i32>} : memref<512xi32, #tpu.memory_space<vmem>>, vector<16xi32>,
        %scan3A_407 = arith.constant 0 : i32
        scf.yield %scan3A_407 : i32
      }
      %scan3A_82 = arith.constant 16 : i32
      %scan3A_83 = arith.constant 0 : i32
      %scan3A_84 = arith.constant 0 : i32
      %scan3A_85 = arith.constant 32 : i32
      %scan3A_86 = arith.addi %scan3A_84, %scan3A_85 : i32
      %scan3A_87 = arith.constant 1 : i32
      %scan3A_88 = scf.for %scan3A_312 = %scan3A_84 to %scan3A_86 step %scan3A_87 iter_args(%scan3A_313 = %scan3A_83) -> (i32)  : i32 {
        %mul3A_314 = arith.constant 16 : i32
        %mul3A_315 = arith.muli %scan3A_312, %mul3A_314 : i32
        %get3A_316 = arith.index_cast %mul3A_315 : i32 to index
        %get3A_317 = tpu.vector_load %arg10[%get3A_316] {strides = array<i32>} : memref<512xf32, #tpu.memory_space<vmem>>, vector<16xf32>,
        %mul3A_318 = arith.constant 16 : i32
        %mul3A_319 = arith.muli %scan3A_312, %mul3A_318 : i32
        %get3A_320 = arith.index_cast %mul3A_319 : i32 to index
        %get3A_321 = tpu.vector_load %arg11[%get3A_320] {strides = array<i32>} : memref<512xi32, #tpu.memory_space<vmem>>, vector<16xi32>,
        %xor3A = arith.constant 8 : i32
        %xor3A_322 = vector.broadcast %xor3A : i32 to vector<16xi32>
        %xor3A_323 = arith.xori %iota3A, %xor3A_322 : vector<16xi32>
        %broadcast_in_dim3A_324 = vector.shape_cast %xor3A_323 : vector<16xi32> to vector<16x1xi32>
        %gather3A = vector.shape_cast %broadcast_in_dim3A_324 : vector<16x1xi32> to vector<16xi32>
        %gather3A_325 = tpu.dynamic_gather %get3A_317[%gather3A] in [0] : vector<16xf32>, vector<16xi32> -> vector<16xf32>
        %broadcast_in_dim3A_326 = vector.shape_cast %xor3A_323 : vector<16xi32> to vector<16x1xi32>
        %gather3A_327 = vector.shape_cast %broadcast_in_dim3A_326 : vector<16x1xi32> to vector<16xi32>
        %gather3A_328 = tpu.dynamic_gather %get3A_321[%gather3A_327] in [0] : vector<16xi32>, vector<16xi32> -> vector<16xi32>
        %mul3A_329 = arith.constant 16 : i32
        %mul3A_330 = arith.muli %scan3A_312, %mul3A_329 : i32
        %add3A_331 = vector.broadcast %mul3A_330 : i32 to vector<16xi32>
        %add3A_332 = arith.addi %add3A_331, %iota3A : vector<16xi32>
        %and3A_333 = arith.constant 64 : i32
        %and3A_334 = vector.broadcast %and3A_333 : i32 to vector<16xi32>
        %and3A_335 = arith.andi %add3A_332, %and3A_334 : vector<16xi32>
        %eq3A = arith.constant 0 : i32
        %eq3A_336 = vector.broadcast %eq3A : i32 to vector<16xi32>
        %eq3A_337 = arith.cmpi eq, %and3A_335, %eq3A_336 : vector<16xi32>
        %convert_element_type3A = arith.extui %eq3A_337 : vector<16xi1> to vector<16xi32>
        %and3A_338 = arith.constant 8 : i32
        %and3A_339 = vector.broadcast %and3A_338 : i32 to vector<16xi32>
        %and3A_340 = arith.andi %iota3A, %and3A_339 : vector<16xi32>
        %eq3A_341 = arith.constant 0 : i32
        %eq3A_342 = vector.broadcast %eq3A_341 : i32 to vector<16xi32>
        %eq3A_343 = arith.cmpi eq, %and3A_340, %eq3A_342 : vector<16xi32>
        %convert_element_type3A_344 = arith.extui %eq3A_343 : vector<16xi1> to vector<16xi32>
        %eq3A_345 = arith.cmpi eq, %convert_element_type3A_344, %convert_element_type3A : vector<16xi32>
        %convert_element_type3A_346 = arith.extui %eq3A_345 : vector<16xi1> to vector<16xi32>
        %lt3A = arith.cmpf olt, %get3A_317, %gather3A_325 : vector<16xf32>
        %eq3A_347 = arith.cmpf oeq, %get3A_317, %gather3A_325 : vector<16xf32>
        %lt3A_348 = arith.cmpi slt, %get3A_321, %gather3A_328 : vector<16xi32>
        %and3A_349 = arith.andi %eq3A_347, %lt3A_348 : vector<16xi1>
        %or3A = arith.ori %lt3A, %and3A_349 : vector<16xi1>
        %convert_element_type3A_350 = arith.extui %or3A : vector<16xi1> to vector<16xi32>
        %eq3A_351 = arith.cmpi eq, %convert_element_type3A_346, %convert_element_type3A_350 : vector<16xi32>
        %select_n3A_352 = arith.select %eq3A_351, %get3A_317, %gather3A_325 : vector<16xi1>, vector<16xf32>
        %mul3A_353 = arith.constant 16 : i32
        %mul3A_354 = arith.muli %scan3A_312, %mul3A_353 : i32
        %swap3A = arith.index_cast %mul3A_354 : i32 to index
        %swap3A_355 = tpu.vector_load %arg10[%swap3A] {strides = array<i32>} : memref<512xf32, #tpu.memory_space<vmem>>, vector<16xf32>,
        tpu.vector_store %arg10[%swap3A], %select_n3A_352 {strides = array<i32>} : memref<512xf32, #tpu.memory_space<vmem>>, vector<16xf32>,
        %select_n3A_356 = arith.select %eq3A_351, %get3A_321, %gather3A_328 : vector<16xi1>, vector<16xi32>
        %mul3A_357 = arith.constant 16 : i32
        %mul3A_358 = arith.muli %scan3A_312, %mul3A_357 : i32
        %swap3A_359 = arith.index_cast %mul3A_358 : i32 to index
        %swap3A_360 = tpu.vector_load %arg11[%swap3A_359] {strides = array<i32>} : memref<512xi32, #tpu.memory_space<vmem>>, vector<16xi32>,
        tpu.vector_store %arg11[%swap3A_359], %select_n3A_356 {strides = array<i32>} : memref<512xi32, #tpu.memory_space<vmem>>, vector<16xi32>,
        %mul3A_361 = arith.constant 16 : i32
        %mul3A_362 = arith.muli %scan3A_312, %mul3A_361 : i32
        %get3A_363 = arith.index_cast %mul3A_362 : i32 to index
        %get3A_364 = tpu.vector_load %arg10[%get3A_363] {strides = array<i32>} : memref<512xf32, #tpu.memory_space<vmem>>, vector<16xf32>,
        %mul3A_365 = arith.constant 16 : i32
        %mul3A_366 = arith.muli %scan3A_312, %mul3A_365 : i32
        %get3A_367 = arith.index_cast %mul3A_366 : i32 to index
        %get3A_368 = tpu.vector_load %arg11[%get3A_367] {strides = array<i32>} : memref<512xi32, #tpu.memory_space<vmem>>, vector<16xi32>,
        %xor3A_369 = arith.constant 4 : i32
        %xor3A_370 = vector.broadcast %xor3A_369 : i32 to vector<16xi32>
        %xor3A_371 = arith.xori %iota3A, %xor3A_370 : vector<16xi32>
        %broadcast_in_dim3A_372 = vector.shape_cast %xor3A_371 : vector<16xi32> to vector<16x1xi32>
        %gather3A_373 = vector.shape_cast %broadcast_in_dim3A_372 : vector<16x1xi32> to vector<16xi32>
        %gather3A_374 = tpu.dynamic_gather %get3A_364[%gather3A_373] in [0] : vector<16xf32>, vector<16xi32> -> vector<16xf32>
        %broadcast_in_dim3A_375 = vector.shape_cast %xor3A_371 : vector<16xi32> to vector<16x1xi32>
        %gather3A_376 = vector.shape_cast %broadcast_in_dim3A_375 : vector<16x1xi32> to vector<16xi32>
        %gather3A_377 = tpu.dynamic_gather %get3A_368[%gather3A_376] in [0] : vector<16xi32>, vector<16xi32> -> vector<16xi32>
        %mul3A_378 = arith.constant 16 : i32
        %mul3A_379 = arith.muli %scan3A_312, %mul3A_378 : i32
        %add3A_380 = vector.broadcast %mul3A_379 : i32 to vector<16xi32>
        %add3A_381 = arith.addi %add3A_380, %iota3A : vector<16xi32>
        %and3A_382 = arith.constant 64 : i32
        %and3A_383 = vector.broadcast %and3A_382 : i32 to vector<16xi32>
        %and3A_384 = arith.andi %add3A_381, %and3A_383 : vector<16xi32>
        %eq3A_385 = arith.constant 0 : i32
        %eq3A_386 = vector.broadcast %eq3A_385 : i32 to vector<16xi32>
        %eq3A_387 = arith.cmpi eq, %and3A_384, %eq3A_386 : vector<16xi32>
        %convert_element_type3A_388 = arith.extui %eq3A_387 : vector<16xi1> to vector<16xi32>
        %and3A_389 = arith.constant 4 : i32
        %and3A_390 = vector.broadcast %and3A_389 : i32 to vector<16xi32>
        %and3A_391 = arith.andi %iota3A, %and3A_390 : vector<16xi32>
        %eq3A_392 = arith.constant 0 : i32
        %eq3A_393 = vector.broadcast %eq3A_392 : i32 to vector<16xi32>
        %eq3A_394 = arith.cmpi eq, %and3A_391, %eq3A_393 : vector<16xi32>
        %convert_element_type3A_395 = arith.extui %eq3A_394 : vector<16xi1> to vector<16xi32>
        %eq3A_396 = arith.cmpi eq, %convert_element_type3A_395, %convert_element_type3A_388 : vector<16xi32>
        %convert_element_type3A_397 = arith.extui %eq3A_396 : vector<16xi1> to vector<16xi32>
        %lt3A_398 = arith.cmpf olt, %get3A_364, %gather3A_374 : vector<16xf32>
        %eq3A_399 = arith.cmpf oeq, %get3A_364, %gather3A_374 : vector<16xf32>
        %lt3A_400 = arith.cmpi slt, %get3A_368, %gather3A_377 : vector<16xi32>
        %and3A_401 = arith.andi %eq3A_399, %lt3A_400 : vector<16xi1>
        %or3A_402 = arith.ori %lt3A_398, %and3A_401 : vector<16xi1>
        %convert_element_type3A_403 = arith.extui %or3A_402 : vector<16xi1> to vector<16xi32>
        %eq3A_404 = arith.cmpi eq, %convert_element_type3A_397, %convert_element_type3A_403 : vector<16xi32>
        %select_n3A_405 = arith.select %eq3A_404, %get3A_364, %gather3A_374 : vector<16xi1>, vector<16xf32>
        %mul3A_406 = arith.constant 16 : i32
        %mul3A_407 = arith.muli %scan3A_312, %mul3A_406 : i32
        %swap3A_408 = arith.index_cast %mul3A_407 : i32 to index
        %swap3A_409 = tpu.vector_load %arg10[%swap3A_408] {strides = array<i32>} : memref<512xf32, #tpu.memory_space<vmem>>, vector<16xf32>,
        tpu.vector_store %arg10[%swap3A_408], %select_n3A_405 {strides = array<i32>} : memref<512xf32, #tpu.memory_space<vmem>>, vector<16xf32>,
        %select_n3A_410 = arith.select %eq3A_404, %get3A_368, %gather3A_377 : vector<16xi1>, vector<16xi32>
        %mul3A_411 = arith.constant 16 : i32
        %mul3A_412 = arith.muli %scan3A_312, %mul3A_411 : i32
        %swap3A_413 = arith.index_cast %mul3A_412 : i32 to index
        %swap3A_414 = tpu.vector_load %arg11[%swap3A_413] {strides = array<i32>} : memref<512xi32, #tpu.memory_space<vmem>>, vector<16xi32>,
        tpu.vector_store %arg11[%swap3A_413], %select_n3A_410 {strides = array<i32>} : memref<512xi32, #tpu.memory_space<vmem>>, vector<16xi32>,
        %mul3A_415 = arith.constant 16 : i32
        %mul3A_416 = arith.muli %scan3A_312, %mul3A_415 : i32
        %get3A_417 = arith.index_cast %mul3A_416 : i32 to index
        %get3A_418 = tpu.vector_load %arg10[%get3A_417] {strides = array<i32>} : memref<512xf32, #tpu.memory_space<vmem>>, vector<16xf32>,
        %mul3A_419 = arith.constant 16 : i32
        %mul3A_420 = arith.muli %scan3A_312, %mul3A_419 : i32
        %get3A_421 = arith.index_cast %mul3A_420 : i32 to index
        %get3A_422 = tpu.vector_load %arg11[%get3A_421] {strides = array<i32>} : memref<512xi32, #tpu.memory_space<vmem>>, vector<16xi32>,
        %xor3A_423 = arith.constant 2 : i32
        %xor3A_424 = vector.broadcast %xor3A_423 : i32 to vector<16xi32>
        %xor3A_425 = arith.xori %iota3A, %xor3A_424 : vector<16xi32>
        %broadcast_in_dim3A_426 = vector.shape_cast %xor3A_425 : vector<16xi32> to vector<16x1xi32>
        %gather3A_427 = vector.shape_cast %broadcast_in_dim3A_426 : vector<16x1xi32> to vector<16xi32>
        %gather3A_428 = tpu.dynamic_gather %get3A_418[%gather3A_427] in [0] : vector<16xf32>, vector<16xi32> -> vector<16xf32>
        %broadcast_in_dim3A_429 = vector.shape_cast %xor3A_425 : vector<16xi32> to vector<16x1xi32>
        %gather3A_430 = vector.shape_cast %broadcast_in_dim3A_429 : vector<16x1xi32> to vector<16xi32>
        %gather3A_431 = tpu.dynamic_gather %get3A_422[%gather3A_430] in [0] : vector<16xi32>, vector<16xi32> -> vector<16xi32>
        %mul3A_432 = arith.constant 16 : i32
        %mul3A_433 = arith.muli %scan3A_312, %mul3A_432 : i32
        %add3A_434 = vector.broadcast %mul3A_433 : i32 to vector<16xi32>
        %add3A_435 = arith.addi %add3A_434, %iota3A : vector<16xi32>
        %and3A_436 = arith.constant 64 : i32
        %and3A_437 = vector.broadcast %and3A_436 : i32 to vector<16xi32>
        %and3A_438 = arith.andi %add3A_435, %and3A_437 : vector<16xi32>
        %eq3A_439 = arith.constant 0 : i32
        %eq3A_440 = vector.broadcast %eq3A_439 : i32 to vector<16xi32>
        %eq3A_441 = arith.cmpi eq, %and3A_438, %eq3A_440 : vector<16xi32>
        %convert_element_type3A_442 = arith.extui %eq3A_441 : vector<16xi1> to vector<16xi32>
        %and3A_443 = arith.constant 2 : i32
        %and3A_444 = vector.broadcast %and3A_443 : i32 to vector<16xi32>
        %and3A_445 = arith.andi %iota3A, %and3A_444 : vector<16xi32>
        %eq3A_446 = arith.constant 0 : i32
        %eq3A_447 = vector.broadcast %eq3A_446 : i32 to vector<16xi32>
        %eq3A_448 = arith.cmpi eq, %and3A_445, %eq3A_447 : vector<16xi32>
        %convert_element_type3A_449 = arith.extui %eq3A_448 : vector<16xi1> to vector<16xi32>
        %eq3A_450 = arith.cmpi eq, %convert_element_type3A_449, %convert_element_type3A_442 : vector<16xi32>
        %convert_element_type3A_451 = arith.extui %eq3A_450 : vector<16xi1> to vector<16xi32>
        %lt3A_452 = arith.cmpf olt, %get3A_418, %gather3A_428 : vector<16xf32>
        %eq3A_453 = arith.cmpf oeq, %get3A_418, %gather3A_428 : vector<16xf32>
        %lt3A_454 = arith.cmpi slt, %get3A_422, %gather3A_431 : vector<16xi32>
        %and3A_455 = arith.andi %eq3A_453, %lt3A_454 : vector<16xi1>
        %or3A_456 = arith.ori %lt3A_452, %and3A_455 : vector<16xi1>
        %convert_element_type3A_457 = arith.extui %or3A_456 : vector<16xi1> to vector<16xi32>
        %eq3A_458 = arith.cmpi eq, %convert_element_type3A_451, %convert_element_type3A_457 : vector<16xi32>
        %select_n3A_459 = arith.select %eq3A_458, %get3A_418, %gather3A_428 : vector<16xi1>, vector<16xf32>
        %mul3A_460 = arith.constant 16 : i32
        %mul3A_461 = arith.muli %scan3A_312, %mul3A_460 : i32
        %swap3A_462 = arith.index_cast %mul3A_461 : i32 to index
        %swap3A_463 = tpu.vector_load %arg10[%swap3A_462] {strides = array<i32>} : memref<512xf32, #tpu.memory_space<vmem>>, vector<16xf32>,
        tpu.vector_store %arg10[%swap3A_462], %select_n3A_459 {strides = array<i32>} : memref<512xf32, #tpu.memory_space<vmem>>, vector<16xf32>,
        %select_n3A_464 = arith.select %eq3A_458, %get3A_422, %gather3A_431 : vector<16xi1>, vector<16xi32>
        %mul3A_465 = arith.constant 16 : i32
        %mul3A_466 = arith.muli %scan3A_312, %mul3A_465 : i32
        %swap3A_467 = arith.index_cast %mul3A_466 : i32 to index
        %swap3A_468 = tpu.vector_load %arg11[%swap3A_467] {strides = array<i32>} : memref<512xi32, #tpu.memory_space<vmem>>, vector<16xi32>,
        tpu.vector_store %arg11[%swap3A_467], %select_n3A_464 {strides = array<i32>} : memref<512xi32, #tpu.memory_space<vmem>>, vector<16xi32>,
        %mul3A_469 = arith.constant 16 : i32
        %mul3A_470 = arith.muli %scan3A_312, %mul3A_469 : i32
        %get3A_471 = arith.index_cast %mul3A_470 : i32 to index
        %get3A_472 = tpu.vector_load %arg10[%get3A_471] {strides = array<i32>} : memref<512xf32, #tpu.memory_space<vmem>>, vector<16xf32>,
        %mul3A_473 = arith.constant 16 : i32
        %mul3A_474 = arith.muli %scan3A_312, %mul3A_473 : i32
        %get3A_475 = arith.index_cast %mul3A_474 : i32 to index
        %get3A_476 = tpu.vector_load %arg11[%get3A_475] {strides = array<i32>} : memref<512xi32, #tpu.memory_space<vmem>>, vector<16xi32>,
        %xor3A_477 = arith.constant 1 : i32
        %xor3A_478 = vector.broadcast %xor3A_477 : i32 to vector<16xi32>
        %xor3A_479 = arith.xori %iota3A, %xor3A_478 : vector<16xi32>
        %broadcast_in_dim3A_480 = vector.shape_cast %xor3A_479 : vector<16xi32> to vector<16x1xi32>
        %gather3A_481 = vector.shape_cast %broadcast_in_dim3A_480 : vector<16x1xi32> to vector<16xi32>
        %gather3A_482 = tpu.dynamic_gather %get3A_472[%gather3A_481] in [0] : vector<16xf32>, vector<16xi32> -> vector<16xf32>
        %broadcast_in_dim3A_483 = vector.shape_cast %xor3A_479 : vector<16xi32> to vector<16x1xi32>
        %gather3A_484 = vector.shape_cast %broadcast_in_dim3A_483 : vector<16x1xi32> to vector<16xi32>
        %gather3A_485 = tpu.dynamic_gather %get3A_476[%gather3A_484] in [0] : vector<16xi32>, vector<16xi32> -> vector<16xi32>
        %mul3A_486 = arith.constant 16 : i32
        %mul3A_487 = arith.muli %scan3A_312, %mul3A_486 : i32
        %add3A_488 = vector.broadcast %mul3A_487 : i32 to vector<16xi32>
        %add3A_489 = arith.addi %add3A_488, %iota3A : vector<16xi32>
        %and3A_490 = arith.constant 64 : i32
        %and3A_491 = vector.broadcast %and3A_490 : i32 to vector<16xi32>
        %and3A_492 = arith.andi %add3A_489, %and3A_491 : vector<16xi32>
        %eq3A_493 = arith.constant 0 : i32
        %eq3A_494 = vector.broadcast %eq3A_493 : i32 to vector<16xi32>
        %eq3A_495 = arith.cmpi eq, %and3A_492, %eq3A_494 : vector<16xi32>
        %convert_element_type3A_496 = arith.extui %eq3A_495 : vector<16xi1> to vector<16xi32>
        %and3A_497 = arith.constant 1 : i32
        %and3A_498 = vector.broadcast %and3A_497 : i32 to vector<16xi32>
        %and3A_499 = arith.andi %iota3A, %and3A_498 : vector<16xi32>
        %eq3A_500 = arith.constant 0 : i32
        %eq3A_501 = vector.broadcast %eq3A_500 : i32 to vector<16xi32>
        %eq3A_502 = arith.cmpi eq, %and3A_499, %eq3A_501 : vector<16xi32>
        %convert_element_type3A_503 = arith.extui %eq3A_502 : vector<16xi1> to vector<16xi32>
        %eq3A_504 = arith.cmpi eq, %convert_element_type3A_503, %convert_element_type3A_496 : vector<16xi32>
        %convert_element_type3A_505 = arith.extui %eq3A_504 : vector<16xi1> to vector<16xi32>
        %lt3A_506 = arith.cmpf olt, %get3A_472, %gather3A_482 : vector<16xf32>
        %eq3A_507 = arith.cmpf oeq, %get3A_472, %gather3A_482 : vector<16xf32>
        %lt3A_508 = arith.cmpi slt, %get3A_476, %gather3A_485 : vector<16xi32>
        %and3A_509 = arith.andi %eq3A_507, %lt3A_508 : vector<16xi1>
        %or3A_510 = arith.ori %lt3A_506, %and3A_509 : vector<16xi1>
        %convert_element_type3A_511 = arith.extui %or3A_510 : vector<16xi1> to vector<16xi32>
        %eq3A_512 = arith.cmpi eq, %convert_element_type3A_505, %convert_element_type3A_511 : vector<16xi32>
        %select_n3A_513 = arith.select %eq3A_512, %get3A_472, %gather3A_482 : vector<16xi1>, vector<16xf32>
        %mul3A_514 = arith.constant 16 : i32
        %mul3A_515 = arith.muli %scan3A_312, %mul3A_514 : i32
        %swap3A_516 = arith.index_cast %mul3A_515 : i32 to index
        %swap3A_517 = tpu.vector_load %arg10[%swap3A_516] {strides = array<i32>} : memref<512xf32, #tpu.memory_space<vmem>>, vector<16xf32>,
        tpu.vector_store %arg10[%swap3A_516], %select_n3A_513 {strides = array<i32>} : memref<512xf32, #tpu.memory_space<vmem>>, vector<16xf32>,
        %select_n3A_518 = arith.select %eq3A_512, %get3A_476, %gather3A_485 : vector<16xi1>, vector<16xi32>
        %mul3A_519 = arith.constant 16 : i32
        %mul3A_520 = arith.muli %scan3A_312, %mul3A_519 : i32
        %swap3A_521 = arith.index_cast %mul3A_520 : i32 to index
        %swap3A_522 = tpu.vector_load %arg11[%swap3A_521] {strides = array<i32>} : memref<512xi32, #tpu.memory_space<vmem>>, vector<16xi32>,
        tpu.vector_store %arg11[%swap3A_521], %select_n3A_518 {strides = array<i32>} : memref<512xi32, #tpu.memory_space<vmem>>, vector<16xi32>,
        %scan3A_523 = arith.constant 0 : i32
        scf.yield %scan3A_523 : i32
      }
      %scan3A_89 = arith.constant 32 : i32
      %scan3A_90 = arith.constant 0 : i32
      %scan3A_91 = arith.constant 0 : i32
      %scan3A_92 = arith.constant 16 : i32
      %scan3A_93 = arith.addi %scan3A_91, %scan3A_92 : i32
      %scan3A_94 = arith.constant 1 : i32
      %scan3A_95 = scf.for %scan3A_312 = %scan3A_91 to %scan3A_93 step %scan3A_94 iter_args(%scan3A_313 = %scan3A_90) -> (i32)  : i32 {
        %jit3A_314 = arith.constant 4 : i32
        %div3A_315 = arith.divsi %scan3A_312, %jit3A_314 : i32
        %sign3A_316 = arith.constant 0 : i32
        %sign3A_317 = arith.cmpi sgt, %scan3A_312, %sign3A_316 : i32
        %sign3A_318 = arith.extui %sign3A_317 : i1 to i32
        %sign3A_319 = arith.constant 0 : i32
        %sign3A_320 = arith.cmpi slt, %scan3A_312, %sign3A_319 : i32
        %sign3A_321 = arith.extui %sign3A_320 : i1 to i32
        %sign3A_322 = arith.subi %sign3A_318, %sign3A_321 : i32
        %sign3A_323 = arith.constant 0 : i32
        %sign3A_324 = arith.cmpi sgt, %jit3A_314, %sign3A_323 : i32
        %sign3A_325 = arith.extui %sign3A_324 : i1 to i32
        %sign3A_326 = arith.constant 0 : i32
        %sign3A_327 = arith.cmpi slt, %jit3A_314, %sign3A_326 : i32
        %sign3A_328 = arith.extui %sign3A_327 : i1 to i32
        %sign3A_329 = arith.subi %sign3A_325, %sign3A_328 : i32
        %ne3A_330 = arith.cmpi ne, %sign3A_322, %sign3A_329 : i32
        %rem3A_331 = arith.remsi %scan3A_312, %jit3A_314 : i32
        %ne3A_332 = arith.constant 0 : i32
        %ne3A_333 = arith.cmpi ne, %rem3A_331, %ne3A_332 : i32
        %and3A_334 = arith.andi %ne3A_330, %ne3A_333 : i1
        %sub3A_335 = arith.constant 1 : i32
        %sub3A_336 = arith.subi %div3A_315, %sub3A_335 : i32
        %select_n3A_337 = arith.select %and3A_334, %sub3A_336, %div3A_315 : i32
        %mul3A_338 = arith.constant 8 : i32
        %mul3A_339 = arith.muli %select_n3A_337, %mul3A_338 : i32
        %jit3A_340 = arith.constant 4 : i32
        %eq3A = arith.constant 0 : i32
        %eq3A_341 = arith.cmpi eq, %jit3A_340, %eq3A : i32
        %jit3A_342 = arith.constant 1 : i32
        %select_n3A_343 = arith.select %eq3A_341, %jit3A_342, %jit3A_340 : i32
        %rem3A_344 = arith.remsi %scan3A_312, %select_n3A_343 : i32
        %ne3A_345 = arith.constant 0 : i32
        %ne3A_346 = arith.cmpi ne, %rem3A_344, %ne3A_345 : i32
        %lt3A = arith.constant 0 : i32
        %lt3A_347 = arith.cmpi slt, %rem3A_344, %lt3A : i32
        %lt3A_348 = arith.constant 0 : i32
        %lt3A_349 = arith.cmpi slt, %select_n3A_343, %lt3A_348 : i32
        %ne3A_350 = arith.xori %lt3A_347, %lt3A_349 : i1
        %and3A_351 = arith.andi %ne3A_350, %ne3A_346 : i1
        %add3A_352 = arith.addi %rem3A_344, %select_n3A_343 : i32
        %select_n3A_353 = arith.select %and3A_351, %add3A_352, %rem3A_344 : i32
        %add3A_354 = arith.addi %mul3A_339, %select_n3A_353 : i32
        %add3A_355 = arith.constant 4 : i32
        %add3A_356 = arith.addi %add3A_354, %add3A_355 : i32
        %mul3A_357 = arith.constant 16 : i32
        %mul3A_358 = arith.muli %add3A_354, %mul3A_357 : i32
        %get3A_359 = arith.index_cast %mul3A_358 : i32 to index
        %get3A_360 = tpu.vector_load %arg10[%get3A_359] {strides = array<i32>} : memref<512xf32, #tpu.memory_space<vmem>>, vector<16xf32>,
        %mul3A_361 = arith.constant 16 : i32
        %mul3A_362 = arith.muli %add3A_354, %mul3A_361 : i32
        %get3A_363 = arith.index_cast %mul3A_362 : i32 to index
        %get3A_364 = tpu.vector_load %arg11[%get3A_363] {strides = array<i32>} : memref<512xi32, #tpu.memory_space<vmem>>, vector<16xi32>,
        %mul3A_365 = arith.constant 16 : i32
        %mul3A_366 = arith.muli %add3A_356, %mul3A_365 : i32
        %get3A_367 = arith.index_cast %mul3A_366 : i32 to index
        %get3A_368 = tpu.vector_load %arg10[%get3A_367] {strides = array<i32>} : memref<512xf32, #tpu.memory_space<vmem>>, vector<16xf32>,
        %mul3A_369 = arith.constant 16 : i32
        %mul3A_370 = arith.muli %add3A_356, %mul3A_369 : i32
        %get3A_371 = arith.index_cast %mul3A_370 : i32 to index
        %get3A_372 = tpu.vector_load %arg11[%get3A_371] {strides = array<i32>} : memref<512xi32, #tpu.memory_space<vmem>>, vector<16xi32>,
        %mul3A_373 = arith.constant 16 : i32
        %mul3A_374 = arith.muli %add3A_354, %mul3A_373 : i32
        %broadcast_in_dim3A_375 = vector.broadcast %mul3A_374 : i32 to vector<16xi32>
        %and3A_376 = arith.constant 128 : i32
        %and3A_377 = vector.broadcast %and3A_376 : i32 to vector<16xi32>
        %and3A_378 = arith.andi %broadcast_in_dim3A_375, %and3A_377 : vector<16xi32>
        %eq3A_379 = arith.constant 0 : i32
        %eq3A_380 = vector.broadcast %eq3A_379 : i32 to vector<16xi32>
        %eq3A_381 = arith.cmpi eq, %and3A_378, %eq3A_380 : vector<16xi32>
        %lt3A_382 = arith.cmpf olt, %get3A_360, %get3A_368 : vector<16xf32>
        %eq3A_383 = arith.cmpf oeq, %get3A_360, %get3A_368 : vector<16xf32>
        %lt3A_384 = arith.cmpi slt, %get3A_364, %get3A_372 : vector<16xi32>
        %and3A_385 = arith.andi %eq3A_383, %lt3A_384 : vector<16xi1>
        %or3A = arith.ori %lt3A_382, %and3A_385 : vector<16xi1>
        %not3A = arith.constant dense<true> : vector<16xi1>
        %not3A_386 = arith.xori %or3A, %not3A : vector<16xi1>
        %select_n3A_387 = arith.select %eq3A_381, %not3A_386, %or3A : vector<16xi1>, vector<16xi1>
        %select_n3A_388 = arith.select %select_n3A_387, %get3A_368, %get3A_360 : vector<16xi1>, vector<16xf32>
        %mul3A_389 = arith.constant 16 : i32
        %mul3A_390 = arith.muli %add3A_354, %mul3A_389 : i32
        %swap3A = arith.index_cast %mul3A_390 : i32 to index
        %swap3A_391 = tpu.vector_load %arg10[%swap3A] {strides = array<i32>} : memref<512xf32, #tpu.memory_space<vmem>>, vector<16xf32>,
        tpu.vector_store %arg10[%swap3A], %select_n3A_388 {strides = array<i32>} : memref<512xf32, #tpu.memory_space<vmem>>, vector<16xf32>,
        %select_n3A_392 = arith.select %select_n3A_387, %get3A_372, %get3A_364 : vector<16xi1>, vector<16xi32>
        %mul3A_393 = arith.constant 16 : i32
        %mul3A_394 = arith.muli %add3A_354, %mul3A_393 : i32
        %swap3A_395 = arith.index_cast %mul3A_394 : i32 to index
        %swap3A_396 = tpu.vector_load %arg11[%swap3A_395] {strides = array<i32>} : memref<512xi32, #tpu.memory_space<vmem>>, vector<16xi32>,
        tpu.vector_store %arg11[%swap3A_395], %select_n3A_392 {strides = array<i32>} : memref<512xi32, #tpu.memory_space<vmem>>, vector<16xi32>,
        %select_n3A_397 = arith.select %select_n3A_387, %get3A_360, %get3A_368 : vector<16xi1>, vector<16xf32>
        %mul3A_398 = arith.constant 16 : i32
        %mul3A_399 = arith.muli %add3A_356, %mul3A_398 : i32
        %swap3A_400 = arith.index_cast %mul3A_399 : i32 to index
        %swap3A_401 = tpu.vector_load %arg10[%swap3A_400] {strides = array<i32>} : memref<512xf32, #tpu.memory_space<vmem>>, vector<16xf32>,
        tpu.vector_store %arg10[%swap3A_400], %select_n3A_397 {strides = array<i32>} : memref<512xf32, #tpu.memory_space<vmem>>, vector<16xf32>,
        %select_n3A_402 = arith.select %select_n3A_387, %get3A_364, %get3A_372 : vector<16xi1>, vector<16xi32>
        %mul3A_403 = arith.constant 16 : i32
        %mul3A_404 = arith.muli %add3A_356, %mul3A_403 : i32
        %swap3A_405 = arith.index_cast %mul3A_404 : i32 to index
        %swap3A_406 = tpu.vector_load %arg11[%swap3A_405] {strides = array<i32>} : memref<512xi32, #tpu.memory_space<vmem>>, vector<16xi32>,
        tpu.vector_store %arg11[%swap3A_405], %select_n3A_402 {strides = array<i32>} : memref<512xi32, #tpu.memory_space<vmem>>, vector<16xi32>,
        %scan3A_407 = arith.constant 0 : i32
        scf.yield %scan3A_407 : i32
      }
      %scan3A_96 = arith.constant 16 : i32
      %scan3A_97 = arith.constant 0 : i32
      %scan3A_98 = arith.constant 0 : i32
      %scan3A_99 = arith.constant 16 : i32
      %scan3A_100 = arith.addi %scan3A_98, %scan3A_99 : i32
      %scan3A_101 = arith.constant 1 : i32
      %scan3A_102 = scf.for %scan3A_312 = %scan3A_98 to %scan3A_100 step %scan3A_101 iter_args(%scan3A_313 = %scan3A_97) -> (i32)  : i32 {
        %jit3A_314 = arith.constant 2 : i32
        %div3A_315 = arith.divsi %scan3A_312, %jit3A_314 : i32
        %sign3A_316 = arith.constant 0 : i32
        %sign3A_317 = arith.cmpi sgt, %scan3A_312, %sign3A_316 : i32
        %sign3A_318 = arith.extui %sign3A_317 : i1 to i32
        %sign3A_319 = arith.constant 0 : i32
        %sign3A_320 = arith.cmpi slt, %scan3A_312, %sign3A_319 : i32
        %sign3A_321 = arith.extui %sign3A_320 : i1 to i32
        %sign3A_322 = arith.subi %sign3A_318, %sign3A_321 : i32
        %sign3A_323 = arith.constant 0 : i32
        %sign3A_324 = arith.cmpi sgt, %jit3A_314, %sign3A_323 : i32
        %sign3A_325 = arith.extui %sign3A_324 : i1 to i32
        %sign3A_326 = arith.constant 0 : i32
        %sign3A_327 = arith.cmpi slt, %jit3A_314, %sign3A_326 : i32
        %sign3A_328 = arith.extui %sign3A_327 : i1 to i32
        %sign3A_329 = arith.subi %sign3A_325, %sign3A_328 : i32
        %ne3A_330 = arith.cmpi ne, %sign3A_322, %sign3A_329 : i32
        %rem3A_331 = arith.remsi %scan3A_312, %jit3A_314 : i32
        %ne3A_332 = arith.constant 0 : i32
        %ne3A_333 = arith.cmpi ne, %rem3A_331, %ne3A_332 : i32
        %and3A_334 = arith.andi %ne3A_330, %ne3A_333 : i1
        %sub3A_335 = arith.constant 1 : i32
        %sub3A_336 = arith.subi %div3A_315, %sub3A_335 : i32
        %select_n3A_337 = arith.select %and3A_334, %sub3A_336, %div3A_315 : i32
        %mul3A_338 = arith.constant 4 : i32
        %mul3A_339 = arith.muli %select_n3A_337, %mul3A_338 : i32
        %jit3A_340 = arith.constant 2 : i32
        %eq3A = arith.constant 0 : i32
        %eq3A_341 = arith.cmpi eq, %jit3A_340, %eq3A : i32
        %jit3A_342 = arith.constant 1 : i32
        %select_n3A_343 = arith.select %eq3A_341, %jit3A_342, %jit3A_340 : i32
        %rem3A_344 = arith.remsi %scan3A_312, %select_n3A_343 : i32
        %ne3A_345 = arith.constant 0 : i32
        %ne3A_346 = arith.cmpi ne, %rem3A_344, %ne3A_345 : i32
        %lt3A = arith.constant 0 : i32
        %lt3A_347 = arith.cmpi slt, %rem3A_344, %lt3A : i32
        %lt3A_348 = arith.constant 0 : i32
        %lt3A_349 = arith.cmpi slt, %select_n3A_343, %lt3A_348 : i32
        %ne3A_350 = arith.xori %lt3A_347, %lt3A_349 : i1
        %and3A_351 = arith.andi %ne3A_350, %ne3A_346 : i1
        %add3A_352 = arith.addi %rem3A_344, %select_n3A_343 : i32
        %select_n3A_353 = arith.select %and3A_351, %add3A_352, %rem3A_344 : i32
        %add3A_354 = arith.addi %mul3A_339, %select_n3A_353 : i32
        %add3A_355 = arith.constant 2 : i32
        %add3A_356 = arith.addi %add3A_354, %add3A_355 : i32
        %mul3A_357 = arith.constant 16 : i32
        %mul3A_358 = arith.muli %add3A_354, %mul3A_357 : i32
        %get3A_359 = arith.index_cast %mul3A_358 : i32 to index
        %get3A_360 = tpu.vector_load %arg10[%get3A_359] {strides = array<i32>} : memref<512xf32, #tpu.memory_space<vmem>>, vector<16xf32>,
        %mul3A_361 = arith.constant 16 : i32
        %mul3A_362 = arith.muli %add3A_354, %mul3A_361 : i32
        %get3A_363 = arith.index_cast %mul3A_362 : i32 to index
        %get3A_364 = tpu.vector_load %arg11[%get3A_363] {strides = array<i32>} : memref<512xi32, #tpu.memory_space<vmem>>, vector<16xi32>,
        %mul3A_365 = arith.constant 16 : i32
        %mul3A_366 = arith.muli %add3A_356, %mul3A_365 : i32
        %get3A_367 = arith.index_cast %mul3A_366 : i32 to index
        %get3A_368 = tpu.vector_load %arg10[%get3A_367] {strides = array<i32>} : memref<512xf32, #tpu.memory_space<vmem>>, vector<16xf32>,
        %mul3A_369 = arith.constant 16 : i32
        %mul3A_370 = arith.muli %add3A_356, %mul3A_369 : i32
        %get3A_371 = arith.index_cast %mul3A_370 : i32 to index
        %get3A_372 = tpu.vector_load %arg11[%get3A_371] {strides = array<i32>} : memref<512xi32, #tpu.memory_space<vmem>>, vector<16xi32>,
        %mul3A_373 = arith.constant 16 : i32
        %mul3A_374 = arith.muli %add3A_354, %mul3A_373 : i32
        %broadcast_in_dim3A_375 = vector.broadcast %mul3A_374 : i32 to vector<16xi32>
        %and3A_376 = arith.constant 128 : i32
        %and3A_377 = vector.broadcast %and3A_376 : i32 to vector<16xi32>
        %and3A_378 = arith.andi %broadcast_in_dim3A_375, %and3A_377 : vector<16xi32>
        %eq3A_379 = arith.constant 0 : i32
        %eq3A_380 = vector.broadcast %eq3A_379 : i32 to vector<16xi32>
        %eq3A_381 = arith.cmpi eq, %and3A_378, %eq3A_380 : vector<16xi32>
        %lt3A_382 = arith.cmpf olt, %get3A_360, %get3A_368 : vector<16xf32>
        %eq3A_383 = arith.cmpf oeq, %get3A_360, %get3A_368 : vector<16xf32>
        %lt3A_384 = arith.cmpi slt, %get3A_364, %get3A_372 : vector<16xi32>
        %and3A_385 = arith.andi %eq3A_383, %lt3A_384 : vector<16xi1>
        %or3A = arith.ori %lt3A_382, %and3A_385 : vector<16xi1>
        %not3A = arith.constant dense<true> : vector<16xi1>
        %not3A_386 = arith.xori %or3A, %not3A : vector<16xi1>
        %select_n3A_387 = arith.select %eq3A_381, %not3A_386, %or3A : vector<16xi1>, vector<16xi1>
        %select_n3A_388 = arith.select %select_n3A_387, %get3A_368, %get3A_360 : vector<16xi1>, vector<16xf32>
        %mul3A_389 = arith.constant 16 : i32
        %mul3A_390 = arith.muli %add3A_354, %mul3A_389 : i32
        %swap3A = arith.index_cast %mul3A_390 : i32 to index
        %swap3A_391 = tpu.vector_load %arg10[%swap3A] {strides = array<i32>} : memref<512xf32, #tpu.memory_space<vmem>>, vector<16xf32>,
        tpu.vector_store %arg10[%swap3A], %select_n3A_388 {strides = array<i32>} : memref<512xf32, #tpu.memory_space<vmem>>, vector<16xf32>,
        %select_n3A_392 = arith.select %select_n3A_387, %get3A_372, %get3A_364 : vector<16xi1>, vector<16xi32>
        %mul3A_393 = arith.constant 16 : i32
        %mul3A_394 = arith.muli %add3A_354, %mul3A_393 : i32
        %swap3A_395 = arith.index_cast %mul3A_394 : i32 to index
        %swap3A_396 = tpu.vector_load %arg11[%swap3A_395] {strides = array<i32>} : memref<512xi32, #tpu.memory_space<vmem>>, vector<16xi32>,
        tpu.vector_store %arg11[%swap3A_395], %select_n3A_392 {strides = array<i32>} : memref<512xi32, #tpu.memory_space<vmem>>, vector<16xi32>,
        %select_n3A_397 = arith.select %select_n3A_387, %get3A_360, %get3A_368 : vector<16xi1>, vector<16xf32>
        %mul3A_398 = arith.constant 16 : i32
        %mul3A_399 = arith.muli %add3A_356, %mul3A_398 : i32
        %swap3A_400 = arith.index_cast %mul3A_399 : i32 to index
        %swap3A_401 = tpu.vector_load %arg10[%swap3A_400] {strides = array<i32>} : memref<512xf32, #tpu.memory_space<vmem>>, vector<16xf32>,
        tpu.vector_store %arg10[%swap3A_400], %select_n3A_397 {strides = array<i32>} : memref<512xf32, #tpu.memory_space<vmem>>, vector<16xf32>,
        %select_n3A_402 = arith.select %select_n3A_387, %get3A_364, %get3A_372 : vector<16xi1>, vector<16xi32>
        %mul3A_403 = arith.constant 16 : i32
        %mul3A_404 = arith.muli %add3A_356, %mul3A_403 : i32
        %swap3A_405 = arith.index_cast %mul3A_404 : i32 to index
        %swap3A_406 = tpu.vector_load %arg11[%swap3A_405] {strides = array<i32>} : memref<512xi32, #tpu.memory_space<vmem>>, vector<16xi32>,
        tpu.vector_store %arg11[%swap3A_405], %select_n3A_402 {strides = array<i32>} : memref<512xi32, #tpu.memory_space<vmem>>, vector<16xi32>,
        %scan3A_407 = arith.constant 0 : i32
        scf.yield %scan3A_407 : i32
      }
      %scan3A_103 = arith.constant 16 : i32
      %scan3A_104 = arith.constant 0 : i32
      %scan3A_105 = arith.constant 0 : i32
      %scan3A_106 = arith.constant 16 : i32
      %scan3A_107 = arith.addi %scan3A_105, %scan3A_106 : i32
      %scan3A_108 = arith.constant 1 : i32
      %scan3A_109 = scf.for %scan3A_312 = %scan3A_105 to %scan3A_107 step %scan3A_108 iter_args(%scan3A_313 = %scan3A_104) -> (i32)  : i32 {
        %jit3A_314 = arith.constant 1 : i32
        %div3A_315 = arith.divsi %scan3A_312, %jit3A_314 : i32
        %sign3A_316 = arith.constant 0 : i32
        %sign3A_317 = arith.cmpi sgt, %scan3A_312, %sign3A_316 : i32
        %sign3A_318 = arith.extui %sign3A_317 : i1 to i32
        %sign3A_319 = arith.constant 0 : i32
        %sign3A_320 = arith.cmpi slt, %scan3A_312, %sign3A_319 : i32
        %sign3A_321 = arith.extui %sign3A_320 : i1 to i32
        %sign3A_322 = arith.subi %sign3A_318, %sign3A_321 : i32
        %sign3A_323 = arith.constant 0 : i32
        %sign3A_324 = arith.cmpi sgt, %jit3A_314, %sign3A_323 : i32
        %sign3A_325 = arith.extui %sign3A_324 : i1 to i32
        %sign3A_326 = arith.constant 0 : i32
        %sign3A_327 = arith.cmpi slt, %jit3A_314, %sign3A_326 : i32
        %sign3A_328 = arith.extui %sign3A_327 : i1 to i32
        %sign3A_329 = arith.subi %sign3A_325, %sign3A_328 : i32
        %ne3A_330 = arith.cmpi ne, %sign3A_322, %sign3A_329 : i32
        %rem3A_331 = arith.remsi %scan3A_312, %jit3A_314 : i32
        %ne3A_332 = arith.constant 0 : i32
        %ne3A_333 = arith.cmpi ne, %rem3A_331, %ne3A_332 : i32
        %and3A_334 = arith.andi %ne3A_330, %ne3A_333 : i1
        %sub3A_335 = arith.constant 1 : i32
        %sub3A_336 = arith.subi %div3A_315, %sub3A_335 : i32
        %select_n3A_337 = arith.select %and3A_334, %sub3A_336, %div3A_315 : i32
        %mul3A_338 = arith.constant 2 : i32
        %mul3A_339 = arith.muli %select_n3A_337, %mul3A_338 : i32
        %jit3A_340 = arith.constant 1 : i32
        %eq3A = arith.constant 0 : i32
        %eq3A_341 = arith.cmpi eq, %jit3A_340, %eq3A : i32
        %jit3A_342 = arith.constant 1 : i32
        %select_n3A_343 = arith.select %eq3A_341, %jit3A_342, %jit3A_340 : i32
        %rem3A_344 = arith.remsi %scan3A_312, %select_n3A_343 : i32
        %ne3A_345 = arith.constant 0 : i32
        %ne3A_346 = arith.cmpi ne, %rem3A_344, %ne3A_345 : i32
        %lt3A = arith.constant 0 : i32
        %lt3A_347 = arith.cmpi slt, %rem3A_344, %lt3A : i32
        %lt3A_348 = arith.constant 0 : i32
        %lt3A_349 = arith.cmpi slt, %select_n3A_343, %lt3A_348 : i32
        %ne3A_350 = arith.xori %lt3A_347, %lt3A_349 : i1
        %and3A_351 = arith.andi %ne3A_350, %ne3A_346 : i1
        %add3A_352 = arith.addi %rem3A_344, %select_n3A_343 : i32
        %select_n3A_353 = arith.select %and3A_351, %add3A_352, %rem3A_344 : i32
        %add3A_354 = arith.addi %mul3A_339, %select_n3A_353 : i32
        %add3A_355 = arith.constant 1 : i32
        %add3A_356 = arith.addi %add3A_354, %add3A_355 : i32
        %mul3A_357 = arith.constant 16 : i32
        %mul3A_358 = arith.muli %add3A_354, %mul3A_357 : i32
        %get3A_359 = arith.index_cast %mul3A_358 : i32 to index
        %get3A_360 = tpu.vector_load %arg10[%get3A_359] {strides = array<i32>} : memref<512xf32, #tpu.memory_space<vmem>>, vector<16xf32>,
        %mul3A_361 = arith.constant 16 : i32
        %mul3A_362 = arith.muli %add3A_354, %mul3A_361 : i32
        %get3A_363 = arith.index_cast %mul3A_362 : i32 to index
        %get3A_364 = tpu.vector_load %arg11[%get3A_363] {strides = array<i32>} : memref<512xi32, #tpu.memory_space<vmem>>, vector<16xi32>,
        %mul3A_365 = arith.constant 16 : i32
        %mul3A_366 = arith.muli %add3A_356, %mul3A_365 : i32
        %get3A_367 = arith.index_cast %mul3A_366 : i32 to index
        %get3A_368 = tpu.vector_load %arg10[%get3A_367] {strides = array<i32>} : memref<512xf32, #tpu.memory_space<vmem>>, vector<16xf32>,
        %mul3A_369 = arith.constant 16 : i32
        %mul3A_370 = arith.muli %add3A_356, %mul3A_369 : i32
        %get3A_371 = arith.index_cast %mul3A_370 : i32 to index
        %get3A_372 = tpu.vector_load %arg11[%get3A_371] {strides = array<i32>} : memref<512xi32, #tpu.memory_space<vmem>>, vector<16xi32>,
        %mul3A_373 = arith.constant 16 : i32
        %mul3A_374 = arith.muli %add3A_354, %mul3A_373 : i32
        %broadcast_in_dim3A_375 = vector.broadcast %mul3A_374 : i32 to vector<16xi32>
        %and3A_376 = arith.constant 128 : i32
        %and3A_377 = vector.broadcast %and3A_376 : i32 to vector<16xi32>
        %and3A_378 = arith.andi %broadcast_in_dim3A_375, %and3A_377 : vector<16xi32>
        %eq3A_379 = arith.constant 0 : i32
        %eq3A_380 = vector.broadcast %eq3A_379 : i32 to vector<16xi32>
        %eq3A_381 = arith.cmpi eq, %and3A_378, %eq3A_380 : vector<16xi32>
        %lt3A_382 = arith.cmpf olt, %get3A_360, %get3A_368 : vector<16xf32>
        %eq3A_383 = arith.cmpf oeq, %get3A_360, %get3A_368 : vector<16xf32>
        %lt3A_384 = arith.cmpi slt, %get3A_364, %get3A_372 : vector<16xi32>
        %and3A_385 = arith.andi %eq3A_383, %lt3A_384 : vector<16xi1>
        %or3A = arith.ori %lt3A_382, %and3A_385 : vector<16xi1>
        %not3A = arith.constant dense<true> : vector<16xi1>
        %not3A_386 = arith.xori %or3A, %not3A : vector<16xi1>
        %select_n3A_387 = arith.select %eq3A_381, %not3A_386, %or3A : vector<16xi1>, vector<16xi1>
        %select_n3A_388 = arith.select %select_n3A_387, %get3A_368, %get3A_360 : vector<16xi1>, vector<16xf32>
        %mul3A_389 = arith.constant 16 : i32
        %mul3A_390 = arith.muli %add3A_354, %mul3A_389 : i32
        %swap3A = arith.index_cast %mul3A_390 : i32 to index
        %swap3A_391 = tpu.vector_load %arg10[%swap3A] {strides = array<i32>} : memref<512xf32, #tpu.memory_space<vmem>>, vector<16xf32>,
        tpu.vector_store %arg10[%swap3A], %select_n3A_388 {strides = array<i32>} : memref<512xf32, #tpu.memory_space<vmem>>, vector<16xf32>,
        %select_n3A_392 = arith.select %select_n3A_387, %get3A_372, %get3A_364 : vector<16xi1>, vector<16xi32>
        %mul3A_393 = arith.constant 16 : i32
        %mul3A_394 = arith.muli %add3A_354, %mul3A_393 : i32
        %swap3A_395 = arith.index_cast %mul3A_394 : i32 to index
        %swap3A_396 = tpu.vector_load %arg11[%swap3A_395] {strides = array<i32>} : memref<512xi32, #tpu.memory_space<vmem>>, vector<16xi32>,
        tpu.vector_store %arg11[%swap3A_395], %select_n3A_392 {strides = array<i32>} : memref<512xi32, #tpu.memory_space<vmem>>, vector<16xi32>,
        %select_n3A_397 = arith.select %select_n3A_387, %get3A_360, %get3A_368 : vector<16xi1>, vector<16xf32>
        %mul3A_398 = arith.constant 16 : i32
        %mul3A_399 = arith.muli %add3A_356, %mul3A_398 : i32
        %swap3A_400 = arith.index_cast %mul3A_399 : i32 to index
        %swap3A_401 = tpu.vector_load %arg10[%swap3A_400] {strides = array<i32>} : memref<512xf32, #tpu.memory_space<vmem>>, vector<16xf32>,
        tpu.vector_store %arg10[%swap3A_400], %select_n3A_397 {strides = array<i32>} : memref<512xf32, #tpu.memory_space<vmem>>, vector<16xf32>,
        %select_n3A_402 = arith.select %select_n3A_387, %get3A_364, %get3A_372 : vector<16xi1>, vector<16xi32>
        %mul3A_403 = arith.constant 16 : i32
        %mul3A_404 = arith.muli %add3A_356, %mul3A_403 : i32
        %swap3A_405 = arith.index_cast %mul3A_404 : i32 to index
        %swap3A_406 = tpu.vector_load %arg11[%swap3A_405] {strides = array<i32>} : memref<512xi32, #tpu.memory_space<vmem>>, vector<16xi32>,
        tpu.vector_store %arg11[%swap3A_405], %select_n3A_402 {strides = array<i32>} : memref<512xi32, #tpu.memory_space<vmem>>, vector<16xi32>,
        %scan3A_407 = arith.constant 0 : i32
        scf.yield %scan3A_407 : i32
      }
      %scan3A_110 = arith.constant 16 : i32
      %scan3A_111 = arith.constant 0 : i32
      %scan3A_112 = arith.constant 0 : i32
      %scan3A_113 = arith.constant 32 : i32
      %scan3A_114 = arith.addi %scan3A_112, %scan3A_113 : i32
      %scan3A_115 = arith.constant 1 : i32
      %scan3A_116 = scf.for %scan3A_312 = %scan3A_112 to %scan3A_114 step %scan3A_115 iter_args(%scan3A_313 = %scan3A_111) -> (i32)  : i32 {
        %mul3A_314 = arith.constant 16 : i32
        %mul3A_315 = arith.muli %scan3A_312, %mul3A_314 : i32
        %get3A_316 = arith.index_cast %mul3A_315 : i32 to index
        %get3A_317 = tpu.vector_load %arg10[%get3A_316] {strides = array<i32>} : memref<512xf32, #tpu.memory_space<vmem>>, vector<16xf32>,
        %mul3A_318 = arith.constant 16 : i32
        %mul3A_319 = arith.muli %scan3A_312, %mul3A_318 : i32
        %get3A_320 = arith.index_cast %mul3A_319 : i32 to index
        %get3A_321 = tpu.vector_load %arg11[%get3A_320] {strides = array<i32>} : memref<512xi32, #tpu.memory_space<vmem>>, vector<16xi32>,
        %xor3A = arith.constant 8 : i32
        %xor3A_322 = vector.broadcast %xor3A : i32 to vector<16xi32>
        %xor3A_323 = arith.xori %iota3A, %xor3A_322 : vector<16xi32>
        %broadcast_in_dim3A_324 = vector.shape_cast %xor3A_323 : vector<16xi32> to vector<16x1xi32>
        %gather3A = vector.shape_cast %broadcast_in_dim3A_324 : vector<16x1xi32> to vector<16xi32>
        %gather3A_325 = tpu.dynamic_gather %get3A_317[%gather3A] in [0] : vector<16xf32>, vector<16xi32> -> vector<16xf32>
        %broadcast_in_dim3A_326 = vector.shape_cast %xor3A_323 : vector<16xi32> to vector<16x1xi32>
        %gather3A_327 = vector.shape_cast %broadcast_in_dim3A_326 : vector<16x1xi32> to vector<16xi32>
        %gather3A_328 = tpu.dynamic_gather %get3A_321[%gather3A_327] in [0] : vector<16xi32>, vector<16xi32> -> vector<16xi32>
        %mul3A_329 = arith.constant 16 : i32
        %mul3A_330 = arith.muli %scan3A_312, %mul3A_329 : i32
        %add3A_331 = vector.broadcast %mul3A_330 : i32 to vector<16xi32>
        %add3A_332 = arith.addi %add3A_331, %iota3A : vector<16xi32>
        %and3A_333 = arith.constant 128 : i32
        %and3A_334 = vector.broadcast %and3A_333 : i32 to vector<16xi32>
        %and3A_335 = arith.andi %add3A_332, %and3A_334 : vector<16xi32>
        %eq3A = arith.constant 0 : i32
        %eq3A_336 = vector.broadcast %eq3A : i32 to vector<16xi32>
        %eq3A_337 = arith.cmpi eq, %and3A_335, %eq3A_336 : vector<16xi32>
        %convert_element_type3A = arith.extui %eq3A_337 : vector<16xi1> to vector<16xi32>
        %and3A_338 = arith.constant 8 : i32
        %and3A_339 = vector.broadcast %and3A_338 : i32 to vector<16xi32>
        %and3A_340 = arith.andi %iota3A, %and3A_339 : vector<16xi32>
        %eq3A_341 = arith.constant 0 : i32
        %eq3A_342 = vector.broadcast %eq3A_341 : i32 to vector<16xi32>
        %eq3A_343 = arith.cmpi eq, %and3A_340, %eq3A_342 : vector<16xi32>
        %convert_element_type3A_344 = arith.extui %eq3A_343 : vector<16xi1> to vector<16xi32>
        %eq3A_345 = arith.cmpi eq, %convert_element_type3A_344, %convert_element_type3A : vector<16xi32>
        %convert_element_type3A_346 = arith.extui %eq3A_345 : vector<16xi1> to vector<16xi32>
        %lt3A = arith.cmpf olt, %get3A_317, %gather3A_325 : vector<16xf32>
        %eq3A_347 = arith.cmpf oeq, %get3A_317, %gather3A_325 : vector<16xf32>
        %lt3A_348 = arith.cmpi slt, %get3A_321, %gather3A_328 : vector<16xi32>
        %and3A_349 = arith.andi %eq3A_347, %lt3A_348 : vector<16xi1>
        %or3A = arith.ori %lt3A, %and3A_349 : vector<16xi1>
        %convert_element_type3A_350 = arith.extui %or3A : vector<16xi1> to vector<16xi32>
        %eq3A_351 = arith.cmpi eq, %convert_element_type3A_346, %convert_element_type3A_350 : vector<16xi32>
        %select_n3A_352 = arith.select %eq3A_351, %get3A_317, %gather3A_325 : vector<16xi1>, vector<16xf32>
        %mul3A_353 = arith.constant 16 : i32
        %mul3A_354 = arith.muli %scan3A_312, %mul3A_353 : i32
        %swap3A = arith.index_cast %mul3A_354 : i32 to index
        %swap3A_355 = tpu.vector_load %arg10[%swap3A] {strides = array<i32>} : memref<512xf32, #tpu.memory_space<vmem>>, vector<16xf32>,
        tpu.vector_store %arg10[%swap3A], %select_n3A_352 {strides = array<i32>} : memref<512xf32, #tpu.memory_space<vmem>>, vector<16xf32>,
        %select_n3A_356 = arith.select %eq3A_351, %get3A_321, %gather3A_328 : vector<16xi1>, vector<16xi32>
        %mul3A_357 = arith.constant 16 : i32
        %mul3A_358 = arith.muli %scan3A_312, %mul3A_357 : i32
        %swap3A_359 = arith.index_cast %mul3A_358 : i32 to index
        %swap3A_360 = tpu.vector_load %arg11[%swap3A_359] {strides = array<i32>} : memref<512xi32, #tpu.memory_space<vmem>>, vector<16xi32>,
        tpu.vector_store %arg11[%swap3A_359], %select_n3A_356 {strides = array<i32>} : memref<512xi32, #tpu.memory_space<vmem>>, vector<16xi32>,
        %mul3A_361 = arith.constant 16 : i32
        %mul3A_362 = arith.muli %scan3A_312, %mul3A_361 : i32
        %get3A_363 = arith.index_cast %mul3A_362 : i32 to index
        %get3A_364 = tpu.vector_load %arg10[%get3A_363] {strides = array<i32>} : memref<512xf32, #tpu.memory_space<vmem>>, vector<16xf32>,
        %mul3A_365 = arith.constant 16 : i32
        %mul3A_366 = arith.muli %scan3A_312, %mul3A_365 : i32
        %get3A_367 = arith.index_cast %mul3A_366 : i32 to index
        %get3A_368 = tpu.vector_load %arg11[%get3A_367] {strides = array<i32>} : memref<512xi32, #tpu.memory_space<vmem>>, vector<16xi32>,
        %xor3A_369 = arith.constant 4 : i32
        %xor3A_370 = vector.broadcast %xor3A_369 : i32 to vector<16xi32>
        %xor3A_371 = arith.xori %iota3A, %xor3A_370 : vector<16xi32>
        %broadcast_in_dim3A_372 = vector.shape_cast %xor3A_371 : vector<16xi32> to vector<16x1xi32>
        %gather3A_373 = vector.shape_cast %broadcast_in_dim3A_372 : vector<16x1xi32> to vector<16xi32>
        %gather3A_374 = tpu.dynamic_gather %get3A_364[%gather3A_373] in [0] : vector<16xf32>, vector<16xi32> -> vector<16xf32>
        %broadcast_in_dim3A_375 = vector.shape_cast %xor3A_371 : vector<16xi32> to vector<16x1xi32>
        %gather3A_376 = vector.shape_cast %broadcast_in_dim3A_375 : vector<16x1xi32> to vector<16xi32>
        %gather3A_377 = tpu.dynamic_gather %get3A_368[%gather3A_376] in [0] : vector<16xi32>, vector<16xi32> -> vector<16xi32>
        %mul3A_378 = arith.constant 16 : i32
        %mul3A_379 = arith.muli %scan3A_312, %mul3A_378 : i32
        %add3A_380 = vector.broadcast %mul3A_379 : i32 to vector<16xi32>
        %add3A_381 = arith.addi %add3A_380, %iota3A : vector<16xi32>
        %and3A_382 = arith.constant 128 : i32
        %and3A_383 = vector.broadcast %and3A_382 : i32 to vector<16xi32>
        %and3A_384 = arith.andi %add3A_381, %and3A_383 : vector<16xi32>
        %eq3A_385 = arith.constant 0 : i32
        %eq3A_386 = vector.broadcast %eq3A_385 : i32 to vector<16xi32>
        %eq3A_387 = arith.cmpi eq, %and3A_384, %eq3A_386 : vector<16xi32>
        %convert_element_type3A_388 = arith.extui %eq3A_387 : vector<16xi1> to vector<16xi32>
        %and3A_389 = arith.constant 4 : i32
        %and3A_390 = vector.broadcast %and3A_389 : i32 to vector<16xi32>
        %and3A_391 = arith.andi %iota3A, %and3A_390 : vector<16xi32>
        %eq3A_392 = arith.constant 0 : i32
        %eq3A_393 = vector.broadcast %eq3A_392 : i32 to vector<16xi32>
        %eq3A_394 = arith.cmpi eq, %and3A_391, %eq3A_393 : vector<16xi32>
        %convert_element_type3A_395 = arith.extui %eq3A_394 : vector<16xi1> to vector<16xi32>
        %eq3A_396 = arith.cmpi eq, %convert_element_type3A_395, %convert_element_type3A_388 : vector<16xi32>
        %convert_element_type3A_397 = arith.extui %eq3A_396 : vector<16xi1> to vector<16xi32>
        %lt3A_398 = arith.cmpf olt, %get3A_364, %gather3A_374 : vector<16xf32>
        %eq3A_399 = arith.cmpf oeq, %get3A_364, %gather3A_374 : vector<16xf32>
        %lt3A_400 = arith.cmpi slt, %get3A_368, %gather3A_377 : vector<16xi32>
        %and3A_401 = arith.andi %eq3A_399, %lt3A_400 : vector<16xi1>
        %or3A_402 = arith.ori %lt3A_398, %and3A_401 : vector<16xi1>
        %convert_element_type3A_403 = arith.extui %or3A_402 : vector<16xi1> to vector<16xi32>
        %eq3A_404 = arith.cmpi eq, %convert_element_type3A_397, %convert_element_type3A_403 : vector<16xi32>
        %select_n3A_405 = arith.select %eq3A_404, %get3A_364, %gather3A_374 : vector<16xi1>, vector<16xf32>
        %mul3A_406 = arith.constant 16 : i32
        %mul3A_407 = arith.muli %scan3A_312, %mul3A_406 : i32
        %swap3A_408 = arith.index_cast %mul3A_407 : i32 to index
        %swap3A_409 = tpu.vector_load %arg10[%swap3A_408] {strides = array<i32>} : memref<512xf32, #tpu.memory_space<vmem>>, vector<16xf32>,
        tpu.vector_store %arg10[%swap3A_408], %select_n3A_405 {strides = array<i32>} : memref<512xf32, #tpu.memory_space<vmem>>, vector<16xf32>,
        %select_n3A_410 = arith.select %eq3A_404, %get3A_368, %gather3A_377 : vector<16xi1>, vector<16xi32>
        %mul3A_411 = arith.constant 16 : i32
        %mul3A_412 = arith.muli %scan3A_312, %mul3A_411 : i32
        %swap3A_413 = arith.index_cast %mul3A_412 : i32 to index
        %swap3A_414 = tpu.vector_load %arg11[%swap3A_413] {strides = array<i32>} : memref<512xi32, #tpu.memory_space<vmem>>, vector<16xi32>,
        tpu.vector_store %arg11[%swap3A_413], %select_n3A_410 {strides = array<i32>} : memref<512xi32, #tpu.memory_space<vmem>>, vector<16xi32>,
        %mul3A_415 = arith.constant 16 : i32
        %mul3A_416 = arith.muli %scan3A_312, %mul3A_415 : i32
        %get3A_417 = arith.index_cast %mul3A_416 : i32 to index
        %get3A_418 = tpu.vector_load %arg10[%get3A_417] {strides = array<i32>} : memref<512xf32, #tpu.memory_space<vmem>>, vector<16xf32>,
        %mul3A_419 = arith.constant 16 : i32
        %mul3A_420 = arith.muli %scan3A_312, %mul3A_419 : i32
        %get3A_421 = arith.index_cast %mul3A_420 : i32 to index
        %get3A_422 = tpu.vector_load %arg11[%get3A_421] {strides = array<i32>} : memref<512xi32, #tpu.memory_space<vmem>>, vector<16xi32>,
        %xor3A_423 = arith.constant 2 : i32
        %xor3A_424 = vector.broadcast %xor3A_423 : i32 to vector<16xi32>
        %xor3A_425 = arith.xori %iota3A, %xor3A_424 : vector<16xi32>
        %broadcast_in_dim3A_426 = vector.shape_cast %xor3A_425 : vector<16xi32> to vector<16x1xi32>
        %gather3A_427 = vector.shape_cast %broadcast_in_dim3A_426 : vector<16x1xi32> to vector<16xi32>
        %gather3A_428 = tpu.dynamic_gather %get3A_418[%gather3A_427] in [0] : vector<16xf32>, vector<16xi32> -> vector<16xf32>
        %broadcast_in_dim3A_429 = vector.shape_cast %xor3A_425 : vector<16xi32> to vector<16x1xi32>
        %gather3A_430 = vector.shape_cast %broadcast_in_dim3A_429 : vector<16x1xi32> to vector<16xi32>
        %gather3A_431 = tpu.dynamic_gather %get3A_422[%gather3A_430] in [0] : vector<16xi32>, vector<16xi32> -> vector<16xi32>
        %mul3A_432 = arith.constant 16 : i32
        %mul3A_433 = arith.muli %scan3A_312, %mul3A_432 : i32
        %add3A_434 = vector.broadcast %mul3A_433 : i32 to vector<16xi32>
        %add3A_435 = arith.addi %add3A_434, %iota3A : vector<16xi32>
        %and3A_436 = arith.constant 128 : i32
        %and3A_437 = vector.broadcast %and3A_436 : i32 to vector<16xi32>
        %and3A_438 = arith.andi %add3A_435, %and3A_437 : vector<16xi32>
        %eq3A_439 = arith.constant 0 : i32
        %eq3A_440 = vector.broadcast %eq3A_439 : i32 to vector<16xi32>
        %eq3A_441 = arith.cmpi eq, %and3A_438, %eq3A_440 : vector<16xi32>
        %convert_element_type3A_442 = arith.extui %eq3A_441 : vector<16xi1> to vector<16xi32>
        %and3A_443 = arith.constant 2 : i32
        %and3A_444 = vector.broadcast %and3A_443 : i32 to vector<16xi32>
        %and3A_445 = arith.andi %iota3A, %and3A_444 : vector<16xi32>
        %eq3A_446 = arith.constant 0 : i32
        %eq3A_447 = vector.broadcast %eq3A_446 : i32 to vector<16xi32>
        %eq3A_448 = arith.cmpi eq, %and3A_445, %eq3A_447 : vector<16xi32>
        %convert_element_type3A_449 = arith.extui %eq3A_448 : vector<16xi1> to vector<16xi32>
        %eq3A_450 = arith.cmpi eq, %convert_element_type3A_449, %convert_element_type3A_442 : vector<16xi32>
        %convert_element_type3A_451 = arith.extui %eq3A_450 : vector<16xi1> to vector<16xi32>
        %lt3A_452 = arith.cmpf olt, %get3A_418, %gather3A_428 : vector<16xf32>
        %eq3A_453 = arith.cmpf oeq, %get3A_418, %gather3A_428 : vector<16xf32>
        %lt3A_454 = arith.cmpi slt, %get3A_422, %gather3A_431 : vector<16xi32>
        %and3A_455 = arith.andi %eq3A_453, %lt3A_454 : vector<16xi1>
        %or3A_456 = arith.ori %lt3A_452, %and3A_455 : vector<16xi1>
        %convert_element_type3A_457 = arith.extui %or3A_456 : vector<16xi1> to vector<16xi32>
        %eq3A_458 = arith.cmpi eq, %convert_element_type3A_451, %convert_element_type3A_457 : vector<16xi32>
        %select_n3A_459 = arith.select %eq3A_458, %get3A_418, %gather3A_428 : vector<16xi1>, vector<16xf32>
        %mul3A_460 = arith.constant 16 : i32
        %mul3A_461 = arith.muli %scan3A_312, %mul3A_460 : i32
        %swap3A_462 = arith.index_cast %mul3A_461 : i32 to index
        %swap3A_463 = tpu.vector_load %arg10[%swap3A_462] {strides = array<i32>} : memref<512xf32, #tpu.memory_space<vmem>>, vector<16xf32>,
        tpu.vector_store %arg10[%swap3A_462], %select_n3A_459 {strides = array<i32>} : memref<512xf32, #tpu.memory_space<vmem>>, vector<16xf32>,
        %select_n3A_464 = arith.select %eq3A_458, %get3A_422, %gather3A_431 : vector<16xi1>, vector<16xi32>
        %mul3A_465 = arith.constant 16 : i32
        %mul3A_466 = arith.muli %scan3A_312, %mul3A_465 : i32
        %swap3A_467 = arith.index_cast %mul3A_466 : i32 to index
        %swap3A_468 = tpu.vector_load %arg11[%swap3A_467] {strides = array<i32>} : memref<512xi32, #tpu.memory_space<vmem>>, vector<16xi32>,
        tpu.vector_store %arg11[%swap3A_467], %select_n3A_464 {strides = array<i32>} : memref<512xi32, #tpu.memory_space<vmem>>, vector<16xi32>,
        %mul3A_469 = arith.constant 16 : i32
        %mul3A_470 = arith.muli %scan3A_312, %mul3A_469 : i32
        %get3A_471 = arith.index_cast %mul3A_470 : i32 to index
        %get3A_472 = tpu.vector_load %arg10[%get3A_471] {strides = array<i32>} : memref<512xf32, #tpu.memory_space<vmem>>, vector<16xf32>,
        %mul3A_473 = arith.constant 16 : i32
        %mul3A_474 = arith.muli %scan3A_312, %mul3A_473 : i32
        %get3A_475 = arith.index_cast %mul3A_474 : i32 to index
        %get3A_476 = tpu.vector_load %arg11[%get3A_475] {strides = array<i32>} : memref<512xi32, #tpu.memory_space<vmem>>, vector<16xi32>,
        %xor3A_477 = arith.constant 1 : i32
        %xor3A_478 = vector.broadcast %xor3A_477 : i32 to vector<16xi32>
        %xor3A_479 = arith.xori %iota3A, %xor3A_478 : vector<16xi32>
        %broadcast_in_dim3A_480 = vector.shape_cast %xor3A_479 : vector<16xi32> to vector<16x1xi32>
        %gather3A_481 = vector.shape_cast %broadcast_in_dim3A_480 : vector<16x1xi32> to vector<16xi32>
        %gather3A_482 = tpu.dynamic_gather %get3A_472[%gather3A_481] in [0] : vector<16xf32>, vector<16xi32> -> vector<16xf32>
        %broadcast_in_dim3A_483 = vector.shape_cast %xor3A_479 : vector<16xi32> to vector<16x1xi32>
        %gather3A_484 = vector.shape_cast %broadcast_in_dim3A_483 : vector<16x1xi32> to vector<16xi32>
        %gather3A_485 = tpu.dynamic_gather %get3A_476[%gather3A_484] in [0] : vector<16xi32>, vector<16xi32> -> vector<16xi32>
        %mul3A_486 = arith.constant 16 : i32
        %mul3A_487 = arith.muli %scan3A_312, %mul3A_486 : i32
        %add3A_488 = vector.broadcast %mul3A_487 : i32 to vector<16xi32>
        %add3A_489 = arith.addi %add3A_488, %iota3A : vector<16xi32>
        %and3A_490 = arith.constant 128 : i32
        %and3A_491 = vector.broadcast %and3A_490 : i32 to vector<16xi32>
        %and3A_492 = arith.andi %add3A_489, %and3A_491 : vector<16xi32>
        %eq3A_493 = arith.constant 0 : i32
        %eq3A_494 = vector.broadcast %eq3A_493 : i32 to vector<16xi32>
        %eq3A_495 = arith.cmpi eq, %and3A_492, %eq3A_494 : vector<16xi32>
        %convert_element_type3A_496 = arith.extui %eq3A_495 : vector<16xi1> to vector<16xi32>
        %and3A_497 = arith.constant 1 : i32
        %and3A_498 = vector.broadcast %and3A_497 : i32 to vector<16xi32>
        %and3A_499 = arith.andi %iota3A, %and3A_498 : vector<16xi32>
        %eq3A_500 = arith.constant 0 : i32
        %eq3A_501 = vector.broadcast %eq3A_500 : i32 to vector<16xi32>
        %eq3A_502 = arith.cmpi eq, %and3A_499, %eq3A_501 : vector<16xi32>
        %convert_element_type3A_503 = arith.extui %eq3A_502 : vector<16xi1> to vector<16xi32>
        %eq3A_504 = arith.cmpi eq, %convert_element_type3A_503, %convert_element_type3A_496 : vector<16xi32>
        %convert_element_type3A_505 = arith.extui %eq3A_504 : vector<16xi1> to vector<16xi32>
        %lt3A_506 = arith.cmpf olt, %get3A_472, %gather3A_482 : vector<16xf32>
        %eq3A_507 = arith.cmpf oeq, %get3A_472, %gather3A_482 : vector<16xf32>
        %lt3A_508 = arith.cmpi slt, %get3A_476, %gather3A_485 : vector<16xi32>
        %and3A_509 = arith.andi %eq3A_507, %lt3A_508 : vector<16xi1>
        %or3A_510 = arith.ori %lt3A_506, %and3A_509 : vector<16xi1>
        %convert_element_type3A_511 = arith.extui %or3A_510 : vector<16xi1> to vector<16xi32>
        %eq3A_512 = arith.cmpi eq, %convert_element_type3A_505, %convert_element_type3A_511 : vector<16xi32>
        %select_n3A_513 = arith.select %eq3A_512, %get3A_472, %gather3A_482 : vector<16xi1>, vector<16xf32>
        %mul3A_514 = arith.constant 16 : i32
        %mul3A_515 = arith.muli %scan3A_312, %mul3A_514 : i32
        %swap3A_516 = arith.index_cast %mul3A_515 : i32 to index
        %swap3A_517 = tpu.vector_load %arg10[%swap3A_516] {strides = array<i32>} : memref<512xf32, #tpu.memory_space<vmem>>, vector<16xf32>,
        tpu.vector_store %arg10[%swap3A_516], %select_n3A_513 {strides = array<i32>} : memref<512xf32, #tpu.memory_space<vmem>>, vector<16xf32>,
        %select_n3A_518 = arith.select %eq3A_512, %get3A_476, %gather3A_485 : vector<16xi1>, vector<16xi32>
        %mul3A_519 = arith.constant 16 : i32
        %mul3A_520 = arith.muli %scan3A_312, %mul3A_519 : i32
        %swap3A_521 = arith.index_cast %mul3A_520 : i32 to index
        %swap3A_522 = tpu.vector_load %arg11[%swap3A_521] {strides = array<i32>} : memref<512xi32, #tpu.memory_space<vmem>>, vector<16xi32>,
        tpu.vector_store %arg11[%swap3A_521], %select_n3A_518 {strides = array<i32>} : memref<512xi32, #tpu.memory_space<vmem>>, vector<16xi32>,
        %scan3A_523 = arith.constant 0 : i32
        scf.yield %scan3A_523 : i32
      }
      %scan3A_117 = arith.constant 32 : i32
      %scan3A_118 = arith.constant 0 : i32
      %scan3A_119 = arith.constant 0 : i32
      %scan3A_120 = arith.constant 16 : i32
      %scan3A_121 = arith.addi %scan3A_119, %scan3A_120 : i32
      %scan3A_122 = arith.constant 1 : i32
      %scan3A_123 = scf.for %scan3A_312 = %scan3A_119 to %scan3A_121 step %scan3A_122 iter_args(%scan3A_313 = %scan3A_118) -> (i32)  : i32 {
        %jit3A_314 = arith.constant 8 : i32
        %div3A_315 = arith.divsi %scan3A_312, %jit3A_314 : i32
        %sign3A_316 = arith.constant 0 : i32
        %sign3A_317 = arith.cmpi sgt, %scan3A_312, %sign3A_316 : i32
        %sign3A_318 = arith.extui %sign3A_317 : i1 to i32
        %sign3A_319 = arith.constant 0 : i32
        %sign3A_320 = arith.cmpi slt, %scan3A_312, %sign3A_319 : i32
        %sign3A_321 = arith.extui %sign3A_320 : i1 to i32
        %sign3A_322 = arith.subi %sign3A_318, %sign3A_321 : i32
        %sign3A_323 = arith.constant 0 : i32
        %sign3A_324 = arith.cmpi sgt, %jit3A_314, %sign3A_323 : i32
        %sign3A_325 = arith.extui %sign3A_324 : i1 to i32
        %sign3A_326 = arith.constant 0 : i32
        %sign3A_327 = arith.cmpi slt, %jit3A_314, %sign3A_326 : i32
        %sign3A_328 = arith.extui %sign3A_327 : i1 to i32
        %sign3A_329 = arith.subi %sign3A_325, %sign3A_328 : i32
        %ne3A_330 = arith.cmpi ne, %sign3A_322, %sign3A_329 : i32
        %rem3A_331 = arith.remsi %scan3A_312, %jit3A_314 : i32
        %ne3A_332 = arith.constant 0 : i32
        %ne3A_333 = arith.cmpi ne, %rem3A_331, %ne3A_332 : i32
        %and3A_334 = arith.andi %ne3A_330, %ne3A_333 : i1
        %sub3A_335 = arith.constant 1 : i32
        %sub3A_336 = arith.subi %div3A_315, %sub3A_335 : i32
        %select_n3A_337 = arith.select %and3A_334, %sub3A_336, %div3A_315 : i32
        %mul3A_338 = arith.constant 16 : i32
        %mul3A_339 = arith.muli %select_n3A_337, %mul3A_338 : i32
        %jit3A_340 = arith.constant 8 : i32
        %eq3A = arith.constant 0 : i32
        %eq3A_341 = arith.cmpi eq, %jit3A_340, %eq3A : i32
        %jit3A_342 = arith.constant 1 : i32
        %select_n3A_343 = arith.select %eq3A_341, %jit3A_342, %jit3A_340 : i32
        %rem3A_344 = arith.remsi %scan3A_312, %select_n3A_343 : i32
        %ne3A_345 = arith.constant 0 : i32
        %ne3A_346 = arith.cmpi ne, %rem3A_344, %ne3A_345 : i32
        %lt3A = arith.constant 0 : i32
        %lt3A_347 = arith.cmpi slt, %rem3A_344, %lt3A : i32
        %lt3A_348 = arith.constant 0 : i32
        %lt3A_349 = arith.cmpi slt, %select_n3A_343, %lt3A_348 : i32
        %ne3A_350 = arith.xori %lt3A_347, %lt3A_349 : i1
        %and3A_351 = arith.andi %ne3A_350, %ne3A_346 : i1
        %add3A_352 = arith.addi %rem3A_344, %select_n3A_343 : i32
        %select_n3A_353 = arith.select %and3A_351, %add3A_352, %rem3A_344 : i32
        %add3A_354 = arith.addi %mul3A_339, %select_n3A_353 : i32
        %add3A_355 = arith.constant 8 : i32
        %add3A_356 = arith.addi %add3A_354, %add3A_355 : i32
        %mul3A_357 = arith.constant 16 : i32
        %mul3A_358 = arith.muli %add3A_354, %mul3A_357 : i32
        %get3A_359 = arith.index_cast %mul3A_358 : i32 to index
        %get3A_360 = tpu.vector_load %arg10[%get3A_359] {strides = array<i32>} : memref<512xf32, #tpu.memory_space<vmem>>, vector<16xf32>,
        %mul3A_361 = arith.constant 16 : i32
        %mul3A_362 = arith.muli %add3A_354, %mul3A_361 : i32
        %get3A_363 = arith.index_cast %mul3A_362 : i32 to index
        %get3A_364 = tpu.vector_load %arg11[%get3A_363] {strides = array<i32>} : memref<512xi32, #tpu.memory_space<vmem>>, vector<16xi32>,
        %mul3A_365 = arith.constant 16 : i32
        %mul3A_366 = arith.muli %add3A_356, %mul3A_365 : i32
        %get3A_367 = arith.index_cast %mul3A_366 : i32 to index
        %get3A_368 = tpu.vector_load %arg10[%get3A_367] {strides = array<i32>} : memref<512xf32, #tpu.memory_space<vmem>>, vector<16xf32>,
        %mul3A_369 = arith.constant 16 : i32
        %mul3A_370 = arith.muli %add3A_356, %mul3A_369 : i32
        %get3A_371 = arith.index_cast %mul3A_370 : i32 to index
        %get3A_372 = tpu.vector_load %arg11[%get3A_371] {strides = array<i32>} : memref<512xi32, #tpu.memory_space<vmem>>, vector<16xi32>,
        %mul3A_373 = arith.constant 16 : i32
        %mul3A_374 = arith.muli %add3A_354, %mul3A_373 : i32
        %broadcast_in_dim3A_375 = vector.broadcast %mul3A_374 : i32 to vector<16xi32>
        %and3A_376 = arith.constant 256 : i32
        %and3A_377 = vector.broadcast %and3A_376 : i32 to vector<16xi32>
        %and3A_378 = arith.andi %broadcast_in_dim3A_375, %and3A_377 : vector<16xi32>
        %eq3A_379 = arith.constant 0 : i32
        %eq3A_380 = vector.broadcast %eq3A_379 : i32 to vector<16xi32>
        %eq3A_381 = arith.cmpi eq, %and3A_378, %eq3A_380 : vector<16xi32>
        %lt3A_382 = arith.cmpf olt, %get3A_360, %get3A_368 : vector<16xf32>
        %eq3A_383 = arith.cmpf oeq, %get3A_360, %get3A_368 : vector<16xf32>
        %lt3A_384 = arith.cmpi slt, %get3A_364, %get3A_372 : vector<16xi32>
        %and3A_385 = arith.andi %eq3A_383, %lt3A_384 : vector<16xi1>
        %or3A = arith.ori %lt3A_382, %and3A_385 : vector<16xi1>
        %not3A = arith.constant dense<true> : vector<16xi1>
        %not3A_386 = arith.xori %or3A, %not3A : vector<16xi1>
        %select_n3A_387 = arith.select %eq3A_381, %not3A_386, %or3A : vector<16xi1>, vector<16xi1>
        %select_n3A_388 = arith.select %select_n3A_387, %get3A_368, %get3A_360 : vector<16xi1>, vector<16xf32>
        %mul3A_389 = arith.constant 16 : i32
        %mul3A_390 = arith.muli %add3A_354, %mul3A_389 : i32
        %swap3A = arith.index_cast %mul3A_390 : i32 to index
        %swap3A_391 = tpu.vector_load %arg10[%swap3A] {strides = array<i32>} : memref<512xf32, #tpu.memory_space<vmem>>, vector<16xf32>,
        tpu.vector_store %arg10[%swap3A], %select_n3A_388 {strides = array<i32>} : memref<512xf32, #tpu.memory_space<vmem>>, vector<16xf32>,
        %select_n3A_392 = arith.select %select_n3A_387, %get3A_372, %get3A_364 : vector<16xi1>, vector<16xi32>
        %mul3A_393 = arith.constant 16 : i32
        %mul3A_394 = arith.muli %add3A_354, %mul3A_393 : i32
        %swap3A_395 = arith.index_cast %mul3A_394 : i32 to index
        %swap3A_396 = tpu.vector_load %arg11[%swap3A_395] {strides = array<i32>} : memref<512xi32, #tpu.memory_space<vmem>>, vector<16xi32>,
        tpu.vector_store %arg11[%swap3A_395], %select_n3A_392 {strides = array<i32>} : memref<512xi32, #tpu.memory_space<vmem>>, vector<16xi32>,
        %select_n3A_397 = arith.select %select_n3A_387, %get3A_360, %get3A_368 : vector<16xi1>, vector<16xf32>
        %mul3A_398 = arith.constant 16 : i32
        %mul3A_399 = arith.muli %add3A_356, %mul3A_398 : i32
        %swap3A_400 = arith.index_cast %mul3A_399 : i32 to index
        %swap3A_401 = tpu.vector_load %arg10[%swap3A_400] {strides = array<i32>} : memref<512xf32, #tpu.memory_space<vmem>>, vector<16xf32>,
        tpu.vector_store %arg10[%swap3A_400], %select_n3A_397 {strides = array<i32>} : memref<512xf32, #tpu.memory_space<vmem>>, vector<16xf32>,
        %select_n3A_402 = arith.select %select_n3A_387, %get3A_364, %get3A_372 : vector<16xi1>, vector<16xi32>
        %mul3A_403 = arith.constant 16 : i32
        %mul3A_404 = arith.muli %add3A_356, %mul3A_403 : i32
        %swap3A_405 = arith.index_cast %mul3A_404 : i32 to index
        %swap3A_406 = tpu.vector_load %arg11[%swap3A_405] {strides = array<i32>} : memref<512xi32, #tpu.memory_space<vmem>>, vector<16xi32>,
        tpu.vector_store %arg11[%swap3A_405], %select_n3A_402 {strides = array<i32>} : memref<512xi32, #tpu.memory_space<vmem>>, vector<16xi32>,
        %scan3A_407 = arith.constant 0 : i32
        scf.yield %scan3A_407 : i32
      }
      %scan3A_124 = arith.constant 16 : i32
      %scan3A_125 = arith.constant 0 : i32
      %scan3A_126 = arith.constant 0 : i32
      %scan3A_127 = arith.constant 16 : i32
      %scan3A_128 = arith.addi %scan3A_126, %scan3A_127 : i32
      %scan3A_129 = arith.constant 1 : i32
      %scan3A_130 = scf.for %scan3A_312 = %scan3A_126 to %scan3A_128 step %scan3A_129 iter_args(%scan3A_313 = %scan3A_125) -> (i32)  : i32 {
        %jit3A_314 = arith.constant 4 : i32
        %div3A_315 = arith.divsi %scan3A_312, %jit3A_314 : i32
        %sign3A_316 = arith.constant 0 : i32
        %sign3A_317 = arith.cmpi sgt, %scan3A_312, %sign3A_316 : i32
        %sign3A_318 = arith.extui %sign3A_317 : i1 to i32
        %sign3A_319 = arith.constant 0 : i32
        %sign3A_320 = arith.cmpi slt, %scan3A_312, %sign3A_319 : i32
        %sign3A_321 = arith.extui %sign3A_320 : i1 to i32
        %sign3A_322 = arith.subi %sign3A_318, %sign3A_321 : i32
        %sign3A_323 = arith.constant 0 : i32
        %sign3A_324 = arith.cmpi sgt, %jit3A_314, %sign3A_323 : i32
        %sign3A_325 = arith.extui %sign3A_324 : i1 to i32
        %sign3A_326 = arith.constant 0 : i32
        %sign3A_327 = arith.cmpi slt, %jit3A_314, %sign3A_326 : i32
        %sign3A_328 = arith.extui %sign3A_327 : i1 to i32
        %sign3A_329 = arith.subi %sign3A_325, %sign3A_328 : i32
        %ne3A_330 = arith.cmpi ne, %sign3A_322, %sign3A_329 : i32
        %rem3A_331 = arith.remsi %scan3A_312, %jit3A_314 : i32
        %ne3A_332 = arith.constant 0 : i32
        %ne3A_333 = arith.cmpi ne, %rem3A_331, %ne3A_332 : i32
        %and3A_334 = arith.andi %ne3A_330, %ne3A_333 : i1
        %sub3A_335 = arith.constant 1 : i32
        %sub3A_336 = arith.subi %div3A_315, %sub3A_335 : i32
        %select_n3A_337 = arith.select %and3A_334, %sub3A_336, %div3A_315 : i32
        %mul3A_338 = arith.constant 8 : i32
        %mul3A_339 = arith.muli %select_n3A_337, %mul3A_338 : i32
        %jit3A_340 = arith.constant 4 : i32
        %eq3A = arith.constant 0 : i32
        %eq3A_341 = arith.cmpi eq, %jit3A_340, %eq3A : i32
        %jit3A_342 = arith.constant 1 : i32
        %select_n3A_343 = arith.select %eq3A_341, %jit3A_342, %jit3A_340 : i32
        %rem3A_344 = arith.remsi %scan3A_312, %select_n3A_343 : i32
        %ne3A_345 = arith.constant 0 : i32
        %ne3A_346 = arith.cmpi ne, %rem3A_344, %ne3A_345 : i32
        %lt3A = arith.constant 0 : i32
        %lt3A_347 = arith.cmpi slt, %rem3A_344, %lt3A : i32
        %lt3A_348 = arith.constant 0 : i32
        %lt3A_349 = arith.cmpi slt, %select_n3A_343, %lt3A_348 : i32
        %ne3A_350 = arith.xori %lt3A_347, %lt3A_349 : i1
        %and3A_351 = arith.andi %ne3A_350, %ne3A_346 : i1
        %add3A_352 = arith.addi %rem3A_344, %select_n3A_343 : i32
        %select_n3A_353 = arith.select %and3A_351, %add3A_352, %rem3A_344 : i32
        %add3A_354 = arith.addi %mul3A_339, %select_n3A_353 : i32
        %add3A_355 = arith.constant 4 : i32
        %add3A_356 = arith.addi %add3A_354, %add3A_355 : i32
        %mul3A_357 = arith.constant 16 : i32
        %mul3A_358 = arith.muli %add3A_354, %mul3A_357 : i32
        %get3A_359 = arith.index_cast %mul3A_358 : i32 to index
        %get3A_360 = tpu.vector_load %arg10[%get3A_359] {strides = array<i32>} : memref<512xf32, #tpu.memory_space<vmem>>, vector<16xf32>,
        %mul3A_361 = arith.constant 16 : i32
        %mul3A_362 = arith.muli %add3A_354, %mul3A_361 : i32
        %get3A_363 = arith.index_cast %mul3A_362 : i32 to index
        %get3A_364 = tpu.vector_load %arg11[%get3A_363] {strides = array<i32>} : memref<512xi32, #tpu.memory_space<vmem>>, vector<16xi32>,
        %mul3A_365 = arith.constant 16 : i32
        %mul3A_366 = arith.muli %add3A_356, %mul3A_365 : i32
        %get3A_367 = arith.index_cast %mul3A_366 : i32 to index
        %get3A_368 = tpu.vector_load %arg10[%get3A_367] {strides = array<i32>} : memref<512xf32, #tpu.memory_space<vmem>>, vector<16xf32>,
        %mul3A_369 = arith.constant 16 : i32
        %mul3A_370 = arith.muli %add3A_356, %mul3A_369 : i32
        %get3A_371 = arith.index_cast %mul3A_370 : i32 to index
        %get3A_372 = tpu.vector_load %arg11[%get3A_371] {strides = array<i32>} : memref<512xi32, #tpu.memory_space<vmem>>, vector<16xi32>,
        %mul3A_373 = arith.constant 16 : i32
        %mul3A_374 = arith.muli %add3A_354, %mul3A_373 : i32
        %broadcast_in_dim3A_375 = vector.broadcast %mul3A_374 : i32 to vector<16xi32>
        %and3A_376 = arith.constant 256 : i32
        %and3A_377 = vector.broadcast %and3A_376 : i32 to vector<16xi32>
        %and3A_378 = arith.andi %broadcast_in_dim3A_375, %and3A_377 : vector<16xi32>
        %eq3A_379 = arith.constant 0 : i32
        %eq3A_380 = vector.broadcast %eq3A_379 : i32 to vector<16xi32>
        %eq3A_381 = arith.cmpi eq, %and3A_378, %eq3A_380 : vector<16xi32>
        %lt3A_382 = arith.cmpf olt, %get3A_360, %get3A_368 : vector<16xf32>
        %eq3A_383 = arith.cmpf oeq, %get3A_360, %get3A_368 : vector<16xf32>
        %lt3A_384 = arith.cmpi slt, %get3A_364, %get3A_372 : vector<16xi32>
        %and3A_385 = arith.andi %eq3A_383, %lt3A_384 : vector<16xi1>
        %or3A = arith.ori %lt3A_382, %and3A_385 : vector<16xi1>
        %not3A = arith.constant dense<true> : vector<16xi1>
        %not3A_386 = arith.xori %or3A, %not3A : vector<16xi1>
        %select_n3A_387 = arith.select %eq3A_381, %not3A_386, %or3A : vector<16xi1>, vector<16xi1>
        %select_n3A_388 = arith.select %select_n3A_387, %get3A_368, %get3A_360 : vector<16xi1>, vector<16xf32>
        %mul3A_389 = arith.constant 16 : i32
        %mul3A_390 = arith.muli %add3A_354, %mul3A_389 : i32
        %swap3A = arith.index_cast %mul3A_390 : i32 to index
        %swap3A_391 = tpu.vector_load %arg10[%swap3A] {strides = array<i32>} : memref<512xf32, #tpu.memory_space<vmem>>, vector<16xf32>,
        tpu.vector_store %arg10[%swap3A], %select_n3A_388 {strides = array<i32>} : memref<512xf32, #tpu.memory_space<vmem>>, vector<16xf32>,
        %select_n3A_392 = arith.select %select_n3A_387, %get3A_372, %get3A_364 : vector<16xi1>, vector<16xi32>
        %mul3A_393 = arith.constant 16 : i32
        %mul3A_394 = arith.muli %add3A_354, %mul3A_393 : i32
        %swap3A_395 = arith.index_cast %mul3A_394 : i32 to index
        %swap3A_396 = tpu.vector_load %arg11[%swap3A_395] {strides = array<i32>} : memref<512xi32, #tpu.memory_space<vmem>>, vector<16xi32>,
        tpu.vector_store %arg11[%swap3A_395], %select_n3A_392 {strides = array<i32>} : memref<512xi32, #tpu.memory_space<vmem>>, vector<16xi32>,
        %select_n3A_397 = arith.select %select_n3A_387, %get3A_360, %get3A_368 : vector<16xi1>, vector<16xf32>
        %mul3A_398 = arith.constant 16 : i32
        %mul3A_399 = arith.muli %add3A_356, %mul3A_398 : i32
        %swap3A_400 = arith.index_cast %mul3A_399 : i32 to index
        %swap3A_401 = tpu.vector_load %arg10[%swap3A_400] {strides = array<i32>} : memref<512xf32, #tpu.memory_space<vmem>>, vector<16xf32>,
        tpu.vector_store %arg10[%swap3A_400], %select_n3A_397 {strides = array<i32>} : memref<512xf32, #tpu.memory_space<vmem>>, vector<16xf32>,
        %select_n3A_402 = arith.select %select_n3A_387, %get3A_364, %get3A_372 : vector<16xi1>, vector<16xi32>
        %mul3A_403 = arith.constant 16 : i32
        %mul3A_404 = arith.muli %add3A_356, %mul3A_403 : i32
        %swap3A_405 = arith.index_cast %mul3A_404 : i32 to index
        %swap3A_406 = tpu.vector_load %arg11[%swap3A_405] {strides = array<i32>} : memref<512xi32, #tpu.memory_space<vmem>>, vector<16xi32>,
        tpu.vector_store %arg11[%swap3A_405], %select_n3A_402 {strides = array<i32>} : memref<512xi32, #tpu.memory_space<vmem>>, vector<16xi32>,
        %scan3A_407 = arith.constant 0 : i32
        scf.yield %scan3A_407 : i32
      }
      %scan3A_131 = arith.constant 16 : i32
      %scan3A_132 = arith.constant 0 : i32
      %scan3A_133 = arith.constant 0 : i32
      %scan3A_134 = arith.constant 16 : i32
      %scan3A_135 = arith.addi %scan3A_133, %scan3A_134 : i32
      %scan3A_136 = arith.constant 1 : i32
      %scan3A_137 = scf.for %scan3A_312 = %scan3A_133 to %scan3A_135 step %scan3A_136 iter_args(%scan3A_313 = %scan3A_132) -> (i32)  : i32 {
        %jit3A_314 = arith.constant 2 : i32
        %div3A_315 = arith.divsi %scan3A_312, %jit3A_314 : i32
        %sign3A_316 = arith.constant 0 : i32
        %sign3A_317 = arith.cmpi sgt, %scan3A_312, %sign3A_316 : i32
        %sign3A_318 = arith.extui %sign3A_317 : i1 to i32
        %sign3A_319 = arith.constant 0 : i32
        %sign3A_320 = arith.cmpi slt, %scan3A_312, %sign3A_319 : i32
        %sign3A_321 = arith.extui %sign3A_320 : i1 to i32
        %sign3A_322 = arith.subi %sign3A_318, %sign3A_321 : i32
        %sign3A_323 = arith.constant 0 : i32
        %sign3A_324 = arith.cmpi sgt, %jit3A_314, %sign3A_323 : i32
        %sign3A_325 = arith.extui %sign3A_324 : i1 to i32
        %sign3A_326 = arith.constant 0 : i32
        %sign3A_327 = arith.cmpi slt, %jit3A_314, %sign3A_326 : i32
        %sign3A_328 = arith.extui %sign3A_327 : i1 to i32
        %sign3A_329 = arith.subi %sign3A_325, %sign3A_328 : i32
        %ne3A_330 = arith.cmpi ne, %sign3A_322, %sign3A_329 : i32
        %rem3A_331 = arith.remsi %scan3A_312, %jit3A_314 : i32
        %ne3A_332 = arith.constant 0 : i32
        %ne3A_333 = arith.cmpi ne, %rem3A_331, %ne3A_332 : i32
        %and3A_334 = arith.andi %ne3A_330, %ne3A_333 : i1
        %sub3A_335 = arith.constant 1 : i32
        %sub3A_336 = arith.subi %div3A_315, %sub3A_335 : i32
        %select_n3A_337 = arith.select %and3A_334, %sub3A_336, %div3A_315 : i32
        %mul3A_338 = arith.constant 4 : i32
        %mul3A_339 = arith.muli %select_n3A_337, %mul3A_338 : i32
        %jit3A_340 = arith.constant 2 : i32
        %eq3A = arith.constant 0 : i32
        %eq3A_341 = arith.cmpi eq, %jit3A_340, %eq3A : i32
        %jit3A_342 = arith.constant 1 : i32
        %select_n3A_343 = arith.select %eq3A_341, %jit3A_342, %jit3A_340 : i32
        %rem3A_344 = arith.remsi %scan3A_312, %select_n3A_343 : i32
        %ne3A_345 = arith.constant 0 : i32
        %ne3A_346 = arith.cmpi ne, %rem3A_344, %ne3A_345 : i32
        %lt3A = arith.constant 0 : i32
        %lt3A_347 = arith.cmpi slt, %rem3A_344, %lt3A : i32
        %lt3A_348 = arith.constant 0 : i32
        %lt3A_349 = arith.cmpi slt, %select_n3A_343, %lt3A_348 : i32
        %ne3A_350 = arith.xori %lt3A_347, %lt3A_349 : i1
        %and3A_351 = arith.andi %ne3A_350, %ne3A_346 : i1
        %add3A_352 = arith.addi %rem3A_344, %select_n3A_343 : i32
        %select_n3A_353 = arith.select %and3A_351, %add3A_352, %rem3A_344 : i32
        %add3A_354 = arith.addi %mul3A_339, %select_n3A_353 : i32
        %add3A_355 = arith.constant 2 : i32
        %add3A_356 = arith.addi %add3A_354, %add3A_355 : i32
        %mul3A_357 = arith.constant 16 : i32
        %mul3A_358 = arith.muli %add3A_354, %mul3A_357 : i32
        %get3A_359 = arith.index_cast %mul3A_358 : i32 to index
        %get3A_360 = tpu.vector_load %arg10[%get3A_359] {strides = array<i32>} : memref<512xf32, #tpu.memory_space<vmem>>, vector<16xf32>,
        %mul3A_361 = arith.constant 16 : i32
        %mul3A_362 = arith.muli %add3A_354, %mul3A_361 : i32
        %get3A_363 = arith.index_cast %mul3A_362 : i32 to index
        %get3A_364 = tpu.vector_load %arg11[%get3A_363] {strides = array<i32>} : memref<512xi32, #tpu.memory_space<vmem>>, vector<16xi32>,
        %mul3A_365 = arith.constant 16 : i32
        %mul3A_366 = arith.muli %add3A_356, %mul3A_365 : i32
        %get3A_367 = arith.index_cast %mul3A_366 : i32 to index
        %get3A_368 = tpu.vector_load %arg10[%get3A_367] {strides = array<i32>} : memref<512xf32, #tpu.memory_space<vmem>>, vector<16xf32>,
        %mul3A_369 = arith.constant 16 : i32
        %mul3A_370 = arith.muli %add3A_356, %mul3A_369 : i32
        %get3A_371 = arith.index_cast %mul3A_370 : i32 to index
        %get3A_372 = tpu.vector_load %arg11[%get3A_371] {strides = array<i32>} : memref<512xi32, #tpu.memory_space<vmem>>, vector<16xi32>,
        %mul3A_373 = arith.constant 16 : i32
        %mul3A_374 = arith.muli %add3A_354, %mul3A_373 : i32
        %broadcast_in_dim3A_375 = vector.broadcast %mul3A_374 : i32 to vector<16xi32>
        %and3A_376 = arith.constant 256 : i32
        %and3A_377 = vector.broadcast %and3A_376 : i32 to vector<16xi32>
        %and3A_378 = arith.andi %broadcast_in_dim3A_375, %and3A_377 : vector<16xi32>
        %eq3A_379 = arith.constant 0 : i32
        %eq3A_380 = vector.broadcast %eq3A_379 : i32 to vector<16xi32>
        %eq3A_381 = arith.cmpi eq, %and3A_378, %eq3A_380 : vector<16xi32>
        %lt3A_382 = arith.cmpf olt, %get3A_360, %get3A_368 : vector<16xf32>
        %eq3A_383 = arith.cmpf oeq, %get3A_360, %get3A_368 : vector<16xf32>
        %lt3A_384 = arith.cmpi slt, %get3A_364, %get3A_372 : vector<16xi32>
        %and3A_385 = arith.andi %eq3A_383, %lt3A_384 : vector<16xi1>
        %or3A = arith.ori %lt3A_382, %and3A_385 : vector<16xi1>
        %not3A = arith.constant dense<true> : vector<16xi1>
        %not3A_386 = arith.xori %or3A, %not3A : vector<16xi1>
        %select_n3A_387 = arith.select %eq3A_381, %not3A_386, %or3A : vector<16xi1>, vector<16xi1>
        %select_n3A_388 = arith.select %select_n3A_387, %get3A_368, %get3A_360 : vector<16xi1>, vector<16xf32>
        %mul3A_389 = arith.constant 16 : i32
        %mul3A_390 = arith.muli %add3A_354, %mul3A_389 : i32
        %swap3A = arith.index_cast %mul3A_390 : i32 to index
        %swap3A_391 = tpu.vector_load %arg10[%swap3A] {strides = array<i32>} : memref<512xf32, #tpu.memory_space<vmem>>, vector<16xf32>,
        tpu.vector_store %arg10[%swap3A], %select_n3A_388 {strides = array<i32>} : memref<512xf32, #tpu.memory_space<vmem>>, vector<16xf32>,
        %select_n3A_392 = arith.select %select_n3A_387, %get3A_372, %get3A_364 : vector<16xi1>, vector<16xi32>
        %mul3A_393 = arith.constant 16 : i32
        %mul3A_394 = arith.muli %add3A_354, %mul3A_393 : i32
        %swap3A_395 = arith.index_cast %mul3A_394 : i32 to index
        %swap3A_396 = tpu.vector_load %arg11[%swap3A_395] {strides = array<i32>} : memref<512xi32, #tpu.memory_space<vmem>>, vector<16xi32>,
        tpu.vector_store %arg11[%swap3A_395], %select_n3A_392 {strides = array<i32>} : memref<512xi32, #tpu.memory_space<vmem>>, vector<16xi32>,
        %select_n3A_397 = arith.select %select_n3A_387, %get3A_360, %get3A_368 : vector<16xi1>, vector<16xf32>
        %mul3A_398 = arith.constant 16 : i32
        %mul3A_399 = arith.muli %add3A_356, %mul3A_398 : i32
        %swap3A_400 = arith.index_cast %mul3A_399 : i32 to index
        %swap3A_401 = tpu.vector_load %arg10[%swap3A_400] {strides = array<i32>} : memref<512xf32, #tpu.memory_space<vmem>>, vector<16xf32>,
        tpu.vector_store %arg10[%swap3A_400], %select_n3A_397 {strides = array<i32>} : memref<512xf32, #tpu.memory_space<vmem>>, vector<16xf32>,
        %select_n3A_402 = arith.select %select_n3A_387, %get3A_364, %get3A_372 : vector<16xi1>, vector<16xi32>
        %mul3A_403 = arith.constant 16 : i32
        %mul3A_404 = arith.muli %add3A_356, %mul3A_403 : i32
        %swap3A_405 = arith.index_cast %mul3A_404 : i32 to index
        %swap3A_406 = tpu.vector_load %arg11[%swap3A_405] {strides = array<i32>} : memref<512xi32, #tpu.memory_space<vmem>>, vector<16xi32>,
        tpu.vector_store %arg11[%swap3A_405], %select_n3A_402 {strides = array<i32>} : memref<512xi32, #tpu.memory_space<vmem>>, vector<16xi32>,
        %scan3A_407 = arith.constant 0 : i32
        scf.yield %scan3A_407 : i32
      }
      %scan3A_138 = arith.constant 16 : i32
      %scan3A_139 = arith.constant 0 : i32
      %scan3A_140 = arith.constant 0 : i32
      %scan3A_141 = arith.constant 16 : i32
      %scan3A_142 = arith.addi %scan3A_140, %scan3A_141 : i32
      %scan3A_143 = arith.constant 1 : i32
      %scan3A_144 = scf.for %scan3A_312 = %scan3A_140 to %scan3A_142 step %scan3A_143 iter_args(%scan3A_313 = %scan3A_139) -> (i32)  : i32 {
        %jit3A_314 = arith.constant 1 : i32
        %div3A_315 = arith.divsi %scan3A_312, %jit3A_314 : i32
        %sign3A_316 = arith.constant 0 : i32
        %sign3A_317 = arith.cmpi sgt, %scan3A_312, %sign3A_316 : i32
        %sign3A_318 = arith.extui %sign3A_317 : i1 to i32
        %sign3A_319 = arith.constant 0 : i32
        %sign3A_320 = arith.cmpi slt, %scan3A_312, %sign3A_319 : i32
        %sign3A_321 = arith.extui %sign3A_320 : i1 to i32
        %sign3A_322 = arith.subi %sign3A_318, %sign3A_321 : i32
        %sign3A_323 = arith.constant 0 : i32
        %sign3A_324 = arith.cmpi sgt, %jit3A_314, %sign3A_323 : i32
        %sign3A_325 = arith.extui %sign3A_324 : i1 to i32
        %sign3A_326 = arith.constant 0 : i32
        %sign3A_327 = arith.cmpi slt, %jit3A_314, %sign3A_326 : i32
        %sign3A_328 = arith.extui %sign3A_327 : i1 to i32
        %sign3A_329 = arith.subi %sign3A_325, %sign3A_328 : i32
        %ne3A_330 = arith.cmpi ne, %sign3A_322, %sign3A_329 : i32
        %rem3A_331 = arith.remsi %scan3A_312, %jit3A_314 : i32
        %ne3A_332 = arith.constant 0 : i32
        %ne3A_333 = arith.cmpi ne, %rem3A_331, %ne3A_332 : i32
        %and3A_334 = arith.andi %ne3A_330, %ne3A_333 : i1
        %sub3A_335 = arith.constant 1 : i32
        %sub3A_336 = arith.subi %div3A_315, %sub3A_335 : i32
        %select_n3A_337 = arith.select %and3A_334, %sub3A_336, %div3A_315 : i32
        %mul3A_338 = arith.constant 2 : i32
        %mul3A_339 = arith.muli %select_n3A_337, %mul3A_338 : i32
        %jit3A_340 = arith.constant 1 : i32
        %eq3A = arith.constant 0 : i32
        %eq3A_341 = arith.cmpi eq, %jit3A_340, %eq3A : i32
        %jit3A_342 = arith.constant 1 : i32
        %select_n3A_343 = arith.select %eq3A_341, %jit3A_342, %jit3A_340 : i32
        %rem3A_344 = arith.remsi %scan3A_312, %select_n3A_343 : i32
        %ne3A_345 = arith.constant 0 : i32
        %ne3A_346 = arith.cmpi ne, %rem3A_344, %ne3A_345 : i32
        %lt3A = arith.constant 0 : i32
        %lt3A_347 = arith.cmpi slt, %rem3A_344, %lt3A : i32
        %lt3A_348 = arith.constant 0 : i32
        %lt3A_349 = arith.cmpi slt, %select_n3A_343, %lt3A_348 : i32
        %ne3A_350 = arith.xori %lt3A_347, %lt3A_349 : i1
        %and3A_351 = arith.andi %ne3A_350, %ne3A_346 : i1
        %add3A_352 = arith.addi %rem3A_344, %select_n3A_343 : i32
        %select_n3A_353 = arith.select %and3A_351, %add3A_352, %rem3A_344 : i32
        %add3A_354 = arith.addi %mul3A_339, %select_n3A_353 : i32
        %add3A_355 = arith.constant 1 : i32
        %add3A_356 = arith.addi %add3A_354, %add3A_355 : i32
        %mul3A_357 = arith.constant 16 : i32
        %mul3A_358 = arith.muli %add3A_354, %mul3A_357 : i32
        %get3A_359 = arith.index_cast %mul3A_358 : i32 to index
        %get3A_360 = tpu.vector_load %arg10[%get3A_359] {strides = array<i32>} : memref<512xf32, #tpu.memory_space<vmem>>, vector<16xf32>,
        %mul3A_361 = arith.constant 16 : i32
        %mul3A_362 = arith.muli %add3A_354, %mul3A_361 : i32
        %get3A_363 = arith.index_cast %mul3A_362 : i32 to index
        %get3A_364 = tpu.vector_load %arg11[%get3A_363] {strides = array<i32>} : memref<512xi32, #tpu.memory_space<vmem>>, vector<16xi32>,
        %mul3A_365 = arith.constant 16 : i32
        %mul3A_366 = arith.muli %add3A_356, %mul3A_365 : i32
        %get3A_367 = arith.index_cast %mul3A_366 : i32 to index
        %get3A_368 = tpu.vector_load %arg10[%get3A_367] {strides = array<i32>} : memref<512xf32, #tpu.memory_space<vmem>>, vector<16xf32>,
        %mul3A_369 = arith.constant 16 : i32
        %mul3A_370 = arith.muli %add3A_356, %mul3A_369 : i32
        %get3A_371 = arith.index_cast %mul3A_370 : i32 to index
        %get3A_372 = tpu.vector_load %arg11[%get3A_371] {strides = array<i32>} : memref<512xi32, #tpu.memory_space<vmem>>, vector<16xi32>,
        %mul3A_373 = arith.constant 16 : i32
        %mul3A_374 = arith.muli %add3A_354, %mul3A_373 : i32
        %broadcast_in_dim3A_375 = vector.broadcast %mul3A_374 : i32 to vector<16xi32>
        %and3A_376 = arith.constant 256 : i32
        %and3A_377 = vector.broadcast %and3A_376 : i32 to vector<16xi32>
        %and3A_378 = arith.andi %broadcast_in_dim3A_375, %and3A_377 : vector<16xi32>
        %eq3A_379 = arith.constant 0 : i32
        %eq3A_380 = vector.broadcast %eq3A_379 : i32 to vector<16xi32>
        %eq3A_381 = arith.cmpi eq, %and3A_378, %eq3A_380 : vector<16xi32>
        %lt3A_382 = arith.cmpf olt, %get3A_360, %get3A_368 : vector<16xf32>
        %eq3A_383 = arith.cmpf oeq, %get3A_360, %get3A_368 : vector<16xf32>
        %lt3A_384 = arith.cmpi slt, %get3A_364, %get3A_372 : vector<16xi32>
        %and3A_385 = arith.andi %eq3A_383, %lt3A_384 : vector<16xi1>
        %or3A = arith.ori %lt3A_382, %and3A_385 : vector<16xi1>
        %not3A = arith.constant dense<true> : vector<16xi1>
        %not3A_386 = arith.xori %or3A, %not3A : vector<16xi1>
        %select_n3A_387 = arith.select %eq3A_381, %not3A_386, %or3A : vector<16xi1>, vector<16xi1>
        %select_n3A_388 = arith.select %select_n3A_387, %get3A_368, %get3A_360 : vector<16xi1>, vector<16xf32>
        %mul3A_389 = arith.constant 16 : i32
        %mul3A_390 = arith.muli %add3A_354, %mul3A_389 : i32
        %swap3A = arith.index_cast %mul3A_390 : i32 to index
        %swap3A_391 = tpu.vector_load %arg10[%swap3A] {strides = array<i32>} : memref<512xf32, #tpu.memory_space<vmem>>, vector<16xf32>,
        tpu.vector_store %arg10[%swap3A], %select_n3A_388 {strides = array<i32>} : memref<512xf32, #tpu.memory_space<vmem>>, vector<16xf32>,
        %select_n3A_392 = arith.select %select_n3A_387, %get3A_372, %get3A_364 : vector<16xi1>, vector<16xi32>
        %mul3A_393 = arith.constant 16 : i32
        %mul3A_394 = arith.muli %add3A_354, %mul3A_393 : i32
        %swap3A_395 = arith.index_cast %mul3A_394 : i32 to index
        %swap3A_396 = tpu.vector_load %arg11[%swap3A_395] {strides = array<i32>} : memref<512xi32, #tpu.memory_space<vmem>>, vector<16xi32>,
        tpu.vector_store %arg11[%swap3A_395], %select_n3A_392 {strides = array<i32>} : memref<512xi32, #tpu.memory_space<vmem>>, vector<16xi32>,
        %select_n3A_397 = arith.select %select_n3A_387, %get3A_360, %get3A_368 : vector<16xi1>, vector<16xf32>
        %mul3A_398 = arith.constant 16 : i32
        %mul3A_399 = arith.muli %add3A_356, %mul3A_398 : i32
        %swap3A_400 = arith.index_cast %mul3A_399 : i32 to index
        %swap3A_401 = tpu.vector_load %arg10[%swap3A_400] {strides = array<i32>} : memref<512xf32, #tpu.memory_space<vmem>>, vector<16xf32>,
        tpu.vector_store %arg10[%swap3A_400], %select_n3A_397 {strides = array<i32>} : memref<512xf32, #tpu.memory_space<vmem>>, vector<16xf32>,
        %select_n3A_402 = arith.select %select_n3A_387, %get3A_364, %get3A_372 : vector<16xi1>, vector<16xi32>
        %mul3A_403 = arith.constant 16 : i32
        %mul3A_404 = arith.muli %add3A_356, %mul3A_403 : i32
        %swap3A_405 = arith.index_cast %mul3A_404 : i32 to index
        %swap3A_406 = tpu.vector_load %arg11[%swap3A_405] {strides = array<i32>} : memref<512xi32, #tpu.memory_space<vmem>>, vector<16xi32>,
        tpu.vector_store %arg11[%swap3A_405], %select_n3A_402 {strides = array<i32>} : memref<512xi32, #tpu.memory_space<vmem>>, vector<16xi32>,
        %scan3A_407 = arith.constant 0 : i32
        scf.yield %scan3A_407 : i32
      }
      %scan3A_145 = arith.constant 16 : i32
      %scan3A_146 = arith.constant 0 : i32
      %scan3A_147 = arith.constant 0 : i32
      %scan3A_148 = arith.constant 32 : i32
      %scan3A_149 = arith.addi %scan3A_147, %scan3A_148 : i32
      %scan3A_150 = arith.constant 1 : i32
      %scan3A_151 = scf.for %scan3A_312 = %scan3A_147 to %scan3A_149 step %scan3A_150 iter_args(%scan3A_313 = %scan3A_146) -> (i32)  : i32 {
        %mul3A_314 = arith.constant 16 : i32
        %mul3A_315 = arith.muli %scan3A_312, %mul3A_314 : i32
        %get3A_316 = arith.index_cast %mul3A_315 : i32 to index
        %get3A_317 = tpu.vector_load %arg10[%get3A_316] {strides = array<i32>} : memref<512xf32, #tpu.memory_space<vmem>>, vector<16xf32>,
        %mul3A_318 = arith.constant 16 : i32
        %mul3A_319 = arith.muli %scan3A_312, %mul3A_318 : i32
        %get3A_320 = arith.index_cast %mul3A_319 : i32 to index
        %get3A_321 = tpu.vector_load %arg11[%get3A_320] {strides = array<i32>} : memref<512xi32, #tpu.memory_space<vmem>>, vector<16xi32>,
        %xor3A = arith.constant 8 : i32
        %xor3A_322 = vector.broadcast %xor3A : i32 to vector<16xi32>
        %xor3A_323 = arith.xori %iota3A, %xor3A_322 : vector<16xi32>
        %broadcast_in_dim3A_324 = vector.shape_cast %xor3A_323 : vector<16xi32> to vector<16x1xi32>
        %gather3A = vector.shape_cast %broadcast_in_dim3A_324 : vector<16x1xi32> to vector<16xi32>
        %gather3A_325 = tpu.dynamic_gather %get3A_317[%gather3A] in [0] : vector<16xf32>, vector<16xi32> -> vector<16xf32>
        %broadcast_in_dim3A_326 = vector.shape_cast %xor3A_323 : vector<16xi32> to vector<16x1xi32>
        %gather3A_327 = vector.shape_cast %broadcast_in_dim3A_326 : vector<16x1xi32> to vector<16xi32>
        %gather3A_328 = tpu.dynamic_gather %get3A_321[%gather3A_327] in [0] : vector<16xi32>, vector<16xi32> -> vector<16xi32>
        %mul3A_329 = arith.constant 16 : i32
        %mul3A_330 = arith.muli %scan3A_312, %mul3A_329 : i32
        %add3A_331 = vector.broadcast %mul3A_330 : i32 to vector<16xi32>
        %add3A_332 = arith.addi %add3A_331, %iota3A : vector<16xi32>
        %and3A_333 = arith.constant 256 : i32
        %and3A_334 = vector.broadcast %and3A_333 : i32 to vector<16xi32>
        %and3A_335 = arith.andi %add3A_332, %and3A_334 : vector<16xi32>
        %eq3A = arith.constant 0 : i32
        %eq3A_336 = vector.broadcast %eq3A : i32 to vector<16xi32>
        %eq3A_337 = arith.cmpi eq, %and3A_335, %eq3A_336 : vector<16xi32>
        %convert_element_type3A = arith.extui %eq3A_337 : vector<16xi1> to vector<16xi32>
        %and3A_338 = arith.constant 8 : i32
        %and3A_339 = vector.broadcast %and3A_338 : i32 to vector<16xi32>
        %and3A_340 = arith.andi %iota3A, %and3A_339 : vector<16xi32>
        %eq3A_341 = arith.constant 0 : i32
        %eq3A_342 = vector.broadcast %eq3A_341 : i32 to vector<16xi32>
        %eq3A_343 = arith.cmpi eq, %and3A_340, %eq3A_342 : vector<16xi32>
        %convert_element_type3A_344 = arith.extui %eq3A_343 : vector<16xi1> to vector<16xi32>
        %eq3A_345 = arith.cmpi eq, %convert_element_type3A_344, %convert_element_type3A : vector<16xi32>
        %convert_element_type3A_346 = arith.extui %eq3A_345 : vector<16xi1> to vector<16xi32>
        %lt3A = arith.cmpf olt, %get3A_317, %gather3A_325 : vector<16xf32>
        %eq3A_347 = arith.cmpf oeq, %get3A_317, %gather3A_325 : vector<16xf32>
        %lt3A_348 = arith.cmpi slt, %get3A_321, %gather3A_328 : vector<16xi32>
        %and3A_349 = arith.andi %eq3A_347, %lt3A_348 : vector<16xi1>
        %or3A = arith.ori %lt3A, %and3A_349 : vector<16xi1>
        %convert_element_type3A_350 = arith.extui %or3A : vector<16xi1> to vector<16xi32>
        %eq3A_351 = arith.cmpi eq, %convert_element_type3A_346, %convert_element_type3A_350 : vector<16xi32>
        %select_n3A_352 = arith.select %eq3A_351, %get3A_317, %gather3A_325 : vector<16xi1>, vector<16xf32>
        %mul3A_353 = arith.constant 16 : i32
        %mul3A_354 = arith.muli %scan3A_312, %mul3A_353 : i32
        %swap3A = arith.index_cast %mul3A_354 : i32 to index
        %swap3A_355 = tpu.vector_load %arg10[%swap3A] {strides = array<i32>} : memref<512xf32, #tpu.memory_space<vmem>>, vector<16xf32>,
        tpu.vector_store %arg10[%swap3A], %select_n3A_352 {strides = array<i32>} : memref<512xf32, #tpu.memory_space<vmem>>, vector<16xf32>,
        %select_n3A_356 = arith.select %eq3A_351, %get3A_321, %gather3A_328 : vector<16xi1>, vector<16xi32>
        %mul3A_357 = arith.constant 16 : i32
        %mul3A_358 = arith.muli %scan3A_312, %mul3A_357 : i32
        %swap3A_359 = arith.index_cast %mul3A_358 : i32 to index
        %swap3A_360 = tpu.vector_load %arg11[%swap3A_359] {strides = array<i32>} : memref<512xi32, #tpu.memory_space<vmem>>, vector<16xi32>,
        tpu.vector_store %arg11[%swap3A_359], %select_n3A_356 {strides = array<i32>} : memref<512xi32, #tpu.memory_space<vmem>>, vector<16xi32>,
        %mul3A_361 = arith.constant 16 : i32
        %mul3A_362 = arith.muli %scan3A_312, %mul3A_361 : i32
        %get3A_363 = arith.index_cast %mul3A_362 : i32 to index
        %get3A_364 = tpu.vector_load %arg10[%get3A_363] {strides = array<i32>} : memref<512xf32, #tpu.memory_space<vmem>>, vector<16xf32>,
        %mul3A_365 = arith.constant 16 : i32
        %mul3A_366 = arith.muli %scan3A_312, %mul3A_365 : i32
        %get3A_367 = arith.index_cast %mul3A_366 : i32 to index
        %get3A_368 = tpu.vector_load %arg11[%get3A_367] {strides = array<i32>} : memref<512xi32, #tpu.memory_space<vmem>>, vector<16xi32>,
        %xor3A_369 = arith.constant 4 : i32
        %xor3A_370 = vector.broadcast %xor3A_369 : i32 to vector<16xi32>
        %xor3A_371 = arith.xori %iota3A, %xor3A_370 : vector<16xi32>
        %broadcast_in_dim3A_372 = vector.shape_cast %xor3A_371 : vector<16xi32> to vector<16x1xi32>
        %gather3A_373 = vector.shape_cast %broadcast_in_dim3A_372 : vector<16x1xi32> to vector<16xi32>
        %gather3A_374 = tpu.dynamic_gather %get3A_364[%gather3A_373] in [0] : vector<16xf32>, vector<16xi32> -> vector<16xf32>
        %broadcast_in_dim3A_375 = vector.shape_cast %xor3A_371 : vector<16xi32> to vector<16x1xi32>
        %gather3A_376 = vector.shape_cast %broadcast_in_dim3A_375 : vector<16x1xi32> to vector<16xi32>
        %gather3A_377 = tpu.dynamic_gather %get3A_368[%gather3A_376] in [0] : vector<16xi32>, vector<16xi32> -> vector<16xi32>
        %mul3A_378 = arith.constant 16 : i32
        %mul3A_379 = arith.muli %scan3A_312, %mul3A_378 : i32
        %add3A_380 = vector.broadcast %mul3A_379 : i32 to vector<16xi32>
        %add3A_381 = arith.addi %add3A_380, %iota3A : vector<16xi32>
        %and3A_382 = arith.constant 256 : i32
        %and3A_383 = vector.broadcast %and3A_382 : i32 to vector<16xi32>
        %and3A_384 = arith.andi %add3A_381, %and3A_383 : vector<16xi32>
        %eq3A_385 = arith.constant 0 : i32
        %eq3A_386 = vector.broadcast %eq3A_385 : i32 to vector<16xi32>
        %eq3A_387 = arith.cmpi eq, %and3A_384, %eq3A_386 : vector<16xi32>
        %convert_element_type3A_388 = arith.extui %eq3A_387 : vector<16xi1> to vector<16xi32>
        %and3A_389 = arith.constant 4 : i32
        %and3A_390 = vector.broadcast %and3A_389 : i32 to vector<16xi32>
        %and3A_391 = arith.andi %iota3A, %and3A_390 : vector<16xi32>
        %eq3A_392 = arith.constant 0 : i32
        %eq3A_393 = vector.broadcast %eq3A_392 : i32 to vector<16xi32>
        %eq3A_394 = arith.cmpi eq, %and3A_391, %eq3A_393 : vector<16xi32>
        %convert_element_type3A_395 = arith.extui %eq3A_394 : vector<16xi1> to vector<16xi32>
        %eq3A_396 = arith.cmpi eq, %convert_element_type3A_395, %convert_element_type3A_388 : vector<16xi32>
        %convert_element_type3A_397 = arith.extui %eq3A_396 : vector<16xi1> to vector<16xi32>
        %lt3A_398 = arith.cmpf olt, %get3A_364, %gather3A_374 : vector<16xf32>
        %eq3A_399 = arith.cmpf oeq, %get3A_364, %gather3A_374 : vector<16xf32>
        %lt3A_400 = arith.cmpi slt, %get3A_368, %gather3A_377 : vector<16xi32>
        %and3A_401 = arith.andi %eq3A_399, %lt3A_400 : vector<16xi1>
        %or3A_402 = arith.ori %lt3A_398, %and3A_401 : vector<16xi1>
        %convert_element_type3A_403 = arith.extui %or3A_402 : vector<16xi1> to vector<16xi32>
        %eq3A_404 = arith.cmpi eq, %convert_element_type3A_397, %convert_element_type3A_403 : vector<16xi32>
        %select_n3A_405 = arith.select %eq3A_404, %get3A_364, %gather3A_374 : vector<16xi1>, vector<16xf32>
        %mul3A_406 = arith.constant 16 : i32
        %mul3A_407 = arith.muli %scan3A_312, %mul3A_406 : i32
        %swap3A_408 = arith.index_cast %mul3A_407 : i32 to index
        %swap3A_409 = tpu.vector_load %arg10[%swap3A_408] {strides = array<i32>} : memref<512xf32, #tpu.memory_space<vmem>>, vector<16xf32>,
        tpu.vector_store %arg10[%swap3A_408], %select_n3A_405 {strides = array<i32>} : memref<512xf32, #tpu.memory_space<vmem>>, vector<16xf32>,
        %select_n3A_410 = arith.select %eq3A_404, %get3A_368, %gather3A_377 : vector<16xi1>, vector<16xi32>
        %mul3A_411 = arith.constant 16 : i32
        %mul3A_412 = arith.muli %scan3A_312, %mul3A_411 : i32
        %swap3A_413 = arith.index_cast %mul3A_412 : i32 to index
        %swap3A_414 = tpu.vector_load %arg11[%swap3A_413] {strides = array<i32>} : memref<512xi32, #tpu.memory_space<vmem>>, vector<16xi32>,
        tpu.vector_store %arg11[%swap3A_413], %select_n3A_410 {strides = array<i32>} : memref<512xi32, #tpu.memory_space<vmem>>, vector<16xi32>,
        %mul3A_415 = arith.constant 16 : i32
        %mul3A_416 = arith.muli %scan3A_312, %mul3A_415 : i32
        %get3A_417 = arith.index_cast %mul3A_416 : i32 to index
        %get3A_418 = tpu.vector_load %arg10[%get3A_417] {strides = array<i32>} : memref<512xf32, #tpu.memory_space<vmem>>, vector<16xf32>,
        %mul3A_419 = arith.constant 16 : i32
        %mul3A_420 = arith.muli %scan3A_312, %mul3A_419 : i32
        %get3A_421 = arith.index_cast %mul3A_420 : i32 to index
        %get3A_422 = tpu.vector_load %arg11[%get3A_421] {strides = array<i32>} : memref<512xi32, #tpu.memory_space<vmem>>, vector<16xi32>,
        %xor3A_423 = arith.constant 2 : i32
        %xor3A_424 = vector.broadcast %xor3A_423 : i32 to vector<16xi32>
        %xor3A_425 = arith.xori %iota3A, %xor3A_424 : vector<16xi32>
        %broadcast_in_dim3A_426 = vector.shape_cast %xor3A_425 : vector<16xi32> to vector<16x1xi32>
        %gather3A_427 = vector.shape_cast %broadcast_in_dim3A_426 : vector<16x1xi32> to vector<16xi32>
        %gather3A_428 = tpu.dynamic_gather %get3A_418[%gather3A_427] in [0] : vector<16xf32>, vector<16xi32> -> vector<16xf32>
        %broadcast_in_dim3A_429 = vector.shape_cast %xor3A_425 : vector<16xi32> to vector<16x1xi32>
        %gather3A_430 = vector.shape_cast %broadcast_in_dim3A_429 : vector<16x1xi32> to vector<16xi32>
        %gather3A_431 = tpu.dynamic_gather %get3A_422[%gather3A_430] in [0] : vector<16xi32>, vector<16xi32> -> vector<16xi32>
        %mul3A_432 = arith.constant 16 : i32
        %mul3A_433 = arith.muli %scan3A_312, %mul3A_432 : i32
        %add3A_434 = vector.broadcast %mul3A_433 : i32 to vector<16xi32>
        %add3A_435 = arith.addi %add3A_434, %iota3A : vector<16xi32>
        %and3A_436 = arith.constant 256 : i32
        %and3A_437 = vector.broadcast %and3A_436 : i32 to vector<16xi32>
        %and3A_438 = arith.andi %add3A_435, %and3A_437 : vector<16xi32>
        %eq3A_439 = arith.constant 0 : i32
        %eq3A_440 = vector.broadcast %eq3A_439 : i32 to vector<16xi32>
        %eq3A_441 = arith.cmpi eq, %and3A_438, %eq3A_440 : vector<16xi32>
        %convert_element_type3A_442 = arith.extui %eq3A_441 : vector<16xi1> to vector<16xi32>
        %and3A_443 = arith.constant 2 : i32
        %and3A_444 = vector.broadcast %and3A_443 : i32 to vector<16xi32>
        %and3A_445 = arith.andi %iota3A, %and3A_444 : vector<16xi32>
        %eq3A_446 = arith.constant 0 : i32
        %eq3A_447 = vector.broadcast %eq3A_446 : i32 to vector<16xi32>
        %eq3A_448 = arith.cmpi eq, %and3A_445, %eq3A_447 : vector<16xi32>
        %convert_element_type3A_449 = arith.extui %eq3A_448 : vector<16xi1> to vector<16xi32>
        %eq3A_450 = arith.cmpi eq, %convert_element_type3A_449, %convert_element_type3A_442 : vector<16xi32>
        %convert_element_type3A_451 = arith.extui %eq3A_450 : vector<16xi1> to vector<16xi32>
        %lt3A_452 = arith.cmpf olt, %get3A_418, %gather3A_428 : vector<16xf32>
        %eq3A_453 = arith.cmpf oeq, %get3A_418, %gather3A_428 : vector<16xf32>
        %lt3A_454 = arith.cmpi slt, %get3A_422, %gather3A_431 : vector<16xi32>
        %and3A_455 = arith.andi %eq3A_453, %lt3A_454 : vector<16xi1>
        %or3A_456 = arith.ori %lt3A_452, %and3A_455 : vector<16xi1>
        %convert_element_type3A_457 = arith.extui %or3A_456 : vector<16xi1> to vector<16xi32>
        %eq3A_458 = arith.cmpi eq, %convert_element_type3A_451, %convert_element_type3A_457 : vector<16xi32>
        %select_n3A_459 = arith.select %eq3A_458, %get3A_418, %gather3A_428 : vector<16xi1>, vector<16xf32>
        %mul3A_460 = arith.constant 16 : i32
        %mul3A_461 = arith.muli %scan3A_312, %mul3A_460 : i32
        %swap3A_462 = arith.index_cast %mul3A_461 : i32 to index
        %swap3A_463 = tpu.vector_load %arg10[%swap3A_462] {strides = array<i32>} : memref<512xf32, #tpu.memory_space<vmem>>, vector<16xf32>,
        tpu.vector_store %arg10[%swap3A_462], %select_n3A_459 {strides = array<i32>} : memref<512xf32, #tpu.memory_space<vmem>>, vector<16xf32>,
        %select_n3A_464 = arith.select %eq3A_458, %get3A_422, %gather3A_431 : vector<16xi1>, vector<16xi32>
        %mul3A_465 = arith.constant 16 : i32
        %mul3A_466 = arith.muli %scan3A_312, %mul3A_465 : i32
        %swap3A_467 = arith.index_cast %mul3A_466 : i32 to index
        %swap3A_468 = tpu.vector_load %arg11[%swap3A_467] {strides = array<i32>} : memref<512xi32, #tpu.memory_space<vmem>>, vector<16xi32>,
        tpu.vector_store %arg11[%swap3A_467], %select_n3A_464 {strides = array<i32>} : memref<512xi32, #tpu.memory_space<vmem>>, vector<16xi32>,
        %mul3A_469 = arith.constant 16 : i32
        %mul3A_470 = arith.muli %scan3A_312, %mul3A_469 : i32
        %get3A_471 = arith.index_cast %mul3A_470 : i32 to index
        %get3A_472 = tpu.vector_load %arg10[%get3A_471] {strides = array<i32>} : memref<512xf32, #tpu.memory_space<vmem>>, vector<16xf32>,
        %mul3A_473 = arith.constant 16 : i32
        %mul3A_474 = arith.muli %scan3A_312, %mul3A_473 : i32
        %get3A_475 = arith.index_cast %mul3A_474 : i32 to index
        %get3A_476 = tpu.vector_load %arg11[%get3A_475] {strides = array<i32>} : memref<512xi32, #tpu.memory_space<vmem>>, vector<16xi32>,
        %xor3A_477 = arith.constant 1 : i32
        %xor3A_478 = vector.broadcast %xor3A_477 : i32 to vector<16xi32>
        %xor3A_479 = arith.xori %iota3A, %xor3A_478 : vector<16xi32>
        %broadcast_in_dim3A_480 = vector.shape_cast %xor3A_479 : vector<16xi32> to vector<16x1xi32>
        %gather3A_481 = vector.shape_cast %broadcast_in_dim3A_480 : vector<16x1xi32> to vector<16xi32>
        %gather3A_482 = tpu.dynamic_gather %get3A_472[%gather3A_481] in [0] : vector<16xf32>, vector<16xi32> -> vector<16xf32>
        %broadcast_in_dim3A_483 = vector.shape_cast %xor3A_479 : vector<16xi32> to vector<16x1xi32>
        %gather3A_484 = vector.shape_cast %broadcast_in_dim3A_483 : vector<16x1xi32> to vector<16xi32>
        %gather3A_485 = tpu.dynamic_gather %get3A_476[%gather3A_484] in [0] : vector<16xi32>, vector<16xi32> -> vector<16xi32>
        %mul3A_486 = arith.constant 16 : i32
        %mul3A_487 = arith.muli %scan3A_312, %mul3A_486 : i32
        %add3A_488 = vector.broadcast %mul3A_487 : i32 to vector<16xi32>
        %add3A_489 = arith.addi %add3A_488, %iota3A : vector<16xi32>
        %and3A_490 = arith.constant 256 : i32
        %and3A_491 = vector.broadcast %and3A_490 : i32 to vector<16xi32>
        %and3A_492 = arith.andi %add3A_489, %and3A_491 : vector<16xi32>
        %eq3A_493 = arith.constant 0 : i32
        %eq3A_494 = vector.broadcast %eq3A_493 : i32 to vector<16xi32>
        %eq3A_495 = arith.cmpi eq, %and3A_492, %eq3A_494 : vector<16xi32>
        %convert_element_type3A_496 = arith.extui %eq3A_495 : vector<16xi1> to vector<16xi32>
        %and3A_497 = arith.constant 1 : i32
        %and3A_498 = vector.broadcast %and3A_497 : i32 to vector<16xi32>
        %and3A_499 = arith.andi %iota3A, %and3A_498 : vector<16xi32>
        %eq3A_500 = arith.constant 0 : i32
        %eq3A_501 = vector.broadcast %eq3A_500 : i32 to vector<16xi32>
        %eq3A_502 = arith.cmpi eq, %and3A_499, %eq3A_501 : vector<16xi32>
        %convert_element_type3A_503 = arith.extui %eq3A_502 : vector<16xi1> to vector<16xi32>
        %eq3A_504 = arith.cmpi eq, %convert_element_type3A_503, %convert_element_type3A_496 : vector<16xi32>
        %convert_element_type3A_505 = arith.extui %eq3A_504 : vector<16xi1> to vector<16xi32>
        %lt3A_506 = arith.cmpf olt, %get3A_472, %gather3A_482 : vector<16xf32>
        %eq3A_507 = arith.cmpf oeq, %get3A_472, %gather3A_482 : vector<16xf32>
        %lt3A_508 = arith.cmpi slt, %get3A_476, %gather3A_485 : vector<16xi32>
        %and3A_509 = arith.andi %eq3A_507, %lt3A_508 : vector<16xi1>
        %or3A_510 = arith.ori %lt3A_506, %and3A_509 : vector<16xi1>
        %convert_element_type3A_511 = arith.extui %or3A_510 : vector<16xi1> to vector<16xi32>
        %eq3A_512 = arith.cmpi eq, %convert_element_type3A_505, %convert_element_type3A_511 : vector<16xi32>
        %select_n3A_513 = arith.select %eq3A_512, %get3A_472, %gather3A_482 : vector<16xi1>, vector<16xf32>
        %mul3A_514 = arith.constant 16 : i32
        %mul3A_515 = arith.muli %scan3A_312, %mul3A_514 : i32
        %swap3A_516 = arith.index_cast %mul3A_515 : i32 to index
        %swap3A_517 = tpu.vector_load %arg10[%swap3A_516] {strides = array<i32>} : memref<512xf32, #tpu.memory_space<vmem>>, vector<16xf32>,
        tpu.vector_store %arg10[%swap3A_516], %select_n3A_513 {strides = array<i32>} : memref<512xf32, #tpu.memory_space<vmem>>, vector<16xf32>,
        %select_n3A_518 = arith.select %eq3A_512, %get3A_476, %gather3A_485 : vector<16xi1>, vector<16xi32>
        %mul3A_519 = arith.constant 16 : i32
        %mul3A_520 = arith.muli %scan3A_312, %mul3A_519 : i32
        %swap3A_521 = arith.index_cast %mul3A_520 : i32 to index
        %swap3A_522 = tpu.vector_load %arg11[%swap3A_521] {strides = array<i32>} : memref<512xi32, #tpu.memory_space<vmem>>, vector<16xi32>,
        tpu.vector_store %arg11[%swap3A_521], %select_n3A_518 {strides = array<i32>} : memref<512xi32, #tpu.memory_space<vmem>>, vector<16xi32>,
        %scan3A_523 = arith.constant 0 : i32
        scf.yield %scan3A_523 : i32
      }
      %scan3A_152 = arith.constant 32 : i32
      %scan3A_153 = arith.constant 0 : i32
      %scan3A_154 = arith.constant 0 : i32
      %scan3A_155 = arith.constant 16 : i32
      %scan3A_156 = arith.addi %scan3A_154, %scan3A_155 : i32
      %scan3A_157 = arith.constant 1 : i32
      %scan3A_158 = scf.for %scan3A_312 = %scan3A_154 to %scan3A_156 step %scan3A_157 iter_args(%scan3A_313 = %scan3A_153) -> (i32)  : i32 {
        %jit3A_314 = arith.constant 16 : i32
        %div3A_315 = arith.divsi %scan3A_312, %jit3A_314 : i32
        %sign3A_316 = arith.constant 0 : i32
        %sign3A_317 = arith.cmpi sgt, %scan3A_312, %sign3A_316 : i32
        %sign3A_318 = arith.extui %sign3A_317 : i1 to i32
        %sign3A_319 = arith.constant 0 : i32
        %sign3A_320 = arith.cmpi slt, %scan3A_312, %sign3A_319 : i32
        %sign3A_321 = arith.extui %sign3A_320 : i1 to i32
        %sign3A_322 = arith.subi %sign3A_318, %sign3A_321 : i32
        %sign3A_323 = arith.constant 0 : i32
        %sign3A_324 = arith.cmpi sgt, %jit3A_314, %sign3A_323 : i32
        %sign3A_325 = arith.extui %sign3A_324 : i1 to i32
        %sign3A_326 = arith.constant 0 : i32
        %sign3A_327 = arith.cmpi slt, %jit3A_314, %sign3A_326 : i32
        %sign3A_328 = arith.extui %sign3A_327 : i1 to i32
        %sign3A_329 = arith.subi %sign3A_325, %sign3A_328 : i32
        %ne3A_330 = arith.cmpi ne, %sign3A_322, %sign3A_329 : i32
        %rem3A_331 = arith.remsi %scan3A_312, %jit3A_314 : i32
        %ne3A_332 = arith.constant 0 : i32
        %ne3A_333 = arith.cmpi ne, %rem3A_331, %ne3A_332 : i32
        %and3A_334 = arith.andi %ne3A_330, %ne3A_333 : i1
        %sub3A_335 = arith.constant 1 : i32
        %sub3A_336 = arith.subi %div3A_315, %sub3A_335 : i32
        %select_n3A_337 = arith.select %and3A_334, %sub3A_336, %div3A_315 : i32
        %mul3A_338 = arith.constant 32 : i32
        %mul3A_339 = arith.muli %select_n3A_337, %mul3A_338 : i32
        %jit3A_340 = arith.constant 16 : i32
        %eq3A = arith.constant 0 : i32
        %eq3A_341 = arith.cmpi eq, %jit3A_340, %eq3A : i32
        %jit3A_342 = arith.constant 1 : i32
        %select_n3A_343 = arith.select %eq3A_341, %jit3A_342, %jit3A_340 : i32
        %rem3A_344 = arith.remsi %scan3A_312, %select_n3A_343 : i32
        %ne3A_345 = arith.constant 0 : i32
        %ne3A_346 = arith.cmpi ne, %rem3A_344, %ne3A_345 : i32
        %lt3A = arith.constant 0 : i32
        %lt3A_347 = arith.cmpi slt, %rem3A_344, %lt3A : i32
        %lt3A_348 = arith.constant 0 : i32
        %lt3A_349 = arith.cmpi slt, %select_n3A_343, %lt3A_348 : i32
        %ne3A_350 = arith.xori %lt3A_347, %lt3A_349 : i1
        %and3A_351 = arith.andi %ne3A_350, %ne3A_346 : i1
        %add3A_352 = arith.addi %rem3A_344, %select_n3A_343 : i32
        %select_n3A_353 = arith.select %and3A_351, %add3A_352, %rem3A_344 : i32
        %add3A_354 = arith.addi %mul3A_339, %select_n3A_353 : i32
        %add3A_355 = arith.constant 16 : i32
        %add3A_356 = arith.addi %add3A_354, %add3A_355 : i32
        %mul3A_357 = arith.constant 16 : i32
        %mul3A_358 = arith.muli %add3A_354, %mul3A_357 : i32
        %get3A_359 = arith.index_cast %mul3A_358 : i32 to index
        %get3A_360 = tpu.vector_load %arg10[%get3A_359] {strides = array<i32>} : memref<512xf32, #tpu.memory_space<vmem>>, vector<16xf32>,
        %mul3A_361 = arith.constant 16 : i32
        %mul3A_362 = arith.muli %add3A_354, %mul3A_361 : i32
        %get3A_363 = arith.index_cast %mul3A_362 : i32 to index
        %get3A_364 = tpu.vector_load %arg11[%get3A_363] {strides = array<i32>} : memref<512xi32, #tpu.memory_space<vmem>>, vector<16xi32>,
        %mul3A_365 = arith.constant 16 : i32
        %mul3A_366 = arith.muli %add3A_356, %mul3A_365 : i32
        %get3A_367 = arith.index_cast %mul3A_366 : i32 to index
        %get3A_368 = tpu.vector_load %arg10[%get3A_367] {strides = array<i32>} : memref<512xf32, #tpu.memory_space<vmem>>, vector<16xf32>,
        %mul3A_369 = arith.constant 16 : i32
        %mul3A_370 = arith.muli %add3A_356, %mul3A_369 : i32
        %get3A_371 = arith.index_cast %mul3A_370 : i32 to index
        %get3A_372 = tpu.vector_load %arg11[%get3A_371] {strides = array<i32>} : memref<512xi32, #tpu.memory_space<vmem>>, vector<16xi32>,
        %mul3A_373 = arith.constant 16 : i32
        %mul3A_374 = arith.muli %add3A_354, %mul3A_373 : i32
        %broadcast_in_dim3A_375 = vector.broadcast %mul3A_374 : i32 to vector<16xi32>
        %and3A_376 = arith.constant 512 : i32
        %and3A_377 = vector.broadcast %and3A_376 : i32 to vector<16xi32>
        %and3A_378 = arith.andi %broadcast_in_dim3A_375, %and3A_377 : vector<16xi32>
        %eq3A_379 = arith.constant 0 : i32
        %eq3A_380 = vector.broadcast %eq3A_379 : i32 to vector<16xi32>
        %eq3A_381 = arith.cmpi eq, %and3A_378, %eq3A_380 : vector<16xi32>
        %lt3A_382 = arith.cmpf olt, %get3A_360, %get3A_368 : vector<16xf32>
        %eq3A_383 = arith.cmpf oeq, %get3A_360, %get3A_368 : vector<16xf32>
        %lt3A_384 = arith.cmpi slt, %get3A_364, %get3A_372 : vector<16xi32>
        %and3A_385 = arith.andi %eq3A_383, %lt3A_384 : vector<16xi1>
        %or3A = arith.ori %lt3A_382, %and3A_385 : vector<16xi1>
        %not3A = arith.constant dense<true> : vector<16xi1>
        %not3A_386 = arith.xori %or3A, %not3A : vector<16xi1>
        %select_n3A_387 = arith.select %eq3A_381, %not3A_386, %or3A : vector<16xi1>, vector<16xi1>
        %select_n3A_388 = arith.select %select_n3A_387, %get3A_368, %get3A_360 : vector<16xi1>, vector<16xf32>
        %mul3A_389 = arith.constant 16 : i32
        %mul3A_390 = arith.muli %add3A_354, %mul3A_389 : i32
        %swap3A = arith.index_cast %mul3A_390 : i32 to index
        %swap3A_391 = tpu.vector_load %arg10[%swap3A] {strides = array<i32>} : memref<512xf32, #tpu.memory_space<vmem>>, vector<16xf32>,
        tpu.vector_store %arg10[%swap3A], %select_n3A_388 {strides = array<i32>} : memref<512xf32, #tpu.memory_space<vmem>>, vector<16xf32>,
        %select_n3A_392 = arith.select %select_n3A_387, %get3A_372, %get3A_364 : vector<16xi1>, vector<16xi32>
        %mul3A_393 = arith.constant 16 : i32
        %mul3A_394 = arith.muli %add3A_354, %mul3A_393 : i32
        %swap3A_395 = arith.index_cast %mul3A_394 : i32 to index
        %swap3A_396 = tpu.vector_load %arg11[%swap3A_395] {strides = array<i32>} : memref<512xi32, #tpu.memory_space<vmem>>, vector<16xi32>,
        tpu.vector_store %arg11[%swap3A_395], %select_n3A_392 {strides = array<i32>} : memref<512xi32, #tpu.memory_space<vmem>>, vector<16xi32>,
        %select_n3A_397 = arith.select %select_n3A_387, %get3A_360, %get3A_368 : vector<16xi1>, vector<16xf32>
        %mul3A_398 = arith.constant 16 : i32
        %mul3A_399 = arith.muli %add3A_356, %mul3A_398 : i32
        %swap3A_400 = arith.index_cast %mul3A_399 : i32 to index
        %swap3A_401 = tpu.vector_load %arg10[%swap3A_400] {strides = array<i32>} : memref<512xf32, #tpu.memory_space<vmem>>, vector<16xf32>,
        tpu.vector_store %arg10[%swap3A_400], %select_n3A_397 {strides = array<i32>} : memref<512xf32, #tpu.memory_space<vmem>>, vector<16xf32>,
        %select_n3A_402 = arith.select %select_n3A_387, %get3A_364, %get3A_372 : vector<16xi1>, vector<16xi32>
        %mul3A_403 = arith.constant 16 : i32
        %mul3A_404 = arith.muli %add3A_356, %mul3A_403 : i32
        %swap3A_405 = arith.index_cast %mul3A_404 : i32 to index
        %swap3A_406 = tpu.vector_load %arg11[%swap3A_405] {strides = array<i32>} : memref<512xi32, #tpu.memory_space<vmem>>, vector<16xi32>,
        tpu.vector_store %arg11[%swap3A_405], %select_n3A_402 {strides = array<i32>} : memref<512xi32, #tpu.memory_space<vmem>>, vector<16xi32>,
        %scan3A_407 = arith.constant 0 : i32
        scf.yield %scan3A_407 : i32
      }
      %scan3A_159 = arith.constant 16 : i32
      %scan3A_160 = arith.constant 0 : i32
      %scan3A_161 = arith.constant 0 : i32
      %scan3A_162 = arith.constant 16 : i32
      %scan3A_163 = arith.addi %scan3A_161, %scan3A_162 : i32
      %scan3A_164 = arith.constant 1 : i32
      %scan3A_165 = scf.for %scan3A_312 = %scan3A_161 to %scan3A_163 step %scan3A_164 iter_args(%scan3A_313 = %scan3A_160) -> (i32)  : i32 {
        %jit3A_314 = arith.constant 8 : i32
        %div3A_315 = arith.divsi %scan3A_312, %jit3A_314 : i32
        %sign3A_316 = arith.constant 0 : i32
        %sign3A_317 = arith.cmpi sgt, %scan3A_312, %sign3A_316 : i32
        %sign3A_318 = arith.extui %sign3A_317 : i1 to i32
        %sign3A_319 = arith.constant 0 : i32
        %sign3A_320 = arith.cmpi slt, %scan3A_312, %sign3A_319 : i32
        %sign3A_321 = arith.extui %sign3A_320 : i1 to i32
        %sign3A_322 = arith.subi %sign3A_318, %sign3A_321 : i32
        %sign3A_323 = arith.constant 0 : i32
        %sign3A_324 = arith.cmpi sgt, %jit3A_314, %sign3A_323 : i32
        %sign3A_325 = arith.extui %sign3A_324 : i1 to i32
        %sign3A_326 = arith.constant 0 : i32
        %sign3A_327 = arith.cmpi slt, %jit3A_314, %sign3A_326 : i32
        %sign3A_328 = arith.extui %sign3A_327 : i1 to i32
        %sign3A_329 = arith.subi %sign3A_325, %sign3A_328 : i32
        %ne3A_330 = arith.cmpi ne, %sign3A_322, %sign3A_329 : i32
        %rem3A_331 = arith.remsi %scan3A_312, %jit3A_314 : i32
        %ne3A_332 = arith.constant 0 : i32
        %ne3A_333 = arith.cmpi ne, %rem3A_331, %ne3A_332 : i32
        %and3A_334 = arith.andi %ne3A_330, %ne3A_333 : i1
        %sub3A_335 = arith.constant 1 : i32
        %sub3A_336 = arith.subi %div3A_315, %sub3A_335 : i32
        %select_n3A_337 = arith.select %and3A_334, %sub3A_336, %div3A_315 : i32
        %mul3A_338 = arith.constant 16 : i32
        %mul3A_339 = arith.muli %select_n3A_337, %mul3A_338 : i32
        %jit3A_340 = arith.constant 8 : i32
        %eq3A = arith.constant 0 : i32
        %eq3A_341 = arith.cmpi eq, %jit3A_340, %eq3A : i32
        %jit3A_342 = arith.constant 1 : i32
        %select_n3A_343 = arith.select %eq3A_341, %jit3A_342, %jit3A_340 : i32
        %rem3A_344 = arith.remsi %scan3A_312, %select_n3A_343 : i32
        %ne3A_345 = arith.constant 0 : i32
        %ne3A_346 = arith.cmpi ne, %rem3A_344, %ne3A_345 : i32
        %lt3A = arith.constant 0 : i32
        %lt3A_347 = arith.cmpi slt, %rem3A_344, %lt3A : i32
        %lt3A_348 = arith.constant 0 : i32
        %lt3A_349 = arith.cmpi slt, %select_n3A_343, %lt3A_348 : i32
        %ne3A_350 = arith.xori %lt3A_347, %lt3A_349 : i1
        %and3A_351 = arith.andi %ne3A_350, %ne3A_346 : i1
        %add3A_352 = arith.addi %rem3A_344, %select_n3A_343 : i32
        %select_n3A_353 = arith.select %and3A_351, %add3A_352, %rem3A_344 : i32
        %add3A_354 = arith.addi %mul3A_339, %select_n3A_353 : i32
        %add3A_355 = arith.constant 8 : i32
        %add3A_356 = arith.addi %add3A_354, %add3A_355 : i32
        %mul3A_357 = arith.constant 16 : i32
        %mul3A_358 = arith.muli %add3A_354, %mul3A_357 : i32
        %get3A_359 = arith.index_cast %mul3A_358 : i32 to index
        %get3A_360 = tpu.vector_load %arg10[%get3A_359] {strides = array<i32>} : memref<512xf32, #tpu.memory_space<vmem>>, vector<16xf32>,
        %mul3A_361 = arith.constant 16 : i32
        %mul3A_362 = arith.muli %add3A_354, %mul3A_361 : i32
        %get3A_363 = arith.index_cast %mul3A_362 : i32 to index
        %get3A_364 = tpu.vector_load %arg11[%get3A_363] {strides = array<i32>} : memref<512xi32, #tpu.memory_space<vmem>>, vector<16xi32>,
        %mul3A_365 = arith.constant 16 : i32
        %mul3A_366 = arith.muli %add3A_356, %mul3A_365 : i32
        %get3A_367 = arith.index_cast %mul3A_366 : i32 to index
        %get3A_368 = tpu.vector_load %arg10[%get3A_367] {strides = array<i32>} : memref<512xf32, #tpu.memory_space<vmem>>, vector<16xf32>,
        %mul3A_369 = arith.constant 16 : i32
        %mul3A_370 = arith.muli %add3A_356, %mul3A_369 : i32
        %get3A_371 = arith.index_cast %mul3A_370 : i32 to index
        %get3A_372 = tpu.vector_load %arg11[%get3A_371] {strides = array<i32>} : memref<512xi32, #tpu.memory_space<vmem>>, vector<16xi32>,
        %mul3A_373 = arith.constant 16 : i32
        %mul3A_374 = arith.muli %add3A_354, %mul3A_373 : i32
        %broadcast_in_dim3A_375 = vector.broadcast %mul3A_374 : i32 to vector<16xi32>
        %and3A_376 = arith.constant 512 : i32
        %and3A_377 = vector.broadcast %and3A_376 : i32 to vector<16xi32>
        %and3A_378 = arith.andi %broadcast_in_dim3A_375, %and3A_377 : vector<16xi32>
        %eq3A_379 = arith.constant 0 : i32
        %eq3A_380 = vector.broadcast %eq3A_379 : i32 to vector<16xi32>
        %eq3A_381 = arith.cmpi eq, %and3A_378, %eq3A_380 : vector<16xi32>
        %lt3A_382 = arith.cmpf olt, %get3A_360, %get3A_368 : vector<16xf32>
        %eq3A_383 = arith.cmpf oeq, %get3A_360, %get3A_368 : vector<16xf32>
        %lt3A_384 = arith.cmpi slt, %get3A_364, %get3A_372 : vector<16xi32>
        %and3A_385 = arith.andi %eq3A_383, %lt3A_384 : vector<16xi1>
        %or3A = arith.ori %lt3A_382, %and3A_385 : vector<16xi1>
        %not3A = arith.constant dense<true> : vector<16xi1>
        %not3A_386 = arith.xori %or3A, %not3A : vector<16xi1>
        %select_n3A_387 = arith.select %eq3A_381, %not3A_386, %or3A : vector<16xi1>, vector<16xi1>
        %select_n3A_388 = arith.select %select_n3A_387, %get3A_368, %get3A_360 : vector<16xi1>, vector<16xf32>
        %mul3A_389 = arith.constant 16 : i32
        %mul3A_390 = arith.muli %add3A_354, %mul3A_389 : i32
        %swap3A = arith.index_cast %mul3A_390 : i32 to index
        %swap3A_391 = tpu.vector_load %arg10[%swap3A] {strides = array<i32>} : memref<512xf32, #tpu.memory_space<vmem>>, vector<16xf32>,
        tpu.vector_store %arg10[%swap3A], %select_n3A_388 {strides = array<i32>} : memref<512xf32, #tpu.memory_space<vmem>>, vector<16xf32>,
        %select_n3A_392 = arith.select %select_n3A_387, %get3A_372, %get3A_364 : vector<16xi1>, vector<16xi32>
        %mul3A_393 = arith.constant 16 : i32
        %mul3A_394 = arith.muli %add3A_354, %mul3A_393 : i32
        %swap3A_395 = arith.index_cast %mul3A_394 : i32 to index
        %swap3A_396 = tpu.vector_load %arg11[%swap3A_395] {strides = array<i32>} : memref<512xi32, #tpu.memory_space<vmem>>, vector<16xi32>,
        tpu.vector_store %arg11[%swap3A_395], %select_n3A_392 {strides = array<i32>} : memref<512xi32, #tpu.memory_space<vmem>>, vector<16xi32>,
        %select_n3A_397 = arith.select %select_n3A_387, %get3A_360, %get3A_368 : vector<16xi1>, vector<16xf32>
        %mul3A_398 = arith.constant 16 : i32
        %mul3A_399 = arith.muli %add3A_356, %mul3A_398 : i32
        %swap3A_400 = arith.index_cast %mul3A_399 : i32 to index
        %swap3A_401 = tpu.vector_load %arg10[%swap3A_400] {strides = array<i32>} : memref<512xf32, #tpu.memory_space<vmem>>, vector<16xf32>,
        tpu.vector_store %arg10[%swap3A_400], %select_n3A_397 {strides = array<i32>} : memref<512xf32, #tpu.memory_space<vmem>>, vector<16xf32>,
        %select_n3A_402 = arith.select %select_n3A_387, %get3A_364, %get3A_372 : vector<16xi1>, vector<16xi32>
        %mul3A_403 = arith.constant 16 : i32
        %mul3A_404 = arith.muli %add3A_356, %mul3A_403 : i32
        %swap3A_405 = arith.index_cast %mul3A_404 : i32 to index
        %swap3A_406 = tpu.vector_load %arg11[%swap3A_405] {strides = array<i32>} : memref<512xi32, #tpu.memory_space<vmem>>, vector<16xi32>,
        tpu.vector_store %arg11[%swap3A_405], %select_n3A_402 {strides = array<i32>} : memref<512xi32, #tpu.memory_space<vmem>>, vector<16xi32>,
        %scan3A_407 = arith.constant 0 : i32
        scf.yield %scan3A_407 : i32
      }
      %scan3A_166 = arith.constant 16 : i32
      %scan3A_167 = arith.constant 0 : i32
      %scan3A_168 = arith.constant 0 : i32
      %scan3A_169 = arith.constant 16 : i32
      %scan3A_170 = arith.addi %scan3A_168, %scan3A_169 : i32
      %scan3A_171 = arith.constant 1 : i32
      %scan3A_172 = scf.for %scan3A_312 = %scan3A_168 to %scan3A_170 step %scan3A_171 iter_args(%scan3A_313 = %scan3A_167) -> (i32)  : i32 {
        %jit3A_314 = arith.constant 4 : i32
        %div3A_315 = arith.divsi %scan3A_312, %jit3A_314 : i32
        %sign3A_316 = arith.constant 0 : i32
        %sign3A_317 = arith.cmpi sgt, %scan3A_312, %sign3A_316 : i32
        %sign3A_318 = arith.extui %sign3A_317 : i1 to i32
        %sign3A_319 = arith.constant 0 : i32
        %sign3A_320 = arith.cmpi slt, %scan3A_312, %sign3A_319 : i32
        %sign3A_321 = arith.extui %sign3A_320 : i1 to i32
        %sign3A_322 = arith.subi %sign3A_318, %sign3A_321 : i32
        %sign3A_323 = arith.constant 0 : i32
        %sign3A_324 = arith.cmpi sgt, %jit3A_314, %sign3A_323 : i32
        %sign3A_325 = arith.extui %sign3A_324 : i1 to i32
        %sign3A_326 = arith.constant 0 : i32
        %sign3A_327 = arith.cmpi slt, %jit3A_314, %sign3A_326 : i32
        %sign3A_328 = arith.extui %sign3A_327 : i1 to i32
        %sign3A_329 = arith.subi %sign3A_325, %sign3A_328 : i32
        %ne3A_330 = arith.cmpi ne, %sign3A_322, %sign3A_329 : i32
        %rem3A_331 = arith.remsi %scan3A_312, %jit3A_314 : i32
        %ne3A_332 = arith.constant 0 : i32
        %ne3A_333 = arith.cmpi ne, %rem3A_331, %ne3A_332 : i32
        %and3A_334 = arith.andi %ne3A_330, %ne3A_333 : i1
        %sub3A_335 = arith.constant 1 : i32
        %sub3A_336 = arith.subi %div3A_315, %sub3A_335 : i32
        %select_n3A_337 = arith.select %and3A_334, %sub3A_336, %div3A_315 : i32
        %mul3A_338 = arith.constant 8 : i32
        %mul3A_339 = arith.muli %select_n3A_337, %mul3A_338 : i32
        %jit3A_340 = arith.constant 4 : i32
        %eq3A = arith.constant 0 : i32
        %eq3A_341 = arith.cmpi eq, %jit3A_340, %eq3A : i32
        %jit3A_342 = arith.constant 1 : i32
        %select_n3A_343 = arith.select %eq3A_341, %jit3A_342, %jit3A_340 : i32
        %rem3A_344 = arith.remsi %scan3A_312, %select_n3A_343 : i32
        %ne3A_345 = arith.constant 0 : i32
        %ne3A_346 = arith.cmpi ne, %rem3A_344, %ne3A_345 : i32
        %lt3A = arith.constant 0 : i32
        %lt3A_347 = arith.cmpi slt, %rem3A_344, %lt3A : i32
        %lt3A_348 = arith.constant 0 : i32
        %lt3A_349 = arith.cmpi slt, %select_n3A_343, %lt3A_348 : i32
        %ne3A_350 = arith.xori %lt3A_347, %lt3A_349 : i1
        %and3A_351 = arith.andi %ne3A_350, %ne3A_346 : i1
        %add3A_352 = arith.addi %rem3A_344, %select_n3A_343 : i32
        %select_n3A_353 = arith.select %and3A_351, %add3A_352, %rem3A_344 : i32
        %add3A_354 = arith.addi %mul3A_339, %select_n3A_353 : i32
        %add3A_355 = arith.constant 4 : i32
        %add3A_356 = arith.addi %add3A_354, %add3A_355 : i32
        %mul3A_357 = arith.constant 16 : i32
        %mul3A_358 = arith.muli %add3A_354, %mul3A_357 : i32
        %get3A_359 = arith.index_cast %mul3A_358 : i32 to index
        %get3A_360 = tpu.vector_load %arg10[%get3A_359] {strides = array<i32>} : memref<512xf32, #tpu.memory_space<vmem>>, vector<16xf32>,
        %mul3A_361 = arith.constant 16 : i32
        %mul3A_362 = arith.muli %add3A_354, %mul3A_361 : i32
        %get3A_363 = arith.index_cast %mul3A_362 : i32 to index
        %get3A_364 = tpu.vector_load %arg11[%get3A_363] {strides = array<i32>} : memref<512xi32, #tpu.memory_space<vmem>>, vector<16xi32>,
        %mul3A_365 = arith.constant 16 : i32
        %mul3A_366 = arith.muli %add3A_356, %mul3A_365 : i32
        %get3A_367 = arith.index_cast %mul3A_366 : i32 to index
        %get3A_368 = tpu.vector_load %arg10[%get3A_367] {strides = array<i32>} : memref<512xf32, #tpu.memory_space<vmem>>, vector<16xf32>,
        %mul3A_369 = arith.constant 16 : i32
        %mul3A_370 = arith.muli %add3A_356, %mul3A_369 : i32
        %get3A_371 = arith.index_cast %mul3A_370 : i32 to index
        %get3A_372 = tpu.vector_load %arg11[%get3A_371] {strides = array<i32>} : memref<512xi32, #tpu.memory_space<vmem>>, vector<16xi32>,
        %mul3A_373 = arith.constant 16 : i32
        %mul3A_374 = arith.muli %add3A_354, %mul3A_373 : i32
        %broadcast_in_dim3A_375 = vector.broadcast %mul3A_374 : i32 to vector<16xi32>
        %and3A_376 = arith.constant 512 : i32
        %and3A_377 = vector.broadcast %and3A_376 : i32 to vector<16xi32>
        %and3A_378 = arith.andi %broadcast_in_dim3A_375, %and3A_377 : vector<16xi32>
        %eq3A_379 = arith.constant 0 : i32
        %eq3A_380 = vector.broadcast %eq3A_379 : i32 to vector<16xi32>
        %eq3A_381 = arith.cmpi eq, %and3A_378, %eq3A_380 : vector<16xi32>
        %lt3A_382 = arith.cmpf olt, %get3A_360, %get3A_368 : vector<16xf32>
        %eq3A_383 = arith.cmpf oeq, %get3A_360, %get3A_368 : vector<16xf32>
        %lt3A_384 = arith.cmpi slt, %get3A_364, %get3A_372 : vector<16xi32>
        %and3A_385 = arith.andi %eq3A_383, %lt3A_384 : vector<16xi1>
        %or3A = arith.ori %lt3A_382, %and3A_385 : vector<16xi1>
        %not3A = arith.constant dense<true> : vector<16xi1>
        %not3A_386 = arith.xori %or3A, %not3A : vector<16xi1>
        %select_n3A_387 = arith.select %eq3A_381, %not3A_386, %or3A : vector<16xi1>, vector<16xi1>
        %select_n3A_388 = arith.select %select_n3A_387, %get3A_368, %get3A_360 : vector<16xi1>, vector<16xf32>
        %mul3A_389 = arith.constant 16 : i32
        %mul3A_390 = arith.muli %add3A_354, %mul3A_389 : i32
        %swap3A = arith.index_cast %mul3A_390 : i32 to index
        %swap3A_391 = tpu.vector_load %arg10[%swap3A] {strides = array<i32>} : memref<512xf32, #tpu.memory_space<vmem>>, vector<16xf32>,
        tpu.vector_store %arg10[%swap3A], %select_n3A_388 {strides = array<i32>} : memref<512xf32, #tpu.memory_space<vmem>>, vector<16xf32>,
        %select_n3A_392 = arith.select %select_n3A_387, %get3A_372, %get3A_364 : vector<16xi1>, vector<16xi32>
        %mul3A_393 = arith.constant 16 : i32
        %mul3A_394 = arith.muli %add3A_354, %mul3A_393 : i32
        %swap3A_395 = arith.index_cast %mul3A_394 : i32 to index
        %swap3A_396 = tpu.vector_load %arg11[%swap3A_395] {strides = array<i32>} : memref<512xi32, #tpu.memory_space<vmem>>, vector<16xi32>,
        tpu.vector_store %arg11[%swap3A_395], %select_n3A_392 {strides = array<i32>} : memref<512xi32, #tpu.memory_space<vmem>>, vector<16xi32>,
        %select_n3A_397 = arith.select %select_n3A_387, %get3A_360, %get3A_368 : vector<16xi1>, vector<16xf32>
        %mul3A_398 = arith.constant 16 : i32
        %mul3A_399 = arith.muli %add3A_356, %mul3A_398 : i32
        %swap3A_400 = arith.index_cast %mul3A_399 : i32 to index
        %swap3A_401 = tpu.vector_load %arg10[%swap3A_400] {strides = array<i32>} : memref<512xf32, #tpu.memory_space<vmem>>, vector<16xf32>,
        tpu.vector_store %arg10[%swap3A_400], %select_n3A_397 {strides = array<i32>} : memref<512xf32, #tpu.memory_space<vmem>>, vector<16xf32>,
        %select_n3A_402 = arith.select %select_n3A_387, %get3A_364, %get3A_372 : vector<16xi1>, vector<16xi32>
        %mul3A_403 = arith.constant 16 : i32
        %mul3A_404 = arith.muli %add3A_356, %mul3A_403 : i32
        %swap3A_405 = arith.index_cast %mul3A_404 : i32 to index
        %swap3A_406 = tpu.vector_load %arg11[%swap3A_405] {strides = array<i32>} : memref<512xi32, #tpu.memory_space<vmem>>, vector<16xi32>,
        tpu.vector_store %arg11[%swap3A_405], %select_n3A_402 {strides = array<i32>} : memref<512xi32, #tpu.memory_space<vmem>>, vector<16xi32>,
        %scan3A_407 = arith.constant 0 : i32
        scf.yield %scan3A_407 : i32
      }
      %scan3A_173 = arith.constant 16 : i32
      %scan3A_174 = arith.constant 0 : i32
      %scan3A_175 = arith.constant 0 : i32
      %scan3A_176 = arith.constant 16 : i32
      %scan3A_177 = arith.addi %scan3A_175, %scan3A_176 : i32
      %scan3A_178 = arith.constant 1 : i32
      %scan3A_179 = scf.for %scan3A_312 = %scan3A_175 to %scan3A_177 step %scan3A_178 iter_args(%scan3A_313 = %scan3A_174) -> (i32)  : i32 {
        %jit3A_314 = arith.constant 2 : i32
        %div3A_315 = arith.divsi %scan3A_312, %jit3A_314 : i32
        %sign3A_316 = arith.constant 0 : i32
        %sign3A_317 = arith.cmpi sgt, %scan3A_312, %sign3A_316 : i32
        %sign3A_318 = arith.extui %sign3A_317 : i1 to i32
        %sign3A_319 = arith.constant 0 : i32
        %sign3A_320 = arith.cmpi slt, %scan3A_312, %sign3A_319 : i32
        %sign3A_321 = arith.extui %sign3A_320 : i1 to i32
        %sign3A_322 = arith.subi %sign3A_318, %sign3A_321 : i32
        %sign3A_323 = arith.constant 0 : i32
        %sign3A_324 = arith.cmpi sgt, %jit3A_314, %sign3A_323 : i32
        %sign3A_325 = arith.extui %sign3A_324 : i1 to i32
        %sign3A_326 = arith.constant 0 : i32
        %sign3A_327 = arith.cmpi slt, %jit3A_314, %sign3A_326 : i32
        %sign3A_328 = arith.extui %sign3A_327 : i1 to i32
        %sign3A_329 = arith.subi %sign3A_325, %sign3A_328 : i32
        %ne3A_330 = arith.cmpi ne, %sign3A_322, %sign3A_329 : i32
        %rem3A_331 = arith.remsi %scan3A_312, %jit3A_314 : i32
        %ne3A_332 = arith.constant 0 : i32
        %ne3A_333 = arith.cmpi ne, %rem3A_331, %ne3A_332 : i32
        %and3A_334 = arith.andi %ne3A_330, %ne3A_333 : i1
        %sub3A_335 = arith.constant 1 : i32
        %sub3A_336 = arith.subi %div3A_315, %sub3A_335 : i32
        %select_n3A_337 = arith.select %and3A_334, %sub3A_336, %div3A_315 : i32
        %mul3A_338 = arith.constant 4 : i32
        %mul3A_339 = arith.muli %select_n3A_337, %mul3A_338 : i32
        %jit3A_340 = arith.constant 2 : i32
        %eq3A = arith.constant 0 : i32
        %eq3A_341 = arith.cmpi eq, %jit3A_340, %eq3A : i32
        %jit3A_342 = arith.constant 1 : i32
        %select_n3A_343 = arith.select %eq3A_341, %jit3A_342, %jit3A_340 : i32
        %rem3A_344 = arith.remsi %scan3A_312, %select_n3A_343 : i32
        %ne3A_345 = arith.constant 0 : i32
        %ne3A_346 = arith.cmpi ne, %rem3A_344, %ne3A_345 : i32
        %lt3A = arith.constant 0 : i32
        %lt3A_347 = arith.cmpi slt, %rem3A_344, %lt3A : i32
        %lt3A_348 = arith.constant 0 : i32
        %lt3A_349 = arith.cmpi slt, %select_n3A_343, %lt3A_348 : i32
        %ne3A_350 = arith.xori %lt3A_347, %lt3A_349 : i1
        %and3A_351 = arith.andi %ne3A_350, %ne3A_346 : i1
        %add3A_352 = arith.addi %rem3A_344, %select_n3A_343 : i32
        %select_n3A_353 = arith.select %and3A_351, %add3A_352, %rem3A_344 : i32
        %add3A_354 = arith.addi %mul3A_339, %select_n3A_353 : i32
        %add3A_355 = arith.constant 2 : i32
        %add3A_356 = arith.addi %add3A_354, %add3A_355 : i32
        %mul3A_357 = arith.constant 16 : i32
        %mul3A_358 = arith.muli %add3A_354, %mul3A_357 : i32
        %get3A_359 = arith.index_cast %mul3A_358 : i32 to index
        %get3A_360 = tpu.vector_load %arg10[%get3A_359] {strides = array<i32>} : memref<512xf32, #tpu.memory_space<vmem>>, vector<16xf32>,
        %mul3A_361 = arith.constant 16 : i32
        %mul3A_362 = arith.muli %add3A_354, %mul3A_361 : i32
        %get3A_363 = arith.index_cast %mul3A_362 : i32 to index
        %get3A_364 = tpu.vector_load %arg11[%get3A_363] {strides = array<i32>} : memref<512xi32, #tpu.memory_space<vmem>>, vector<16xi32>,
        %mul3A_365 = arith.constant 16 : i32
        %mul3A_366 = arith.muli %add3A_356, %mul3A_365 : i32
        %get3A_367 = arith.index_cast %mul3A_366 : i32 to index
        %get3A_368 = tpu.vector_load %arg10[%get3A_367] {strides = array<i32>} : memref<512xf32, #tpu.memory_space<vmem>>, vector<16xf32>,
        %mul3A_369 = arith.constant 16 : i32
        %mul3A_370 = arith.muli %add3A_356, %mul3A_369 : i32
        %get3A_371 = arith.index_cast %mul3A_370 : i32 to index
        %get3A_372 = tpu.vector_load %arg11[%get3A_371] {strides = array<i32>} : memref<512xi32, #tpu.memory_space<vmem>>, vector<16xi32>,
        %mul3A_373 = arith.constant 16 : i32
        %mul3A_374 = arith.muli %add3A_354, %mul3A_373 : i32
        %broadcast_in_dim3A_375 = vector.broadcast %mul3A_374 : i32 to vector<16xi32>
        %and3A_376 = arith.constant 512 : i32
        %and3A_377 = vector.broadcast %and3A_376 : i32 to vector<16xi32>
        %and3A_378 = arith.andi %broadcast_in_dim3A_375, %and3A_377 : vector<16xi32>
        %eq3A_379 = arith.constant 0 : i32
        %eq3A_380 = vector.broadcast %eq3A_379 : i32 to vector<16xi32>
        %eq3A_381 = arith.cmpi eq, %and3A_378, %eq3A_380 : vector<16xi32>
        %lt3A_382 = arith.cmpf olt, %get3A_360, %get3A_368 : vector<16xf32>
        %eq3A_383 = arith.cmpf oeq, %get3A_360, %get3A_368 : vector<16xf32>
        %lt3A_384 = arith.cmpi slt, %get3A_364, %get3A_372 : vector<16xi32>
        %and3A_385 = arith.andi %eq3A_383, %lt3A_384 : vector<16xi1>
        %or3A = arith.ori %lt3A_382, %and3A_385 : vector<16xi1>
        %not3A = arith.constant dense<true> : vector<16xi1>
        %not3A_386 = arith.xori %or3A, %not3A : vector<16xi1>
        %select_n3A_387 = arith.select %eq3A_381, %not3A_386, %or3A : vector<16xi1>, vector<16xi1>
        %select_n3A_388 = arith.select %select_n3A_387, %get3A_368, %get3A_360 : vector<16xi1>, vector<16xf32>
        %mul3A_389 = arith.constant 16 : i32
        %mul3A_390 = arith.muli %add3A_354, %mul3A_389 : i32
        %swap3A = arith.index_cast %mul3A_390 : i32 to index
        %swap3A_391 = tpu.vector_load %arg10[%swap3A] {strides = array<i32>} : memref<512xf32, #tpu.memory_space<vmem>>, vector<16xf32>,
        tpu.vector_store %arg10[%swap3A], %select_n3A_388 {strides = array<i32>} : memref<512xf32, #tpu.memory_space<vmem>>, vector<16xf32>,
        %select_n3A_392 = arith.select %select_n3A_387, %get3A_372, %get3A_364 : vector<16xi1>, vector<16xi32>
        %mul3A_393 = arith.constant 16 : i32
        %mul3A_394 = arith.muli %add3A_354, %mul3A_393 : i32
        %swap3A_395 = arith.index_cast %mul3A_394 : i32 to index
        %swap3A_396 = tpu.vector_load %arg11[%swap3A_395] {strides = array<i32>} : memref<512xi32, #tpu.memory_space<vmem>>, vector<16xi32>,
        tpu.vector_store %arg11[%swap3A_395], %select_n3A_392 {strides = array<i32>} : memref<512xi32, #tpu.memory_space<vmem>>, vector<16xi32>,
        %select_n3A_397 = arith.select %select_n3A_387, %get3A_360, %get3A_368 : vector<16xi1>, vector<16xf32>
        %mul3A_398 = arith.constant 16 : i32
        %mul3A_399 = arith.muli %add3A_356, %mul3A_398 : i32
        %swap3A_400 = arith.index_cast %mul3A_399 : i32 to index
        %swap3A_401 = tpu.vector_load %arg10[%swap3A_400] {strides = array<i32>} : memref<512xf32, #tpu.memory_space<vmem>>, vector<16xf32>,
        tpu.vector_store %arg10[%swap3A_400], %select_n3A_397 {strides = array<i32>} : memref<512xf32, #tpu.memory_space<vmem>>, vector<16xf32>,
        %select_n3A_402 = arith.select %select_n3A_387, %get3A_364, %get3A_372 : vector<16xi1>, vector<16xi32>
        %mul3A_403 = arith.constant 16 : i32
        %mul3A_404 = arith.muli %add3A_356, %mul3A_403 : i32
        %swap3A_405 = arith.index_cast %mul3A_404 : i32 to index
        %swap3A_406 = tpu.vector_load %arg11[%swap3A_405] {strides = array<i32>} : memref<512xi32, #tpu.memory_space<vmem>>, vector<16xi32>,
        tpu.vector_store %arg11[%swap3A_405], %select_n3A_402 {strides = array<i32>} : memref<512xi32, #tpu.memory_space<vmem>>, vector<16xi32>,
        %scan3A_407 = arith.constant 0 : i32
        scf.yield %scan3A_407 : i32
      }
      %scan3A_180 = arith.constant 16 : i32
      %scan3A_181 = arith.constant 0 : i32
      %scan3A_182 = arith.constant 0 : i32
      %scan3A_183 = arith.constant 16 : i32
      %scan3A_184 = arith.addi %scan3A_182, %scan3A_183 : i32
      %scan3A_185 = arith.constant 1 : i32
      %scan3A_186 = scf.for %scan3A_312 = %scan3A_182 to %scan3A_184 step %scan3A_185 iter_args(%scan3A_313 = %scan3A_181) -> (i32)  : i32 {
        %jit3A_314 = arith.constant 1 : i32
        %div3A_315 = arith.divsi %scan3A_312, %jit3A_314 : i32
        %sign3A_316 = arith.constant 0 : i32
        %sign3A_317 = arith.cmpi sgt, %scan3A_312, %sign3A_316 : i32
        %sign3A_318 = arith.extui %sign3A_317 : i1 to i32
        %sign3A_319 = arith.constant 0 : i32
        %sign3A_320 = arith.cmpi slt, %scan3A_312, %sign3A_319 : i32
        %sign3A_321 = arith.extui %sign3A_320 : i1 to i32
        %sign3A_322 = arith.subi %sign3A_318, %sign3A_321 : i32
        %sign3A_323 = arith.constant 0 : i32
        %sign3A_324 = arith.cmpi sgt, %jit3A_314, %sign3A_323 : i32
        %sign3A_325 = arith.extui %sign3A_324 : i1 to i32
        %sign3A_326 = arith.constant 0 : i32
        %sign3A_327 = arith.cmpi slt, %jit3A_314, %sign3A_326 : i32
        %sign3A_328 = arith.extui %sign3A_327 : i1 to i32
        %sign3A_329 = arith.subi %sign3A_325, %sign3A_328 : i32
        %ne3A_330 = arith.cmpi ne, %sign3A_322, %sign3A_329 : i32
        %rem3A_331 = arith.remsi %scan3A_312, %jit3A_314 : i32
        %ne3A_332 = arith.constant 0 : i32
        %ne3A_333 = arith.cmpi ne, %rem3A_331, %ne3A_332 : i32
        %and3A_334 = arith.andi %ne3A_330, %ne3A_333 : i1
        %sub3A_335 = arith.constant 1 : i32
        %sub3A_336 = arith.subi %div3A_315, %sub3A_335 : i32
        %select_n3A_337 = arith.select %and3A_334, %sub3A_336, %div3A_315 : i32
        %mul3A_338 = arith.constant 2 : i32
        %mul3A_339 = arith.muli %select_n3A_337, %mul3A_338 : i32
        %jit3A_340 = arith.constant 1 : i32
        %eq3A = arith.constant 0 : i32
        %eq3A_341 = arith.cmpi eq, %jit3A_340, %eq3A : i32
        %jit3A_342 = arith.constant 1 : i32
        %select_n3A_343 = arith.select %eq3A_341, %jit3A_342, %jit3A_340 : i32
        %rem3A_344 = arith.remsi %scan3A_312, %select_n3A_343 : i32
        %ne3A_345 = arith.constant 0 : i32
        %ne3A_346 = arith.cmpi ne, %rem3A_344, %ne3A_345 : i32
        %lt3A = arith.constant 0 : i32
        %lt3A_347 = arith.cmpi slt, %rem3A_344, %lt3A : i32
        %lt3A_348 = arith.constant 0 : i32
        %lt3A_349 = arith.cmpi slt, %select_n3A_343, %lt3A_348 : i32
        %ne3A_350 = arith.xori %lt3A_347, %lt3A_349 : i1
        %and3A_351 = arith.andi %ne3A_350, %ne3A_346 : i1
        %add3A_352 = arith.addi %rem3A_344, %select_n3A_343 : i32
        %select_n3A_353 = arith.select %and3A_351, %add3A_352, %rem3A_344 : i32
        %add3A_354 = arith.addi %mul3A_339, %select_n3A_353 : i32
        %add3A_355 = arith.constant 1 : i32
        %add3A_356 = arith.addi %add3A_354, %add3A_355 : i32
        %mul3A_357 = arith.constant 16 : i32
        %mul3A_358 = arith.muli %add3A_354, %mul3A_357 : i32
        %get3A_359 = arith.index_cast %mul3A_358 : i32 to index
        %get3A_360 = tpu.vector_load %arg10[%get3A_359] {strides = array<i32>} : memref<512xf32, #tpu.memory_space<vmem>>, vector<16xf32>,
        %mul3A_361 = arith.constant 16 : i32
        %mul3A_362 = arith.muli %add3A_354, %mul3A_361 : i32
        %get3A_363 = arith.index_cast %mul3A_362 : i32 to index
        %get3A_364 = tpu.vector_load %arg11[%get3A_363] {strides = array<i32>} : memref<512xi32, #tpu.memory_space<vmem>>, vector<16xi32>,
        %mul3A_365 = arith.constant 16 : i32
        %mul3A_366 = arith.muli %add3A_356, %mul3A_365 : i32
        %get3A_367 = arith.index_cast %mul3A_366 : i32 to index
        %get3A_368 = tpu.vector_load %arg10[%get3A_367] {strides = array<i32>} : memref<512xf32, #tpu.memory_space<vmem>>, vector<16xf32>,
        %mul3A_369 = arith.constant 16 : i32
        %mul3A_370 = arith.muli %add3A_356, %mul3A_369 : i32
        %get3A_371 = arith.index_cast %mul3A_370 : i32 to index
        %get3A_372 = tpu.vector_load %arg11[%get3A_371] {strides = array<i32>} : memref<512xi32, #tpu.memory_space<vmem>>, vector<16xi32>,
        %mul3A_373 = arith.constant 16 : i32
        %mul3A_374 = arith.muli %add3A_354, %mul3A_373 : i32
        %broadcast_in_dim3A_375 = vector.broadcast %mul3A_374 : i32 to vector<16xi32>
        %and3A_376 = arith.constant 512 : i32
        %and3A_377 = vector.broadcast %and3A_376 : i32 to vector<16xi32>
        %and3A_378 = arith.andi %broadcast_in_dim3A_375, %and3A_377 : vector<16xi32>
        %eq3A_379 = arith.constant 0 : i32
        %eq3A_380 = vector.broadcast %eq3A_379 : i32 to vector<16xi32>
        %eq3A_381 = arith.cmpi eq, %and3A_378, %eq3A_380 : vector<16xi32>
        %lt3A_382 = arith.cmpf olt, %get3A_360, %get3A_368 : vector<16xf32>
        %eq3A_383 = arith.cmpf oeq, %get3A_360, %get3A_368 : vector<16xf32>
        %lt3A_384 = arith.cmpi slt, %get3A_364, %get3A_372 : vector<16xi32>
        %and3A_385 = arith.andi %eq3A_383, %lt3A_384 : vector<16xi1>
        %or3A = arith.ori %lt3A_382, %and3A_385 : vector<16xi1>
        %not3A = arith.constant dense<true> : vector<16xi1>
        %not3A_386 = arith.xori %or3A, %not3A : vector<16xi1>
        %select_n3A_387 = arith.select %eq3A_381, %not3A_386, %or3A : vector<16xi1>, vector<16xi1>
        %select_n3A_388 = arith.select %select_n3A_387, %get3A_368, %get3A_360 : vector<16xi1>, vector<16xf32>
        %mul3A_389 = arith.constant 16 : i32
        %mul3A_390 = arith.muli %add3A_354, %mul3A_389 : i32
        %swap3A = arith.index_cast %mul3A_390 : i32 to index
        %swap3A_391 = tpu.vector_load %arg10[%swap3A] {strides = array<i32>} : memref<512xf32, #tpu.memory_space<vmem>>, vector<16xf32>,
        tpu.vector_store %arg10[%swap3A], %select_n3A_388 {strides = array<i32>} : memref<512xf32, #tpu.memory_space<vmem>>, vector<16xf32>,
        %select_n3A_392 = arith.select %select_n3A_387, %get3A_372, %get3A_364 : vector<16xi1>, vector<16xi32>
        %mul3A_393 = arith.constant 16 : i32
        %mul3A_394 = arith.muli %add3A_354, %mul3A_393 : i32
        %swap3A_395 = arith.index_cast %mul3A_394 : i32 to index
        %swap3A_396 = tpu.vector_load %arg11[%swap3A_395] {strides = array<i32>} : memref<512xi32, #tpu.memory_space<vmem>>, vector<16xi32>,
        tpu.vector_store %arg11[%swap3A_395], %select_n3A_392 {strides = array<i32>} : memref<512xi32, #tpu.memory_space<vmem>>, vector<16xi32>,
        %select_n3A_397 = arith.select %select_n3A_387, %get3A_360, %get3A_368 : vector<16xi1>, vector<16xf32>
        %mul3A_398 = arith.constant 16 : i32
        %mul3A_399 = arith.muli %add3A_356, %mul3A_398 : i32
        %swap3A_400 = arith.index_cast %mul3A_399 : i32 to index
        %swap3A_401 = tpu.vector_load %arg10[%swap3A_400] {strides = array<i32>} : memref<512xf32, #tpu.memory_space<vmem>>, vector<16xf32>,
        tpu.vector_store %arg10[%swap3A_400], %select_n3A_397 {strides = array<i32>} : memref<512xf32, #tpu.memory_space<vmem>>, vector<16xf32>,
        %select_n3A_402 = arith.select %select_n3A_387, %get3A_364, %get3A_372 : vector<16xi1>, vector<16xi32>
        %mul3A_403 = arith.constant 16 : i32
        %mul3A_404 = arith.muli %add3A_356, %mul3A_403 : i32
        %swap3A_405 = arith.index_cast %mul3A_404 : i32 to index
        %swap3A_406 = tpu.vector_load %arg11[%swap3A_405] {strides = array<i32>} : memref<512xi32, #tpu.memory_space<vmem>>, vector<16xi32>,
        tpu.vector_store %arg11[%swap3A_405], %select_n3A_402 {strides = array<i32>} : memref<512xi32, #tpu.memory_space<vmem>>, vector<16xi32>,
        %scan3A_407 = arith.constant 0 : i32
        scf.yield %scan3A_407 : i32
      }
      %scan3A_187 = arith.constant 16 : i32
      %scan3A_188 = arith.constant 0 : i32
      %scan3A_189 = arith.constant 0 : i32
      %scan3A_190 = arith.constant 32 : i32
      %scan3A_191 = arith.addi %scan3A_189, %scan3A_190 : i32
      %scan3A_192 = arith.constant 1 : i32
      %scan3A_193 = scf.for %scan3A_312 = %scan3A_189 to %scan3A_191 step %scan3A_192 iter_args(%scan3A_313 = %scan3A_188) -> (i32)  : i32 {
        %mul3A_314 = arith.constant 16 : i32
        %mul3A_315 = arith.muli %scan3A_312, %mul3A_314 : i32
        %get3A_316 = arith.index_cast %mul3A_315 : i32 to index
        %get3A_317 = tpu.vector_load %arg10[%get3A_316] {strides = array<i32>} : memref<512xf32, #tpu.memory_space<vmem>>, vector<16xf32>,
        %mul3A_318 = arith.constant 16 : i32
        %mul3A_319 = arith.muli %scan3A_312, %mul3A_318 : i32
        %get3A_320 = arith.index_cast %mul3A_319 : i32 to index
        %get3A_321 = tpu.vector_load %arg11[%get3A_320] {strides = array<i32>} : memref<512xi32, #tpu.memory_space<vmem>>, vector<16xi32>,
        %xor3A = arith.constant 8 : i32
        %xor3A_322 = vector.broadcast %xor3A : i32 to vector<16xi32>
        %xor3A_323 = arith.xori %iota3A, %xor3A_322 : vector<16xi32>
        %broadcast_in_dim3A_324 = vector.shape_cast %xor3A_323 : vector<16xi32> to vector<16x1xi32>
        %gather3A = vector.shape_cast %broadcast_in_dim3A_324 : vector<16x1xi32> to vector<16xi32>
        %gather3A_325 = tpu.dynamic_gather %get3A_317[%gather3A] in [0] : vector<16xf32>, vector<16xi32> -> vector<16xf32>
        %broadcast_in_dim3A_326 = vector.shape_cast %xor3A_323 : vector<16xi32> to vector<16x1xi32>
        %gather3A_327 = vector.shape_cast %broadcast_in_dim3A_326 : vector<16x1xi32> to vector<16xi32>
        %gather3A_328 = tpu.dynamic_gather %get3A_321[%gather3A_327] in [0] : vector<16xi32>, vector<16xi32> -> vector<16xi32>
        %mul3A_329 = arith.constant 16 : i32
        %mul3A_330 = arith.muli %scan3A_312, %mul3A_329 : i32
        %add3A_331 = vector.broadcast %mul3A_330 : i32 to vector<16xi32>
        %add3A_332 = arith.addi %add3A_331, %iota3A : vector<16xi32>
        %and3A_333 = arith.constant 512 : i32
        %and3A_334 = vector.broadcast %and3A_333 : i32 to vector<16xi32>
        %and3A_335 = arith.andi %add3A_332, %and3A_334 : vector<16xi32>
        %eq3A = arith.constant 0 : i32
        %eq3A_336 = vector.broadcast %eq3A : i32 to vector<16xi32>
        %eq3A_337 = arith.cmpi eq, %and3A_335, %eq3A_336 : vector<16xi32>
        %convert_element_type3A = arith.extui %eq3A_337 : vector<16xi1> to vector<16xi32>
        %and3A_338 = arith.constant 8 : i32
        %and3A_339 = vector.broadcast %and3A_338 : i32 to vector<16xi32>
        %and3A_340 = arith.andi %iota3A, %and3A_339 : vector<16xi32>
        %eq3A_341 = arith.constant 0 : i32
        %eq3A_342 = vector.broadcast %eq3A_341 : i32 to vector<16xi32>
        %eq3A_343 = arith.cmpi eq, %and3A_340, %eq3A_342 : vector<16xi32>
        %convert_element_type3A_344 = arith.extui %eq3A_343 : vector<16xi1> to vector<16xi32>
        %eq3A_345 = arith.cmpi eq, %convert_element_type3A_344, %convert_element_type3A : vector<16xi32>
        %convert_element_type3A_346 = arith.extui %eq3A_345 : vector<16xi1> to vector<16xi32>
        %lt3A = arith.cmpf olt, %get3A_317, %gather3A_325 : vector<16xf32>
        %eq3A_347 = arith.cmpf oeq, %get3A_317, %gather3A_325 : vector<16xf32>
        %lt3A_348 = arith.cmpi slt, %get3A_321, %gather3A_328 : vector<16xi32>
        %and3A_349 = arith.andi %eq3A_347, %lt3A_348 : vector<16xi1>
        %or3A = arith.ori %lt3A, %and3A_349 : vector<16xi1>
        %convert_element_type3A_350 = arith.extui %or3A : vector<16xi1> to vector<16xi32>
        %eq3A_351 = arith.cmpi eq, %convert_element_type3A_346, %convert_element_type3A_350 : vector<16xi32>
        %select_n3A_352 = arith.select %eq3A_351, %get3A_317, %gather3A_325 : vector<16xi1>, vector<16xf32>
        %mul3A_353 = arith.constant 16 : i32
        %mul3A_354 = arith.muli %scan3A_312, %mul3A_353 : i32
        %swap3A = arith.index_cast %mul3A_354 : i32 to index
        %swap3A_355 = tpu.vector_load %arg10[%swap3A] {strides = array<i32>} : memref<512xf32, #tpu.memory_space<vmem>>, vector<16xf32>,
        tpu.vector_store %arg10[%swap3A], %select_n3A_352 {strides = array<i32>} : memref<512xf32, #tpu.memory_space<vmem>>, vector<16xf32>,
        %select_n3A_356 = arith.select %eq3A_351, %get3A_321, %gather3A_328 : vector<16xi1>, vector<16xi32>
        %mul3A_357 = arith.constant 16 : i32
        %mul3A_358 = arith.muli %scan3A_312, %mul3A_357 : i32
        %swap3A_359 = arith.index_cast %mul3A_358 : i32 to index
        %swap3A_360 = tpu.vector_load %arg11[%swap3A_359] {strides = array<i32>} : memref<512xi32, #tpu.memory_space<vmem>>, vector<16xi32>,
        tpu.vector_store %arg11[%swap3A_359], %select_n3A_356 {strides = array<i32>} : memref<512xi32, #tpu.memory_space<vmem>>, vector<16xi32>,
        %mul3A_361 = arith.constant 16 : i32
        %mul3A_362 = arith.muli %scan3A_312, %mul3A_361 : i32
        %get3A_363 = arith.index_cast %mul3A_362 : i32 to index
        %get3A_364 = tpu.vector_load %arg10[%get3A_363] {strides = array<i32>} : memref<512xf32, #tpu.memory_space<vmem>>, vector<16xf32>,
        %mul3A_365 = arith.constant 16 : i32
        %mul3A_366 = arith.muli %scan3A_312, %mul3A_365 : i32
        %get3A_367 = arith.index_cast %mul3A_366 : i32 to index
        %get3A_368 = tpu.vector_load %arg11[%get3A_367] {strides = array<i32>} : memref<512xi32, #tpu.memory_space<vmem>>, vector<16xi32>,
        %xor3A_369 = arith.constant 4 : i32
        %xor3A_370 = vector.broadcast %xor3A_369 : i32 to vector<16xi32>
        %xor3A_371 = arith.xori %iota3A, %xor3A_370 : vector<16xi32>
        %broadcast_in_dim3A_372 = vector.shape_cast %xor3A_371 : vector<16xi32> to vector<16x1xi32>
        %gather3A_373 = vector.shape_cast %broadcast_in_dim3A_372 : vector<16x1xi32> to vector<16xi32>
        %gather3A_374 = tpu.dynamic_gather %get3A_364[%gather3A_373] in [0] : vector<16xf32>, vector<16xi32> -> vector<16xf32>
        %broadcast_in_dim3A_375 = vector.shape_cast %xor3A_371 : vector<16xi32> to vector<16x1xi32>
        %gather3A_376 = vector.shape_cast %broadcast_in_dim3A_375 : vector<16x1xi32> to vector<16xi32>
        %gather3A_377 = tpu.dynamic_gather %get3A_368[%gather3A_376] in [0] : vector<16xi32>, vector<16xi32> -> vector<16xi32>
        %mul3A_378 = arith.constant 16 : i32
        %mul3A_379 = arith.muli %scan3A_312, %mul3A_378 : i32
        %add3A_380 = vector.broadcast %mul3A_379 : i32 to vector<16xi32>
        %add3A_381 = arith.addi %add3A_380, %iota3A : vector<16xi32>
        %and3A_382 = arith.constant 512 : i32
        %and3A_383 = vector.broadcast %and3A_382 : i32 to vector<16xi32>
        %and3A_384 = arith.andi %add3A_381, %and3A_383 : vector<16xi32>
        %eq3A_385 = arith.constant 0 : i32
        %eq3A_386 = vector.broadcast %eq3A_385 : i32 to vector<16xi32>
        %eq3A_387 = arith.cmpi eq, %and3A_384, %eq3A_386 : vector<16xi32>
        %convert_element_type3A_388 = arith.extui %eq3A_387 : vector<16xi1> to vector<16xi32>
        %and3A_389 = arith.constant 4 : i32
        %and3A_390 = vector.broadcast %and3A_389 : i32 to vector<16xi32>
        %and3A_391 = arith.andi %iota3A, %and3A_390 : vector<16xi32>
        %eq3A_392 = arith.constant 0 : i32
        %eq3A_393 = vector.broadcast %eq3A_392 : i32 to vector<16xi32>
        %eq3A_394 = arith.cmpi eq, %and3A_391, %eq3A_393 : vector<16xi32>
        %convert_element_type3A_395 = arith.extui %eq3A_394 : vector<16xi1> to vector<16xi32>
        %eq3A_396 = arith.cmpi eq, %convert_element_type3A_395, %convert_element_type3A_388 : vector<16xi32>
        %convert_element_type3A_397 = arith.extui %eq3A_396 : vector<16xi1> to vector<16xi32>
        %lt3A_398 = arith.cmpf olt, %get3A_364, %gather3A_374 : vector<16xf32>
        %eq3A_399 = arith.cmpf oeq, %get3A_364, %gather3A_374 : vector<16xf32>
        %lt3A_400 = arith.cmpi slt, %get3A_368, %gather3A_377 : vector<16xi32>
        %and3A_401 = arith.andi %eq3A_399, %lt3A_400 : vector<16xi1>
        %or3A_402 = arith.ori %lt3A_398, %and3A_401 : vector<16xi1>
        %convert_element_type3A_403 = arith.extui %or3A_402 : vector<16xi1> to vector<16xi32>
        %eq3A_404 = arith.cmpi eq, %convert_element_type3A_397, %convert_element_type3A_403 : vector<16xi32>
        %select_n3A_405 = arith.select %eq3A_404, %get3A_364, %gather3A_374 : vector<16xi1>, vector<16xf32>
        %mul3A_406 = arith.constant 16 : i32
        %mul3A_407 = arith.muli %scan3A_312, %mul3A_406 : i32
        %swap3A_408 = arith.index_cast %mul3A_407 : i32 to index
        %swap3A_409 = tpu.vector_load %arg10[%swap3A_408] {strides = array<i32>} : memref<512xf32, #tpu.memory_space<vmem>>, vector<16xf32>,
        tpu.vector_store %arg10[%swap3A_408], %select_n3A_405 {strides = array<i32>} : memref<512xf32, #tpu.memory_space<vmem>>, vector<16xf32>,
        %select_n3A_410 = arith.select %eq3A_404, %get3A_368, %gather3A_377 : vector<16xi1>, vector<16xi32>
        %mul3A_411 = arith.constant 16 : i32
        %mul3A_412 = arith.muli %scan3A_312, %mul3A_411 : i32
        %swap3A_413 = arith.index_cast %mul3A_412 : i32 to index
        %swap3A_414 = tpu.vector_load %arg11[%swap3A_413] {strides = array<i32>} : memref<512xi32, #tpu.memory_space<vmem>>, vector<16xi32>,
        tpu.vector_store %arg11[%swap3A_413], %select_n3A_410 {strides = array<i32>} : memref<512xi32, #tpu.memory_space<vmem>>, vector<16xi32>,
        %mul3A_415 = arith.constant 16 : i32
        %mul3A_416 = arith.muli %scan3A_312, %mul3A_415 : i32
        %get3A_417 = arith.index_cast %mul3A_416 : i32 to index
        %get3A_418 = tpu.vector_load %arg10[%get3A_417] {strides = array<i32>} : memref<512xf32, #tpu.memory_space<vmem>>, vector<16xf32>,
        %mul3A_419 = arith.constant 16 : i32
        %mul3A_420 = arith.muli %scan3A_312, %mul3A_419 : i32
        %get3A_421 = arith.index_cast %mul3A_420 : i32 to index
        %get3A_422 = tpu.vector_load %arg11[%get3A_421] {strides = array<i32>} : memref<512xi32, #tpu.memory_space<vmem>>, vector<16xi32>,
        %xor3A_423 = arith.constant 2 : i32
        %xor3A_424 = vector.broadcast %xor3A_423 : i32 to vector<16xi32>
        %xor3A_425 = arith.xori %iota3A, %xor3A_424 : vector<16xi32>
        %broadcast_in_dim3A_426 = vector.shape_cast %xor3A_425 : vector<16xi32> to vector<16x1xi32>
        %gather3A_427 = vector.shape_cast %broadcast_in_dim3A_426 : vector<16x1xi32> to vector<16xi32>
        %gather3A_428 = tpu.dynamic_gather %get3A_418[%gather3A_427] in [0] : vector<16xf32>, vector<16xi32> -> vector<16xf32>
        %broadcast_in_dim3A_429 = vector.shape_cast %xor3A_425 : vector<16xi32> to vector<16x1xi32>
        %gather3A_430 = vector.shape_cast %broadcast_in_dim3A_429 : vector<16x1xi32> to vector<16xi32>
        %gather3A_431 = tpu.dynamic_gather %get3A_422[%gather3A_430] in [0] : vector<16xi32>, vector<16xi32> -> vector<16xi32>
        %mul3A_432 = arith.constant 16 : i32
        %mul3A_433 = arith.muli %scan3A_312, %mul3A_432 : i32
        %add3A_434 = vector.broadcast %mul3A_433 : i32 to vector<16xi32>
        %add3A_435 = arith.addi %add3A_434, %iota3A : vector<16xi32>
        %and3A_436 = arith.constant 512 : i32
        %and3A_437 = vector.broadcast %and3A_436 : i32 to vector<16xi32>
        %and3A_438 = arith.andi %add3A_435, %and3A_437 : vector<16xi32>
        %eq3A_439 = arith.constant 0 : i32
        %eq3A_440 = vector.broadcast %eq3A_439 : i32 to vector<16xi32>
        %eq3A_441 = arith.cmpi eq, %and3A_438, %eq3A_440 : vector<16xi32>
        %convert_element_type3A_442 = arith.extui %eq3A_441 : vector<16xi1> to vector<16xi32>
        %and3A_443 = arith.constant 2 : i32
        %and3A_444 = vector.broadcast %and3A_443 : i32 to vector<16xi32>
        %and3A_445 = arith.andi %iota3A, %and3A_444 : vector<16xi32>
        %eq3A_446 = arith.constant 0 : i32
        %eq3A_447 = vector.broadcast %eq3A_446 : i32 to vector<16xi32>
        %eq3A_448 = arith.cmpi eq, %and3A_445, %eq3A_447 : vector<16xi32>
        %convert_element_type3A_449 = arith.extui %eq3A_448 : vector<16xi1> to vector<16xi32>
        %eq3A_450 = arith.cmpi eq, %convert_element_type3A_449, %convert_element_type3A_442 : vector<16xi32>
        %convert_element_type3A_451 = arith.extui %eq3A_450 : vector<16xi1> to vector<16xi32>
        %lt3A_452 = arith.cmpf olt, %get3A_418, %gather3A_428 : vector<16xf32>
        %eq3A_453 = arith.cmpf oeq, %get3A_418, %gather3A_428 : vector<16xf32>
        %lt3A_454 = arith.cmpi slt, %get3A_422, %gather3A_431 : vector<16xi32>
        %and3A_455 = arith.andi %eq3A_453, %lt3A_454 : vector<16xi1>
        %or3A_456 = arith.ori %lt3A_452, %and3A_455 : vector<16xi1>
        %convert_element_type3A_457 = arith.extui %or3A_456 : vector<16xi1> to vector<16xi32>
        %eq3A_458 = arith.cmpi eq, %convert_element_type3A_451, %convert_element_type3A_457 : vector<16xi32>
        %select_n3A_459 = arith.select %eq3A_458, %get3A_418, %gather3A_428 : vector<16xi1>, vector<16xf32>
        %mul3A_460 = arith.constant 16 : i32
        %mul3A_461 = arith.muli %scan3A_312, %mul3A_460 : i32
        %swap3A_462 = arith.index_cast %mul3A_461 : i32 to index
        %swap3A_463 = tpu.vector_load %arg10[%swap3A_462] {strides = array<i32>} : memref<512xf32, #tpu.memory_space<vmem>>, vector<16xf32>,
        tpu.vector_store %arg10[%swap3A_462], %select_n3A_459 {strides = array<i32>} : memref<512xf32, #tpu.memory_space<vmem>>, vector<16xf32>,
        %select_n3A_464 = arith.select %eq3A_458, %get3A_422, %gather3A_431 : vector<16xi1>, vector<16xi32>
        %mul3A_465 = arith.constant 16 : i32
        %mul3A_466 = arith.muli %scan3A_312, %mul3A_465 : i32
        %swap3A_467 = arith.index_cast %mul3A_466 : i32 to index
        %swap3A_468 = tpu.vector_load %arg11[%swap3A_467] {strides = array<i32>} : memref<512xi32, #tpu.memory_space<vmem>>, vector<16xi32>,
        tpu.vector_store %arg11[%swap3A_467], %select_n3A_464 {strides = array<i32>} : memref<512xi32, #tpu.memory_space<vmem>>, vector<16xi32>,
        %mul3A_469 = arith.constant 16 : i32
        %mul3A_470 = arith.muli %scan3A_312, %mul3A_469 : i32
        %get3A_471 = arith.index_cast %mul3A_470 : i32 to index
        %get3A_472 = tpu.vector_load %arg10[%get3A_471] {strides = array<i32>} : memref<512xf32, #tpu.memory_space<vmem>>, vector<16xf32>,
        %mul3A_473 = arith.constant 16 : i32
        %mul3A_474 = arith.muli %scan3A_312, %mul3A_473 : i32
        %get3A_475 = arith.index_cast %mul3A_474 : i32 to index
        %get3A_476 = tpu.vector_load %arg11[%get3A_475] {strides = array<i32>} : memref<512xi32, #tpu.memory_space<vmem>>, vector<16xi32>,
        %xor3A_477 = arith.constant 1 : i32
        %xor3A_478 = vector.broadcast %xor3A_477 : i32 to vector<16xi32>
        %xor3A_479 = arith.xori %iota3A, %xor3A_478 : vector<16xi32>
        %broadcast_in_dim3A_480 = vector.shape_cast %xor3A_479 : vector<16xi32> to vector<16x1xi32>
        %gather3A_481 = vector.shape_cast %broadcast_in_dim3A_480 : vector<16x1xi32> to vector<16xi32>
        %gather3A_482 = tpu.dynamic_gather %get3A_472[%gather3A_481] in [0] : vector<16xf32>, vector<16xi32> -> vector<16xf32>
        %broadcast_in_dim3A_483 = vector.shape_cast %xor3A_479 : vector<16xi32> to vector<16x1xi32>
        %gather3A_484 = vector.shape_cast %broadcast_in_dim3A_483 : vector<16x1xi32> to vector<16xi32>
        %gather3A_485 = tpu.dynamic_gather %get3A_476[%gather3A_484] in [0] : vector<16xi32>, vector<16xi32> -> vector<16xi32>
        %mul3A_486 = arith.constant 16 : i32
        %mul3A_487 = arith.muli %scan3A_312, %mul3A_486 : i32
        %add3A_488 = vector.broadcast %mul3A_487 : i32 to vector<16xi32>
        %add3A_489 = arith.addi %add3A_488, %iota3A : vector<16xi32>
        %and3A_490 = arith.constant 512 : i32
        %and3A_491 = vector.broadcast %and3A_490 : i32 to vector<16xi32>
        %and3A_492 = arith.andi %add3A_489, %and3A_491 : vector<16xi32>
        %eq3A_493 = arith.constant 0 : i32
        %eq3A_494 = vector.broadcast %eq3A_493 : i32 to vector<16xi32>
        %eq3A_495 = arith.cmpi eq, %and3A_492, %eq3A_494 : vector<16xi32>
        %convert_element_type3A_496 = arith.extui %eq3A_495 : vector<16xi1> to vector<16xi32>
        %and3A_497 = arith.constant 1 : i32
        %and3A_498 = vector.broadcast %and3A_497 : i32 to vector<16xi32>
        %and3A_499 = arith.andi %iota3A, %and3A_498 : vector<16xi32>
        %eq3A_500 = arith.constant 0 : i32
        %eq3A_501 = vector.broadcast %eq3A_500 : i32 to vector<16xi32>
        %eq3A_502 = arith.cmpi eq, %and3A_499, %eq3A_501 : vector<16xi32>
        %convert_element_type3A_503 = arith.extui %eq3A_502 : vector<16xi1> to vector<16xi32>
        %eq3A_504 = arith.cmpi eq, %convert_element_type3A_503, %convert_element_type3A_496 : vector<16xi32>
        %convert_element_type3A_505 = arith.extui %eq3A_504 : vector<16xi1> to vector<16xi32>
        %lt3A_506 = arith.cmpf olt, %get3A_472, %gather3A_482 : vector<16xf32>
        %eq3A_507 = arith.cmpf oeq, %get3A_472, %gather3A_482 : vector<16xf32>
        %lt3A_508 = arith.cmpi slt, %get3A_476, %gather3A_485 : vector<16xi32>
        %and3A_509 = arith.andi %eq3A_507, %lt3A_508 : vector<16xi1>
        %or3A_510 = arith.ori %lt3A_506, %and3A_509 : vector<16xi1>
        %convert_element_type3A_511 = arith.extui %or3A_510 : vector<16xi1> to vector<16xi32>
        %eq3A_512 = arith.cmpi eq, %convert_element_type3A_505, %convert_element_type3A_511 : vector<16xi32>
        %select_n3A_513 = arith.select %eq3A_512, %get3A_472, %gather3A_482 : vector<16xi1>, vector<16xf32>
        %mul3A_514 = arith.constant 16 : i32
        %mul3A_515 = arith.muli %scan3A_312, %mul3A_514 : i32
        %swap3A_516 = arith.index_cast %mul3A_515 : i32 to index
        %swap3A_517 = tpu.vector_load %arg10[%swap3A_516] {strides = array<i32>} : memref<512xf32, #tpu.memory_space<vmem>>, vector<16xf32>,
        tpu.vector_store %arg10[%swap3A_516], %select_n3A_513 {strides = array<i32>} : memref<512xf32, #tpu.memory_space<vmem>>, vector<16xf32>,
        %select_n3A_518 = arith.select %eq3A_512, %get3A_476, %gather3A_485 : vector<16xi1>, vector<16xi32>
        %mul3A_519 = arith.constant 16 : i32
        %mul3A_520 = arith.muli %scan3A_312, %mul3A_519 : i32
        %swap3A_521 = arith.index_cast %mul3A_520 : i32 to index
        %swap3A_522 = tpu.vector_load %arg11[%swap3A_521] {strides = array<i32>} : memref<512xi32, #tpu.memory_space<vmem>>, vector<16xi32>,
        tpu.vector_store %arg11[%swap3A_521], %select_n3A_518 {strides = array<i32>} : memref<512xi32, #tpu.memory_space<vmem>>, vector<16xi32>,
        %scan3A_523 = arith.constant 0 : i32
        scf.yield %scan3A_523 : i32
      }
      %scan3A_194 = arith.constant 32 : i32
      %scan3A_195 = arith.constant 0 : i32
      %scan3A_196 = arith.constant 0 : i32
      %scan3A_197 = arith.constant 32 : i32
      %scan3A_198 = arith.addi %scan3A_196, %scan3A_197 : i32
      %scan3A_199 = arith.constant 1 : i32
      %scan3A_200 = scf.for %scan3A_312 = %scan3A_196 to %scan3A_198 step %scan3A_199 iter_args(%scan3A_313 = %scan3A_195) -> (i32)  : i32 {
        %mul3A_314 = arith.constant 16 : i32
        %mul3A_315 = arith.muli %scan3A_312, %mul3A_314 : i32
        %get3A_316 = arith.index_cast %mul3A_315 : i32 to index
        %get3A_317 = tpu.vector_load %arg11[%get3A_316] {strides = array<i32>} : memref<512xi32, #tpu.memory_space<vmem>>, vector<16xi32>,
        %add3A_318 = vector.broadcast %mul3A_18 : i32 to vector<16xi32>
        %add3A_319 = arith.addi %get3A_317, %add3A_318 : vector<16xi32>
        %mul3A_320 = arith.constant 16 : i32
        %mul3A_321 = arith.muli %scan3A_312, %mul3A_320 : i32
        %swap3A = arith.index_cast %mul3A_321 : i32 to index
        %swap3A_322 = tpu.vector_load %arg12[%swap3A] {strides = array<i32>} : memref<512xi32, #tpu.memory_space<vmem>>, vector<16xi32>,
        tpu.vector_store %arg12[%swap3A], %add3A_319 {strides = array<i32>} : memref<512xi32, #tpu.memory_space<vmem>>, vector<16xi32>,
        %scan3A_323 = arith.constant 0 : i32
        scf.yield %scan3A_323 : i32
      }
      %scan3A_201 = arith.constant 32 : i32
      %dma_start3A = arith.constant 0 : i32
      %dma_start3A_202 = tpu.memref_slice %arg12[%dma_start3A] : memref<512xi32, #tpu.memory_space<vmem>> -> memref<128xi32, #tpu.memory_space<vmem>>
      %dma_start3A_203 = arith.constant 0 : i32
      %dma_start3A_204 = arith.constant 0 : i32
      %dma_start3A_205 = tpu.memref_slice %arg5[%dma_start3A_203, %dma_start3A_204] : memref<65536x128xf32, #tpu.memory_space<hbm>> -> memref<65536x128xf32, #tpu.memory_space<hbm>>
      tpu.enqueue_indirect_dma source(%dma_start3A_205 : memref<65536x128xf32, #tpu.memory_space<hbm>>) target(%arg15 : memref<128x128xf32, #tpu.memory_space<vmem>>) offsets(%dma_start3A_202 : memref<128xi32, #tpu.memory_space<vmem>>) semaphore(%arg17 : memref<!tpu.dma_semaphore, #tpu.memory_space<semaphore_mem>>)
      %dma_wait3A = arith.constant 0 : i32
      %dma_wait3A_206 = tpu.memref_slice %arg12[%dma_wait3A] : memref<512xi32, #tpu.memory_space<vmem>> -> memref<128xi32, #tpu.memory_space<vmem>>
      %dma_wait3A_207 = arith.constant 0 : i32
      %dma_wait3A_208 = arith.constant 0 : i32
      %dma_wait3A_209 = tpu.memref_slice %arg5[%dma_wait3A_207, %dma_wait3A_208] : memref<65536x128xf32, #tpu.memory_space<hbm>> -> memref<65536x128xf32, #tpu.memory_space<hbm>>
      tpu.wait_indirect_dma semaphore(%arg17 : memref<!tpu.dma_semaphore, #tpu.memory_space<semaphore_mem>>) src(%dma_wait3A_209 : memref<65536x128xf32, #tpu.memory_space<hbm>>) dst(%arg15 : memref<128x128xf32, #tpu.memory_space<vmem>>)
      %dma_start3A_210 = arith.constant 128 : i32
      %dma_start3A_211 = tpu.memref_slice %arg12[%dma_start3A_210] : memref<512xi32, #tpu.memory_space<vmem>> -> memref<128xi32, #tpu.memory_space<vmem>>
      %dma_start3A_212 = arith.constant 0 : i32
      %dma_start3A_213 = arith.constant 0 : i32
      %dma_start3A_214 = tpu.memref_slice %arg5[%dma_start3A_212, %dma_start3A_213] : memref<65536x128xf32, #tpu.memory_space<hbm>> -> memref<65536x128xf32, #tpu.memory_space<hbm>>
      tpu.enqueue_indirect_dma source(%dma_start3A_214 : memref<65536x128xf32, #tpu.memory_space<hbm>>) target(%arg16 : memref<128x128xf32, #tpu.memory_space<vmem>>) offsets(%dma_start3A_211 : memref<128xi32, #tpu.memory_space<vmem>>) semaphore(%arg18 : memref<!tpu.dma_semaphore, #tpu.memory_space<semaphore_mem>>)
      %dma_start3A_215 = arith.constant 0 : i32
      %dma_start3A_216 = arith.constant 0 : i32
      %dma_start3A_217 = tpu.memref_slice %arg7[%add3A_29, %dma_start3A_215, %dma_start3A_216] : memref<256x512x128xf32, #tpu.memory_space<hbm>> -> memref<1x128x128xf32, #tpu.memory_space<hbm>>
      %dma_start3A_218 = tpu.memref_squeeze %dma_start3A_217 : memref<1x128x128xf32, #tpu.memory_space<hbm>> -> memref<128x128xf32, #tpu.memory_space<hbm>>
      %dma_start3A_219 = arith.constant 0 : i32
      %dma_start3A_220 = arith.constant 0 : i32
      %dma_start3A_221 = tpu.memref_slice %arg7[%add3A_29, %dma_start3A_219, %dma_start3A_220] : memref<256x512x128xf32, #tpu.memory_space<hbm>> -> memref<1x128x128xf32, #tpu.memory_space<hbm>>
      %dma_start3A_222 = tpu.memref_squeeze %dma_start3A_221 : memref<1x128x128xf32, #tpu.memory_space<hbm>> -> memref<128x128xf32, #tpu.memory_space<hbm>>
      tpu.enqueue_dma source(%arg15 : memref<128x128xf32, #tpu.memory_space<vmem>>) target(%dma_start3A_222 : memref<128x128xf32, #tpu.memory_space<hbm>>) target_semaphore(%arg19 : memref<!tpu.dma_semaphore, #tpu.memory_space<semaphore_mem>>)
      %dma_wait3A_223 = arith.constant 128 : i32
      %dma_wait3A_224 = tpu.memref_slice %arg12[%dma_wait3A_223] : memref<512xi32, #tpu.memory_space<vmem>> -> memref<128xi32, #tpu.memory_space<vmem>>
      %dma_wait3A_225 = arith.constant 0 : i32
      %dma_wait3A_226 = arith.constant 0 : i32
      %dma_wait3A_227 = tpu.memref_slice %arg5[%dma_wait3A_225, %dma_wait3A_226] : memref<65536x128xf32, #tpu.memory_space<hbm>> -> memref<65536x128xf32, #tpu.memory_space<hbm>>
      tpu.wait_indirect_dma semaphore(%arg18 : memref<!tpu.dma_semaphore, #tpu.memory_space<semaphore_mem>>) src(%dma_wait3A_227 : memref<65536x128xf32, #tpu.memory_space<hbm>>) dst(%arg16 : memref<128x128xf32, #tpu.memory_space<vmem>>)
      %dma_wait3A_228 = arith.constant 0 : i32
      %dma_wait3A_229 = arith.constant 0 : i32
      %dma_wait3A_230 = tpu.memref_slice %arg7[%add3A_29, %dma_wait3A_228, %dma_wait3A_229] : memref<256x512x128xf32, #tpu.memory_space<hbm>> -> memref<1x128x128xf32, #tpu.memory_space<hbm>>
      %dma_wait3A_231 = tpu.memref_squeeze %dma_wait3A_230 : memref<1x128x128xf32, #tpu.memory_space<hbm>> -> memref<128x128xf32, #tpu.memory_space<hbm>>
      %dma_wait3A_232 = arith.constant 0 : i32
      %dma_wait3A_233 = arith.constant 0 : i32
      %dma_wait3A_234 = tpu.memref_slice %arg7[%add3A_29, %dma_wait3A_232, %dma_wait3A_233] : memref<256x512x128xf32, #tpu.memory_space<hbm>> -> memref<1x128x128xf32, #tpu.memory_space<hbm>>
      %dma_wait3A_235 = tpu.memref_squeeze %dma_wait3A_234 : memref<1x128x128xf32, #tpu.memory_space<hbm>> -> memref<128x128xf32, #tpu.memory_space<hbm>>
      tpu.wait_dma2 semaphore(%arg19 : memref<!tpu.dma_semaphore, #tpu.memory_space<semaphore_mem>>) src(%arg15 : memref<128x128xf32, #tpu.memory_space<vmem>>) dst(%dma_wait3A_235 : memref<128x128xf32, #tpu.memory_space<hbm>>)
      %dma_start3A_236 = arith.constant 256 : i32
      %dma_start3A_237 = tpu.memref_slice %arg12[%dma_start3A_236] : memref<512xi32, #tpu.memory_space<vmem>> -> memref<128xi32, #tpu.memory_space<vmem>>
      %dma_start3A_238 = arith.constant 0 : i32
      %dma_start3A_239 = arith.constant 0 : i32
      %dma_start3A_240 = tpu.memref_slice %arg5[%dma_start3A_238, %dma_start3A_239] : memref<65536x128xf32, #tpu.memory_space<hbm>> -> memref<65536x128xf32, #tpu.memory_space<hbm>>
      tpu.enqueue_indirect_dma source(%dma_start3A_240 : memref<65536x128xf32, #tpu.memory_space<hbm>>) target(%arg15 : memref<128x128xf32, #tpu.memory_space<vmem>>) offsets(%dma_start3A_237 : memref<128xi32, #tpu.memory_space<vmem>>) semaphore(%arg17 : memref<!tpu.dma_semaphore, #tpu.memory_space<semaphore_mem>>)
      %dma_start3A_241 = arith.constant 128 : i32
      %dma_start3A_242 = arith.constant 0 : i32
      %dma_start3A_243 = tpu.memref_slice %arg7[%add3A_29, %dma_start3A_241, %dma_start3A_242] : memref<256x512x128xf32, #tpu.memory_space<hbm>> -> memref<1x128x128xf32, #tpu.memory_space<hbm>>
      %dma_start3A_244 = tpu.memref_squeeze %dma_start3A_243 : memref<1x128x128xf32, #tpu.memory_space<hbm>> -> memref<128x128xf32, #tpu.memory_space<hbm>>
      %dma_start3A_245 = arith.constant 128 : i32
      %dma_start3A_246 = arith.constant 0 : i32
      %dma_start3A_247 = tpu.memref_slice %arg7[%add3A_29, %dma_start3A_245, %dma_start3A_246] : memref<256x512x128xf32, #tpu.memory_space<hbm>> -> memref<1x128x128xf32, #tpu.memory_space<hbm>>
      %dma_start3A_248 = tpu.memref_squeeze %dma_start3A_247 : memref<1x128x128xf32, #tpu.memory_space<hbm>> -> memref<128x128xf32, #tpu.memory_space<hbm>>
      tpu.enqueue_dma source(%arg16 : memref<128x128xf32, #tpu.memory_space<vmem>>) target(%dma_start3A_248 : memref<128x128xf32, #tpu.memory_space<hbm>>) target_semaphore(%arg20 : memref<!tpu.dma_semaphore, #tpu.memory_space<semaphore_mem>>)
      %dma_wait3A_249 = arith.constant 256 : i32
      %dma_wait3A_250 = tpu.memref_slice %arg12[%dma_wait3A_249] : memref<512xi32, #tpu.memory_space<vmem>> -> memref<128xi32, #tpu.memory_space<vmem>>
      %dma_wait3A_251 = arith.constant 0 : i32
      %dma_wait3A_252 = arith.constant 0 : i32
      %dma_wait3A_253 = tpu.memref_slice %arg5[%dma_wait3A_251, %dma_wait3A_252] : memref<65536x128xf32, #tpu.memory_space<hbm>> -> memref<65536x128xf32, #tpu.memory_space<hbm>>
      tpu.wait_indirect_dma semaphore(%arg17 : memref<!tpu.dma_semaphore, #tpu.memory_space<semaphore_mem>>) src(%dma_wait3A_253 : memref<65536x128xf32, #tpu.memory_space<hbm>>) dst(%arg15 : memref<128x128xf32, #tpu.memory_space<vmem>>)
      %dma_wait3A_254 = arith.constant 128 : i32
      %dma_wait3A_255 = arith.constant 0 : i32
      %dma_wait3A_256 = tpu.memref_slice %arg7[%add3A_29, %dma_wait3A_254, %dma_wait3A_255] : memref<256x512x128xf32, #tpu.memory_space<hbm>> -> memref<1x128x128xf32, #tpu.memory_space<hbm>>
      %dma_wait3A_257 = tpu.memref_squeeze %dma_wait3A_256 : memref<1x128x128xf32, #tpu.memory_space<hbm>> -> memref<128x128xf32, #tpu.memory_space<hbm>>
      %dma_wait3A_258 = arith.constant 128 : i32
      %dma_wait3A_259 = arith.constant 0 : i32
      %dma_wait3A_260 = tpu.memref_slice %arg7[%add3A_29, %dma_wait3A_258, %dma_wait3A_259] : memref<256x512x128xf32, #tpu.memory_space<hbm>> -> memref<1x128x128xf32, #tpu.memory_space<hbm>>
      %dma_wait3A_261 = tpu.memref_squeeze %dma_wait3A_260 : memref<1x128x128xf32, #tpu.memory_space<hbm>> -> memref<128x128xf32, #tpu.memory_space<hbm>>
      tpu.wait_dma2 semaphore(%arg20 : memref<!tpu.dma_semaphore, #tpu.memory_space<semaphore_mem>>) src(%arg16 : memref<128x128xf32, #tpu.memory_space<vmem>>) dst(%dma_wait3A_261 : memref<128x128xf32, #tpu.memory_space<hbm>>)
      %dma_start3A_262 = arith.constant 384 : i32
      %dma_start3A_263 = tpu.memref_slice %arg12[%dma_start3A_262] : memref<512xi32, #tpu.memory_space<vmem>> -> memref<128xi32, #tpu.memory_space<vmem>>
      %dma_start3A_264 = arith.constant 0 : i32
      %dma_start3A_265 = arith.constant 0 : i32
      %dma_start3A_266 = tpu.memref_slice %arg5[%dma_start3A_264, %dma_start3A_265] : memref<65536x128xf32, #tpu.memory_space<hbm>> -> memref<65536x128xf32, #tpu.memory_space<hbm>>
      tpu.enqueue_indirect_dma source(%dma_start3A_266 : memref<65536x128xf32, #tpu.memory_space<hbm>>) target(%arg16 : memref<128x128xf32, #tpu.memory_space<vmem>>) offsets(%dma_start3A_263 : memref<128xi32, #tpu.memory_space<vmem>>) semaphore(%arg18 : memref<!tpu.dma_semaphore, #tpu.memory_space<semaphore_mem>>)
      %dma_start3A_267 = arith.constant 256 : i32
      %dma_start3A_268 = arith.constant 0 : i32
      %dma_start3A_269 = tpu.memref_slice %arg7[%add3A_29, %dma_start3A_267, %dma_start3A_268] : memref<256x512x128xf32, #tpu.memory_space<hbm>> -> memref<1x128x128xf32, #tpu.memory_space<hbm>>
      %dma_start3A_270 = tpu.memref_squeeze %dma_start3A_269 : memref<1x128x128xf32, #tpu.memory_space<hbm>> -> memref<128x128xf32, #tpu.memory_space<hbm>>
      %dma_start3A_271 = arith.constant 256 : i32
      %dma_start3A_272 = arith.constant 0 : i32
      %dma_start3A_273 = tpu.memref_slice %arg7[%add3A_29, %dma_start3A_271, %dma_start3A_272] : memref<256x512x128xf32, #tpu.memory_space<hbm>> -> memref<1x128x128xf32, #tpu.memory_space<hbm>>
      %dma_start3A_274 = tpu.memref_squeeze %dma_start3A_273 : memref<1x128x128xf32, #tpu.memory_space<hbm>> -> memref<128x128xf32, #tpu.memory_space<hbm>>
      tpu.enqueue_dma source(%arg15 : memref<128x128xf32, #tpu.memory_space<vmem>>) target(%dma_start3A_274 : memref<128x128xf32, #tpu.memory_space<hbm>>) target_semaphore(%arg19 : memref<!tpu.dma_semaphore, #tpu.memory_space<semaphore_mem>>)
      %dma_wait3A_275 = arith.constant 384 : i32
      %dma_wait3A_276 = tpu.memref_slice %arg12[%dma_wait3A_275] : memref<512xi32, #tpu.memory_space<vmem>> -> memref<128xi32, #tpu.memory_space<vmem>>
      %dma_wait3A_277 = arith.constant 0 : i32
      %dma_wait3A_278 = arith.constant 0 : i32
      %dma_wait3A_279 = tpu.memref_slice %arg5[%dma_wait3A_277, %dma_wait3A_278] : memref<65536x128xf32, #tpu.memory_space<hbm>> -> memref<65536x128xf32, #tpu.memory_space<hbm>>
      tpu.wait_indirect_dma semaphore(%arg18 : memref<!tpu.dma_semaphore, #tpu.memory_space<semaphore_mem>>) src(%dma_wait3A_279 : memref<65536x128xf32, #tpu.memory_space<hbm>>) dst(%arg16 : memref<128x128xf32, #tpu.memory_space<vmem>>)
      %dma_start3A_280 = arith.constant 384 : i32
      %dma_start3A_281 = arith.constant 0 : i32
      %dma_start3A_282 = tpu.memref_slice %arg7[%add3A_29, %dma_start3A_280, %dma_start3A_281] : memref<256x512x128xf32, #tpu.memory_space<hbm>> -> memref<1x128x128xf32, #tpu.memory_space<hbm>>
      %dma_start3A_283 = tpu.memref_squeeze %dma_start3A_282 : memref<1x128x128xf32, #tpu.memory_space<hbm>> -> memref<128x128xf32, #tpu.memory_space<hbm>>
      %dma_start3A_284 = arith.constant 384 : i32
      %dma_start3A_285 = arith.constant 0 : i32
      %dma_start3A_286 = tpu.memref_slice %arg7[%add3A_29, %dma_start3A_284, %dma_start3A_285] : memref<256x512x128xf32, #tpu.memory_space<hbm>> -> memref<1x128x128xf32, #tpu.memory_space<hbm>>
      %dma_start3A_287 = tpu.memref_squeeze %dma_start3A_286 : memref<1x128x128xf32, #tpu.memory_space<hbm>> -> memref<128x128xf32, #tpu.memory_space<hbm>>
      tpu.enqueue_dma source(%arg16 : memref<128x128xf32, #tpu.memory_space<vmem>>) target(%dma_start3A_287 : memref<128x128xf32, #tpu.memory_space<hbm>>) target_semaphore(%arg20 : memref<!tpu.dma_semaphore, #tpu.memory_space<semaphore_mem>>)
      %dma_wait3A_288 = arith.constant 256 : i32
      %dma_wait3A_289 = arith.constant 0 : i32
      %dma_wait3A_290 = tpu.memref_slice %arg7[%add3A_29, %dma_wait3A_288, %dma_wait3A_289] : memref<256x512x128xf32, #tpu.memory_space<hbm>> -> memref<1x128x128xf32, #tpu.memory_space<hbm>>
      %dma_wait3A_291 = tpu.memref_squeeze %dma_wait3A_290 : memref<1x128x128xf32, #tpu.memory_space<hbm>> -> memref<128x128xf32, #tpu.memory_space<hbm>>
      %dma_wait3A_292 = arith.constant 256 : i32
      %dma_wait3A_293 = arith.constant 0 : i32
      %dma_wait3A_294 = tpu.memref_slice %arg7[%add3A_29, %dma_wait3A_292, %dma_wait3A_293] : memref<256x512x128xf32, #tpu.memory_space<hbm>> -> memref<1x128x128xf32, #tpu.memory_space<hbm>>
      %dma_wait3A_295 = tpu.memref_squeeze %dma_wait3A_294 : memref<1x128x128xf32, #tpu.memory_space<hbm>> -> memref<128x128xf32, #tpu.memory_space<hbm>>
      tpu.wait_dma2 semaphore(%arg19 : memref<!tpu.dma_semaphore, #tpu.memory_space<semaphore_mem>>) src(%arg15 : memref<128x128xf32, #tpu.memory_space<vmem>>) dst(%dma_wait3A_295 : memref<128x128xf32, #tpu.memory_space<hbm>>)
      %dma_wait3A_296 = arith.constant 384 : i32
      %dma_wait3A_297 = arith.constant 0 : i32
      %dma_wait3A_298 = tpu.memref_slice %arg7[%add3A_29, %dma_wait3A_296, %dma_wait3A_297] : memref<256x512x128xf32, #tpu.memory_space<hbm>> -> memref<1x128x128xf32, #tpu.memory_space<hbm>>
      %dma_wait3A_299 = tpu.memref_squeeze %dma_wait3A_298 : memref<1x128x128xf32, #tpu.memory_space<hbm>> -> memref<128x128xf32, #tpu.memory_space<hbm>>
      %dma_wait3A_300 = arith.constant 384 : i32
      %dma_wait3A_301 = arith.constant 0 : i32
      %dma_wait3A_302 = tpu.memref_slice %arg7[%add3A_29, %dma_wait3A_300, %dma_wait3A_301] : memref<256x512x128xf32, #tpu.memory_space<hbm>> -> memref<1x128x128xf32, #tpu.memory_space<hbm>>
      %dma_wait3A_303 = tpu.memref_squeeze %dma_wait3A_302 : memref<1x128x128xf32, #tpu.memory_space<hbm>> -> memref<128x128xf32, #tpu.memory_space<hbm>>
      tpu.wait_dma2 semaphore(%arg20 : memref<!tpu.dma_semaphore, #tpu.memory_space<semaphore_mem>>) src(%arg16 : memref<128x128xf32, #tpu.memory_space<vmem>>) dst(%dma_wait3A_303 : memref<128x128xf32, #tpu.memory_space<hbm>>)
      %scan3A_304 = arith.constant 0 : i32
      %scan3A_305 = arith.constant 0 : i32
      %scan3A_306 = arith.constant 32 : i32
      %scan3A_307 = arith.addi %scan3A_305, %scan3A_306 : i32
      %scan3A_308 = arith.constant 1 : i32
      %scan3A_309 = scf.for %scan3A_312 = %scan3A_305 to %scan3A_307 step %scan3A_308 iter_args(%scan3A_313 = %scan3A_304) -> (i32)  : i32 {
        %mul3A_314 = arith.constant 16 : i32
        %mul3A_315 = arith.muli %scan3A_312, %mul3A_314 : i32
        %get3A_316 = arith.index_cast %mul3A_315 : i32 to index
        %get3A_317 = tpu.vector_load %arg11[%get3A_316] {strides = array<i32>} : memref<512xi32, #tpu.memory_space<vmem>>, vector<16xi32>,
        %mul3A_318 = arith.constant 3 : i32
        %mul3A_319 = vector.broadcast %mul3A_318 : i32 to vector<16xi32>
        %mul3A_320 = arith.muli %get3A_317, %mul3A_319 : vector<16xi32>
        %mul3A_321 = arith.constant 16 : i32
        %mul3A_322 = arith.muli %scan3A_312, %mul3A_321 : i32
        %add3A_323 = vector.broadcast %mul3A_322 : i32 to vector<16xi32>
        %add3A_324 = arith.addi %iota3A, %add3A_323 : vector<16xi32>
        %mul3A_325 = arith.constant 3 : i32
        %mul3A_326 = vector.broadcast %mul3A_325 : i32 to vector<16xi32>
        %mul3A_327 = arith.muli %add3A_324, %mul3A_326 : vector<16xi32>
        %gather3A = tpu.vector_load_idx %arg13[%mul3A_320] : memref<49152xf32, #tpu.memory_space<vmem>>[vector<16xi32>], vector<16xf32>,
        %add3A_328 = arith.constant 1 : i32
        %add3A_329 = vector.broadcast %add3A_328 : i32 to vector<16xi32>
        %add3A_330 = arith.addi %mul3A_320, %add3A_329 : vector<16xi32>
        %gather3A_331 = tpu.vector_load_idx %arg13[%add3A_330] : memref<49152xf32, #tpu.memory_space<vmem>>[vector<16xi32>], vector<16xf32>,
        %add3A_332 = arith.constant 2 : i32
        %add3A_333 = vector.broadcast %add3A_332 : i32 to vector<16xi32>
        %add3A_334 = arith.addi %mul3A_320, %add3A_333 : vector<16xi32>
        %gather3A_335 = tpu.vector_load_idx %arg13[%add3A_334] : memref<49152xf32, #tpu.memory_space<vmem>>[vector<16xi32>], vector<16xf32>,
        %sub3A_336 = arith.subf %gather3A, %get3A_32 : vector<16xf32>
        %sub3A_337 = arith.subf %gather3A_331, %get3A_34 : vector<16xf32>
        %sub3A_338 = arith.subf %gather3A_335, %get3A_36 : vector<16xf32>
        %mul3A_339 = arith.mulf %sub3A_336, %get3A_38 : vector<16xf32>
        %mul3A_340 = arith.mulf %sub3A_338, %get3A_40 : vector<16xf32>
        %sub3A_341 = arith.subf %mul3A_339, %mul3A_340 : vector<16xf32>
        tpu.vector_store_idx %arg14[%mul3A_327], %sub3A_341 : memref<1536xf32, #tpu.memory_space<vmem>>[vector<16xi32>], vector<16xf32>,
        %add3A_342 = arith.constant 1 : i32
        %add3A_343 = vector.broadcast %add3A_342 : i32 to vector<16xi32>
        %add3A_344 = arith.addi %mul3A_327, %add3A_343 : vector<16xi32>
        tpu.vector_store_idx %arg14[%add3A_344], %sub3A_337 : memref<1536xf32, #tpu.memory_space<vmem>>[vector<16xi32>], vector<16xf32>,
        %add3A_345 = arith.constant 2 : i32
        %add3A_346 = vector.broadcast %add3A_345 : i32 to vector<16xi32>
        %add3A_347 = arith.addi %mul3A_327, %add3A_346 : vector<16xi32>
        %mul3A_348 = arith.mulf %sub3A_336, %get3A_40 : vector<16xf32>
        %mul3A_349 = arith.mulf %sub3A_338, %get3A_38 : vector<16xf32>
        %add3A_350 = arith.addf %mul3A_348, %mul3A_349 : vector<16xf32>
        tpu.vector_store_idx %arg14[%add3A_347], %add3A_350 : memref<1536xf32, #tpu.memory_space<vmem>>[vector<16xi32>], vector<16xf32>,
        %scan3A_351 = arith.constant 0 : i32
        scf.yield %scan3A_351 : i32
      }
      %scan3A_310 = arith.constant 32 : i32
      "tpu.region"() ({
        %run_scoped3A = tpu.sem_alloc : memref<!tpu.dma_semaphore, #tpu.memory_space<semaphore_mem>>
        %dma_start3A_312 = arith.constant 0 : i32
        %dma_start3A_313 = tpu.memref_slice %arg6[%add3A_29, %dma_start3A_312] : memref<256x1536xf32, #tpu.memory_space<hbm>> -> memref<1x1536xf32, #tpu.memory_space<hbm>>
        %dma_start3A_314 = tpu.memref_squeeze %dma_start3A_313 : memref<1x1536xf32, #tpu.memory_space<hbm>> -> memref<1536xf32, #tpu.memory_space<hbm>>
        %dma_start3A_315 = arith.constant 0 : i32
        %dma_start3A_316 = tpu.memref_slice %arg6[%add3A_29, %dma_start3A_315] : memref<256x1536xf32, #tpu.memory_space<hbm>> -> memref<1x1536xf32, #tpu.memory_space<hbm>>
        %dma_start3A_317 = tpu.memref_squeeze %dma_start3A_316 : memref<1x1536xf32, #tpu.memory_space<hbm>> -> memref<1536xf32, #tpu.memory_space<hbm>>
        tpu.enqueue_dma source(%arg14 : memref<1536xf32, #tpu.memory_space<vmem>>) target(%dma_start3A_317 : memref<1536xf32, #tpu.memory_space<hbm>>) target_semaphore(%run_scoped3A : memref<!tpu.dma_semaphore, #tpu.memory_space<semaphore_mem>>)
        %dma_wait3A_318 = arith.constant 0 : i32
        %dma_wait3A_319 = tpu.memref_slice %arg6[%add3A_29, %dma_wait3A_318] : memref<256x1536xf32, #tpu.memory_space<hbm>> -> memref<1x1536xf32, #tpu.memory_space<hbm>>
        %dma_wait3A_320 = tpu.memref_squeeze %dma_wait3A_319 : memref<1x1536xf32, #tpu.memory_space<hbm>> -> memref<1536xf32, #tpu.memory_space<hbm>>
        %dma_wait3A_321 = arith.constant 0 : i32
        %dma_wait3A_322 = tpu.memref_slice %arg6[%add3A_29, %dma_wait3A_321] : memref<256x1536xf32, #tpu.memory_space<hbm>> -> memref<1x1536xf32, #tpu.memory_space<hbm>>
        %dma_wait3A_323 = tpu.memref_squeeze %dma_wait3A_322 : memref<1x1536xf32, #tpu.memory_space<hbm>> -> memref<1536xf32, #tpu.memory_space<hbm>>
        tpu.wait_dma2 semaphore(%run_scoped3A : memref<!tpu.dma_semaphore, #tpu.memory_space<semaphore_mem>>) src(%arg14 : memref<1536xf32, #tpu.memory_space<vmem>>) dst(%dma_wait3A_323 : memref<1536xf32, #tpu.memory_space<hbm>>)
        tpu.yield
      }) : () -> ()
      %scan3A_311 = arith.constant 0 : i32
      scf.yield %scan3A_311 : i32
    }
    %scan3A_24 = arith.constant 8 : i32
    return
  }
}

module attributes {stable_mosaic.version = 14 : i64} {
  func.func @_stage1_body(%arg0: i32, %arg1: memref<1x512x8xf32, #tpu.memory_space<vmem>>, %arg2: memref<1x8x32xf32, #tpu.memory_space<vmem>>, %arg3: memref<1x3x16384xf32, #tpu.memory_space<vmem>>, %arg4: memref<1x64x16384xf32, #tpu.memory_space<vmem>>, %arg5: memref<1x64x96xf32, #tpu.memory_space<vmem>>, %arg6: memref<1x64x32xf32, #tpu.memory_space<vmem>>) attributes {dimension_semantics = [#tpu.dimension_semantics<arbitrary>], iteration_bounds = array<i64: 4>, scalar_prefetch = 0 : i64, scratch_operands = 0 : i64, tpu.core_type = #tpu.core_type<tc>, window_params = [{transform_indices = @transform_0, window_bounds = array<i64: 1, 512, 8>}, {transform_indices = @transform_1, window_bounds = array<i64: 1, 8, 32>}, {transform_indices = @transform_2, window_bounds = array<i64: 1, 3, 16384>}, {transform_indices = @transform_3, window_bounds = array<i64: 1, 64, 16384>}, {transform_indices = @transform_4, window_bounds = array<i64: 1, 64, 96>}, {transform_indices = @transform_5, window_bounds = array<i64: 1, 64, 32>}]} {
    %get3A = arith.constant 0 : index
    %get3A_0 = arith.constant 0 : index
    %get3A_1 = arith.constant 0 : index
    %get3A_2 = vector.load %arg1[%get3A, %get3A_0, %get3A_1] : memref<1x512x8xf32, #tpu.memory_space<vmem>>, vector<1x512x8xf32>
    %get3A_3 = vector.shape_cast %get3A_2 : vector<1x512x8xf32> to vector<512x8xf32>
    %get3A_4 = arith.constant 0 : index
    %get3A_5 = arith.constant 0 : index
    %get3A_6 = arith.constant 0 : index
    %get3A_7 = vector.load %arg2[%get3A_4, %get3A_5, %get3A_6] : memref<1x8x32xf32, #tpu.memory_space<vmem>>, vector<1x8x32xf32>
    %get3A_8 = vector.shape_cast %get3A_7 : vector<1x8x32xf32> to vector<8x32xf32>
    %slice3A = vector.extract_strided_slice %get3A_3 {offsets = [0, 0], sizes = [512, 1], strides = [1, 1]} : vector<512x8xf32> to vector<512x1xf32>
    %slice3A_9 = vector.extract_strided_slice %get3A_3 {offsets = [0, 1], sizes = [512, 1], strides = [1, 1]} : vector<512x8xf32> to vector<512x1xf32>
    %slice3A_10 = vector.extract_strided_slice %get3A_3 {offsets = [0, 2], sizes = [512, 1], strides = [1, 1]} : vector<512x8xf32> to vector<512x1xf32>
    %slice3A_11 = vector.extract_strided_slice %get3A_3 {offsets = [0, 3], sizes = [512, 1], strides = [1, 1]} : vector<512x8xf32> to vector<512x1xf32>
    %slice3A_12 = vector.extract_strided_slice %get3A_3 {offsets = [0, 4], sizes = [512, 1], strides = [1, 1]} : vector<512x8xf32> to vector<512x1xf32>
    %slice3A_13 = vector.extract_strided_slice %get3A_3 {offsets = [0, 5], sizes = [512, 1], strides = [1, 1]} : vector<512x8xf32> to vector<512x1xf32>
    %slice3A_14 = vector.extract_strided_slice %get3A_8 {offsets = [0, 0], sizes = [1, 32], strides = [1, 1]} : vector<8x32xf32> to vector<1x32xf32>
    %slice3A_15 = vector.extract_strided_slice %get3A_8 {offsets = [1, 0], sizes = [1, 32], strides = [1, 1]} : vector<8x32xf32> to vector<1x32xf32>
    %slice3A_16 = vector.extract_strided_slice %get3A_8 {offsets = [2, 0], sizes = [1, 32], strides = [1, 1]} : vector<8x32xf32> to vector<1x32xf32>
    %slice3A_17 = vector.extract_strided_slice %get3A_8 {offsets = [3, 0], sizes = [1, 32], strides = [1, 1]} : vector<8x32xf32> to vector<1x32xf32>
    %slice3A_18 = vector.extract_strided_slice %get3A_8 {offsets = [4, 0], sizes = [1, 32], strides = [1, 1]} : vector<8x32xf32> to vector<1x32xf32>
    %slice3A_19 = vector.extract_strided_slice %get3A_8 {offsets = [5, 0], sizes = [1, 32], strides = [1, 1]} : vector<8x32xf32> to vector<1x32xf32>
    %div3A = arith.constant 2.000000e+00 : f32
    %div3A_20 = vector.broadcast %div3A : f32 to vector<512x1xf32>
    %div3A_21 = arith.divf %slice3A_13, %div3A_20 : vector<512x1xf32>
    %sub3A = arith.subf %slice3A, %div3A_21 : vector<512x1xf32>
    %div3A_22 = arith.constant 2.000000e+00 : f32
    %div3A_23 = vector.broadcast %div3A_22 : f32 to vector<512x1xf32>
    %div3A_24 = arith.divf %slice3A_13, %div3A_23 : vector<512x1xf32>
    %add3A = arith.addf %slice3A, %div3A_24 : vector<512x1xf32>
    %sub3A_25 = arith.subf %slice3A_9, %slice3A_11 : vector<512x1xf32>
    %div3A_26 = arith.constant 2.000000e+00 : f32
    %div3A_27 = vector.broadcast %div3A_26 : f32 to vector<512x1xf32>
    %div3A_28 = arith.divf %slice3A_12, %div3A_27 : vector<512x1xf32>
    %sub3A_29 = arith.subf %slice3A_10, %div3A_28 : vector<512x1xf32>
    %div3A_30 = arith.constant 2.000000e+00 : f32
    %div3A_31 = vector.broadcast %div3A_30 : f32 to vector<512x1xf32>
    %div3A_32 = arith.divf %slice3A_12, %div3A_31 : vector<512x1xf32>
    %add3A_33 = arith.addf %slice3A_10, %div3A_32 : vector<512x1xf32>
    %div3A_34 = arith.constant 2.000000e+00 : f32
    %div3A_35 = vector.broadcast %div3A_34 : f32 to vector<1x32xf32>
    %div3A_36 = arith.divf %slice3A_19, %div3A_35 : vector<1x32xf32>
    %sub3A_37 = arith.subf %slice3A_14, %div3A_36 : vector<1x32xf32>
    %div3A_38 = arith.constant 2.000000e+00 : f32
    %div3A_39 = vector.broadcast %div3A_38 : f32 to vector<1x32xf32>
    %div3A_40 = arith.divf %slice3A_19, %div3A_39 : vector<1x32xf32>
    %add3A_41 = arith.addf %slice3A_14, %div3A_40 : vector<1x32xf32>
    %sub3A_42 = arith.subf %slice3A_15, %slice3A_17 : vector<1x32xf32>
    %div3A_43 = arith.constant 2.000000e+00 : f32
    %div3A_44 = vector.broadcast %div3A_43 : f32 to vector<1x32xf32>
    %div3A_45 = arith.divf %slice3A_18, %div3A_44 : vector<1x32xf32>
    %sub3A_46 = arith.subf %slice3A_16, %div3A_45 : vector<1x32xf32>
    %div3A_47 = arith.constant 2.000000e+00 : f32
    %div3A_48 = vector.broadcast %div3A_47 : f32 to vector<1x32xf32>
    %div3A_49 = arith.divf %slice3A_18, %div3A_48 : vector<1x32xf32>
    %add3A_50 = arith.addf %slice3A_16, %div3A_49 : vector<1x32xf32>
    %min3A = vector.broadcast %add3A : vector<512x1xf32> to vector<512x32xf32>
    %min3A_51 = vector.broadcast %add3A_41 : vector<1x32xf32> to vector<512x32xf32>
    %min3A_52 = arith.minimumf %min3A, %min3A_51 : vector<512x32xf32>
    %max3A = vector.broadcast %sub3A : vector<512x1xf32> to vector<512x32xf32>
    %max3A_53 = vector.broadcast %sub3A_37 : vector<1x32xf32> to vector<512x32xf32>
    %max3A_54 = arith.maximumf %max3A, %max3A_53 : vector<512x32xf32>
    %sub3A_55 = arith.subf %min3A_52, %max3A_54 : vector<512x32xf32>
    %max3A_56 = arith.constant 0.000000e+00 : f32
    %max3A_57 = vector.broadcast %max3A_56 : f32 to vector<512x32xf32>
    %max3A_58 = arith.maximumf %sub3A_55, %max3A_57 : vector<512x32xf32>
    %min3A_59 = vector.broadcast %slice3A_9 : vector<512x1xf32> to vector<512x32xf32>
    %min3A_60 = vector.broadcast %slice3A_15 : vector<1x32xf32> to vector<512x32xf32>
    %min3A_61 = arith.minimumf %min3A_59, %min3A_60 : vector<512x32xf32>
    %max3A_62 = vector.broadcast %sub3A_25 : vector<512x1xf32> to vector<512x32xf32>
    %max3A_63 = vector.broadcast %sub3A_42 : vector<1x32xf32> to vector<512x32xf32>
    %max3A_64 = arith.maximumf %max3A_62, %max3A_63 : vector<512x32xf32>
    %sub3A_65 = arith.subf %min3A_61, %max3A_64 : vector<512x32xf32>
    %max3A_66 = arith.constant 0.000000e+00 : f32
    %max3A_67 = vector.broadcast %max3A_66 : f32 to vector<512x32xf32>
    %max3A_68 = arith.maximumf %sub3A_65, %max3A_67 : vector<512x32xf32>
    %min3A_69 = vector.broadcast %add3A_33 : vector<512x1xf32> to vector<512x32xf32>
    %min3A_70 = vector.broadcast %add3A_50 : vector<1x32xf32> to vector<512x32xf32>
    %min3A_71 = arith.minimumf %min3A_69, %min3A_70 : vector<512x32xf32>
    %max3A_72 = vector.broadcast %sub3A_29 : vector<512x1xf32> to vector<512x32xf32>
    %max3A_73 = vector.broadcast %sub3A_46 : vector<1x32xf32> to vector<512x32xf32>
    %max3A_74 = arith.maximumf %max3A_72, %max3A_73 : vector<512x32xf32>
    %sub3A_75 = arith.subf %min3A_71, %max3A_74 : vector<512x32xf32>
    %max3A_76 = arith.constant 0.000000e+00 : f32
    %max3A_77 = vector.broadcast %max3A_76 : f32 to vector<512x32xf32>
    %max3A_78 = arith.maximumf %sub3A_75, %max3A_77 : vector<512x32xf32>
    %mul3A = arith.mulf %max3A_58, %max3A_68 : vector<512x32xf32>
    %mul3A_79 = arith.mulf %mul3A, %max3A_78 : vector<512x32xf32>
    %sub3A_80 = arith.subf %add3A, %sub3A : vector<512x1xf32>
    %sub3A_81 = arith.subf %slice3A_9, %sub3A_25 : vector<512x1xf32>
    %mul3A_82 = arith.mulf %sub3A_80, %sub3A_81 : vector<512x1xf32>
    %sub3A_83 = arith.subf %add3A_33, %sub3A_29 : vector<512x1xf32>
    %mul3A_84 = arith.mulf %mul3A_82, %sub3A_83 : vector<512x1xf32>
    %sub3A_85 = arith.subf %add3A_41, %sub3A_37 : vector<1x32xf32>
    %sub3A_86 = arith.subf %slice3A_15, %sub3A_42 : vector<1x32xf32>
    %mul3A_87 = arith.mulf %sub3A_85, %sub3A_86 : vector<1x32xf32>
    %sub3A_88 = arith.subf %add3A_50, %sub3A_46 : vector<1x32xf32>
    %mul3A_89 = arith.mulf %mul3A_87, %sub3A_88 : vector<1x32xf32>
    %add3A_90 = vector.broadcast %mul3A_84 : vector<512x1xf32> to vector<512x32xf32>
    %add3A_91 = vector.broadcast %mul3A_89 : vector<1x32xf32> to vector<512x32xf32>
    %add3A_92 = arith.addf %add3A_90, %add3A_91 : vector<512x32xf32>
    %sub3A_93 = arith.subf %add3A_92, %mul3A_79 : vector<512x32xf32>
    %max3A_94 = arith.constant 1.000000e-07 : f32
    %max3A_95 = vector.broadcast %max3A_94 : f32 to vector<512x32xf32>
    %max3A_96 = arith.maximumf %sub3A_93, %max3A_95 : vector<512x32xf32>
    %div3A_97 = arith.divf %mul3A_79, %max3A_96 : vector<512x32xf32>
    %reduce_max3A = arith.constant dense<0xFF800000> : vector<512xf32>
    %reduce_max3A_98 = vector.multi_reduction <maximumf>, %div3A_97, %reduce_max3A [1] : vector<512x32xf32> to vector<512xf32>
    %broadcast_in_dim3A = vector.shape_cast %reduce_max3A_98 : vector<512xf32> to vector<512x1xf32>
    %iota3A = tpu.iota {dimensions = array<i32: 1>} : vector<512x32xi32>
    %eq3A = vector.broadcast %broadcast_in_dim3A : vector<512x1xf32> to vector<512x32xf32>
    %eq3A_99 = arith.cmpf oeq, %div3A_97, %eq3A : vector<512x32xf32>
    %jit3A = arith.constant 32 : i32
    %broadcast_in_dim3A_100 = vector.broadcast %jit3A : i32 to vector<512x32xi32>
    %select_n3A = arith.select %eq3A_99, %iota3A, %broadcast_in_dim3A_100 : vector<512x32xi1>, vector<512x32xi32>
    %reduce_min3A = arith.constant dense<2147483647> : vector<512xi32>
    %reduce_min3A_101 = vector.multi_reduction <minsi>, %select_n3A, %reduce_min3A [1] : vector<512x32xi32> to vector<512xi32>
    %broadcast_in_dim3A_102 = vector.shape_cast %reduce_min3A_101 : vector<512xi32> to vector<512x1xi32>
    %iota3A_103 = tpu.iota {dimensions = array<i32: 0>} : vector<512x512xi32>
    %iota3A_104 = tpu.iota {dimensions = array<i32: 1>} : vector<512x512xi32>
    %eq3A_105 = arith.cmpi eq, %iota3A_103, %iota3A_104 : vector<512x512xi32>
    %jit3A_106 = arith.constant 0 : i32
    %convert_element_type3A = arith.sitofp %jit3A_106 : i32 to f32
    %broadcast_in_dim3A_107 = vector.shape_cast %broadcast_in_dim3A : vector<512x1xf32> to vector<512x1xf32>
    %broadcast_in_dim3A_108 = vector.broadcast %broadcast_in_dim3A_107 : vector<512x1xf32> to vector<512x512xf32>
    %broadcast_in_dim3A_109 = vector.broadcast %convert_element_type3A : f32 to vector<512x512xf32>
    %select_n3A_110 = arith.select %eq3A_105, %broadcast_in_dim3A_108, %broadcast_in_dim3A_109 : vector<512x512xi1>, vector<512x512xf32>
    %reduce_sum3A = arith.constant dense<0.000000e+00> : vector<512xf32>
    %reduce_sum3A_111 = vector.multi_reduction <add>, %select_n3A_110, %reduce_sum3A [0] : vector<512x512xf32> to vector<512xf32>
    %broadcast_in_dim3A_112 = vector.shape_cast %reduce_sum3A_111 : vector<512xf32> to vector<1x512xf32>
    %eq3A_113 = vector.broadcast %broadcast_in_dim3A_112 : vector<1x512xf32> to vector<512x512xf32>
    %eq3A_114 = vector.broadcast %broadcast_in_dim3A : vector<512x1xf32> to vector<512x512xf32>
    %eq3A_115 = arith.cmpf oeq, %eq3A_113, %eq3A_114 : vector<512x512xf32>
    %lt3A = arith.cmpi slt, %iota3A_104, %iota3A_103 : vector<512x512xi32>
    %and3A = arith.andi %eq3A_115, %lt3A : vector<512x512xi1>
    %gt3A = vector.broadcast %broadcast_in_dim3A_112 : vector<1x512xf32> to vector<512x512xf32>
    %gt3A_116 = vector.broadcast %broadcast_in_dim3A : vector<512x1xf32> to vector<512x512xf32>
    %gt3A_117 = arith.cmpf ogt, %gt3A, %gt3A_116 : vector<512x512xf32>
    %or3A = arith.ori %gt3A_117, %and3A : vector<512x512xi1>
    %convert_element_type3A_118 = arith.extui %or3A : vector<512x512xi1> to vector<512x512xi32>
    %reduce_sum3A_119 = arith.constant dense<0> : vector<512xi32>
    %reduce_sum3A_120 = vector.multi_reduction <add>, %convert_element_type3A_118, %reduce_sum3A_119 [1] : vector<512x512xi32> to vector<512xi32>
    %broadcast_in_dim3A_121 = vector.shape_cast %reduce_sum3A_120 : vector<512xi32> to vector<512x1xi32>
    %lt3A_122 = vector.broadcast %broadcast_in_dim3A_112 : vector<1x512xf32> to vector<512x512xf32>
    %lt3A_123 = vector.broadcast %broadcast_in_dim3A : vector<512x1xf32> to vector<512x512xf32>
    %lt3A_124 = arith.cmpf olt, %lt3A_122, %lt3A_123 : vector<512x512xf32>
    %or3A_125 = arith.ori %lt3A_124, %and3A : vector<512x512xi1>
    %convert_element_type3A_126 = arith.extui %or3A_125 : vector<512x512xi1> to vector<512x512xi32>
    %reduce_sum3A_127 = arith.constant dense<0> : vector<512xi32>
    %reduce_sum3A_128 = vector.multi_reduction <add>, %convert_element_type3A_126, %reduce_sum3A_127 [1] : vector<512x512xi32> to vector<512xi32>
    %broadcast_in_dim3A_129 = vector.shape_cast %reduce_sum3A_128 : vector<512xi32> to vector<512x1xi32>
    %iota3A_130 = tpu.iota {dimensions = array<i32: 0>} : vector<64x512xi32>
    %eq3A_131 = arith.cmpi eq, %iota3A_103, %iota3A_104 : vector<512x512xi32>
    %jit3A_132 = arith.constant 0 : i32
    %broadcast_in_dim3A_133 = vector.shape_cast %broadcast_in_dim3A_121 : vector<512x1xi32> to vector<512x1xi32>
    %broadcast_in_dim3A_134 = vector.broadcast %broadcast_in_dim3A_133 : vector<512x1xi32> to vector<512x512xi32>
    %broadcast_in_dim3A_135 = vector.broadcast %jit3A_132 : i32 to vector<512x512xi32>
    %select_n3A_136 = arith.select %eq3A_131, %broadcast_in_dim3A_134, %broadcast_in_dim3A_135 : vector<512x512xi1>, vector<512x512xi32>
    %reduce_sum3A_137 = arith.constant dense<0> : vector<512xi32>
    %reduce_sum3A_138 = vector.multi_reduction <add>, %select_n3A_136, %reduce_sum3A_137 [0] : vector<512x512xi32> to vector<512xi32>
    %broadcast_in_dim3A_139 = vector.shape_cast %reduce_sum3A_138 : vector<512xi32> to vector<1x512xi32>
    %eq3A_140 = arith.cmpi eq, %iota3A_103, %iota3A_104 : vector<512x512xi32>
    %jit3A_141 = arith.constant 0 : i32
    %broadcast_in_dim3A_142 = vector.shape_cast %broadcast_in_dim3A_129 : vector<512x1xi32> to vector<512x1xi32>
    %broadcast_in_dim3A_143 = vector.broadcast %broadcast_in_dim3A_142 : vector<512x1xi32> to vector<512x512xi32>
    %broadcast_in_dim3A_144 = vector.broadcast %jit3A_141 : i32 to vector<512x512xi32>
    %select_n3A_145 = arith.select %eq3A_140, %broadcast_in_dim3A_143, %broadcast_in_dim3A_144 : vector<512x512xi1>, vector<512x512xi32>
    %reduce_sum3A_146 = arith.constant dense<0> : vector<512xi32>
    %reduce_sum3A_147 = vector.multi_reduction <add>, %select_n3A_145, %reduce_sum3A_146 [0] : vector<512x512xi32> to vector<512xi32>
    %broadcast_in_dim3A_148 = vector.shape_cast %reduce_sum3A_147 : vector<512xi32> to vector<1x512xi32>
    %lt3A_149 = arith.constant 32 : i32
    %lt3A_150 = vector.broadcast %lt3A_149 : i32 to vector<64x512xi32>
    %lt3A_151 = arith.cmpi slt, %iota3A_130, %lt3A_150 : vector<64x512xi32>
    %eq3A_152 = vector.broadcast %broadcast_in_dim3A_139 : vector<1x512xi32> to vector<64x512xi32>
    %eq3A_153 = arith.cmpi eq, %eq3A_152, %iota3A_130 : vector<64x512xi32>
    %and3A_154 = arith.andi %lt3A_151, %eq3A_153 : vector<64x512xi1>
    %ge3A = arith.constant 32 : i32
    %ge3A_155 = vector.broadcast %ge3A : i32 to vector<64x512xi32>
    %ge3A_156 = arith.cmpi sge, %iota3A_130, %ge3A_155 : vector<64x512xi32>
    %sub3A_157 = arith.constant 32 : i32
    %sub3A_158 = vector.broadcast %sub3A_157 : i32 to vector<64x512xi32>
    %sub3A_159 = arith.subi %iota3A_130, %sub3A_158 : vector<64x512xi32>
    %eq3A_160 = vector.broadcast %broadcast_in_dim3A_148 : vector<1x512xi32> to vector<64x512xi32>
    %eq3A_161 = arith.cmpi eq, %eq3A_160, %sub3A_159 : vector<64x512xi32>
    %and3A_162 = arith.andi %ge3A_156, %eq3A_161 : vector<64x512xi1>
    %or3A_163 = arith.ori %and3A_154, %and3A_162 : vector<64x512xi1>
    %convert_element_type3A_164 = arith.extui %or3A_163 : vector<64x512xi1> to vector<64x512xi32>
    %convert_element_type3A_165 = arith.sitofp %convert_element_type3A_164 : vector<64x512xi32> to vector<64x512xf32>
    %broadcast_in_dim3A_166 = vector.shape_cast %convert_element_type3A_165 : vector<64x512xf32> to vector<64x512x1xf32>
    %broadcast_in_dim3A_167 = vector.shape_cast %get3A_3 : vector<512x8xf32> to vector<1x512x8xf32>
    %mul3A_168 = vector.broadcast %broadcast_in_dim3A_166 : vector<64x512x1xf32> to vector<64x512x8xf32>
    %mul3A_169 = vector.broadcast %broadcast_in_dim3A_167 : vector<1x512x8xf32> to vector<64x512x8xf32>
    %mul3A_170 = arith.mulf %mul3A_168, %mul3A_169 : vector<64x512x8xf32>
    %reduce_sum3A_171 = arith.constant dense<0.000000e+00> : vector<64x8xf32>
    %reduce_sum3A_172 = vector.multi_reduction <add>, %mul3A_170, %reduce_sum3A_171 [1] : vector<64x512x8xf32> to vector<64x8xf32>
    %mul3A_173 = vector.broadcast %broadcast_in_dim3A_112 : vector<1x512xf32> to vector<64x512xf32>
    %mul3A_174 = arith.mulf %convert_element_type3A_165, %mul3A_173 : vector<64x512xf32>
    %reduce_sum3A_175 = arith.constant dense<0.000000e+00> : vector<64xf32>
    %reduce_sum3A_176 = vector.multi_reduction <add>, %mul3A_174, %reduce_sum3A_175 [1] : vector<64x512xf32> to vector<64xf32>
    %broadcast_in_dim3A_177 = vector.shape_cast %reduce_sum3A_176 : vector<64xf32> to vector<64x1xf32>
    %eq3A_178 = arith.cmpi eq, %iota3A_103, %iota3A_104 : vector<512x512xi32>
    %jit3A_179 = arith.constant 0 : i32
    %broadcast_in_dim3A_180 = vector.shape_cast %broadcast_in_dim3A_102 : vector<512x1xi32> to vector<512x1xi32>
    %broadcast_in_dim3A_181 = vector.broadcast %broadcast_in_dim3A_180 : vector<512x1xi32> to vector<512x512xi32>
    %broadcast_in_dim3A_182 = vector.broadcast %jit3A_179 : i32 to vector<512x512xi32>
    %select_n3A_183 = arith.select %eq3A_178, %broadcast_in_dim3A_181, %broadcast_in_dim3A_182 : vector<512x512xi1>, vector<512x512xi32>
    %reduce_sum3A_184 = arith.constant dense<0> : vector<512xi32>
    %reduce_sum3A_185 = vector.multi_reduction <add>, %select_n3A_183, %reduce_sum3A_184 [0] : vector<512x512xi32> to vector<512xi32>
    %broadcast_in_dim3A_186 = vector.shape_cast %reduce_sum3A_185 : vector<512xi32> to vector<1x512xi32>
    %convert_element_type3A_187 = arith.fptosi %convert_element_type3A_165 : vector<64x512xf32> to vector<64x512xi32>
    %mul3A_188 = vector.broadcast %broadcast_in_dim3A_186 : vector<1x512xi32> to vector<64x512xi32>
    %mul3A_189 = arith.muli %convert_element_type3A_187, %mul3A_188 : vector<64x512xi32>
    %reduce_sum3A_190 = arith.constant dense<0> : vector<64xi32>
    %reduce_sum3A_191 = vector.multi_reduction <add>, %mul3A_189, %reduce_sum3A_190 [1] : vector<64x512xi32> to vector<64xi32>
    %broadcast_in_dim3A_192 = vector.shape_cast %reduce_sum3A_191 : vector<64xi32> to vector<64x1xi32>
    %iota3A_193 = tpu.iota {dimensions = array<i32: 1>} : vector<64x32xi32>
    %eq3A_194 = vector.broadcast %broadcast_in_dim3A_192 : vector<64x1xi32> to vector<64x32xi32>
    %eq3A_195 = arith.cmpi eq, %eq3A_194, %iota3A_193 : vector<64x32xi32>
    %convert_element_type3A_196 = arith.extui %eq3A_195 : vector<64x32xi1> to vector<64x32xi32>
    %convert_element_type3A_197 = arith.sitofp %convert_element_type3A_196 : vector<64x32xi32> to vector<64x32xf32>
    %broadcast_in_dim3A_198 = vector.shape_cast %convert_element_type3A_197 : vector<64x32xf32> to vector<64x1x32xf32>
    %broadcast_in_dim3A_199 = vector.shape_cast %get3A_8 : vector<8x32xf32> to vector<1x8x32xf32>
    %mul3A_200 = vector.broadcast %broadcast_in_dim3A_198 : vector<64x1x32xf32> to vector<64x8x32xf32>
    %mul3A_201 = vector.broadcast %broadcast_in_dim3A_199 : vector<1x8x32xf32> to vector<64x8x32xf32>
    %mul3A_202 = arith.mulf %mul3A_200, %mul3A_201 : vector<64x8x32xf32>
    %reduce_sum3A_203 = arith.constant dense<0.000000e+00> : vector<64x8xf32>
    %reduce_sum3A_204 = vector.multi_reduction <add>, %mul3A_202, %reduce_sum3A_203 [2] : vector<64x8x32xf32> to vector<64x8xf32>
    %slice3A_205 = vector.extract_strided_slice %reduce_sum3A_172 {offsets = [0, 0], sizes = [64, 1], strides = [1, 1]} : vector<64x8xf32> to vector<64x1xf32>
    %slice3A_206 = vector.extract_strided_slice %reduce_sum3A_172 {offsets = [0, 1], sizes = [64, 1], strides = [1, 1]} : vector<64x8xf32> to vector<64x1xf32>
    %slice3A_207 = vector.extract_strided_slice %reduce_sum3A_172 {offsets = [0, 2], sizes = [64, 1], strides = [1, 1]} : vector<64x8xf32> to vector<64x1xf32>
    %slice3A_208 = vector.extract_strided_slice %reduce_sum3A_172 {offsets = [0, 6], sizes = [64, 1], strides = [1, 1]} : vector<64x8xf32> to vector<64x1xf32>
    %cos3A = math.cos %slice3A_208 : vector<64x1xf32>
    %sin3A = math.sin %slice3A_208 : vector<64x1xf32>
    %get3A_209 = arith.constant 0 : index
    %get3A_210 = arith.constant 0 : index
    %get3A_211 = arith.constant 0 : index
    %get3A_212 = vector.load %arg3[%get3A_209, %get3A_210, %get3A_211] : memref<1x3x16384xf32, #tpu.memory_space<vmem>>, vector<1x1x16384xf32>
    %get3A_213 = vector.shape_cast %get3A_212 : vector<1x1x16384xf32> to vector<1x16384xf32>
    %get3A_214 = arith.constant 0 : index
    %get3A_215 = arith.constant 1 : index
    %get3A_216 = arith.constant 0 : index
    %get3A_217 = vector.load %arg3[%get3A_214, %get3A_215, %get3A_216] : memref<1x3x16384xf32, #tpu.memory_space<vmem>>, vector<1x1x16384xf32>
    %get3A_218 = vector.shape_cast %get3A_217 : vector<1x1x16384xf32> to vector<1x16384xf32>
    %get3A_219 = arith.constant 0 : index
    %get3A_220 = arith.constant 2 : index
    %get3A_221 = arith.constant 0 : index
    %get3A_222 = vector.load %arg3[%get3A_219, %get3A_220, %get3A_221] : memref<1x3x16384xf32, #tpu.memory_space<vmem>>, vector<1x1x16384xf32>
    %get3A_223 = vector.shape_cast %get3A_222 : vector<1x1x16384xf32> to vector<1x16384xf32>
    %sub3A_224 = vector.broadcast %get3A_213 : vector<1x16384xf32> to vector<64x16384xf32>
    %sub3A_225 = vector.broadcast %slice3A_205 : vector<64x1xf32> to vector<64x16384xf32>
    %sub3A_226 = arith.subf %sub3A_224, %sub3A_225 : vector<64x16384xf32>
    %sub3A_227 = vector.broadcast %get3A_218 : vector<1x16384xf32> to vector<64x16384xf32>
    %sub3A_228 = vector.broadcast %slice3A_206 : vector<64x1xf32> to vector<64x16384xf32>
    %sub3A_229 = arith.subf %sub3A_227, %sub3A_228 : vector<64x16384xf32>
    %sub3A_230 = vector.broadcast %get3A_223 : vector<1x16384xf32> to vector<64x16384xf32>
    %sub3A_231 = vector.broadcast %slice3A_207 : vector<64x1xf32> to vector<64x16384xf32>
    %sub3A_232 = arith.subf %sub3A_230, %sub3A_231 : vector<64x16384xf32>
    %mul3A_233 = arith.mulf %sub3A_226, %sub3A_226 : vector<64x16384xf32>
    %mul3A_234 = arith.mulf %sub3A_229, %sub3A_229 : vector<64x16384xf32>
    %add3A_235 = arith.addf %mul3A_233, %mul3A_234 : vector<64x16384xf32>
    %mul3A_236 = arith.mulf %sub3A_232, %sub3A_232 : vector<64x16384xf32>
    %add3A_237 = arith.addf %add3A_235, %mul3A_236 : vector<64x16384xf32>
    %swap3A = arith.constant 0 : index
    %swap3A_238 = arith.constant 0 : index
    %swap3A_239 = arith.constant 0 : index
    %swap3A_240 = vector.load %arg4[%swap3A, %swap3A_238, %swap3A_239] : memref<1x64x16384xf32, #tpu.memory_space<vmem>>, vector<1x64x16384xf32>
    %swap3A_241 = vector.shape_cast %swap3A_240 : vector<1x64x16384xf32> to vector<64x16384xf32>
    %swap3A_242 = vector.shape_cast %add3A_237 : vector<64x16384xf32> to vector<1x64x16384xf32>
    tpu.vector_store %arg4[%swap3A, %swap3A_238, %swap3A_239], %swap3A_242 {strides = array<i32>} : memref<1x64x16384xf32, #tpu.memory_space<vmem>>, vector<1x64x16384xf32>,
    %reduce_min3A_243 = arith.constant dense<0x7F800000> : vector<64xf32>
    %reduce_min3A_244 = vector.multi_reduction <minimumf>, %add3A_237, %reduce_min3A_243 [1] : vector<64x16384xf32> to vector<64xf32>
    %broadcast_in_dim3A_245 = vector.shape_cast %reduce_min3A_244 : vector<64xf32> to vector<64x1xf32>
    %bitcast_convert_type3A = tpu.bitcast %add3A_237 : vector<64x16384xf32> -> vector<64x16384xi32>
    %broadcast_in_dim3A_246 = arith.constant 0 : i32
    %broadcast_in_dim3A_247 = vector.broadcast %broadcast_in_dim3A_246 : i32 to vector<64x1xi32>
    %broadcast_in_dim3A_248 = arith.constant 2139095039 : i32
    %broadcast_in_dim3A_249 = vector.broadcast %broadcast_in_dim3A_248 : i32 to vector<64x1xi32>
    %scan3A = arith.constant 0 : i32
    %scan3A_250 = arith.constant 31 : i32
    %scan3A_251 = arith.addi %scan3A, %scan3A_250 : i32
    %scan3A_252 = arith.constant 1 : i32
    %scan3A_253:2 = scf.for %scan3A_359 = %scan3A to %scan3A_251 step %scan3A_252 iter_args(%scan3A_360 = %broadcast_in_dim3A_247, %scan3A_361 = %broadcast_in_dim3A_249) -> (vector<64x1xi32>, vector<64x1xi32>)  : i32 {
      %sub3A_362 = arith.subi %scan3A_361, %scan3A_360 : vector<64x1xi32>
      %jit3A_363 = arith.constant 2 : i32
      %div3A_364 = vector.broadcast %jit3A_363 : i32 to vector<64x1xi32>
      %div3A_365 = arith.divsi %sub3A_362, %div3A_364 : vector<64x1xi32>
      %sign3A = arith.constant 0 : i32
      %sign3A_366 = vector.broadcast %sign3A : i32 to vector<64x1xi32>
      %sign3A_367 = arith.cmpi sgt, %sub3A_362, %sign3A_366 : vector<64x1xi32>
      %sign3A_368 = arith.extui %sign3A_367 : vector<64x1xi1> to vector<64x1xi32>
      %sign3A_369 = arith.constant 0 : i32
      %sign3A_370 = vector.broadcast %sign3A_369 : i32 to vector<64x1xi32>
      %sign3A_371 = arith.cmpi slt, %sub3A_362, %sign3A_370 : vector<64x1xi32>
      %sign3A_372 = arith.extui %sign3A_371 : vector<64x1xi1> to vector<64x1xi32>
      %sign3A_373 = arith.subi %sign3A_368, %sign3A_372 : vector<64x1xi32>
      %sign3A_374 = arith.constant 0 : i32
      %sign3A_375 = arith.cmpi sgt, %jit3A_363, %sign3A_374 : i32
      %sign3A_376 = arith.extui %sign3A_375 : i1 to i32
      %sign3A_377 = arith.constant 0 : i32
      %sign3A_378 = arith.cmpi slt, %jit3A_363, %sign3A_377 : i32
      %sign3A_379 = arith.extui %sign3A_378 : i1 to i32
      %sign3A_380 = arith.subi %sign3A_376, %sign3A_379 : i32
      %ne3A = vector.broadcast %sign3A_380 : i32 to vector<64x1xi32>
      %ne3A_381 = arith.cmpi ne, %sign3A_373, %ne3A : vector<64x1xi32>
      %rem3A = vector.broadcast %jit3A_363 : i32 to vector<64x1xi32>
      %rem3A_382 = arith.remsi %sub3A_362, %rem3A : vector<64x1xi32>
      %ne3A_383 = arith.constant 0 : i32
      %ne3A_384 = vector.broadcast %ne3A_383 : i32 to vector<64x1xi32>
      %ne3A_385 = arith.cmpi ne, %rem3A_382, %ne3A_384 : vector<64x1xi32>
      %and3A_386 = arith.andi %ne3A_381, %ne3A_385 : vector<64x1xi1>
      %sub3A_387 = arith.constant 1 : i32
      %sub3A_388 = vector.broadcast %sub3A_387 : i32 to vector<64x1xi32>
      %sub3A_389 = arith.subi %div3A_365, %sub3A_388 : vector<64x1xi32>
      %select_n3A_390 = arith.select %and3A_386, %sub3A_389, %div3A_365 : vector<64x1xi1>, vector<64x1xi32>
      %add3A_391 = arith.addi %scan3A_360, %select_n3A_390 : vector<64x1xi32>
      %le3A_392 = vector.broadcast %add3A_391 : vector<64x1xi32> to vector<64x16384xi32>
      %le3A_393 = arith.cmpi sle, %bitcast_convert_type3A, %le3A_392 : vector<64x16384xi32>
      %convert_element_type3A_394 = arith.extui %le3A_393 : vector<64x16384xi1> to vector<64x16384xi32>
      %reduce_sum3A_395 = arith.constant dense<0> : vector<64xi32>
      %reduce_sum3A_396 = vector.multi_reduction <add>, %convert_element_type3A_394, %reduce_sum3A_395 [1] : vector<64x16384xi32> to vector<64xi32>
      %broadcast_in_dim3A_397 = vector.shape_cast %reduce_sum3A_396 : vector<64xi32> to vector<64x1xi32>
      %ge3A_398 = arith.constant 512 : i32
      %ge3A_399 = vector.broadcast %ge3A_398 : i32 to vector<64x1xi32>
      %ge3A_400 = arith.cmpi sge, %broadcast_in_dim3A_397, %ge3A_399 : vector<64x1xi32>
      %add3A_401 = arith.constant 1 : i32
      %add3A_402 = vector.broadcast %add3A_401 : i32 to vector<64x1xi32>
      %add3A_403 = arith.addi %add3A_391, %add3A_402 : vector<64x1xi32>
      %select_n3A_404 = arith.select %ge3A_400, %scan3A_360, %add3A_403 : vector<64x1xi1>, vector<64x1xi32>
      %select_n3A_405 = arith.select %ge3A_400, %add3A_391, %scan3A_361 : vector<64x1xi1>, vector<64x1xi32>
      scf.yield %select_n3A_404, %select_n3A_405 : vector<64x1xi32>, vector<64x1xi32>
    }
    %bitcast_convert_type3A_254 = tpu.bitcast %scan3A_253#0 : vector<64x1xi32> -> vector<64x1xf32>
    %slice3A_255 = vector.extract_strided_slice %reduce_sum3A_172 {offsets = [0, 3], sizes = [64, 1], strides = [1, 1]} : vector<64x8xf32> to vector<64x1xf32>
    %add3A_256 = arith.constant 2.000000e+00 : f32
    %add3A_257 = vector.broadcast %add3A_256 : f32 to vector<64x1xf32>
    %add3A_258 = arith.addf %slice3A_255, %add3A_257 : vector<64x1xf32>
    %slice3A_259 = vector.extract_strided_slice %reduce_sum3A_172 {offsets = [0, 4], sizes = [64, 1], strides = [1, 1]} : vector<64x8xf32> to vector<64x1xf32>
    %add3A_260 = arith.constant 2.000000e+00 : f32
    %add3A_261 = vector.broadcast %add3A_260 : f32 to vector<64x1xf32>
    %add3A_262 = arith.addf %slice3A_259, %add3A_261 : vector<64x1xf32>
    %slice3A_263 = vector.extract_strided_slice %reduce_sum3A_172 {offsets = [0, 5], sizes = [64, 1], strides = [1, 1]} : vector<64x8xf32> to vector<64x1xf32>
    %add3A_264 = arith.constant 2.000000e+00 : f32
    %add3A_265 = vector.broadcast %add3A_264 : f32 to vector<64x1xf32>
    %add3A_266 = arith.addf %slice3A_263, %add3A_265 : vector<64x1xf32>
    %div3A_267 = arith.constant 2.000000e+00 : f32
    %div3A_268 = vector.broadcast %div3A_267 : f32 to vector<64x1xf32>
    %div3A_269 = arith.divf %add3A_258, %div3A_268 : vector<64x1xf32>
    %integer_pow3A = arith.mulf %div3A_269, %div3A_269 : vector<64x1xf32>
    %div3A_270 = arith.constant 2.000000e+00 : f32
    %div3A_271 = vector.broadcast %div3A_270 : f32 to vector<64x1xf32>
    %div3A_272 = arith.divf %add3A_262, %div3A_271 : vector<64x1xf32>
    %integer_pow3A_273 = arith.mulf %div3A_272, %div3A_272 : vector<64x1xf32>
    %add3A_274 = arith.addf %integer_pow3A, %integer_pow3A_273 : vector<64x1xf32>
    %div3A_275 = arith.constant 2.000000e+00 : f32
    %div3A_276 = vector.broadcast %div3A_275 : f32 to vector<64x1xf32>
    %div3A_277 = arith.divf %add3A_266, %div3A_276 : vector<64x1xf32>
    %integer_pow3A_278 = arith.mulf %div3A_277, %div3A_277 : vector<64x1xf32>
    %add3A_279 = arith.addf %add3A_274, %integer_pow3A_278 : vector<64x1xf32>
    %le3A = arith.cmpf ole, %broadcast_in_dim3A_245, %add3A_279 : vector<64x1xf32>
    %div3A_280 = arith.constant 6.28318548 : f32
    %div3A_281 = vector.broadcast %div3A_280 : f32 to vector<64x1xf32>
    %div3A_282 = arith.divf %slice3A_208, %div3A_281 : vector<64x1xf32>
    %floor3A = math.floor %div3A_282 : vector<64x1xf32>
    %mul3A_283 = arith.constant 6.28318548 : f32
    %mul3A_284 = vector.broadcast %mul3A_283 : f32 to vector<64x1xf32>
    %mul3A_285 = arith.mulf %floor3A, %mul3A_284 : vector<64x1xf32>
    %sub3A_286 = arith.subf %slice3A_208, %mul3A_285 : vector<64x1xf32>
    %slice3A_287 = vector.extract_strided_slice %reduce_sum3A_204 {offsets = [0, 0], sizes = [64, 1], strides = [1, 1]} : vector<64x8xf32> to vector<64x1xf32>
    %sub3A_288 = arith.subf %slice3A_287, %slice3A_205 : vector<64x1xf32>
    %slice3A_289 = vector.extract_strided_slice %reduce_sum3A_204 {offsets = [0, 1], sizes = [64, 1], strides = [1, 1]} : vector<64x8xf32> to vector<64x1xf32>
    %sub3A_290 = arith.subf %slice3A_289, %slice3A_206 : vector<64x1xf32>
    %slice3A_291 = vector.extract_strided_slice %reduce_sum3A_204 {offsets = [0, 2], sizes = [64, 1], strides = [1, 1]} : vector<64x8xf32> to vector<64x1xf32>
    %sub3A_292 = arith.subf %slice3A_291, %slice3A_207 : vector<64x1xf32>
    %mul3A_293 = arith.mulf %sub3A_288, %cos3A : vector<64x1xf32>
    %mul3A_294 = arith.mulf %sub3A_292, %sin3A : vector<64x1xf32>
    %sub3A_295 = arith.subf %mul3A_293, %mul3A_294 : vector<64x1xf32>
    %mul3A_296 = arith.mulf %sub3A_288, %sin3A : vector<64x1xf32>
    %mul3A_297 = arith.mulf %sub3A_292, %cos3A : vector<64x1xf32>
    %add3A_298 = arith.addf %mul3A_296, %mul3A_297 : vector<64x1xf32>
    %slice3A_299 = vector.extract_strided_slice %reduce_sum3A_204 {offsets = [0, 6], sizes = [64, 1], strides = [1, 1]} : vector<64x8xf32> to vector<64x1xf32>
    %sub3A_300 = arith.subf %slice3A_299, %sub3A_286 : vector<64x1xf32>
    %gt3A_301 = arith.constant 5.500000e-01 : f32
    %gt3A_302 = vector.broadcast %gt3A_301 : f32 to vector<64x1xf32>
    %gt3A_303 = arith.cmpf ogt, %broadcast_in_dim3A_177, %gt3A_302 : vector<64x1xf32>
    %and3A_304 = arith.andi %gt3A_303, %le3A : vector<64x1xi1>
    %convert_element_type3A_305 = arith.extui %and3A_304 : vector<64x1xi1> to vector<64x1xi32>
    %convert_element_type3A_306 = arith.sitofp %convert_element_type3A_305 : vector<64x1xi32> to vector<64x1xf32>
    %gt3A_307 = arith.constant 6.000000e-01 : f32
    %gt3A_308 = vector.broadcast %gt3A_307 : f32 to vector<64x1xf32>
    %gt3A_309 = arith.cmpf ogt, %broadcast_in_dim3A_177, %gt3A_308 : vector<64x1xf32>
    %jit3A_310 = arith.constant 1.000000e+00 : f32
    %jit3A_311 = arith.constant 0.000000e+00 : f32
    %broadcast_in_dim3A_312 = vector.broadcast %jit3A_310 : f32 to vector<64x1xf32>
    %broadcast_in_dim3A_313 = vector.broadcast %jit3A_311 : f32 to vector<64x1xf32>
    %select_n3A_314 = arith.select %gt3A_309, %broadcast_in_dim3A_312, %broadcast_in_dim3A_313 : vector<64x1xi1>, vector<64x1xf32>
    %gt3A_315 = arith.constant 4.500000e-01 : f32
    %gt3A_316 = vector.broadcast %gt3A_315 : f32 to vector<64x1xf32>
    %gt3A_317 = arith.cmpf ogt, %broadcast_in_dim3A_177, %gt3A_316 : vector<64x1xf32>
    %lt3A_318 = arith.constant 6.000000e-01 : f32
    %lt3A_319 = vector.broadcast %lt3A_318 : f32 to vector<64x1xf32>
    %lt3A_320 = arith.cmpf olt, %broadcast_in_dim3A_177, %lt3A_319 : vector<64x1xf32>
    %and3A_321 = arith.andi %gt3A_317, %lt3A_320 : vector<64x1xi1>
    %not3A = arith.constant dense<true> : vector<64x1xi1>
    %not3A_322 = arith.xori %le3A, %not3A : vector<64x1xi1>
    %or3A_323 = arith.ori %not3A_322, %and3A_321 : vector<64x1xi1>
    %jit3A_324 = arith.constant -1.000000e+00 : f32
    %broadcast_in_dim3A_325 = vector.broadcast %jit3A_324 : f32 to vector<64x1xf32>
    %select_n3A_326 = arith.select %or3A_323, %broadcast_in_dim3A_325, %select_n3A_314 : vector<64x1xi1>, vector<64x1xf32>
    %broadcast_in_dim3A_327 = arith.constant 0.000000e+00 : f32
    %broadcast_in_dim3A_328 = vector.broadcast %broadcast_in_dim3A_327 : f32 to vector<64x1xf32>
    %slice3A_329 = vector.extract_strided_slice %reduce_sum3A_204 {offsets = [0, 3], sizes = [64, 1], strides = [1, 1]} : vector<64x8xf32> to vector<64x1xf32>
    %slice3A_330 = vector.extract_strided_slice %reduce_sum3A_204 {offsets = [0, 4], sizes = [64, 1], strides = [1, 1]} : vector<64x8xf32> to vector<64x1xf32>
    %slice3A_331 = vector.extract_strided_slice %reduce_sum3A_204 {offsets = [0, 5], sizes = [64, 1], strides = [1, 1]} : vector<64x8xf32> to vector<64x1xf32>
    %concatenate3A = tpu.concatenate %reduce_sum3A_172, %sub3A_295, %sub3A_290, %add3A_298, %slice3A_329, %slice3A_330, %slice3A_331, %sub3A_300, %broadcast_in_dim3A_328, %broadcast_in_dim3A_177, %select_n3A_326, %convert_element_type3A_306, %broadcast_in_dim3A_328, %broadcast_in_dim3A_328, %broadcast_in_dim3A_328, %broadcast_in_dim3A_328, %broadcast_in_dim3A_328, %broadcast_in_dim3A_328, %broadcast_in_dim3A_328, %broadcast_in_dim3A_328, %broadcast_in_dim3A_328, %broadcast_in_dim3A_328, %broadcast_in_dim3A_328, %broadcast_in_dim3A_328, %broadcast_in_dim3A_328 in 1 : vector<64x8xf32>, vector<64x1xf32>, vector<64x1xf32>, vector<64x1xf32>, vector<64x1xf32>, vector<64x1xf32>, vector<64x1xf32>, vector<64x1xf32>, vector<64x1xf32>, vector<64x1xf32>, vector<64x1xf32>, vector<64x1xf32>, vector<64x1xf32>, vector<64x1xf32>, vector<64x1xf32>, vector<64x1xf32>, vector<64x1xf32>, vector<64x1xf32>, vector<64x1xf32>, vector<64x1xf32>, vector<64x1xf32>, vector<64x1xf32>, vector<64x1xf32>, vector<64x1xf32>, vector<64x1xf32> -> vector<64x32xf32>
    %swap3A_332 = arith.constant 0 : index
    %swap3A_333 = arith.constant 0 : index
    %swap3A_334 = arith.constant 0 : index
    %swap3A_335 = vector.load %arg6[%swap3A_332, %swap3A_333, %swap3A_334] : memref<1x64x32xf32, #tpu.memory_space<vmem>>, vector<1x64x32xf32>
    %swap3A_336 = vector.shape_cast %swap3A_335 : vector<1x64x32xf32> to vector<64x32xf32>
    %swap3A_337 = vector.shape_cast %concatenate3A : vector<64x32xf32> to vector<1x64x32xf32>
    tpu.vector_store %arg6[%swap3A_332, %swap3A_333, %swap3A_334], %swap3A_337 {strides = array<i32>} : memref<1x64x32xf32, #tpu.memory_space<vmem>>, vector<1x64x32xf32>,
    %broadcast_in_dim3A_338 = arith.constant 1.000000e+00 : f32
    %broadcast_in_dim3A_339 = vector.broadcast %broadcast_in_dim3A_338 : f32 to vector<64x16xf32>
    %mul3A_340 = vector.broadcast %bitcast_convert_type3A_254 : vector<64x1xf32> to vector<64x16xf32>
    %mul3A_341 = arith.mulf %mul3A_340, %broadcast_in_dim3A_339 : vector<64x16xf32>
    %mul3A_342 = vector.broadcast %slice3A_205 : vector<64x1xf32> to vector<64x16xf32>
    %mul3A_343 = arith.mulf %mul3A_342, %broadcast_in_dim3A_339 : vector<64x16xf32>
    %mul3A_344 = vector.broadcast %slice3A_206 : vector<64x1xf32> to vector<64x16xf32>
    %mul3A_345 = arith.mulf %mul3A_344, %broadcast_in_dim3A_339 : vector<64x16xf32>
    %mul3A_346 = vector.broadcast %slice3A_207 : vector<64x1xf32> to vector<64x16xf32>
    %mul3A_347 = arith.mulf %mul3A_346, %broadcast_in_dim3A_339 : vector<64x16xf32>
    %mul3A_348 = vector.broadcast %cos3A : vector<64x1xf32> to vector<64x16xf32>
    %mul3A_349 = arith.mulf %mul3A_348, %broadcast_in_dim3A_339 : vector<64x16xf32>
    %mul3A_350 = vector.broadcast %sin3A : vector<64x1xf32> to vector<64x16xf32>
    %mul3A_351 = arith.mulf %mul3A_350, %broadcast_in_dim3A_339 : vector<64x16xf32>
    %concatenate3A_352 = tpu.concatenate %mul3A_341, %mul3A_343, %mul3A_345, %mul3A_347, %mul3A_349, %mul3A_351 in 1 : vector<64x16xf32>, vector<64x16xf32>, vector<64x16xf32>, vector<64x16xf32>, vector<64x16xf32>, vector<64x16xf32> -> vector<64x96xf32>
    %swap3A_353 = arith.constant 0 : index
    %swap3A_354 = arith.constant 0 : index
    %swap3A_355 = arith.constant 0 : index
    %swap3A_356 = vector.load %arg5[%swap3A_353, %swap3A_354, %swap3A_355] : memref<1x64x96xf32, #tpu.memory_space<vmem>>, vector<1x64x96xf32>
    %swap3A_357 = vector.shape_cast %swap3A_356 : vector<1x64x96xf32> to vector<64x96xf32>
    %swap3A_358 = vector.shape_cast %concatenate3A_352 : vector<64x96xf32> to vector<1x64x96xf32>
    tpu.vector_store %arg5[%swap3A_353, %swap3A_354, %swap3A_355], %swap3A_358 {strides = array<i32>} : memref<1x64x96xf32, #tpu.memory_space<vmem>>, vector<1x64x96xf32>,
    return
  }
  func.func @transform_0(%arg0: i32) -> (i32, i32, i32) {
    %c0_i32 = arith.constant 0 : i32
    %c0_i32_0 = arith.constant 0 : i32
    %c0_i32_1 = arith.constant 0 : i32
    return %arg0, %c0_i32, %c0_i32_0 : i32, i32, i32
  }
  func.func @transform_1(%arg0: i32) -> (i32, i32, i32) {
    %c0_i32 = arith.constant 0 : i32
    %c0_i32_0 = arith.constant 0 : i32
    %c0_i32_1 = arith.constant 0 : i32
    return %arg0, %c0_i32, %c0_i32_0 : i32, i32, i32
  }
  func.func @transform_2(%arg0: i32) -> (i32, i32, i32) {
    %c0_i32 = arith.constant 0 : i32
    %c0_i32_0 = arith.constant 0 : i32
    %c0_i32_1 = arith.constant 0 : i32
    return %arg0, %c0_i32, %c0_i32_0 : i32, i32, i32
  }
  func.func @transform_3(%arg0: i32) -> (i32, i32, i32) {
    %c0_i32 = arith.constant 0 : i32
    %c0_i32_0 = arith.constant 0 : i32
    %c0_i32_1 = arith.constant 0 : i32
    return %arg0, %c0_i32, %c0_i32_0 : i32, i32, i32
  }
  func.func @transform_4(%arg0: i32) -> (i32, i32, i32) {
    %c0_i32 = arith.constant 0 : i32
    %c0_i32_0 = arith.constant 0 : i32
    %c0_i32_1 = arith.constant 0 : i32
    return %arg0, %c0_i32, %c0_i32_0 : i32, i32, i32
  }
  func.func @transform_5(%arg0: i32) -> (i32, i32, i32) {
    %c0_i32 = arith.constant 0 : i32
    %c0_i32_0 = arith.constant 0 : i32
    %c0_i32_1 = arith.constant 0 : i32
    return %arg0, %c0_i32, %c0_i32_0 : i32, i32, i32
  }
}

</mosaic_0001>

<sc_bundles>
// kernel: kernel.4.cloned.1.call-start
scs
__scs_entry_jumppad:
0x0: {  	(pc) =	sbr.rel $0x88, $3  }
0x1: {  	(tag) =	ssettag $0x0;
	lr =	simm.s32 $0x1  }
0x2: {  	[smem:$0x3F9D] =	sst lr;
	_ =	strace $0xD0000000  }
0x3: {  	_ = 	snop  }
0x4: {  	_ = 	snop  }
0x5: {  	_ = 	snop  }
0x6: {  	_ = 	snop  }
0x7: {  	_ = 	snop  }
__scs_overlays_trampoline_lowered:
0x8: {  	[smem:$0x3FAC] =	sst s0  }
0x9: {  	[smem:$0x3FAD] =	sst s1  }
0xa: {  	[smem:$0x3FAE] =	sst s2  }
0xb: {  	[smem:$0x3FAF] =	sst s3  }
0xc: {  	[smem:$0x3FB0] =	sst s4  }
0xd: {  	[smem:$0x3FB1] =	sst s5  }
0xe: {  	[smem:$0x3FB2] =	sst s6  }
0xf: {  	[smem:$0x3FB3] =	sst s7  }
0x10: {  	[smem:$0x3FB4] =	sst s8  }
0x11: {  	[smem:$0x3FB5] =	sst s9;
	s0 =	simm.s32 @!p0 $0x0  }
0x12: {  	s1 =	sld [smem:$0x3F9B];
	s0 =	simm.s32 @p0 $0x1  }
0x13: {  	[smem:$0x3FB6] =	sst s0;
	s0 =	simm.s32 @!p1 $0x0  }
0x14: {  	s2 =	sld [smem:$0x3F9A];
	s0 =	simm.s32 @p1 $0x1  }
0x15: {  	[smem:$0x3FB7] =	sst s0;
	s0 =	simm.s32 @!p2 $0x0  }
0x16: {  	s3 =	sld [smem:$0x3FDB];
	s0 =	simm.s32 @p2 $0x1  }
0x17: {  	s4 =	simm.s32 $0x1BF5;
	[smem:$0x3FB9] =	sst s0  }
0x18: {  	s0 =	sld [smem:$0x3F9C];
	_ =	swait.ge [sflag:s4], $0x0  }
0x19: {  	s7 =	sld [smem:$0x3F9D]  }
0x1a: {  	s8 =	sadd.s32 $0xFFFFE003, lr  }
0x1b: {  	s9 =	sadd.s32 $0xFFFFFEF7, lr;
	s5 =	simm.s32 $0xFFFFFFFF;
	p2 =	slt.u32 s8, $0xFFFFF086  }
0x1c: {  	p1 =	slt.u32 s9, $0xF7A;
	s5 =	simm.s32 @!p2 $0x0  }
0x1d: {  	s5 =	simm.s32 @p1 $0x1;
	p0 =	seq.s32 s7, s2  }
0x1e: {  	s7 =	smul.u32 @!p0 $0xF7A, s2;
	p2 =	seq.s32 @!p0 s5, $0x0  }
0x1f: {  	s9 =	smul.u32 $0xF7A, s1;
	s8 =	simm.s32 @!p0 $0x1BF5;
	p2 =	por !p2, p0  }
0x20: {  	[sflag:s8] =	ssyncset.s32 @!p0 $0xFFFFF086;
	s6 =	sadd.s32 @!p0 s3, s7;
	s7 =	simm.s32 @!p0 $0x108  }
0x21: {  	s3 =	sadd.s32 s3, s9;
	s6 =	sadd.s32 @!p0 $0x88, s6;
	s7 =	simm.s32 @p2 $0x1082  }
0x22: {  	[simem:s7], [sflag:s8] =	dma.local @!p0 [hbm:s6], $0xF7A  }
0x23: {  	s9 =	sor.u32 $0xD0000000, s2;
	s6 =	simm.s32 $0x108;
	_ =	swait.ge @!p0 [sflag:s8], $0x0  }
0x24: {  	s3 =	sadd.s32 $0x88, s3;
	s6 =	simm.s32 @!p1 $0x1082;
	[sflag:s4] =	ssyncset.s32 $0xFFFFF086  }
0x25: {  	[simem:s6], [sflag:s4] =	dma.local [hbm:s3], $0xF7A  }
0x26: {  	[smem:$0x3F9D] =	sst s1;
	(tag) =	ssettag s2;
	_ =	strace s9  }
0x27: {  	s1 =	sld [smem:$0x3FAD]  }
0x28: {  	s2 =	sld [smem:$0x3FAE]  }
0x29: {  	s4 =	sld [smem:$0x3FB0]  }
0x2a: {  	p0 =	seq.s32 s5, $0x0;
	s5 =	sld [smem:$0x3FB1]  }
0x2b: {  	s6 =	sld [smem:$0x3FB2]  }
0x2c: {  	s7 =	sld [smem:$0x3FB3]  }
0x2d: {  	s3 =	simm.s32 $0x108;
	s8 =	sld [smem:$0x3FB4]  }
0x2e: {  	s3 =	simm.s32 @!p0 $0x1082;
	s9 =	sld [smem:$0x3FB5]  }
0x2f: {  	lr =	sadd.s32 s0, s3;
	s0 =	sld [smem:$0x3FAC]  }
0x30: {  	s3 =	sld [smem:$0x3FAF]  }
0x31: {  	[smem:$0x3FB8] =	sst s10  }
0x32: {  	s10 =	sld [smem:$0x3FB6];
	_ =	sdelay $0x3  }
0x33: {  	p0 =	seq.s32 s10, $0x1;
	s10 =	sld [smem:$0x3FB8];
	_ =	sdelay $0x3  }
0x34: {  	[smem:$0x3FB8] =	sst s10  }
0x35: {  	s10 =	sld [smem:$0x3FB7];
	_ =	sdelay $0x3  }
0x36: {  	p1 =	seq.s32 s10, $0x1;
	s10 =	sld [smem:$0x3FB8];
	_ =	sdelay $0x3  }
0x37: {  	[smem:$0x3FB8] =	sst s10  }
0x38: {  	s10 =	sld [smem:$0x3FB9]  }
0x39: {  	_ = 	snop;
	(pc) =	sbr.ind lr, $3  }
0x3a: {  	_ = 	snop  }
0x3b: {  	_ = 	snop  }
0x3c: {  	p2 =	seq.s32 s10, $0x1;
	s10 =	sld [smem:$0x3FB8]  }
0x3d: {  	_ =	shalt  }
0x3e: {  	_ =	shalt  }
0x3f: {  	_ =	shalt  }
0x40: {  	_ =	shalt  }
0x41: {  	_ =	shalt  }
0x42: {  	_ =	shalt  }
0x43: {  	_ =	shalt  }
0x44: {  	_ =	shalt  }
0x45: {  	_ =	shalt  }
0x46: {  	_ =	shalt  }
0x47: {  	_ =	shalt  }
0x48: {  	_ =	shalt  }
0x49: {  	_ =	shalt  }
0x4a: {  	_ =	shalt  }
0x4b: {  	_ =	shalt  }
0x4c: {  	_ =	shalt  }
0x4d: {  	_ =	shalt  }
0x4e: {  	_ =	shalt  }
0x4f: {  	_ =	shalt  }
0x50: {  	_ =	shalt  }
0x51: {  	_ =	shalt  }
0x52: {  	_ =	shalt  }
0x53: {  	_ =	shalt  }
0x54: {  	_ =	shalt  }
0x55: {  	_ =	shalt  }
0x56: {  	_ =	shalt  }
0x57: {  	_ =	shalt  }
0x58: {  	_ =	shalt  }
0x59: {  	_ =	shalt  }
0x5a: {  	_ =	shalt  }
0x5b: {  	_ =	shalt  }
0x5c: {  	_ =	shalt  }
0x5d: {  	_ =	shalt  }
0x5e: {  	_ =	shalt  }
0x5f: {  	_ =	shalt  }
0x60: {  	_ =	shalt  }
0x61: {  	_ =	shalt  }
0x62: {  	_ =	shalt  }
0x63: {  	_ =	shalt  }
0x64: {  	_ =	shalt  }
0x65: {  	_ =	shalt  }
0x66: {  	_ =	shalt  }
0x67: {  	_ =	shalt  }
0x68: {  	_ =	shalt  }
0x69: {  	_ =	shalt  }
0x6a: {  	_ =	shalt  }
0x6b: {  	_ =	shalt  }
0x6c: {  	_ =	shalt  }
0x6d: {  	_ =	shalt  }
0x6e: {  	_ =	shalt  }
0x6f: {  	_ =	shalt  }
0x70: {  	_ =	shalt  }
0x71: {  	_ =	shalt  }
0x72: {  	_ =	shalt  }
0x73: {  	_ =	shalt  }
0x74: {  	_ =	shalt  }
0x75: {  	_ =	shalt  }
0x76: {  	_ =	shalt  }
0x77: {  	_ =	shalt  }
0x78: {  	_ =	shalt  }
0x79: {  	_ =	shalt  }
0x7a: {  	_ =	shalt  }
0x7b: {  	_ =	shalt  }
0x7c: {  	_ =	shalt  }
0x7d: {  	_ =	shalt  }
0x7e: {  	_ =	shalt  }
0x7f: {  	_ =	shalt  }
0x80: {  	_ =	shalt  }
0x81: {  	_ =	shalt  }
0x82: {  	_ =	shalt  }
0x83: {  	_ =	shalt  }
0x84: {  	_ =	shalt  }
0x85: {  	_ =	shalt  }
0x86: {  	_ =	shalt  }
0x87: {  	_ =	shalt  }
.Lfunc_end0:
.L_simem_size_0:
called_computation_lowered:
.L_overlay_start_0:
0x88: {  	s2 =	sld [smem:$0x3FD9]  }
0x89: {  	s3 =	sld [smem:$0x3FFE];
	_ =	sdelay $0x1  }
0x8a: {  	s1 =	srdreg.scid  }
0x8b: {  	s0 =	sand.u32 $0x1, s1  }
0x8c: {  	s14 =	sshll.u32 s0, $0xA;
	s2 =	sadd.s32 s3, s2  }
0x8d: {  	s2 =	sadd.s32 s2, s14  }
0x8e: {  	[smem:$0x3FC4] =	sst s2  }
0x8f: {  	_ = 	snop  }
0x90: {  	s2 =	sld [smem:$0x3FD0];
	_ =	sdelay $0x2  }
0x91: {  	s4 =	simm.s32 $0xA;
	s5 =	simm.s32 $0x10;
	s15 =	sld [smem:$0x3FC6]  }
0x92: {  	[smem:s5], [sflag:s4] =	dma.local [hbm:s2], $0x1  }
0x93: {  	_ =	swait.eq [sflag:s4], $0x1  }
0x94: {  	[sflag:s4] =	ssyncset.done $0x0  }
0x95: {  	s16 =	sld [smem:$0x10];
	[sflag:s4] =	ssyncadd.s32 $0xFFFFFFFF  }
0x96: {  	s17 =	sld [smem:$0x11];
	(tm) =	ssettm $0x1  }
0x97: {  	s18 =	sld [smem:$0x3FFB];
	_ =	sdelay $0x3  }
0x98: {  	_ =	strace s18  }
0x99: {  	s5 =	sld [smem:$0x3FFC];
	_ =	sdelay $0x3  }
0x9a: {  	_ =	strace s5  }
0x9b: {  	s5 =	sld [smem:$0x3FFD];
	_ =	sdelay $0x3  }
0x9c: {  	_ =	strace s5  }
0x9d: {  	_ =	strace $0x8FFFFFFF  }
0x9e: {  	s19 =	sld [smem:$0x3FDB];
	_ =	sdelay $0x1  }
0x9f: {  	s6 =	simm.s32 $_scs_section_size  }
0xa0: {  	s7 =	simm.s32 $_size__tile_overlayer_lowered;
	s8 =	simm.s32 $_tile_overlayer_lowered  }
0xa1: {  	s22 =	simm.s32 $0x1BFF;
	s21 =	sshll.u32 s8, $0x1;
	s5 =	sadd.s32 s6, s19  }
0xa2: {  	s9 =	simm.s32 $0x0;
	s20 =	sshll.u32 s7, $0x1;
	s7 =	sadd.s32 s21, s5  }
0xa3: {  	[timem:s9], [sflag:s22] =	dma.local [hbm:s7], s20  }
0xa4: {  	_ =	swait.ge [sflag:s22], s20  }
0xa5: {  	s6 =	ssub.s32 $0x0, s20;
	[sflag:s22] =	ssyncset.done $0x0  }
0xa6: {  	[sflag:s22] =	ssyncadd.s32 s6;
	_ =	sdelay $0x1  }
0xa7: {  	s23 =	simm.s32 $0x1B8B  }
0xa8: {  	_ =	swait.ge [sflag:s23], $0x1  }
0xa9: {  	[sflag:s23] =	ssyncset.done $0x0  }
0xaa: {  	s25 =	simm.s32 $0x1B8E;
	s24 =	sld [smem:$0x3FFE];
	[sflag:s23] =	ssyncadd.s32 $0xFFFFFFFF  }
0xab: {  	s26 =	simm.s32 $execute0_lowered;
	[smem:$0x3FD2] =	sst s25  }
0xac: {  	s7 =	sshll.u32 s26, $0x1;
	_ =	strace $0x80000046;
	[dreg:$0x1] =	wrdreg $0xFFFFFFFF  }
0xad: {  	s28 =	simm.s32 $_size_execute0_lowered;
	s5 =	sadd.s32 s5, s7;
	[dreg:$0x0] =	wrdreg $0x0  }
0xae: {  	s7 =	sshll.u32 s28, $0x1;
	[dreg:$0x2] =	wrdreg s5  }
0xaf: {  	[dreg:$0x3] =	wrdreg s7  }
0xb0: {  	[dreg:$0x4] =	wrdreg $0xC0  }
0xb1: {  	_ =	task [dreg:s9], $0x5FFFF  }
0xb2: {  	[dreg:$0x1] =	wrdreg $0xFFFFFFFF  }
0xb3: {  	[dreg:$0x0] =	wrdreg $0x60  }
0xb4: {  	[dreg:$0x2] =	wrdreg s24  }
0xb5: {  	[dreg:$0x3] =	wrdreg s15  }
0xb6: {  	[dreg:$0x4] =	wrdreg s16  }
0xb7: {  	[dreg:$0x5] =	wrdreg s17  }
0xb8: {  	[dreg:$0x6] =	wrdreg $0x9  }
0xb9: {  	_ =	task.clear_ibuf [dreg:s9], $0x7FFFF;
	_ =	strace $0x90000046  }
0xba: {  	s29 =	simm.s32 $0x9;
	_ =	strace $0x80000048  }
0xbb: {  	_ =	swait.ge [sflag:s29], $0x1  }
0xbc: {  	[sflag:s29] =	ssyncadd.s32 $0xFFFFFFFF  }
0xbd: {  	_ =	strace $0x90000048  }
0xbe: {  	_ =	sfence  }
0xbf: {  	s30 =	sld [smem:$0x0];
	_ =	sdelay $0x2  }
0xc0: {  	s31 =	sshll.u32 s1, $0xD;
	s1 =	sshrl.u32 s1, $0x2  }
0xc1: {  	s3 =	sand.u32 $0x4000, s31;
	s1 =	sadd.s32 s1, s30  }
0xc2: {  	s0 =	sor.u32 s3, s0;
	s1 =	sshll.u32 s1, $0x11  }
0xc3: {  	s0 =	sor.u32 s1, s0  }
0xc4: {  	s0 =	sadd.s32 $0x8F2B, s0  }
0xc5: {  	[sflag:s0] =	ssyncadd.remote.s32 $0x1  }
0xc6: {  	_ =	sfence.sel $0xFFFF  }
0xc7: {  	[dreg:$0x0] =	wrdreg $0xFFFFFFFF;
	(pc) =	sbr.abs _section_cstart, $3  }
0xc8: {  	[dreg:$0x1] =	wrdreg $0xFFFFFFFF  }
0xc9: {  	_ =	task.clear_ibuf [dreg:s9], $0x2FFFF;
	_ =	strace $0x9FFFFFFF  }
0xca: {  	(tm) =	ssettm $0x7FFFFFFF  }
0xcb: {  	_ =	shalt  }
tec
execute0_lowered:
.L_overlay_start_1:
0x0: {  	(tag) =	ssettag $0x1  }
0x1: {  	v0 =	vimm.s32 $0xEFCDAB89  }
0x2: {  	v1 =	vimm.s32 $0x67452301;
	vm0 =	vcmask $0x1B14;
	v4 =	vimm.s32 $0x54761032  }
0x3: {  	vm1 =	vcmask $0xB04;
	v6 =	vimm.s32 $0x32107654;
	vm4 =	vcmask $0x704  }
0x4: {  	vm2 =	vcmask $0x3728;
	vm7 =	vcmask $0x1B18;
	vm3 =	vcmask $0x1708  }
0x5: {  	vm5 =	vcmask $0x2724;
	vm6 =	vcmask $0x332C;
	vm9 =	vcmask $0x3B38  }
0x6: {  	vm10 =	vcmask $0xF08;
	vm8 =	vcmask $0x2B28;
	v7 =	vimm.s32 $0x76543210  }
0x7: {  	vm11 =	vcmask $0x3730;
	vm12 =	vcmask $0x300;
	vm13 =	vcmask $0x1310  }
0x8: {  	s5 =	stileid.u32;
	vm14 =	vcmask $0x1710;
	v2 =	vunpack.c.l.s4.s8 v0;
	v1 =	vunpack.c.l.s4.s8 v1  }
0x9: {  	s0 =	sshrl.u32 s5, $0x2;
	v4 =	vunpack.c.l.s4.s8 v4;
	vm0 =	vmor vm1, vm0;
	vm1 =	vcmask $0x2B24  }
0xa: {  	v6 =	vunpack.c.l.s4.s8 v6;
	v7 =	vunpack.c.l.s4.s8 v7;
	s1 =	sshll.u32 s0, $0xE;
	vm0 =	vmor vm0, vm1  }
0xb: {  	vm1 =	vcmask $0x3B34;
	v0 =	vmov s1;
	v2 =	vunpack.c.0.s8.s32 v2  }
0xc: {  	v3 =	vunpack.c.0.s8.s32 v1;
	v1 =	vimm.s32 $0xDCFE98BA;
	v4 =	vunpack.c.0.s8.s32 v4  }
0xd: {  	vm0 =	vmor vm0, vm1;
	vm1 =	vcmask $0x130C;
	v6 =	vunpack.c.0.s8.s32 v6  }
0xe: {  	v7 =	vunpack.c.0.s8.s32 v7;
	v5 =	vunpack.c.l.s4.s8 v1;
	vm1 =	vmor vm4, vm1  }
0xf: {  	v1 =	vimm.s32 $0x0;
	v3 =	vcombine.low v3, v2;
	vm1 =	vmor vm1, vm7  }
0x10: {  	v2 =	vlaneseq.u32;
	v5 =	vunpack.c.0.s8.s32 v5;
	vm5 =	vmor vm1, vm5  }
0x11: {  	vm1 =	vmor vm3, vm2;
	vm3 =	vcmask $0x2F10;
	vm2 =	vmor vm5, vm6  }
0x12: {  	s2 =	rddreg [dreg:$0x0];
	vm5 =	vcmask $0xF0C;
	v4 =	vcombine.low v4, v5;
	v5 =	vimm.s32 $0xBA98FEDC  }
0x13: {  	s8 =	rddreg [dreg:$0x3];
	vm4 =	vmor vm4, vm5;
	vm5 =	vcmask $0x1714;
	v5 =	vunpack.c.l.s4.s8 v5  }
0x14: {  	s15 =	simm.s32 $0x0;
	s3 =	srdreg.scid;
	s16 =	simm.s32 $0x80;
	v3 =	vand.u32 $0xF, v3;
	vm4 =	vmor vm4, vm5;
	vm5 =	vcmask $0x231C  }
0x15: {  	s18 =	simm.s32 $0x4680;
	s19 =	simm.s32 $0x5;
	s20 =	simm.s32 $0x400;
	vm6 =	vcmask $0x2718;
	vm4 =	vmor vm4, vm5;
	v5 =	vunpack.c.0.s8.s32 v5  }
0x16: {  	s23 =	simm.s32 $0x10C80;
	s28 =	simm.s32 $0x2;
	s29 =	simm.s32 $0x3;
	vm5 =	vmor vm10, vm6;
	vm10 =	vcmask $0x3330;
	vm4 =	vmor vm4, vm8  }
0x17: {  	s30 =	simm.s32 $0x4580;
	s31 =	simm.s32 $0x4;
	[smem:$0x7FF] =	sst s15;
	vm6 =	vmor vm4, vm10;
	vm4 =	vmor vm5, vm11;
	v5 =	vcombine.low v6, v5  }
0x18: {  	s6 =	sadd.s32 $0x6600, s2;
	s3 =	sand.u32 $0x1, s3;
	s7 =	sadd.s32 $0x86600, s2;
	v6 =	vimm.s32 $0xFEDCBA98;
	vm5 =	vmor vm6, vm9;
	vm6 =	vcmask $0xB08  }
0x19: {  	s5 =	sshll.u32 s5, $0x4;
	s11 =	sadd.s32 $0x800, s8;
	s12 =	sadd.s32 $0x1000, s8;
	vm2 =	vmor vm2, vm9;
	v6 =	vunpack.c.l.s4.s8 v6;
	vm12 =	vmor vm12, vm6  }
0x1a: {  	s13 =	sadd.s32 $0x1800, s8;
	s0 =	sshll.u32 s0, $0x4;
	s24 =	ssub.s32 $0x2, s3;
	v4 =	vand.u32 $0xF, v4;
	vm6 =	vmmov $0xff;
	vm12 =	vmor vm12, vm13  }
0x1b: {  	s3 =	sshll.u32 s3, $0x3;
	s1 =	rddreg [dreg:$0x1];
	_ =	strace $0x80000047;
	v6 =	vunpack.c.0.s8.s32 v6;
	vm7 =	vmor vm12, vm7;
	vm12 =	vcmask $0x2320  }
0x1c: {  	s0 =	sadd.s32 s0, s2;
	s4 =	sshrl.u32 s24, $0x1;
	s9 =	sor.u32 s3, s5;
	v5 =	vand.u32 $0xF, v5;
	vm7 =	vmor vm7, vm12;
	vm12 =	vcmask $0x700  }
0x1d: {  	s3 =	simm.s32 $0x4600;
	s2 =	ssub.s32 s24, s4;
	s0 =	sadd.s32 $0x600, s0;
	vm13 =	vcmask $0x2F20;
	v6 =	vand.u32 $0xF, v6;
	vm12 =	vmor vm12, vm14  }
0x1e: {  	s25 =	sshrl.u32 s9, $0x3;
	s10 =	sshll.u32 s9, $0xE;
	s24 =	simm.s32 $0x1;
	vm14 =	vcmask $0x2720;
	vm7 =	vmor vm7, vm8;
	vm8 =	vcmask $0xF00  }
0x1f: {  	[dreg:$0x6] =	wrdreg s0;
	s14 =	smul.u32 $0x3000, s25;
	s26 =	smax.u32 s2, $0x1;
	v6 =	vcombine.low v6, v7;
	vm12 =	vmor vm12, vm14;
	vm10 =	vmor vm7, vm10  }
0x20: {  	s0 =	simm.s32 $0x10680;
	[dreg:$0x7] =	wrdreg s26;
	s26 =	simm.s32 $0x14C80;
	vm7 =	vmor vm8, vm13;
	vm8 =	vmor vm12, vm11;
	vm9 =	vmor vm10, vm9  }
.LBB2_1:
0x21: {  	[dreg:$0x5] =	wrdreg s15  }
0x22: {  	s2 =	rddreg [dreg:$0x6];
	s4 =	simm.s32 $0x200  }
0x23: {  	[tilespmem:s18], [sflag:$0x5] =	stream.strided.gather [hbm4b:s2+s16], $0xC000, s4, s16, $0x38;
	[tilespmem:$0x18C80] =	vst v63  }
0x24: {  	_ =	swait.ge [sflag:s19], $0xC000  }
0x25: {  	[sflag:s19] =	ssyncset.done $0x0  }
0x26: {  	s17 =	simm.s32 $0x0;
	[sflag:s19] =	ssyncadd.s32 $0xFFFF4000  }
.LBB2_2:
0x27: {  	s8 =	sshll.u32 s17, $0x7  }
0x28: {  	s2 =	sadd.s32 s10, s8  }
0x29: {  	s2 =	sshrl.u32 s2, $0x3  }
0x2a: {  	s4 =	simm.s32 $0x0;
	s2 =	sadd.s32 s6, s2  }
0x2b: {  	[tilespmem:s4], [sflag:$0x5] =	stream.strided.gather [hbm4b:s2+s16], $0x4000, s20, s16, $0x38;
	[tilespmem:$0x18C80] =	vst v63  }
0x2c: {  	s15 =	sor.u32 s9, s17;
	_ =	swait.ge [sflag:s19], $0x4000  }
0x2d: {  	s25 =	sshll.u32 s15, $0x4;
	[sflag:s19] =	ssyncset.done $0x0  }
0x2e: {  	s5 =	simm.s32 $0x4000;
	s2 =	sadd.s32 s7, s25;
	[sflag:s19] =	ssyncadd.s32 $0xFFFFC000  }
0x2f: {  	[tilespmem:s5], [sflag:$0x5] =	stream.linear.gather [hbm4b:s2+s4], $0x80, $0x38;
	[tilespmem:$0x18C80] =	vst v63  }
0x30: {  	_ =	swait.ge [sflag:s19], $0x80  }
0x31: {  	[sflag:s19] =	ssyncset.done $0x0  }
0x32: {  	[sflag:s19] =	ssyncadd.s32 $0xFFFFFF80  }
0x33: {  	v12 =	vld [tilespmem:$0x4000]  }
0x34: {  	v10 =	vld [tilespmem:$0x4010]  }
0x35: {  	v7 =	vld [tilespmem:$0x4020]  }
0x36: {  	v11 =	vld [tilespmem:$0x4030]  }
0x37: {  	v8 =	vld [tilespmem:$0x4040]  }
0x38: {  	v13 =	vimm.s32 $0x0;
	s21 =	simm.s32 $0x20;
	s22 =	simm.s32 $0x0;
	v9 =	vld [tilespmem:$0x4050]  }
.LBB2_3:
0x39: {  	v14 =	vld [tilespmem:s21+$0xFFFFFFE0];
	_ =	sdelay $0x4  }
0x3a: {  	vm10 =	vle.f32 v14, v12  }
0x3b: {  	v15 =	vsel vm10, $0x1, v1  }
0x3c: {  	(xrf0) =	vadd.scan.msk.s32 $0xffff, v15;
	_ =	sdelay $0x5  }
0x3d: {  	v15, _, _ =	vpop (xrf0)  }
0x3e: {  	v15 =	vadd.s32 v15, v13  }
0x3f: {  	v15 =	vadd.s32 $0xFFFFFFFF, v15  }
0x40: {  	vm11 =	vlt.s32 v15, $0x200  }
0x41: {  	vm11 =	vmand vm10, vm11;
	_ =	sdelay $0x4  }
0x42: {  	s5 =	simm.s32 $0x4080  }
0x43: {  	s2 =	simm.s32 $0x4280;
	[tilespmem:v15+s5+$0x0] =	vst.idx.msk vm11, v14;
	v14 =	vor.u32 s22, v2  }
0x44: {  	[tilespmem:v15+s2+$0x0] =	vst.idx.msk vm11, v14  }
0x45: {  	v14 =	vld [tilespmem:s21+$0xFFFFFFF0];
	_ =	sdelay $0x4  }
0x46: {  	vm11 =	vle.f32 v14, v12  }
0x47: {  	v15 =	vsel vm11, $0x1, v1  }
0x48: {  	(xrf0) =	vadd.scan.msk.s32 $0xffff, v15;
	_ =	sdelay $0x1  }
0x49: {  	v15 =	vmpcnt.ones.xlane vm10;
	_ =	sdelay $0x3  }
0x4a: {  	v13 =	vadd.s32 v13, v15;
	v15, _, _ =	vpop (xrf0)  }
0x4b: {  	v15 =	vadd.s32 v15, v13  }
0x4c: {  	v15 =	vadd.s32 $0xFFFFFFFF, v15  }
0x4d: {  	vm10 =	vlt.s32 v15, $0x200  }
0x4e: {  	vm10 =	vmand vm11, vm10;
	_ =	sdelay $0x4  }
0x4f: {  	s25 =	sadd.s32 $0x10, s22  }
0x50: {  	[tilespmem:v15+s5+$0x0] =	vst.idx.msk vm10, v14;
	v14 =	vor.u32 s25, v2  }
0x51: {  	[tilespmem:v15+s2+$0x0] =	vst.idx.msk vm10, v14  }
0x52: {  	v14 =	vld [tilespmem:s21+$0x0];
	_ =	sdelay $0x4  }
0x53: {  	vm10 =	vle.f32 v14, v12  }
0x54: {  	v15 =	vsel vm10, $0x1, v1  }
0x55: {  	(xrf0) =	vadd.scan.msk.s32 $0xffff, v15;
	_ =	sdelay $0x1  }
0x56: {  	v15 =	vmpcnt.ones.xlane vm11;
	_ =	sdelay $0x3  }
0x57: {  	v13 =	vadd.s32 v13, v15;
	v15, _, _ =	vpop (xrf0)  }
0x58: {  	v15 =	vadd.s32 v15, v13  }
0x59: {  	v15 =	vadd.s32 $0xFFFFFFFF, v15  }
0x5a: {  	vm11 =	vlt.s32 v15, $0x200  }
0x5b: {  	vm11 =	vmand vm10, vm11;
	_ =	sdelay $0x4  }
0x5c: {  	s25 =	sadd.s32 $0x20, s22  }
0x5d: {  	[tilespmem:v15+s5+$0x0] =	vst.idx.msk vm11, v14;
	v14 =	vor.u32 s25, v2  }
0x5e: {  	[tilespmem:v15+s2+$0x0] =	vst.idx.msk vm11, v14  }
0x5f: {  	v14 =	vld [tilespmem:s21+$0x10];
	_ =	sdelay $0x4  }
0x60: {  	vm11 =	vle.f32 v14, v12  }
0x61: {  	v15 =	vsel vm11, $0x1, v1  }
0x62: {  	(xrf0) =	vadd.scan.msk.s32 $0xffff, v15;
	_ =	sdelay $0x1  }
0x63: {  	v15 =	vmpcnt.ones.xlane vm10;
	_ =	sdelay $0x3  }
0x64: {  	v13 =	vadd.s32 v13, v15;
	v15, _, _ =	vpop (xrf0)  }
0x65: {  	v15 =	vadd.s32 v15, v13  }
0x66: {  	v15 =	vadd.s32 $0xFFFFFFFF, v15  }
0x67: {  	vm10 =	vlt.s32 v15, $0x200  }
0x68: {  	vm10 =	vmand vm11, vm10;
	_ =	sdelay $0x1  }
0x69: {  	p0 =	sne.s32 s22, $0x3FC0  }
.Ltmp0:
0x6a: {  	_ = 	snop;
	(pc) =	sbr.rel @p0 .LBB2_3-.Ltmp0, $4  }
0x6b: {  	_ = 	snop  }
0x6c: {  	s25 =	sadd.s32 $0x30, s22;
	v16 =	vmpcnt.ones.xlane vm11  }
0x6d: {  	[tilespmem:v15+s5+$0x0] =	vst.idx.msk vm10, v14;
	v14 =	vor.u32 s25, v2  }
0x6e: {  	s22 =	sadd.s32 $0x40, s22;
	s21 =	sadd.s32 $0x40, s21;
	v13 =	vadd.s32 v13, v16;
	[tilespmem:v15+s2+$0x0] =	vst.idx.msk vm10, v14  }
0x6f: {  	v12 =	vld [tilespmem:s5+$0x0]  }
0x70: {  	v13 =	vld [tilespmem:s2+$0x0];
	_ =	sdelay $0x4  }
0x71: {  	v14 =	vperm.xlane v12, v3;
	v15 =	vperm.xlane v13, v3;
	_ =	sdelay $0x1  }
0x72: {  	vm10 =	veq.f32 v12, v14;
	vm11 =	vlt.s32 v13, v15  }
0x73: {  	vm12 =	vlt.f32 v12, v14;
	vm10 =	vmand vm10, vm11  }
0x74: {  	vm10 =	vmor vm12, vm10  }
0x75: {  	vm10 =	vmxor vm10, vm0  }
0x76: {  	v12 =	vsel vm10, v12, v14  }
0x77: {  	v13 =	vsel vm10, v13, v15;
	[tilespmem:s5+$0x0] =	vst v12  }
0x78: {  	[tilespmem:s2+$0x0] =	vst v13  }
0x79: {  	v12 =	vld [tilespmem:s5+$0x0];
	_ =	sdelay $0x4  }
0x7a: {  	v15 =	vperm.xlane v13, v4;
	v14 =	vperm.xlane v12, v4;
	_ =	sdelay $0x1  }
0x7b: {  	vm11 =	vlt.s32 v13, v15;
	vm10 =	veq.f32 v12, v14  }
0x7c: {  	vm12 =	vlt.f32 v12, v14;
	vm10 =	vmand vm10, vm11  }
0x7d: {  	vm10 =	vmor vm12, vm10  }
0x7e: {  	vm10 =	vmxor vm10, vm1  }
0x7f: {  	v12 =	vsel vm10, v12, v14  }
0x80: {  	v13 =	vsel vm10, v13, v15;
	[tilespmem:s5+$0x0] =	vst v12  }
0x81: {  	[tilespmem:s2+$0x0] =	vst v13  }
0x82: {  	v12 =	vld [tilespmem:s5+$0x0];
	_ =	sdelay $0x4  }
0x83: {  	v15 =	vperm.xlane v13, v3;
	v14 =	vperm.xlane v12, v3;
	_ =	sdelay $0x1  }
0x84: {  	vm11 =	vlt.s32 v13, v15;
	vm10 =	veq.f32 v12, v14  }
0x85: {  	vm12 =	vlt.f32 v12, v14;
	vm10 =	vmand vm10, vm11  }
0x86: {  	vm10 =	vmor vm12, vm10  }
0x87: {  	vm10 =	vmxor vm10, vm2  }
0x88: {  	v12 =	vsel vm10, v12, v14  }
0x89: {  	v13 =	vsel vm10, v13, v15;
	[tilespmem:s5+$0x0] =	vst v12  }
0x8a: {  	[tilespmem:s2+$0x0] =	vst v13  }
0x8b: {  	v12 =	vld [tilespmem:s5+$0x0];
	_ =	sdelay $0x4  }
0x8c: {  	v15 =	vperm.xlane v13, v5;
	v14 =	vperm.xlane v12, v5;
	_ =	sdelay $0x1  }
0x8d: {  	vm11 =	vlt.s32 v13, v15;
	vm10 =	veq.f32 v12, v14  }
0x8e: {  	vm12 =	vlt.f32 v12, v14;
	vm10 =	vmand vm10, vm11  }
0x8f: {  	vm10 =	vmor vm12, vm10  }
0x90: {  	vm10 =	vmxor vm10, vm3  }
0x91: {  	v12 =	vsel vm10, v12, v14  }
0x92: {  	v13 =	vsel vm10, v13, v15;
	[tilespmem:s5+$0x0] =	vst v12  }
0x93: {  	[tilespmem:s2+$0x0] =	vst v13  }
0x94: {  	v12 =	vld [tilespmem:s5+$0x0];
	_ =	sdelay $0x4  }
0x95: {  	v15 =	vperm.xlane v13, v4;
	v14 =	vperm.xlane v12, v4;
	_ =	sdelay $0x1  }
0x96: {  	vm11 =	vlt.s32 v13, v15;
	vm10 =	veq.f32 v12, v14  }
0x97: {  	vm12 =	vlt.f32 v12, v14;
	vm10 =	vmand vm10, vm11  }
0x98: {  	vm10 =	vmor vm12, vm10  }
0x99: {  	vm10 =	vmxor vm10, vm4  }
0x9a: {  	v12 =	vsel vm10, v12, v14  }
0x9b: {  	v13 =	vsel vm10, v13, v15;
	[tilespmem:s5+$0x0] =	vst v12  }
0x9c: {  	[tilespmem:s2+$0x0] =	vst v13  }
0x9d: {  	v12 =	vld [tilespmem:s5+$0x0];
	_ =	sdelay $0x4  }
0x9e: {  	v15 =	vperm.xlane v13, v3;
	v14 =	vperm.xlane v12, v3;
	_ =	sdelay $0x1  }
0x9f: {  	vm11 =	vlt.s32 v13, v15;
	vm10 =	veq.f32 v12, v14  }
0xa0: {  	vm12 =	vlt.f32 v12, v14;
	vm10 =	vmand vm10, vm11  }
0xa1: {  	vm10 =	vmor vm12, vm10  }
0xa2: {  	vm10 =	vmxor vm10, vm5  }
0xa3: {  	v12 =	vsel vm10, v12, v14  }
0xa4: {  	v13 =	vsel vm10, v13, v15;
	[tilespmem:s5+$0x0] =	vst v12  }
0xa5: {  	[tilespmem:s2+$0x0] =	vst v13  }
0xa6: {  	v12 =	vld [tilespmem:s5+$0x0];
	_ =	sdelay $0x1  }
0xa7: {  	v14 =	vmov s4  }
0xa8: {  	v14 =	vand.u32 $0x10, v14  }
0xa9: {  	vm10 =	veq.s32 v14, $0x0  }
0xaa: {  	v15 =	vperm.xlane v13, v6;
	v16 =	vsel vm10, $0x1, v1;
	v14 =	vperm.xlane v12, v6  }
0xab: {  	v16 =	vbroadcast v16, $0x0  }
0xac: {  	vm11 =	vlt.s32 v13, v15;
	vm10 =	veq.f32 v12, v14  }
0xad: {  	v16 =	vand.u32 $0x1, v16;
	vm12 =	vlt.f32 v12, v14;
	vm11 =	vmand vm10, vm11  }
0xae: {  	vm10 =	veq.s32 v16, $0x1;
	vm11 =	vmor vm12, vm11  }
0xaf: {  	vm11 =	vmxor vm10, vm11  }
0xb0: {  	vm11 =	vmxor vm11, vm6  }
0xb1: {  	v12 =	vsel vm11, v12, v14  }
0xb2: {  	v13 =	vsel vm11, v13, v15;
	[tilespmem:s5+$0x0] =	vst v12  }
0xb3: {  	[tilespmem:s2+$0x0] =	vst v13  }
0xb4: {  	v12 =	vld [tilespmem:s5+$0x0];
	_ =	sdelay $0x4  }
0xb5: {  	v15 =	vperm.xlane v13, v5;
	v14 =	vperm.xlane v12, v5;
	_ =	sdelay $0x1  }
0xb6: {  	vm12 =	vlt.s32 v13, v15;
	vm11 =	veq.f32 v12, v14  }
0xb7: {  	vm13 =	vlt.f32 v12, v14;
	vm11 =	vmand vm11, vm12  }
0xb8: {  	vm11 =	vmor vm13, vm11  }
0xb9: {  	vm11 =	vmxor vm10, vm11  }
0xba: {  	vm11 =	vmxor vm11, vm7  }
0xbb: {  	v12 =	vsel vm11, v12, v14  }
0xbc: {  	v13 =	vsel vm11, v13, v15;
	[tilespmem:s5+$0x0] =	vst v12  }
0xbd: {  	[tilespmem:s2+$0x0] =	vst v13  }
0xbe: {  	v12 =	vld [tilespmem:s5+$0x0];
	_ =	sdelay $0x4  }
0xbf: {  	v15 =	vperm.xlane v13, v4;
	v14 =	vperm.xlane v12, v4;
	_ =	sdelay $0x1  }
0xc0: {  	vm12 =	vlt.s32 v13, v15;
	vm11 =	veq.f32 v12, v14  }
0xc1: {  	vm13 =	vlt.f32 v12, v14;
	vm11 =	vmand vm11, vm12  }
0xc2: {  	vm11 =	vmor vm13, vm11  }
0xc3: {  	vm11 =	vmxor vm10, vm11  }
0xc4: {  	vm11 =	vmxor vm11, vm8  }
0xc5: {  	v12 =	vsel vm11, v12, v14  }
0xc6: {  	v13 =	vsel vm11, v13, v15;
	[tilespmem:s5+$0x0] =	vst v12  }
0xc7: {  	[tilespmem:s2+$0x0] =	vst v13  }
0xc8: {  	v12 =	vld [tilespmem:s5+$0x0];
	_ =	sdelay $0x4  }
0xc9: {  	v15 =	vperm.xlane v13, v3;
	v14 =	vperm.xlane v12, v3;
	_ =	sdelay $0x1  }
0xca: {  	vm12 =	vlt.s32 v13, v15;
	vm11 =	veq.f32 v12, v14  }
0xcb: {  	vm13 =	vlt.f32 v12, v14;
	vm11 =	vmand vm11, vm12  }
0xcc: {  	vm11 =	vmor vm13, vm11  }
0xcd: {  	vm10 =	vmxor vm10, vm11  }
0xce: {  	vm10 =	vmxor vm10, vm9  }
0xcf: {  	v14 =	vsel vm10, v12, v14  }
0xd0: {  	s4 =	simm.s32 $0x10;
	v12 =	vsel vm10, v13, v15;
	[tilespmem:s5+$0x0] =	vst v14  }
.LBB2_5:
0xd1: {  	p0 =	sne.s32 s4, $0x1F0;
	[tilespmem:s2+$0x0] =	vst v12;
	s5 =	sadd.s32 $0x10, s5;
	s2 =	sadd.s32 $0x10, s2  }
0xd2: {  	s21 =	smov.u32 s4;
	s4 =	sadd.s32 $0x10, s4;
	v12 =	vld [tilespmem:s5+$0x0]  }
0xd3: {  	v13 =	vld [tilespmem:s2+$0x0];
	_ =	sdelay $0x3  }
0xd4: {  	v14 =	vperm.xlane v12, v3  }
0xd5: {  	v15 =	vperm.xlane v13, v3  }
0xd6: {  	vm10 =	vlt.f32 v12, v14;
	vm11 =	veq.f32 v12, v14  }
0xd7: {  	vm12 =	vlt.s32 v13, v15  }
0xd8: {  	vm11 =	vmand vm11, vm12  }
0xd9: {  	vm10 =	vmor vm10, vm11  }
0xda: {  	vm10 =	vmxor vm10, vm0  }
0xdb: {  	v12 =	vsel vm10, v12, v14;
	v13 =	vsel vm10, v13, v15  }
0xdc: {  	[tilespmem:s5+$0x0] =	vst v12  }
0xdd: {  	[tilespmem:s2+$0x0] =	vst v13  }
0xde: {  	v12 =	vld [tilespmem:s5+$0x0];
	_ =	sdelay $0x4  }
0xdf: {  	v15 =	vperm.xlane v13, v4;
	v14 =	vperm.xlane v12, v4;
	_ =	sdelay $0x1  }
0xe0: {  	vm12 =	vlt.s32 v13, v15;
	vm10 =	vlt.f32 v12, v14;
	vm11 =	veq.f32 v12, v14  }
0xe1: {  	vm11 =	vmand vm11, vm12  }
0xe2: {  	vm10 =	vmor vm10, vm11  }
0xe3: {  	vm10 =	vmxor vm10, vm1  }
0xe4: {  	v12 =	vsel vm10, v12, v14;
	v13 =	vsel vm10, v13, v15  }
0xe5: {  	[tilespmem:s5+$0x0] =	vst v12  }
0xe6: {  	[tilespmem:s2+$0x0] =	vst v13  }
0xe7: {  	v12 =	vld [tilespmem:s5+$0x0];
	_ =	sdelay $0x4  }
0xe8: {  	v15 =	vperm.xlane v13, v3;
	v14 =	vperm.xlane v12, v3;
	_ =	sdelay $0x1  }
0xe9: {  	vm12 =	vlt.s32 v13, v15;
	vm10 =	vlt.f32 v12, v14;
	vm11 =	veq.f32 v12, v14  }
0xea: {  	vm11 =	vmand vm11, vm12  }
0xeb: {  	vm10 =	vmor vm10, vm11  }
0xec: {  	vm10 =	vmxor vm10, vm2  }
0xed: {  	v12 =	vsel vm10, v12, v14;
	v13 =	vsel vm10, v13, v15  }
0xee: {  	[tilespmem:s5+$0x0] =	vst v12  }
0xef: {  	[tilespmem:s2+$0x0] =	vst v13  }
0xf0: {  	v12 =	vld [tilespmem:s5+$0x0];
	_ =	sdelay $0x4  }
0xf1: {  	v15 =	vperm.xlane v13, v5;
	v14 =	vperm.xlane v12, v5;
	_ =	sdelay $0x1  }
0xf2: {  	vm12 =	vlt.s32 v13, v15;
	vm10 =	vlt.f32 v12, v14;
	vm11 =	veq.f32 v12, v14  }
0xf3: {  	vm11 =	vmand vm11, vm12  }
0xf4: {  	vm10 =	vmor vm10, vm11  }
0xf5: {  	vm10 =	vmxor vm10, vm3  }
0xf6: {  	v12 =	vsel vm10, v12, v14;
	v13 =	vsel vm10, v13, v15  }
0xf7: {  	[tilespmem:s5+$0x0] =	vst v12  }
0xf8: {  	[tilespmem:s2+$0x0] =	vst v13  }
0xf9: {  	v12 =	vld [tilespmem:s5+$0x0];
	_ =	sdelay $0x4  }
0xfa: {  	v15 =	vperm.xlane v13, v4;
	v14 =	vperm.xlane v12, v4;
	_ =	sdelay $0x1  }
0xfb: {  	vm12 =	vlt.s32 v13, v15;
	vm10 =	vlt.f32 v12, v14;
	vm11 =	veq.f32 v12, v14  }
0xfc: {  	vm11 =	vmand vm11, vm12  }
0xfd: {  	vm10 =	vmor vm10, vm11  }
0xfe: {  	vm10 =	vmxor vm10, vm4  }
0xff: {  	v12 =	vsel vm10, v12, v14;
	v13 =	vsel vm10, v13, v15  }
0x100: {  	[tilespmem:s5+$0x0] =	vst v12  }
0x101: {  	[tilespmem:s2+$0x0] =	vst v13  }
0x102: {  	v12 =	vld [tilespmem:s5+$0x0];
	_ =	sdelay $0x4  }
0x103: {  	v15 =	vperm.xlane v13, v3;
	v14 =	vperm.xlane v12, v3;
	_ =	sdelay $0x1  }
0x104: {  	vm12 =	vlt.s32 v13, v15;
	vm10 =	vlt.f32 v12, v14;
	vm11 =	veq.f32 v12, v14  }
0x105: {  	vm11 =	vmand vm11, vm12  }
0x106: {  	vm10 =	vmor vm10, vm11  }
0x107: {  	vm10 =	vmxor vm10, vm5  }
0x108: {  	v12 =	vsel vm10, v12, v14;
	v13 =	vsel vm10, v13, v15  }
0x109: {  	[tilespmem:s5+$0x0] =	vst v12  }
0x10a: {  	[tilespmem:s2+$0x0] =	vst v13  }
0x10b: {  	v12 =	vld [tilespmem:s5+$0x0];
	_ =	sdelay $0x1  }
0x10c: {  	v14 =	vmov s21  }
0x10d: {  	v14 =	vand.u32 $0x10, v14  }
0x10e: {  	vm10 =	veq.s32 v14, $0x0  }
0x10f: {  	v15 =	vperm.xlane v13, v6;
	v16 =	vsel vm10, $0x1, v1;
	v14 =	vperm.xlane v12, v6  }
0x110: {  	v16 =	vbroadcast v16, $0x0  }
0x111: {  	vm12 =	vlt.s32 v13, v15;
	vm11 =	vlt.f32 v12, v14;
	vm10 =	veq.f32 v12, v14  }
0x112: {  	v16 =	vand.u32 $0x1, v16;
	vm12 =	vmand vm10, vm12  }
0x113: {  	vm10 =	veq.s32 v16, $0x1;
	vm11 =	vmor vm11, vm12  }
0x114: {  	vm11 =	vmxor vm10, vm11  }
0x115: {  	vm11 =	vmxor vm11, vm6  }
0x116: {  	v12 =	vsel vm11, v12, v14;
	v13 =	vsel vm11, v13, v15  }
0x117: {  	[tilespmem:s5+$0x0] =	vst v12  }
0x118: {  	[tilespmem:s2+$0x0] =	vst v13  }
0x119: {  	v12 =	vld [tilespmem:s5+$0x0];
	_ =	sdelay $0x4  }
0x11a: {  	v15 =	vperm.xlane v13, v5;
	v14 =	vperm.xlane v12, v5;
	_ =	sdelay $0x1  }
0x11b: {  	vm13 =	vlt.s32 v13, v15;
	vm11 =	vlt.f32 v12, v14;
	vm12 =	veq.f32 v12, v14  }
0x11c: {  	vm12 =	vmand vm12, vm13  }
0x11d: {  	vm11 =	vmor vm11, vm12  }
0x11e: {  	vm11 =	vmxor vm10, vm11  }
0x11f: {  	vm11 =	vmxor vm11, vm7  }
0x120: {  	v12 =	vsel vm11, v12, v14;
	v13 =	vsel vm11, v13, v15  }
0x121: {  	[tilespmem:s5+$0x0] =	vst v12  }
0x122: {  	[tilespmem:s2+$0x0] =	vst v13  }
0x123: {  	v12 =	vld [tilespmem:s5+$0x0];
	_ =	sdelay $0x4  }
0x124: {  	v15 =	vperm.xlane v13, v4;
	v14 =	vperm.xlane v12, v4;
	_ =	sdelay $0x1  }
0x125: {  	vm13 =	vlt.s32 v13, v15;
	vm11 =	vlt.f32 v12, v14;
	vm12 =	veq.f32 v12, v14  }
0x126: {  	vm12 =	vmand vm12, vm13  }
0x127: {  	vm11 =	vmor vm11, vm12  }
0x128: {  	vm11 =	vmxor vm10, vm11  }
0x129: {  	vm11 =	vmxor vm11, vm8  }
0x12a: {  	v12 =	vsel vm11, v12, v14;
	v13 =	vsel vm11, v13, v15  }
0x12b: {  	[tilespmem:s5+$0x0] =	vst v12  }
0x12c: {  	[tilespmem:s2+$0x0] =	vst v13  }
0x12d: {  	v12 =	vld [tilespmem:s5+$0x0];
	_ =	sdelay $0x4  }
0x12e: {  	v15 =	vperm.xlane v13, v3;
	v14 =	vperm.xlane v12, v3;
	_ =	sdelay $0x1  }
0x12f: {  	vm13 =	vlt.s32 v13, v15;
	vm11 =	vlt.f32 v12, v14;
	vm12 =	veq.f32 v12, v14  }
0x130: {  	vm12 =	vmand vm12, vm13  }
.Ltmp1:
0x131: {  	vm11 =	vmor vm11, vm12;
	(pc) =	sbr.rel @p0 .LBB2_5-.Ltmp1, $4  }
0x132: {  	vm10 =	vmxor vm10, vm11  }
0x133: {  	vm10 =	vmxor vm10, vm9  }
0x134: {  	v14 =	vsel vm10, v12, v14;
	v12 =	vsel vm10, v13, v15  }
0x135: {  	[tilespmem:s5+$0x0] =	vst v14  }
0x136: {  	[tilespmem:s2+$0x0] =	vst v12;
	s4 =	simm.s32 $0x4290  }
0x137: {  	v12 =	vld [tilespmem:s4+$0xFFFFFFF0]  }
0x138: {  	s2 =	simm.s32 $0x4090;
	v13 =	vld [tilespmem:s4+$0x0]  }
0x139: {  	s5 =	simm.s32 $0x0;
	v14 =	vld [tilespmem:s2+$0x0]  }
0x13a: {  	v15 =	vld [tilespmem:s2+$0xFFFFFFF0];
	v16 =	vmov s5  }
0x13b: {  	v16 =	vand.u32 $0x20, v16  }
0x13c: {  	vm10 =	veq.s32 v16, $0x0  }
0x13d: {  	v16 =	vsel vm10, $0x1, v1  }
0x13e: {  	v16 =	vbroadcast v16, $0x0  }
0x13f: {  	vm10 =	veq.f32 v15, v14;
	vm11 =	vlt.s32 v12, v13  }
0x140: {  	vm12 =	vlt.f32 v15, v14;
	v16 =	vand.u32 $0x1, v16;
	vm11 =	vmand vm10, vm11  }
0x141: {  	vm10 =	veq.s32 v16, $0x1;
	vm11 =	vmor vm12, vm11  }
0x142: {  	vm11 =	vmxor vm10, vm11  }
0x143: {  	v63 =	vsel vm11, v14, v15  }
0x144: {  	v17 =	vsel vm11, v13, v12;
	[tilespmem:s2+$0xFFFFFFF0] =	vst v63  }
0x145: {  	v14 =	vsel vm11, v15, v14;
	[tilespmem:s4+$0xFFFFFFF0] =	vst v17  }
0x146: {  	s21 =	simm.s32 $0x42B0;
	s5 =	simm.s32 $0x20;
	v12 =	vsel vm11, v12, v13;
	[tilespmem:s2+$0x0] =	vst v14  }
.LBB2_7:
0x147: {  	p0 =	sne.s32 s5, $0x1E0;
	s2 =	sadd.s32 $0x20, s2  }
0x148: {  	v13 =	vld [tilespmem:s21+$0xFFFFFFF0];
	[tilespmem:s4+$0x0] =	vst v12;
	s22 =	smov.u32 s5;
	s5 =	sadd.s32 $0x20, s5;
	s4 =	smov.u32 s21  }
0x149: {  	v12 =	vld [tilespmem:s21+$0x0]  }
0x14a: {  	v14 =	vld [tilespmem:s2+$0x0]  }
0x14b: {  	v16 =	vmov s22;
	v15 =	vld [tilespmem:s2+$0xFFFFFFF0]  }
0x14c: {  	v16 =	vand.u32 $0x20, v16  }
0x14d: {  	vm11 =	veq.s32 v16, $0x0  }
0x14e: {  	v16 =	vsel vm11, $0x1, v1  }
0x14f: {  	v16 =	vbroadcast v16, $0x0  }
0x150: {  	vm13 =	vlt.s32 v13, v12;
	vm11 =	vlt.f32 v15, v14;
	vm12 =	veq.f32 v15, v14  }
0x151: {  	v16 =	vand.u32 $0x1, v16;
	vm12 =	vmand vm12, vm13  }
0x152: {  	vm13 =	veq.s32 v16, $0x1;
	vm11 =	vmor vm11, vm12  }
.Ltmp2:
0x153: {  	vm11 =	vmxor vm13, vm11;
	(pc) =	sbr.rel @p0 .LBB2_7-.Ltmp2, $4  }
0x154: {  	v16 =	vsel vm11, v14, v15;
	v17 =	vsel vm11, v12, v13;
	v14 =	vsel vm11, v15, v14  }
0x155: {  	v12 =	vsel vm11, v13, v12;
	[tilespmem:s2+$0xFFFFFFF0] =	vst v16  }
0x156: {  	[tilespmem:s21+$0xFFFFFFF0] =	vst v17  }
0x157: {  	s21 =	sadd.s32 $0x20, s21;
	[tilespmem:s2+$0x0] =	vst v14  }
0x158: {  	[tilespmem:s4+$0x0] =	vst v12;
	s4 =	simm.s32 $0x4080  }
0x159: {  	s2 =	simm.s32 $0x4280;
	v12 =	vld [tilespmem:s4+$0x0]  }
0x15a: {  	v13 =	vld [tilespmem:s2+$0x0];
	_ =	sdelay $0x4  }
0x15b: {  	v14 =	vperm.xlane v12, v6;
	v15 =	vperm.xlane v13, v6;
	_ =	sdelay $0x1  }
0x15c: {  	vm11 =	veq.f32 v12, v14;
	vm12 =	vlt.s32 v13, v15  }
0x15d: {  	vm13 =	vlt.f32 v12, v14;
	vm11 =	vmand vm11, vm12  }
0x15e: {  	vm11 =	vmor vm13, vm11  }
0x15f: {  	vm11 =	vmxor vm10, vm11  }
0x160: {  	vm11 =	vmxor vm11, vm6  }
0x161: {  	v12 =	vsel vm11, v12, v14  }
0x162: {  	v13 =	vsel vm11, v13, v15;
	[tilespmem:s4+$0x0] =	vst v12  }
0x163: {  	[tilespmem:s2+$0x0] =	vst v13  }
0x164: {  	v12 =	vld [tilespmem:s4+$0x0];
	_ =	sdelay $0x4  }
0x165: {  	v15 =	vperm.xlane v13, v5;
	v14 =	vperm.xlane v12, v5;
	_ =	sdelay $0x1  }
0x166: {  	vm12 =	vlt.s32 v13, v15;
	vm11 =	veq.f32 v12, v14  }
0x167: {  	vm13 =	vlt.f32 v12, v14;
	vm11 =	vmand vm11, vm12  }
0x168: {  	vm11 =	vmor vm13, vm11  }
0x169: {  	vm11 =	vmxor vm10, vm11  }
0x16a: {  	vm11 =	vmxor vm11, vm7  }
0x16b: {  	v12 =	vsel vm11, v12, v14  }
0x16c: {  	v13 =	vsel vm11, v13, v15;
	[tilespmem:s4+$0x0] =	vst v12  }
0x16d: {  	[tilespmem:s2+$0x0] =	vst v13  }
0x16e: {  	v12 =	vld [tilespmem:s4+$0x0];
	_ =	sdelay $0x4  }
0x16f: {  	v15 =	vperm.xlane v13, v4;
	v14 =	vperm.xlane v12, v4;
	_ =	sdelay $0x1  }
0x170: {  	vm12 =	vlt.s32 v13, v15;
	vm11 =	veq.f32 v12, v14  }
0x171: {  	vm13 =	vlt.f32 v12, v14;
	vm11 =	vmand vm11, vm12  }
0x172: {  	vm11 =	vmor vm13, vm11  }
0x173: {  	vm11 =	vmxor vm10, vm11  }
0x174: {  	vm11 =	vmxor vm11, vm8  }
0x175: {  	v12 =	vsel vm11, v12, v14  }
0x176: {  	v13 =	vsel vm11, v13, v15;
	[tilespmem:s4+$0x0] =	vst v12  }
0x177: {  	[tilespmem:s2+$0x0] =	vst v13  }
0x178: {  	v12 =	vld [tilespmem:s4+$0x0];
	_ =	sdelay $0x4  }
0x179: {  	v15 =	vperm.xlane v13, v3;
	v14 =	vperm.xlane v12, v3;
	_ =	sdelay $0x1  }
0x17a: {  	vm12 =	vlt.s32 v13, v15;
	vm11 =	veq.f32 v12, v14  }
0x17b: {  	vm13 =	vlt.f32 v12, v14;
	vm11 =	vmand vm11, vm12  }
0x17c: {  	vm11 =	vmor vm13, vm11  }
0x17d: {  	vm10 =	vmxor vm10, vm11  }
0x17e: {  	vm10 =	vmxor vm10, vm9  }
0x17f: {  	v14 =	vsel vm10, v12, v14  }
0x180: {  	s5 =	simm.s32 $0x10;
	v12 =	vsel vm10, v13, v15;
	[tilespmem:s4+$0x0] =	vst v14  }
.LBB2_9:
0x181: {  	p0 =	sne.s32 s5, $0x1F0;
	[tilespmem:s2+$0x0] =	vst v12;
	s4 =	sadd.s32 $0x10, s4;
	s2 =	sadd.s32 $0x10, s2  }
0x182: {  	s21 =	smov.u32 s5;
	s5 =	sadd.s32 $0x10, s5;
	v12 =	vld [tilespmem:s4+$0x0]  }
0x183: {  	v13 =	vld [tilespmem:s2+$0x0];
	_ =	sdelay $0x1  }
0x184: {  	v14 =	vmov s21  }
0x185: {  	v14 =	vand.u32 $0x20, v14  }
0x186: {  	vm10 =	veq.s32 v14, $0x0  }
0x187: {  	v16 =	vsel vm10, $0x1, v1;
	v14 =	vperm.xlane v12, v6;
	v15 =	vperm.xlane v13, v6  }
0x188: {  	v16 =	vbroadcast v16, $0x0  }
0x189: {  	vm11 =	vlt.f32 v12, v14;
	vm10 =	veq.f32 v12, v14;
	vm12 =	vlt.s32 v13, v15  }
0x18a: {  	v16 =	vand.u32 $0x1, v16;
	vm12 =	vmand vm10, vm12  }
0x18b: {  	vm10 =	veq.s32 v16, $0x1;
	vm11 =	vmor vm11, vm12  }
0x18c: {  	vm11 =	vmxor vm10, vm11  }
0x18d: {  	vm11 =	vmxor vm11, vm6  }
0x18e: {  	v12 =	vsel vm11, v12, v14;
	v13 =	vsel vm11, v13, v15  }
0x18f: {  	[tilespmem:s4+$0x0] =	vst v12  }
0x190: {  	[tilespmem:s2+$0x0] =	vst v13  }
0x191: {  	v12 =	vld [tilespmem:s4+$0x0];
	_ =	sdelay $0x4  }
0x192: {  	v15 =	vperm.xlane v13, v5;
	v14 =	vperm.xlane v12, v5;
	_ =	sdelay $0x1  }
0x193: {  	vm13 =	vlt.s32 v13, v15;
	vm11 =	vlt.f32 v12, v14;
	vm12 =	veq.f32 v12, v14  }
0x194: {  	vm12 =	vmand vm12, vm13  }
0x195: {  	vm11 =	vmor vm11, vm12  }
0x196: {  	vm11 =	vmxor vm10, vm11  }
0x197: {  	vm11 =	vmxor vm11, vm7  }
0x198: {  	v12 =	vsel vm11, v12, v14;
	v13 =	vsel vm11, v13, v15  }
0x199: {  	[tilespmem:s4+$0x0] =	vst v12  }
0x19a: {  	[tilespmem:s2+$0x0] =	vst v13  }
0x19b: {  	v12 =	vld [tilespmem:s4+$0x0];
	_ =	sdelay $0x4  }
0x19c: {  	v15 =	vperm.xlane v13, v4;
	v14 =	vperm.xlane v12, v4;
	_ =	sdelay $0x1  }
0x19d: {  	vm13 =	vlt.s32 v13, v15;
	vm11 =	vlt.f32 v12, v14;
	vm12 =	veq.f32 v12, v14  }
0x19e: {  	vm12 =	vmand vm12, vm13  }
0x19f: {  	vm11 =	vmor vm11, vm12  }
0x1a0: {  	vm11 =	vmxor vm10, vm11  }
0x1a1: {  	vm11 =	vmxor vm11, vm8  }
0x1a2: {  	v12 =	vsel vm11, v12, v14;
	v13 =	vsel vm11, v13, v15  }
0x1a3: {  	[tilespmem:s4+$0x0] =	vst v12  }
0x1a4: {  	[tilespmem:s2+$0x0] =	vst v13  }
0x1a5: {  	v12 =	vld [tilespmem:s4+$0x0];
	_ =	sdelay $0x4  }
0x1a6: {  	v15 =	vperm.xlane v13, v3;
	v14 =	vperm.xlane v12, v3;
	_ =	sdelay $0x1  }
0x1a7: {  	vm13 =	vlt.s32 v13, v15;
	vm11 =	vlt.f32 v12, v14;
	vm12 =	veq.f32 v12, v14  }
0x1a8: {  	vm12 =	vmand vm12, vm13  }
.Ltmp3:
0x1a9: {  	vm11 =	vmor vm11, vm12;
	(pc) =	sbr.rel @p0 .LBB2_9-.Ltmp3, $4  }
0x1aa: {  	vm10 =	vmxor vm10, vm11  }
0x1ab: {  	vm10 =	vmxor vm10, vm9  }
0x1ac: {  	v14 =	vsel vm10, v12, v14;
	v12 =	vsel vm10, v13, v15  }
0x1ad: {  	s21 =	simm.s32 $0x0;
	[tilespmem:s4+$0x0] =	vst v14  }
0x1ae: {  	s4 =	sand.u32 $0x1, s21;
	s5 =	sand.u32 $0x1C, s21  }
0x1af: {  	s4 =	sor.u32 s4, s5  }
0x1b0: {  	[tilespmem:s2+$0x0] =	vst v12;
	s2 =	sshll.u32 s4, $0x4  }
0x1b1: {  	v12 =	vld [tilespmem:s2+$0x4080]  }
0x1b2: {  	v13 =	vld [tilespmem:s2+$0x40A0]  }
0x1b3: {  	v15 =	vmov s2;
	v14 =	vld [tilespmem:s2+$0x42A0]  }
0x1b4: {  	v16 =	vand.u32 $0x40, v15;
	v15 =	vld [tilespmem:s2+$0x4280]  }
0x1b5: {  	vm10 =	veq.s32 v16, $0x0  }
0x1b6: {  	v16 =	vsel vm10, $0x1, v1  }
0x1b7: {  	v16 =	vbroadcast v16, $0x0;
	_ =	sdelay $0x1  }
0x1b8: {  	vm12 =	veq.f32 v12, v13;
	v16 =	vand.u32 $0x1, v16;
	vm13 =	vlt.s32 v15, v14  }
0x1b9: {  	s5 =	simm.s32 $0x0;
	s4 =	simm.s32 $0x1;
	vm11 =	vlt.f32 v12, v13;
	vm10 =	veq.s32 v16, $0x1;
	vm12 =	vmand vm12, vm13  }
.LBB2_11:
0x1ba: {  	p0 =	sne.s32 s4, $0xF  }
0x1bb: {  	vm11 =	vmor vm11, vm12;
	s5 =	sadd.s32 $0x2, s5;
	s22 =	smov.u32 s4;
	s4 =	sadd.s32 $0x1, s4  }
0x1bc: {  	s22 =	sand.u32 $0x1, s22;
	s25 =	sand.u32 $0x1C, s5;
	vm10 =	vmxor vm10, vm11  }
0x1bd: {  	s22 =	sor.u32 s22, s25;
	v16 =	vsel vm10, v13, v12;
	v17 =	vsel vm10, v14, v15;
	v14 =	vsel vm10, v15, v14  }
0x1be: {  	v13 =	vsel vm10, v12, v13;
	s22 =	sshll.u32 s22, $0x4;
	[tilespmem:s2+$0x4080] =	vst v16  }
0x1bf: {  	v12 =	vld [tilespmem:s22+$0x4080];
	v15 =	vmov s22;
	[tilespmem:s2+$0x40A0] =	vst v13  }
0x1c0: {  	v13 =	vld [tilespmem:s22+$0x40A0];
	v15 =	vand.u32 $0x40, v15;
	[tilespmem:s2+$0x42A0] =	vst v14  }
0x1c1: {  	v14 =	vld [tilespmem:s22+$0x42A0];
	vm10 =	veq.s32 v15, $0x0;
	[tilespmem:s2+$0x4280] =	vst v17;
	s2 =	smov.u32 s22  }
0x1c2: {  	v15 =	vld [tilespmem:s2+$0x4280];
	v16 =	vsel vm10, $0x1, v1  }
0x1c3: {  	v16 =	vbroadcast v16, $0x0  }
.Ltmp4:
0x1c4: {  	(pc) =	sbr.rel @p0 .LBB2_11-.Ltmp4, $4  }
0x1c5: {  	v16 =	vand.u32 $0x1, v16  }
0x1c6: {  	vm11 =	vlt.f32 v12, v13;
	vm12 =	veq.f32 v12, v13;
	vm10 =	veq.s32 v16, $0x1  }
0x1c7: {  	vm13 =	vlt.s32 v15, v14  }
0x1c8: {  	vm12 =	vmand vm12, vm13  }
0x1c9: {  	vm11 =	vmor vm11, vm12  }
0x1ca: {  	vm10 =	vmxor vm10, vm11  }
0x1cb: {  	v16 =	vsel vm10, v13, v12  }
0x1cc: {  	v12 =	vsel vm10, v12, v13;
	[tilespmem:s2+$0x4080] =	vst v16  }
0x1cd: {  	v13 =	vsel vm10, v15, v14;
	[tilespmem:s2+$0x40A0] =	vst v12  }
0x1ce: {  	v12 =	vsel vm10, v14, v15;
	[tilespmem:s2+$0x42A0] =	vst v13  }
0x1cf: {  	s4 =	simm.s32 $0x4290;
	[tilespmem:s2+$0x4280] =	vst v12  }
0x1d0: {  	v12 =	vld [tilespmem:s4+$0xFFFFFFF0]  }
0x1d1: {  	s2 =	simm.s32 $0x4090;
	v13 =	vld [tilespmem:s4+$0x0]  }
0x1d2: {  	v14 =	vld [tilespmem:s2+$0x0]  }
0x1d3: {  	v62 =	vmov s21;
	v15 =	vld [tilespmem:s2+$0xFFFFFFF0]  }
0x1d4: {  	v16 =	vand.u32 $0x40, v62  }
0x1d5: {  	vm10 =	veq.s32 v16, $0x0  }
0x1d6: {  	v16 =	vsel vm10, $0x1, v1  }
0x1d7: {  	v16 =	vbroadcast v16, $0x0  }
0x1d8: {  	vm10 =	veq.f32 v15, v14;
	vm11 =	vlt.s32 v12, v13  }
0x1d9: {  	v16 =	vand.u32 $0x1, v16;
	vm12 =	vlt.f32 v15, v14;
	vm10 =	vmand vm10, vm11  }
0x1da: {  	vm11 =	veq.s32 v16, $0x1;
	vm10 =	vmor vm12, vm10  }
0x1db: {  	vm10 =	vmxor vm11, vm10  }
0x1dc: {  	v63 =	vsel vm10, v14, v15  }
0x1dd: {  	v17 =	vsel vm10, v13, v12;
	[tilespmem:s2+$0xFFFFFFF0] =	vst v63  }
0x1de: {  	v14 =	vsel vm10, v15, v14;
	[tilespmem:s4+$0xFFFFFFF0] =	vst v17  }
0x1df: {  	s5 =	simm.s32 $0x20;
	s21 =	simm.s32 $0x42B0;
	v12 =	vsel vm10, v12, v13;
	[tilespmem:s2+$0x0] =	vst v14  }
.LBB2_13:
0x1e0: {  	p0 =	sne.s32 s5, $0x1E0;
	s2 =	sadd.s32 $0x20, s2  }
0x1e1: {  	v13 =	vld [tilespmem:s21+$0xFFFFFFF0];
	[tilespmem:s4+$0x0] =	vst v12;
	s22 =	smov.u32 s5;
	s5 =	sadd.s32 $0x20, s5;
	s4 =	smov.u32 s21  }
0x1e2: {  	v12 =	vld [tilespmem:s21+$0x0]  }
0x1e3: {  	v14 =	vld [tilespmem:s2+$0x0]  }
0x1e4: {  	v16 =	vmov s22;
	v15 =	vld [tilespmem:s2+$0xFFFFFFF0]  }
0x1e5: {  	v16 =	vand.u32 $0x40, v16  }
0x1e6: {  	vm10 =	veq.s32 v16, $0x0  }
0x1e7: {  	v16 =	vsel vm10, $0x1, v1  }
0x1e8: {  	v16 =	vbroadcast v16, $0x0  }
0x1e9: {  	vm12 =	vlt.s32 v13, v12;
	vm10 =	vlt.f32 v15, v14;
	vm11 =	veq.f32 v15, v14  }
0x1ea: {  	v16 =	vand.u32 $0x1, v16;
	vm11 =	vmand vm11, vm12  }
0x1eb: {  	vm12 =	veq.s32 v16, $0x1;
	vm10 =	vmor vm10, vm11  }
.Ltmp5:
0x1ec: {  	vm10 =	vmxor vm12, vm10;
	(pc) =	sbr.rel @p0 .LBB2_13-.Ltmp5, $4  }
0x1ed: {  	v16 =	vsel vm10, v14, v15;
	v17 =	vsel vm10, v12, v13;
	v14 =	vsel vm10, v15, v14  }
0x1ee: {  	v12 =	vsel vm10, v13, v12;
	[tilespmem:s2+$0xFFFFFFF0] =	vst v16  }
0x1ef: {  	[tilespmem:s21+$0xFFFFFFF0] =	vst v17  }
0x1f0: {  	s21 =	sadd.s32 $0x20, s21;
	[tilespmem:s2+$0x0] =	vst v14  }
0x1f1: {  	[tilespmem:s4+$0x0] =	vst v12;
	s5 =	simm.s32 $0x4080  }
0x1f2: {  	s4 =	simm.s32 $0x4280;
	v12 =	vld [tilespmem:s5+$0x0]  }
0x1f3: {  	v13 =	vld [tilespmem:s4+$0x0]  }
0x1f4: {  	s2 =	simm.s32 $0x0  }
0x1f5: {  	v14 =	vmov s2  }
0x1f6: {  	v14 =	vand.u32 $0x40, v14  }
0x1f7: {  	vm10 =	veq.s32 v14, $0x0  }
0x1f8: {  	v16 =	vsel vm10, $0x1, v1;
	v14 =	vperm.xlane v12, v6;
	v15 =	vperm.xlane v13, v6  }
0x1f9: {  	v16 =	vbroadcast v16, $0x0  }
0x1fa: {  	vm10 =	veq.f32 v12, v14;
	vm11 =	vlt.s32 v13, v15  }
0x1fb: {  	v16 =	vand.u32 $0x1, v16;
	vm12 =	vlt.f32 v12, v14;
	vm11 =	vmand vm10, vm11  }
0x1fc: {  	vm10 =	veq.s32 v16, $0x1;
	vm11 =	vmor vm12, vm11  }
0x1fd: {  	vm11 =	vmxor vm10, vm11  }
0x1fe: {  	vm11 =	vmxor vm11, vm6  }
0x1ff: {  	v12 =	vsel vm11, v12, v14  }
0x200: {  	v13 =	vsel vm11, v13, v15;
	[tilespmem:s5+$0x0] =	vst v12  }
0x201: {  	[tilespmem:s4+$0x0] =	vst v13  }
0x202: {  	v12 =	vld [tilespmem:s5+$0x0];
	_ =	sdelay $0x4  }
0x203: {  	v15 =	vperm.xlane v13, v5;
	v14 =	vperm.xlane v12, v5;
	_ =	sdelay $0x1  }
0x204: {  	vm12 =	vlt.s32 v13, v15;
	vm11 =	veq.f32 v12, v14  }
0x205: {  	vm13 =	vlt.f32 v12, v14;
	vm11 =	vmand vm11, vm12  }
0x206: {  	vm11 =	vmor vm13, vm11  }
0x207: {  	vm11 =	vmxor vm10, vm11  }
0x208: {  	vm11 =	vmxor vm11, vm7  }
0x209: {  	v12 =	vsel vm11, v12, v14  }
0x20a: {  	v13 =	vsel vm11, v13, v15;
	[tilespmem:s5+$0x0] =	vst v12  }
0x20b: {  	[tilespmem:s4+$0x0] =	vst v13  }
0x20c: {  	v12 =	vld [tilespmem:s5+$0x0];
	_ =	sdelay $0x4  }
0x20d: {  	v15 =	vperm.xlane v13, v4;
	v14 =	vperm.xlane v12, v4;
	_ =	sdelay $0x1  }
0x20e: {  	vm12 =	vlt.s32 v13, v15;
	vm11 =	veq.f32 v12, v14  }
0x20f: {  	vm13 =	vlt.f32 v12, v14;
	vm11 =	vmand vm11, vm12  }
0x210: {  	vm11 =	vmor vm13, vm11  }
0x211: {  	vm11 =	vmxor vm10, vm11  }
0x212: {  	vm11 =	vmxor vm11, vm8  }
0x213: {  	v12 =	vsel vm11, v12, v14  }
0x214: {  	v13 =	vsel vm11, v13, v15;
	[tilespmem:s5+$0x0] =	vst v12  }
0x215: {  	[tilespmem:s4+$0x0] =	vst v13  }
0x216: {  	v12 =	vld [tilespmem:s5+$0x0];
	_ =	sdelay $0x4  }
0x217: {  	v15 =	vperm.xlane v13, v3;
	v14 =	vperm.xlane v12, v3;
	_ =	sdelay $0x1  }
0x218: {  	vm12 =	vlt.s32 v13, v15;
	vm11 =	veq.f32 v12, v14  }
0x219: {  	vm13 =	vlt.f32 v12, v14;
	vm11 =	vmand vm11, vm12  }
0x21a: {  	vm11 =	vmor vm13, vm11  }
0x21b: {  	vm10 =	vmxor vm10, vm11  }
0x21c: {  	vm10 =	vmxor vm10, vm9  }
0x21d: {  	v14 =	vsel vm10, v12, v14  }
0x21e: {  	s21 =	simm.s32 $0x10;
	v12 =	vsel vm10, v13, v15;
	[tilespmem:s5+$0x0] =	vst v14  }
.LBB2_15:
0x21f: {  	p0 =	sne.s32 s21, $0x1F0;
	[tilespmem:s4+$0x0] =	vst v12;
	s5 =	sadd.s32 $0x10, s5;
	s4 =	sadd.s32 $0x10, s4  }
0x220: {  	s22 =	smov.u32 s21;
	s21 =	sadd.s32 $0x10, s21;
	v12 =	vld [tilespmem:s5+$0x0]  }
0x221: {  	v13 =	vld [tilespmem:s4+$0x0];
	_ =	sdelay $0x1  }
0x222: {  	v14 =	vmov s22  }
0x223: {  	v14 =	vand.u32 $0x40, v14  }
0x224: {  	vm10 =	veq.s32 v14, $0x0  }
0x225: {  	v16 =	vsel vm10, $0x1, v1;
	v14 =	vperm.xlane v12, v6;
	v15 =	vperm.xlane v13, v6  }
0x226: {  	v16 =	vbroadcast v16, $0x0  }
0x227: {  	vm11 =	vlt.f32 v12, v14;
	vm10 =	veq.f32 v12, v14;
	vm12 =	vlt.s32 v13, v15  }
0x228: {  	v16 =	vand.u32 $0x1, v16;
	vm12 =	vmand vm10, vm12  }
0x229: {  	vm10 =	veq.s32 v16, $0x1;
	vm11 =	vmor vm11, vm12  }
0x22a: {  	vm11 =	vmxor vm10, vm11  }
0x22b: {  	vm11 =	vmxor vm11, vm6  }
0x22c: {  	v12 =	vsel vm11, v12, v14;
	v13 =	vsel vm11, v13, v15  }
0x22d: {  	[tilespmem:s5+$0x0] =	vst v12  }
0x22e: {  	[tilespmem:s4+$0x0] =	vst v13  }
0x22f: {  	v12 =	vld [tilespmem:s5+$0x0];
	_ =	sdelay $0x4  }
0x230: {  	v15 =	vperm.xlane v13, v5;
	v14 =	vperm.xlane v12, v5;
	_ =	sdelay $0x1  }
0x231: {  	vm13 =	vlt.s32 v13, v15;
	vm11 =	vlt.f32 v12, v14;
	vm12 =	veq.f32 v12, v14  }
0x232: {  	vm12 =	vmand vm12, vm13  }
0x233: {  	vm11 =	vmor vm11, vm12  }
0x234: {  	vm11 =	vmxor vm10, vm11  }
0x235: {  	vm11 =	vmxor vm11, vm7  }
0x236: {  	v12 =	vsel vm11, v12, v14;
	v13 =	vsel vm11, v13, v15  }
0x237: {  	[tilespmem:s5+$0x0] =	vst v12  }
0x238: {  	[tilespmem:s4+$0x0] =	vst v13  }
0x239: {  	v12 =	vld [tilespmem:s5+$0x0];
	_ =	sdelay $0x4  }
0x23a: {  	v15 =	vperm.xlane v13, v4;
	v14 =	vperm.xlane v12, v4;
	_ =	sdelay $0x1  }
0x23b: {  	vm13 =	vlt.s32 v13, v15;
	vm11 =	vlt.f32 v12, v14;
	vm12 =	veq.f32 v12, v14  }
0x23c: {  	vm12 =	vmand vm12, vm13  }
0x23d: {  	vm11 =	vmor vm11, vm12  }
0x23e: {  	vm11 =	vmxor vm10, vm11  }
0x23f: {  	vm11 =	vmxor vm11, vm8  }
0x240: {  	v12 =	vsel vm11, v12, v14;
	v13 =	vsel vm11, v13, v15  }
0x241: {  	[tilespmem:s5+$0x0] =	vst v12  }
0x242: {  	[tilespmem:s4+$0x0] =	vst v13  }
0x243: {  	v12 =	vld [tilespmem:s5+$0x0];
	_ =	sdelay $0x4  }
0x244: {  	v15 =	vperm.xlane v13, v3;
	v14 =	vperm.xlane v12, v3;
	_ =	sdelay $0x1  }
0x245: {  	vm13 =	vlt.s32 v13, v15;
	vm11 =	vlt.f32 v12, v14;
	vm12 =	veq.f32 v12, v14  }
0x246: {  	vm12 =	vmand vm12, vm13  }
.Ltmp6:
0x247: {  	vm11 =	vmor vm11, vm12;
	(pc) =	sbr.rel @p0 .LBB2_15-.Ltmp6, $4  }
0x248: {  	vm10 =	vmxor vm10, vm11  }
0x249: {  	vm10 =	vmxor vm10, vm9  }
0x24a: {  	v14 =	vsel vm10, v12, v14;
	v12 =	vsel vm10, v13, v15  }
0x24b: {  	[tilespmem:s5+$0x0] =	vst v14  }
0x24c: {  	s5 =	sand.u32 $0x3, s2;
	s21 =	sand.u32 $0x18, s2  }
0x24d: {  	s5 =	sor.u32 s5, s21  }
0x24e: {  	[tilespmem:s4+$0x0] =	vst v12;
	s5 =	sshll.u32 s5, $0x4  }
0x24f: {  	v12 =	vld [tilespmem:s5+$0x4080]  }
0x250: {  	v13 =	vld [tilespmem:s5+$0x42C0]  }
0x251: {  	v15 =	vmov s5;
	v14 =	vld [tilespmem:s5+$0x40C0]  }
0x252: {  	v16 =	vand.u32 $0x80, v15;
	v15 =	vld [tilespmem:s5+$0x4280]  }
0x253: {  	vm10 =	veq.s32 v16, $0x0  }
0x254: {  	v16 =	vsel vm10, $0x1, v1  }
0x255: {  	v16 =	vbroadcast v16, $0x0;
	_ =	sdelay $0x1  }
0x256: {  	vm12 =	veq.f32 v12, v14;
	v16 =	vand.u32 $0x1, v16;
	vm13 =	vlt.s32 v15, v13  }
0x257: {  	s21 =	simm.s32 $0x1;
	vm11 =	vlt.f32 v12, v14;
	vm10 =	veq.s32 v16, $0x1;
	vm12 =	vmand vm12, vm13  }
.LBB2_17:
0x258: {  	p0 =	sne.s32 s21, $0xF  }
0x259: {  	vm11 =	vmor vm11, vm12;
	s2 =	sadd.s32 $0x2, s2;
	s4 =	smov.u32 s21;
	s21 =	sadd.s32 $0x1, s21  }
0x25a: {  	s4 =	sand.u32 $0x3, s4;
	s22 =	sand.u32 $0x18, s2;
	vm10 =	vmxor vm10, vm11  }
0x25b: {  	s4 =	sor.u32 s4, s22;
	v16 =	vsel vm10, v14, v12;
	v17 =	vsel vm10, v13, v15;
	v13 =	vsel vm10, v15, v13  }
0x25c: {  	v14 =	vsel vm10, v12, v14;
	s4 =	sshll.u32 s4, $0x4;
	[tilespmem:s5+$0x4080] =	vst v16  }
0x25d: {  	v12 =	vld [tilespmem:s4+$0x4080];
	v15 =	vmov s4;
	[tilespmem:s5+$0x42C0] =	vst v13  }
0x25e: {  	v13 =	vld [tilespmem:s4+$0x42C0];
	v15 =	vand.u32 $0x80, v15;
	[tilespmem:s5+$0x40C0] =	vst v14  }
0x25f: {  	v14 =	vld [tilespmem:s4+$0x40C0];
	vm10 =	veq.s32 v15, $0x0;
	[tilespmem:s5+$0x4280] =	vst v17;
	s5 =	smov.u32 s4  }
0x260: {  	v15 =	vld [tilespmem:s5+$0x4280];
	v16 =	vsel vm10, $0x1, v1  }
0x261: {  	v16 =	vbroadcast v16, $0x0  }
.Ltmp7:
0x262: {  	(pc) =	sbr.rel @p0 .LBB2_17-.Ltmp7, $4  }
0x263: {  	v16 =	vand.u32 $0x1, v16  }
0x264: {  	vm10 =	veq.s32 v16, $0x1;
	vm11 =	vlt.f32 v12, v14;
	vm12 =	veq.f32 v12, v14  }
0x265: {  	vm13 =	vlt.s32 v15, v13  }
0x266: {  	s4 =	simm.s32 $0x0;
	vm12 =	vmand vm12, vm13  }
0x267: {  	vm11 =	vmor vm11, vm12  }
0x268: {  	vm10 =	vmxor vm10, vm11  }
0x269: {  	v16 =	vsel vm10, v14, v12  }
0x26a: {  	v17 =	vsel vm10, v15, v13;
	[tilespmem:s5+$0x4080] =	vst v16  }
0x26b: {  	s2 =	sand.u32 $0x1, s4;
	s21 =	sand.u32 $0x1C, s4;
	v12 =	vsel vm10, v12, v14;
	[tilespmem:s5+$0x42C0] =	vst v17  }
0x26c: {  	s2 =	sor.u32 s2, s21;
	v13 =	vsel vm10, v13, v15;
	[tilespmem:s5+$0x40C0] =	vst v12  }
0x26d: {  	s2 =	sshll.u32 s2, $0x4;
	[tilespmem:s5+$0x4280] =	vst v13  }
0x26e: {  	v12 =	vld [tilespmem:s2+$0x4080]  }
0x26f: {  	v13 =	vld [tilespmem:s2+$0x40A0]  }
0x270: {  	v15 =	vmov s2;
	v14 =	vld [tilespmem:s2+$0x42A0]  }
0x271: {  	v16 =	vand.u32 $0x80, v15;
	v15 =	vld [tilespmem:s2+$0x4280]  }
0x272: {  	vm10 =	veq.s32 v16, $0x0  }
0x273: {  	v16 =	vsel vm10, $0x1, v1  }
0x274: {  	v16 =	vbroadcast v16, $0x0;
	_ =	sdelay $0x1  }
0x275: {  	v16 =	vand.u32 $0x1, v16;
	vm12 =	veq.f32 v12, v13;
	vm13 =	vlt.s32 v15, v14  }
0x276: {  	s21 =	simm.s32 $0x0;
	s5 =	simm.s32 $0x1;
	vm11 =	vlt.f32 v12, v13;
	vm10 =	veq.s32 v16, $0x1;
	vm12 =	vmand vm12, vm13  }
.LBB2_19:
0x277: {  	p0 =	sne.s32 s5, $0xF  }
0x278: {  	vm11 =	vmor vm11, vm12;
	s21 =	sadd.s32 $0x2, s21;
	s22 =	smov.u32 s5;
	s5 =	sadd.s32 $0x1, s5  }
0x279: {  	s22 =	sand.u32 $0x1, s22;
	s25 =	sand.u32 $0x1C, s21;
	vm10 =	vmxor vm10, vm11  }
0x27a: {  	s22 =	sor.u32 s22, s25;
	v16 =	vsel vm10, v13, v12;
	v17 =	vsel vm10, v14, v15;
	v14 =	vsel vm10, v15, v14  }
0x27b: {  	v13 =	vsel vm10, v12, v13;
	s22 =	sshll.u32 s22, $0x4;
	[tilespmem:s2+$0x4080] =	vst v16  }
0x27c: {  	v12 =	vld [tilespmem:s22+$0x4080];
	v15 =	vmov s22;
	[tilespmem:s2+$0x40A0] =	vst v13  }
0x27d: {  	v13 =	vld [tilespmem:s22+$0x40A0];
	v15 =	vand.u32 $0x80, v15;
	[tilespmem:s2+$0x42A0] =	vst v14  }
0x27e: {  	v14 =	vld [tilespmem:s22+$0x42A0];
	vm10 =	veq.s32 v15, $0x0;
	[tilespmem:s2+$0x4280] =	vst v17;
	s2 =	smov.u32 s22  }
0x27f: {  	v15 =	vld [tilespmem:s2+$0x4280];
	v16 =	vsel vm10, $0x1, v1  }
0x280: {  	v16 =	vbroadcast v16, $0x0  }
.Ltmp8:
0x281: {  	(pc) =	sbr.rel @p0 .LBB2_19-.Ltmp8, $4  }
0x282: {  	v16 =	vand.u32 $0x1, v16  }
0x283: {  	vm11 =	vlt.f32 v12, v13;
	vm12 =	veq.f32 v12, v13;
	vm10 =	veq.s32 v16, $0x1  }
0x284: {  	vm13 =	vlt.s32 v15, v14  }
0x285: {  	vm12 =	vmand vm12, vm13  }
0x286: {  	vm11 =	vmor vm11, vm12  }
0x287: {  	vm10 =	vmxor vm10, vm11  }
0x288: {  	v16 =	vsel vm10, v13, v12  }
0x289: {  	v12 =	vsel vm10, v12, v13;
	[tilespmem:s2+$0x4080] =	vst v16  }
0x28a: {  	v13 =	vsel vm10, v15, v14;
	[tilespmem:s2+$0x40A0] =	vst v12  }
0x28b: {  	v12 =	vsel vm10, v14, v15;
	[tilespmem:s2+$0x42A0] =	vst v13  }
0x28c: {  	s5 =	simm.s32 $0x4290;
	[tilespmem:s2+$0x4280] =	vst v12  }
0x28d: {  	v12 =	vld [tilespmem:s5+$0xFFFFFFF0]  }
0x28e: {  	s2 =	simm.s32 $0x4090;
	v13 =	vld [tilespmem:s5+$0x0]  }
0x28f: {  	v14 =	vld [tilespmem:s2+$0x0]  }
0x290: {  	v62 =	vmov s4;
	v15 =	vld [tilespmem:s2+$0xFFFFFFF0]  }
0x291: {  	v16 =	vand.u32 $0x80, v62  }
0x292: {  	vm10 =	veq.s32 v16, $0x0  }
0x293: {  	v16 =	vsel vm10, $0x1, v1  }
0x294: {  	v16 =	vbroadcast v16, $0x0  }
0x295: {  	vm10 =	veq.f32 v15, v14;
	vm11 =	vlt.s32 v12, v13  }
0x296: {  	v16 =	vand.u32 $0x1, v16;
	vm12 =	vlt.f32 v15, v14;
	vm10 =	vmand vm10, vm11  }
0x297: {  	vm11 =	veq.s32 v16, $0x1;
	vm10 =	vmor vm12, vm10  }
0x298: {  	vm10 =	vmxor vm11, vm10  }
0x299: {  	v63 =	vsel vm10, v14, v15  }
0x29a: {  	v17 =	vsel vm10, v13, v12;
	[tilespmem:s2+$0xFFFFFFF0] =	vst v63  }
0x29b: {  	v14 =	vsel vm10, v15, v14;
	[tilespmem:s5+$0xFFFFFFF0] =	vst v17  }
0x29c: {  	s4 =	simm.s32 $0x20;
	s21 =	simm.s32 $0x42B0;
	v12 =	vsel vm10, v12, v13;
	[tilespmem:s2+$0x0] =	vst v14  }
.LBB2_21:
0x29d: {  	p0 =	sne.s32 s4, $0x1E0;
	s2 =	sadd.s32 $0x20, s2  }
0x29e: {  	v13 =	vld [tilespmem:s21+$0xFFFFFFF0];
	[tilespmem:s5+$0x0] =	vst v12;
	s22 =	smov.u32 s4;
	s4 =	sadd.s32 $0x20, s4;
	s5 =	smov.u32 s21  }
0x29f: {  	v12 =	vld [tilespmem:s21+$0x0]  }
0x2a0: {  	v14 =	vld [tilespmem:s2+$0x0]  }
0x2a1: {  	v16 =	vmov s22;
	v15 =	vld [tilespmem:s2+$0xFFFFFFF0]  }
0x2a2: {  	v16 =	vand.u32 $0x80, v16  }
0x2a3: {  	vm10 =	veq.s32 v16, $0x0  }
0x2a4: {  	v16 =	vsel vm10, $0x1, v1  }
0x2a5: {  	v16 =	vbroadcast v16, $0x0  }
0x2a6: {  	vm12 =	vlt.s32 v13, v12;
	vm10 =	vlt.f32 v15, v14;
	vm11 =	veq.f32 v15, v14  }
0x2a7: {  	v16 =	vand.u32 $0x1, v16;
	vm11 =	vmand vm11, vm12  }
0x2a8: {  	vm12 =	veq.s32 v16, $0x1;
	vm10 =	vmor vm10, vm11  }
.Ltmp9:
0x2a9: {  	vm10 =	vmxor vm12, vm10;
	(pc) =	sbr.rel @p0 .LBB2_21-.Ltmp9, $4  }
0x2aa: {  	v16 =	vsel vm10, v14, v15;
	v17 =	vsel vm10, v12, v13;
	v14 =	vsel vm10, v15, v14  }
0x2ab: {  	v12 =	vsel vm10, v13, v12;
	[tilespmem:s2+$0xFFFFFFF0] =	vst v16  }
0x2ac: {  	[tilespmem:s21+$0xFFFFFFF0] =	vst v17  }
0x2ad: {  	s21 =	sadd.s32 $0x20, s21;
	[tilespmem:s2+$0x0] =	vst v14  }
0x2ae: {  	[tilespmem:s5+$0x0] =	vst v12;
	s5 =	simm.s32 $0x4080  }
0x2af: {  	s4 =	simm.s32 $0x4280;
	v12 =	vld [tilespmem:s5+$0x0]  }
0x2b0: {  	v13 =	vld [tilespmem:s4+$0x0]  }
0x2b1: {  	s2 =	simm.s32 $0x0  }
0x2b2: {  	v14 =	vmov s2  }
0x2b3: {  	v14 =	vand.u32 $0x80, v14  }
0x2b4: {  	vm10 =	veq.s32 v14, $0x0  }
0x2b5: {  	v16 =	vsel vm10, $0x1, v1;
	v14 =	vperm.xlane v12, v6;
	v15 =	vperm.xlane v13, v6  }
0x2b6: {  	v16 =	vbroadcast v16, $0x0  }
0x2b7: {  	vm10 =	veq.f32 v12, v14;
	vm11 =	vlt.s32 v13, v15  }
0x2b8: {  	v16 =	vand.u32 $0x1, v16;
	vm12 =	vlt.f32 v12, v14;
	vm11 =	vmand vm10, vm11  }
0x2b9: {  	vm10 =	veq.s32 v16, $0x1;
	vm11 =	vmor vm12, vm11  }
0x2ba: {  	vm11 =	vmxor vm10, vm11  }
0x2bb: {  	vm11 =	vmxor vm11, vm6  }
0x2bc: {  	v12 =	vsel vm11, v12, v14  }
0x2bd: {  	v13 =	vsel vm11, v13, v15;
	[tilespmem:s5+$0x0] =	vst v12  }
0x2be: {  	[tilespmem:s4+$0x0] =	vst v13  }
0x2bf: {  	v12 =	vld [tilespmem:s5+$0x0];
	_ =	sdelay $0x4  }
0x2c0: {  	v15 =	vperm.xlane v13, v5;
	v14 =	vperm.xlane v12, v5;
	_ =	sdelay $0x1  }
0x2c1: {  	vm12 =	vlt.s32 v13, v15;
	vm11 =	veq.f32 v12, v14  }
0x2c2: {  	vm13 =	vlt.f32 v12, v14;
	vm11 =	vmand vm11, vm12  }
0x2c3: {  	vm11 =	vmor vm13, vm11  }
0x2c4: {  	vm11 =	vmxor vm10, vm11  }
0x2c5: {  	vm11 =	vmxor vm11, vm7  }
0x2c6: {  	v12 =	vsel vm11, v12, v14  }
0x2c7: {  	v13 =	vsel vm11, v13, v15;
	[tilespmem:s5+$0x0] =	vst v12  }
0x2c8: {  	[tilespmem:s4+$0x0] =	vst v13  }
0x2c9: {  	v12 =	vld [tilespmem:s5+$0x0];
	_ =	sdelay $0x4  }
0x2ca: {  	v15 =	vperm.xlane v13, v4;
	v14 =	vperm.xlane v12, v4;
	_ =	sdelay $0x1  }
0x2cb: {  	vm12 =	vlt.s32 v13, v15;
	vm11 =	veq.f32 v12, v14  }
0x2cc: {  	vm13 =	vlt.f32 v12, v14;
	vm11 =	vmand vm11, vm12  }
0x2cd: {  	vm11 =	vmor vm13, vm11  }
0x2ce: {  	vm11 =	vmxor vm10, vm11  }
0x2cf: {  	vm11 =	vmxor vm11, vm8  }
0x2d0: {  	v12 =	vsel vm11, v12, v14  }
0x2d1: {  	v13 =	vsel vm11, v13, v15;
	[tilespmem:s5+$0x0] =	vst v12  }
0x2d2: {  	[tilespmem:s4+$0x0] =	vst v13  }
0x2d3: {  	v12 =	vld [tilespmem:s5+$0x0];
	_ =	sdelay $0x4  }
0x2d4: {  	v15 =	vperm.xlane v13, v3;
	v14 =	vperm.xlane v12, v3;
	_ =	sdelay $0x1  }
0x2d5: {  	vm12 =	vlt.s32 v13, v15;
	vm11 =	veq.f32 v12, v14  }
0x2d6: {  	vm13 =	vlt.f32 v12, v14;
	vm11 =	vmand vm11, vm12  }
0x2d7: {  	vm11 =	vmor vm13, vm11  }
0x2d8: {  	vm10 =	vmxor vm10, vm11  }
0x2d9: {  	vm10 =	vmxor vm10, vm9  }
0x2da: {  	v14 =	vsel vm10, v12, v14  }
0x2db: {  	s21 =	simm.s32 $0x10;
	v12 =	vsel vm10, v13, v15;
	[tilespmem:s5+$0x0] =	vst v14  }
.LBB2_23:
0x2dc: {  	p0 =	sne.s32 s21, $0x1F0;
	[tilespmem:s4+$0x0] =	vst v12;
	s5 =	sadd.s32 $0x10, s5;
	s4 =	sadd.s32 $0x10, s4  }
0x2dd: {  	s22 =	smov.u32 s21;
	s21 =	sadd.s32 $0x10, s21;
	v12 =	vld [tilespmem:s5+$0x0]  }
0x2de: {  	v13 =	vld [tilespmem:s4+$0x0];
	_ =	sdelay $0x1  }
0x2df: {  	v14 =	vmov s22  }
0x2e0: {  	v14 =	vand.u32 $0x80, v14  }
0x2e1: {  	vm10 =	veq.s32 v14, $0x0  }
0x2e2: {  	v16 =	vsel vm10, $0x1, v1;
	v14 =	vperm.xlane v12, v6;
	v15 =	vperm.xlane v13, v6  }
0x2e3: {  	v16 =	vbroadcast v16, $0x0  }
0x2e4: {  	vm11 =	vlt.f32 v12, v14;
	vm10 =	veq.f32 v12, v14;
	vm12 =	vlt.s32 v13, v15  }
0x2e5: {  	v16 =	vand.u32 $0x1, v16;
	vm12 =	vmand vm10, vm12  }
0x2e6: {  	vm10 =	veq.s32 v16, $0x1;
	vm11 =	vmor vm11, vm12  }
0x2e7: {  	vm11 =	vmxor vm10, vm11  }
0x2e8: {  	vm11 =	vmxor vm11, vm6  }
0x2e9: {  	v12 =	vsel vm11, v12, v14;
	v13 =	vsel vm11, v13, v15  }
0x2ea: {  	[tilespmem:s5+$0x0] =	vst v12  }
0x2eb: {  	[tilespmem:s4+$0x0] =	vst v13  }
0x2ec: {  	v12 =	vld [tilespmem:s5+$0x0];
	_ =	sdelay $0x4  }
0x2ed: {  	v15 =	vperm.xlane v13, v5;
	v14 =	vperm.xlane v12, v5;
	_ =	sdelay $0x1  }
0x2ee: {  	vm13 =	vlt.s32 v13, v15;
	vm11 =	vlt.f32 v12, v14;
	vm12 =	veq.f32 v12, v14  }
0x2ef: {  	vm12 =	vmand vm12, vm13  }
0x2f0: {  	vm11 =	vmor vm11, vm12  }
0x2f1: {  	vm11 =	vmxor vm10, vm11  }
0x2f2: {  	vm11 =	vmxor vm11, vm7  }
0x2f3: {  	v12 =	vsel vm11, v12, v14;
	v13 =	vsel vm11, v13, v15  }
0x2f4: {  	[tilespmem:s5+$0x0] =	vst v12  }
0x2f5: {  	[tilespmem:s4+$0x0] =	vst v13  }
0x2f6: {  	v12 =	vld [tilespmem:s5+$0x0];
	_ =	sdelay $0x4  }
0x2f7: {  	v15 =	vperm.xlane v13, v4;
	v14 =	vperm.xlane v12, v4;
	_ =	sdelay $0x1  }
0x2f8: {  	vm13 =	vlt.s32 v13, v15;
	vm11 =	vlt.f32 v12, v14;
	vm12 =	veq.f32 v12, v14  }
0x2f9: {  	vm12 =	vmand vm12, vm13  }
0x2fa: {  	vm11 =	vmor vm11, vm12  }
0x2fb: {  	vm11 =	vmxor vm10, vm11  }
0x2fc: {  	vm11 =	vmxor vm11, vm8  }
0x2fd: {  	v12 =	vsel vm11, v12, v14;
	v13 =	vsel vm11, v13, v15  }
0x2fe: {  	[tilespmem:s5+$0x0] =	vst v12  }
0x2ff: {  	[tilespmem:s4+$0x0] =	vst v13  }
0x300: {  	v12 =	vld [tilespmem:s5+$0x0];
	_ =	sdelay $0x4  }
0x301: {  	v15 =	vperm.xlane v13, v3;
	v14 =	vperm.xlane v12, v3;
	_ =	sdelay $0x1  }
0x302: {  	vm13 =	vlt.s32 v13, v15;
	vm11 =	vlt.f32 v12, v14;
	vm12 =	veq.f32 v12, v14  }
0x303: {  	vm12 =	vmand vm12, vm13  }
.Ltmp10:
0x304: {  	vm11 =	vmor vm11, vm12;
	(pc) =	sbr.rel @p0 .LBB2_23-.Ltmp10, $4  }
0x305: {  	vm10 =	vmxor vm10, vm11  }
0x306: {  	vm10 =	vmxor vm10, vm9  }
0x307: {  	v14 =	vsel vm10, v12, v14;
	v12 =	vsel vm10, v13, v15  }
0x308: {  	[tilespmem:s5+$0x0] =	vst v14  }
0x309: {  	s5 =	sand.u32 $0x7, s2;
	s21 =	sand.u32 $0x10, s2  }
0x30a: {  	s5 =	sor.u32 s5, s21  }
0x30b: {  	[tilespmem:s4+$0x0] =	vst v12;
	s5 =	sshll.u32 s5, $0x4  }
0x30c: {  	v12 =	vld [tilespmem:s5+$0x4080]  }
0x30d: {  	v13 =	vld [tilespmem:s5+$0x4300]  }
0x30e: {  	v15 =	vmov s5;
	v14 =	vld [tilespmem:s5+$0x4100]  }
0x30f: {  	v16 =	vand.u32 $0x100, v15;
	v15 =	vld [tilespmem:s5+$0x4280]  }
0x310: {  	vm10 =	veq.s32 v16, $0x0  }
0x311: {  	v16 =	vsel vm10, $0x1, v1  }
0x312: {  	v16 =	vbroadcast v16, $0x0;
	_ =	sdelay $0x1  }
0x313: {  	vm12 =	veq.f32 v12, v14;
	v16 =	vand.u32 $0x1, v16;
	vm13 =	vlt.s32 v15, v13  }
0x314: {  	s21 =	simm.s32 $0x1;
	vm11 =	vlt.f32 v12, v14;
	vm10 =	veq.s32 v16, $0x1;
	vm12 =	vmand vm12, vm13  }
.LBB2_25:
0x315: {  	p0 =	sne.s32 s21, $0xF  }
0x316: {  	vm11 =	vmor vm11, vm12;
	s2 =	sadd.s32 $0x2, s2;
	s4 =	smov.u32 s21;
	s21 =	sadd.s32 $0x1, s21  }
0x317: {  	s4 =	sand.u32 $0x7, s4;
	s22 =	sand.u32 $0x10, s2;
	vm10 =	vmxor vm10, vm11  }
0x318: {  	s4 =	sor.u32 s4, s22;
	v16 =	vsel vm10, v14, v12;
	v17 =	vsel vm10, v13, v15;
	v13 =	vsel vm10, v15, v13  }
0x319: {  	v14 =	vsel vm10, v12, v14;
	s4 =	sshll.u32 s4, $0x4;
	[tilespmem:s5+$0x4080] =	vst v16  }
0x31a: {  	v12 =	vld [tilespmem:s4+$0x4080];
	v15 =	vmov s4;
	[tilespmem:s5+$0x4300] =	vst v13  }
0x31b: {  	v13 =	vld [tilespmem:s4+$0x4300];
	v15 =	vand.u32 $0x100, v15;
	[tilespmem:s5+$0x4100] =	vst v14  }
0x31c: {  	v14 =	vld [tilespmem:s4+$0x4100];
	vm10 =	veq.s32 v15, $0x0;
	[tilespmem:s5+$0x4280] =	vst v17;
	s5 =	smov.u32 s4  }
0x31d: {  	v15 =	vld [tilespmem:s5+$0x4280];
	v16 =	vsel vm10, $0x1, v1  }
0x31e: {  	v16 =	vbroadcast v16, $0x0  }
.Ltmp11:
0x31f: {  	(pc) =	sbr.rel @p0 .LBB2_25-.Ltmp11, $4  }
0x320: {  	v16 =	vand.u32 $0x1, v16  }
0x321: {  	vm10 =	veq.s32 v16, $0x1;
	vm11 =	vlt.f32 v12, v14;
	vm12 =	veq.f32 v12, v14  }
0x322: {  	vm13 =	vlt.s32 v15, v13  }
0x323: {  	s4 =	simm.s32 $0x0;
	vm12 =	vmand vm12, vm13  }
0x324: {  	vm11 =	vmor vm11, vm12  }
0x325: {  	vm10 =	vmxor vm10, vm11  }
0x326: {  	v16 =	vsel vm10, v14, v12  }
0x327: {  	v17 =	vsel vm10, v15, v13;
	[tilespmem:s5+$0x4080] =	vst v16  }
0x328: {  	s2 =	sand.u32 $0x3, s4;
	s21 =	sand.u32 $0x18, s4;
	v12 =	vsel vm10, v12, v14;
	[tilespmem:s5+$0x4300] =	vst v17  }
0x329: {  	s2 =	sor.u32 s2, s21;
	v13 =	vsel vm10, v13, v15;
	[tilespmem:s5+$0x4100] =	vst v12  }
0x32a: {  	s2 =	sshll.u32 s2, $0x4;
	[tilespmem:s5+$0x4280] =	vst v13  }
0x32b: {  	v12 =	vld [tilespmem:s2+$0x4080]  }
0x32c: {  	v13 =	vld [tilespmem:s2+$0x40C0]  }
0x32d: {  	v15 =	vmov s2;
	v14 =	vld [tilespmem:s2+$0x42C0]  }
0x32e: {  	v16 =	vand.u32 $0x100, v15;
	v15 =	vld [tilespmem:s2+$0x4280]  }
0x32f: {  	vm10 =	veq.s32 v16, $0x0  }
0x330: {  	v16 =	vsel vm10, $0x1, v1  }
0x331: {  	v16 =	vbroadcast v16, $0x0;
	_ =	sdelay $0x1  }
0x332: {  	v16 =	vand.u32 $0x1, v16;
	vm12 =	veq.f32 v12, v13;
	vm13 =	vlt.s32 v15, v14  }
0x333: {  	s21 =	simm.s32 $0x0;
	s5 =	simm.s32 $0x1;
	vm11 =	vlt.f32 v12, v13;
	vm10 =	veq.s32 v16, $0x1;
	vm12 =	vmand vm12, vm13  }
.LBB2_27:
0x334: {  	p0 =	sne.s32 s5, $0xF  }
0x335: {  	vm11 =	vmor vm11, vm12;
	s21 =	sadd.s32 $0x2, s21;
	s22 =	smov.u32 s5;
	s5 =	sadd.s32 $0x1, s5  }
0x336: {  	s22 =	sand.u32 $0x3, s22;
	s25 =	sand.u32 $0x18, s21;
	vm10 =	vmxor vm10, vm11  }
0x337: {  	s22 =	sor.u32 s22, s25;
	v16 =	vsel vm10, v13, v12;
	v17 =	vsel vm10, v14, v15;
	v14 =	vsel vm10, v15, v14  }
0x338: {  	v13 =	vsel vm10, v12, v13;
	s22 =	sshll.u32 s22, $0x4;
	[tilespmem:s2+$0x4080] =	vst v16  }
0x339: {  	v12 =	vld [tilespmem:s22+$0x4080];
	v15 =	vmov s22;
	[tilespmem:s2+$0x40C0] =	vst v13  }
0x33a: {  	v13 =	vld [tilespmem:s22+$0x40C0];
	v15 =	vand.u32 $0x100, v15;
	[tilespmem:s2+$0x42C0] =	vst v14  }
0x33b: {  	v14 =	vld [tilespmem:s22+$0x42C0];
	vm10 =	veq.s32 v15, $0x0;
	[tilespmem:s2+$0x4280] =	vst v17;
	s2 =	smov.u32 s22  }
0x33c: {  	v15 =	vld [tilespmem:s2+$0x4280];
	v16 =	vsel vm10, $0x1, v1  }
0x33d: {  	v16 =	vbroadcast v16, $0x0  }
.Ltmp12:
0x33e: {  	(pc) =	sbr.rel @p0 .LBB2_27-.Ltmp12, $4  }
0x33f: {  	v16 =	vand.u32 $0x1, v16  }
0x340: {  	vm11 =	vlt.f32 v12, v13;
	vm12 =	veq.f32 v12, v13;
	vm10 =	veq.s32 v16, $0x1  }
0x341: {  	vm13 =	vlt.s32 v15, v14  }
0x342: {  	vm12 =	vmand vm12, vm13  }
0x343: {  	vm11 =	vmor vm11, vm12  }
0x344: {  	vm10 =	vmxor vm10, vm11  }
0x345: {  	v16 =	vsel vm10, v13, v12  }
0x346: {  	v12 =	vsel vm10, v12, v13;
	[tilespmem:s2+$0x4080] =	vst v16  }
0x347: {  	s5 =	sand.u32 $0x1, s4;
	s21 =	sand.u32 $0x1C, s4;
	v13 =	vsel vm10, v15, v14;
	[tilespmem:s2+$0x40C0] =	vst v12  }
0x348: {  	s5 =	sor.u32 s5, s21;
	v12 =	vsel vm10, v14, v15;
	[tilespmem:s2+$0x42C0] =	vst v13  }
0x349: {  	[tilespmem:s2+$0x4280] =	vst v12;
	s2 =	sshll.u32 s5, $0x4  }
0x34a: {  	v12 =	vld [tilespmem:s2+$0x4080]  }
0x34b: {  	v13 =	vld [tilespmem:s2+$0x40A0]  }
0x34c: {  	v15 =	vmov s2;
	v14 =	vld [tilespmem:s2+$0x42A0]  }
0x34d: {  	v16 =	vand.u32 $0x100, v15;
	v15 =	vld [tilespmem:s2+$0x4280]  }
0x34e: {  	vm10 =	veq.s32 v16, $0x0  }
0x34f: {  	v16 =	vsel vm10, $0x1, v1  }
0x350: {  	v16 =	vbroadcast v16, $0x0;
	_ =	sdelay $0x1  }
0x351: {  	vm12 =	veq.f32 v12, v13;
	v16 =	vand.u32 $0x1, v16;
	vm13 =	vlt.s32 v15, v14  }
0x352: {  	s5 =	simm.s32 $0x1;
	vm11 =	vlt.f32 v12, v13;
	vm10 =	veq.s32 v16, $0x1;
	vm12 =	vmand vm12, vm13  }
.LBB2_29:
0x353: {  	p0 =	sne.s32 s5, $0xF  }
0x354: {  	vm11 =	vmor vm11, vm12;
	s4 =	sadd.s32 $0x2, s4;
	s21 =	smov.u32 s5;
	s5 =	sadd.s32 $0x1, s5  }
0x355: {  	s21 =	sand.u32 $0x1, s21;
	s22 =	sand.u32 $0x1C, s4;
	vm10 =	vmxor vm10, vm11  }
0x356: {  	s21 =	sor.u32 s21, s22;
	v16 =	vsel vm10, v13, v12;
	v17 =	vsel vm10, v14, v15;
	v14 =	vsel vm10, v15, v14  }
0x357: {  	v13 =	vsel vm10, v12, v13;
	s21 =	sshll.u32 s21, $0x4;
	[tilespmem:s2+$0x4080] =	vst v16  }
0x358: {  	v12 =	vld [tilespmem:s21+$0x4080];
	v15 =	vmov s21;
	[tilespmem:s2+$0x40A0] =	vst v13  }
0x359: {  	v13 =	vld [tilespmem:s21+$0x40A0];
	v15 =	vand.u32 $0x100, v15;
	[tilespmem:s2+$0x42A0] =	vst v14  }
0x35a: {  	v14 =	vld [tilespmem:s21+$0x42A0];
	vm10 =	veq.s32 v15, $0x0;
	[tilespmem:s2+$0x4280] =	vst v17;
	s2 =	smov.u32 s21  }
0x35b: {  	v15 =	vld [tilespmem:s2+$0x4280];
	v16 =	vsel vm10, $0x1, v1  }
0x35c: {  	v16 =	vbroadcast v16, $0x0  }
.Ltmp13:
0x35d: {  	(pc) =	sbr.rel @p0 .LBB2_29-.Ltmp13, $4  }
0x35e: {  	v16 =	vand.u32 $0x1, v16  }
0x35f: {  	vm11 =	vlt.f32 v12, v13;
	vm12 =	veq.f32 v12, v13;
	vm10 =	veq.s32 v16, $0x1  }
0x360: {  	vm13 =	vlt.s32 v15, v14  }
0x361: {  	vm12 =	vmand vm12, vm13  }
0x362: {  	vm11 =	vmor vm11, vm12  }
0x363: {  	vm10 =	vmxor vm10, vm11  }
0x364: {  	v16 =	vsel vm10, v13, v12  }
0x365: {  	v12 =	vsel vm10, v12, v13;
	[tilespmem:s2+$0x4080] =	vst v16  }
0x366: {  	v13 =	vsel vm10, v15, v14;
	[tilespmem:s2+$0x40A0] =	vst v12  }
0x367: {  	v12 =	vsel vm10, v14, v15;
	[tilespmem:s2+$0x42A0] =	vst v13  }
0x368: {  	s4 =	simm.s32 $0x4290;
	[tilespmem:s2+$0x4280] =	vst v12  }
0x369: {  	v12 =	vld [tilespmem:s4+$0xFFFFFFF0]  }
0x36a: {  	s2 =	simm.s32 $0x4090;
	v13 =	vld [tilespmem:s4+$0x0]  }
0x36b: {  	s5 =	simm.s32 $0x0;
	v14 =	vld [tilespmem:s2+$0x0]  }
0x36c: {  	v62 =	vmov s5;
	v15 =	vld [tilespmem:s2+$0xFFFFFFF0]  }
0x36d: {  	v16 =	vand.u32 $0x100, v62  }
0x36e: {  	vm10 =	veq.s32 v16, $0x0  }
0x36f: {  	v16 =	vsel vm10, $0x1, v1  }
0x370: {  	v16 =	vbroadcast v16, $0x0  }
0x371: {  	vm10 =	veq.f32 v15, v14;
	vm11 =	vlt.s32 v12, v13  }
0x372: {  	v16 =	vand.u32 $0x1, v16;
	vm12 =	vlt.f32 v15, v14;
	vm11 =	vmand vm10, vm11  }
0x373: {  	vm10 =	veq.s32 v16, $0x1;
	vm11 =	vmor vm12, vm11  }
0x374: {  	vm11 =	vmxor vm10, vm11  }
0x375: {  	v63 =	vsel vm11, v14, v15  }
0x376: {  	v17 =	vsel vm11, v13, v12;
	[tilespmem:s2+$0xFFFFFFF0] =	vst v63  }
0x377: {  	v14 =	vsel vm11, v15, v14;
	[tilespmem:s4+$0xFFFFFFF0] =	vst v17  }
0x378: {  	s21 =	simm.s32 $0x42B0;
	s5 =	simm.s32 $0x20;
	v12 =	vsel vm11, v12, v13;
	[tilespmem:s2+$0x0] =	vst v14  }
.LBB2_31:
0x379: {  	p0 =	sne.s32 s5, $0x1E0;
	s2 =	sadd.s32 $0x20, s2  }
0x37a: {  	v13 =	vld [tilespmem:s21+$0xFFFFFFF0];
	[tilespmem:s4+$0x0] =	vst v12;
	s22 =	smov.u32 s5;
	s5 =	sadd.s32 $0x20, s5;
	s4 =	smov.u32 s21  }
0x37b: {  	v12 =	vld [tilespmem:s21+$0x0]  }
0x37c: {  	v14 =	vld [tilespmem:s2+$0x0]  }
0x37d: {  	v16 =	vmov s22;
	v15 =	vld [tilespmem:s2+$0xFFFFFFF0]  }
0x37e: {  	v16 =	vand.u32 $0x100, v16  }
0x37f: {  	vm11 =	veq.s32 v16, $0x0  }
0x380: {  	v16 =	vsel vm11, $0x1, v1  }
0x381: {  	v16 =	vbroadcast v16, $0x0  }
0x382: {  	vm13 =	vlt.s32 v13, v12;
	vm11 =	vlt.f32 v15, v14;
	vm12 =	veq.f32 v15, v14  }
0x383: {  	v16 =	vand.u32 $0x1, v16;
	vm12 =	vmand vm12, vm13  }
0x384: {  	vm13 =	veq.s32 v16, $0x1;
	vm11 =	vmor vm11, vm12  }
.Ltmp14:
0x385: {  	vm11 =	vmxor vm13, vm11;
	(pc) =	sbr.rel @p0 .LBB2_31-.Ltmp14, $4  }
0x386: {  	v16 =	vsel vm11, v14, v15;
	v17 =	vsel vm11, v12, v13;
	v14 =	vsel vm11, v15, v14  }
0x387: {  	v12 =	vsel vm11, v13, v12;
	[tilespmem:s2+$0xFFFFFFF0] =	vst v16  }
0x388: {  	[tilespmem:s21+$0xFFFFFFF0] =	vst v17  }
0x389: {  	s21 =	sadd.s32 $0x20, s21;
	[tilespmem:s2+$0x0] =	vst v14  }
0x38a: {  	[tilespmem:s4+$0x0] =	vst v12;
	s4 =	simm.s32 $0x4080  }
0x38b: {  	s2 =	simm.s32 $0x4280;
	v12 =	vld [tilespmem:s4+$0x0]  }
0x38c: {  	v13 =	vld [tilespmem:s2+$0x0];
	_ =	sdelay $0x4  }
0x38d: {  	v14 =	vperm.xlane v12, v6;
	v15 =	vperm.xlane v13, v6;
	_ =	sdelay $0x1  }
0x38e: {  	vm11 =	veq.f32 v12, v14;
	vm12 =	vlt.s32 v13, v15  }
0x38f: {  	vm13 =	vlt.f32 v12, v14;
	vm11 =	vmand vm11, vm12  }
0x390: {  	vm11 =	vmor vm13, vm11  }
0x391: {  	vm11 =	vmxor vm10, vm11  }
0x392: {  	vm11 =	vmxor vm11, vm6  }
0x393: {  	v12 =	vsel vm11, v12, v14  }
0x394: {  	v13 =	vsel vm11, v13, v15;
	[tilespmem:s4+$0x0] =	vst v12  }
0x395: {  	[tilespmem:s2+$0x0] =	vst v13  }
0x396: {  	v12 =	vld [tilespmem:s4+$0x0];
	_ =	sdelay $0x4  }
0x397: {  	v15 =	vperm.xlane v13, v5;
	v14 =	vperm.xlane v12, v5;
	_ =	sdelay $0x1  }
0x398: {  	vm12 =	vlt.s32 v13, v15;
	vm11 =	veq.f32 v12, v14  }
0x399: {  	vm13 =	vlt.f32 v12, v14;
	vm11 =	vmand vm11, vm12  }
0x39a: {  	vm11 =	vmor vm13, vm11  }
0x39b: {  	vm11 =	vmxor vm10, vm11  }
0x39c: {  	vm11 =	vmxor vm11, vm7  }
0x39d: {  	v12 =	vsel vm11, v12, v14  }
0x39e: {  	v13 =	vsel vm11, v13, v15;
	[tilespmem:s4+$0x0] =	vst v12  }
0x39f: {  	[tilespmem:s2+$0x0] =	vst v13  }
0x3a0: {  	v12 =	vld [tilespmem:s4+$0x0];
	_ =	sdelay $0x4  }
0x3a1: {  	v15 =	vperm.xlane v13, v4;
	v14 =	vperm.xlane v12, v4;
	_ =	sdelay $0x1  }
0x3a2: {  	vm12 =	vlt.s32 v13, v15;
	vm11 =	veq.f32 v12, v14  }
0x3a3: {  	vm13 =	vlt.f32 v12, v14;
	vm11 =	vmand vm11, vm12  }
0x3a4: {  	vm11 =	vmor vm13, vm11  }
0x3a5: {  	vm11 =	vmxor vm10, vm11  }
0x3a6: {  	vm11 =	vmxor vm11, vm8  }
0x3a7: {  	v12 =	vsel vm11, v12, v14  }
0x3a8: {  	v13 =	vsel vm11, v13, v15;
	[tilespmem:s4+$0x0] =	vst v12  }
0x3a9: {  	[tilespmem:s2+$0x0] =	vst v13  }
0x3aa: {  	v12 =	vld [tilespmem:s4+$0x0];
	_ =	sdelay $0x4  }
0x3ab: {  	v15 =	vperm.xlane v13, v3;
	v14 =	vperm.xlane v12, v3;
	_ =	sdelay $0x1  }
0x3ac: {  	vm12 =	vlt.s32 v13, v15;
	vm11 =	veq.f32 v12, v14  }
0x3ad: {  	vm13 =	vlt.f32 v12, v14;
	vm11 =	vmand vm11, vm12  }
0x3ae: {  	vm11 =	vmor vm13, vm11  }
0x3af: {  	vm10 =	vmxor vm10, vm11  }
0x3b0: {  	vm10 =	vmxor vm10, vm9  }
0x3b1: {  	v14 =	vsel vm10, v12, v14  }
0x3b2: {  	s5 =	simm.s32 $0x10;
	v12 =	vsel vm10, v13, v15;
	[tilespmem:s4+$0x0] =	vst v14  }
.LBB2_33:
0x3b3: {  	p0 =	sne.s32 s5, $0x1F0;
	[tilespmem:s2+$0x0] =	vst v12;
	s4 =	sadd.s32 $0x10, s4;
	s2 =	sadd.s32 $0x10, s2  }
0x3b4: {  	s21 =	smov.u32 s5;
	s5 =	sadd.s32 $0x10, s5;
	v12 =	vld [tilespmem:s4+$0x0]  }
0x3b5: {  	v13 =	vld [tilespmem:s2+$0x0];
	_ =	sdelay $0x1  }
0x3b6: {  	v14 =	vmov s21  }
0x3b7: {  	v14 =	vand.u32 $0x100, v14  }
0x3b8: {  	vm10 =	veq.s32 v14, $0x0  }
0x3b9: {  	v16 =	vsel vm10, $0x1, v1;
	v14 =	vperm.xlane v12, v6;
	v15 =	vperm.xlane v13, v6  }
0x3ba: {  	v16 =	vbroadcast v16, $0x0  }
0x3bb: {  	vm11 =	vlt.f32 v12, v14;
	vm10 =	veq.f32 v12, v14;
	vm12 =	vlt.s32 v13, v15  }
0x3bc: {  	v16 =	vand.u32 $0x1, v16;
	vm12 =	vmand vm10, vm12  }
0x3bd: {  	vm10 =	veq.s32 v16, $0x1;
	vm11 =	vmor vm11, vm12  }
0x3be: {  	vm11 =	vmxor vm10, vm11  }
0x3bf: {  	vm11 =	vmxor vm11, vm6  }
0x3c0: {  	v12 =	vsel vm11, v12, v14;
	v13 =	vsel vm11, v13, v15  }
0x3c1: {  	[tilespmem:s4+$0x0] =	vst v12  }
0x3c2: {  	[tilespmem:s2+$0x0] =	vst v13  }
0x3c3: {  	v12 =	vld [tilespmem:s4+$0x0];
	_ =	sdelay $0x4  }
0x3c4: {  	v15 =	vperm.xlane v13, v5;
	v14 =	vperm.xlane v12, v5;
	_ =	sdelay $0x1  }
0x3c5: {  	vm13 =	vlt.s32 v13, v15;
	vm11 =	vlt.f32 v12, v14;
	vm12 =	veq.f32 v12, v14  }
0x3c6: {  	vm12 =	vmand vm12, vm13  }
0x3c7: {  	vm11 =	vmor vm11, vm12  }
0x3c8: {  	vm11 =	vmxor vm10, vm11  }
0x3c9: {  	vm11 =	vmxor vm11, vm7  }
0x3ca: {  	v12 =	vsel vm11, v12, v14;
	v13 =	vsel vm11, v13, v15  }
0x3cb: {  	[tilespmem:s4+$0x0] =	vst v12  }
0x3cc: {  	[tilespmem:s2+$0x0] =	vst v13  }
0x3cd: {  	v12 =	vld [tilespmem:s4+$0x0];
	_ =	sdelay $0x4  }
0x3ce: {  	v15 =	vperm.xlane v13, v4;
	v14 =	vperm.xlane v12, v4;
	_ =	sdelay $0x1  }
0x3cf: {  	vm13 =	vlt.s32 v13, v15;
	vm11 =	vlt.f32 v12, v14;
	vm12 =	veq.f32 v12, v14  }
0x3d0: {  	vm12 =	vmand vm12, vm13  }
0x3d1: {  	vm11 =	vmor vm11, vm12  }
0x3d2: {  	vm11 =	vmxor vm10, vm11  }
0x3d3: {  	vm11 =	vmxor vm11, vm8  }
0x3d4: {  	v12 =	vsel vm11, v12, v14;
	v13 =	vsel vm11, v13, v15  }
0x3d5: {  	[tilespmem:s4+$0x0] =	vst v12  }
0x3d6: {  	[tilespmem:s2+$0x0] =	vst v13  }
0x3d7: {  	v12 =	vld [tilespmem:s4+$0x0];
	_ =	sdelay $0x4  }
0x3d8: {  	v15 =	vperm.xlane v13, v3;
	v14 =	vperm.xlane v12, v3;
	_ =	sdelay $0x1  }
0x3d9: {  	vm13 =	vlt.s32 v13, v15;
	vm11 =	vlt.f32 v12, v14;
	vm12 =	veq.f32 v12, v14  }
0x3da: {  	vm12 =	vmand vm12, vm13  }
.Ltmp15:
0x3db: {  	vm11 =	vmor vm11, vm12;
	(pc) =	sbr.rel @p0 .LBB2_33-.Ltmp15, $4  }
0x3dc: {  	vm10 =	vmxor vm10, vm11  }
0x3dd: {  	vm10 =	vmxor vm10, vm9  }
0x3de: {  	v14 =	vsel vm10, v12, v14;
	v12 =	vsel vm10, v13, v15  }
0x3df: {  	[tilespmem:s4+$0x0] =	vst v14  }
0x3e0: {  	[tilespmem:s2+$0x0] =	vst v12;
	s5 =	simm.s32 $0x4380  }
0x3e1: {  	s2 =	simm.s32 $0x0;
	s4 =	simm.s32 $0x4180;
	v12 =	vld [tilespmem:s5+$0xFFFFFF00]  }
0x3e2: {  	v13 =	vmov s2;
	v14 =	vld [tilespmem:s4+$0xFFFFFF00]  }
0x3e3: {  	v15 =	vand.u32 $0x200, v13;
	v13 =	vld [tilespmem:s5+$0x0]  }
0x3e4: {  	vm10 =	veq.s32 v15, $0x0;
	v15 =	vld [tilespmem:s4+$0x0];
	_ =	sdelay $0x2  }
0x3e5: {  	s22 =	simm.s32 $0x10;
	s21 =	simm.s32 $0x4380;
	v16 =	vsel vm10, $0x1, v1  }
.LBB2_35:
0x3e6: {  	p0 =	sne.s32 s22, $0xF0;
	v16 =	vbroadcast v16, $0x0  }
0x3e7: {  	vm11 =	vlt.s32 v12, v13;
	vm10 =	veq.f32 v14, v15  }
0x3e8: {  	vm12 =	vlt.f32 v14, v15;
	v16 =	vand.u32 $0x1, v16;
	vm10 =	vmand vm10, vm11  }
0x3e9: {  	vm11 =	veq.s32 v16, $0x1;
	vm10 =	vmor vm12, vm10  }
0x3ea: {  	vm10 =	vmxor vm11, vm10  }
0x3eb: {  	v16 =	vsel vm10, v15, v14  }
0x3ec: {  	[tilespmem:s4+$0xFFFFFF00] =	vst v16;
	v16 =	vsel vm10, v13, v12  }
0x3ed: {  	v14 =	vsel vm10, v14, v15;
	[tilespmem:s5+$0xFFFFFF00] =	vst v16  }
0x3ee: {  	v13 =	vsel vm10, v12, v13;
	s5 =	sadd.s32 $0x10, s5;
	[tilespmem:s4+$0x0] =	vst v14  }
0x3ef: {  	s4 =	sadd.s32 $0x10, s4;
	v12 =	vld [tilespmem:s5+$0xFFFFFF00];
	[tilespmem:s21+$0x0] =	vst v13;
	s21 =	smov.u32 s5  }
0x3f0: {  	v14 =	vld [tilespmem:s4+$0xFFFFFF00]  }
.Ltmp16:
0x3f1: {  	v13 =	vld [tilespmem:s5+$0x0];
	(pc) =	sbr.rel @p0 .LBB2_35-.Ltmp16, $4  }
0x3f2: {  	v16 =	vmov s22;
	v15 =	vld [tilespmem:s4+$0x0]  }
0x3f3: {  	v16 =	vand.u32 $0x200, v16  }
0x3f4: {  	vm10 =	veq.s32 v16, $0x0  }
0x3f5: {  	s22 =	sadd.s32 $0x10, s22;
	v16 =	vsel vm10, $0x1, v1  }
0x3f6: {  	v16 =	vbroadcast v16, $0x0  }
0x3f7: {  	vm11 =	vlt.s32 v12, v13;
	vm10 =	veq.f32 v14, v15  }
0x3f8: {  	vm12 =	vlt.f32 v14, v15;
	v16 =	vand.u32 $0x1, v16;
	vm10 =	vmand vm10, vm11  }
0x3f9: {  	vm11 =	veq.s32 v16, $0x1;
	vm10 =	vmor vm12, vm10  }
0x3fa: {  	vm10 =	vmxor vm11, vm10  }
0x3fb: {  	v16 =	vsel vm10, v15, v14  }
0x3fc: {  	[tilespmem:s4+$0xFFFFFF00] =	vst v16;
	v16 =	vsel vm10, v13, v12  }
0x3fd: {  	s25 =	sand.u32 $0x7, s2;
	s22 =	sand.u32 $0x10, s2;
	v14 =	vsel vm10, v14, v15;
	[tilespmem:s5+$0xFFFFFF00] =	vst v16  }
0x3fe: {  	s25 =	sor.u32 s25, s22;
	v12 =	vsel vm10, v12, v13;
	[tilespmem:s4+$0x0] =	vst v14  }
0x3ff: {  	s5 =	sshll.u32 s25, $0x4;
	[tilespmem:s21+$0x0] =	vst v12  }
0x400: {  	v12 =	vld [tilespmem:s5+$0x4080]  }
0x401: {  	v13 =	vld [tilespmem:s5+$0x4300]  }
0x402: {  	v14 =	vld [tilespmem:s5+$0x4100]  }
0x403: {  	v15 =	vld [tilespmem:s5+$0x4280];
	_ =	sdelay $0x1  }
0x404: {  	vm10 =	vmmov $0xffff  }
0x405: {  	v16 =	vsel vm10, $0x1, v1  }
0x406: {  	v16 =	vbroadcast v16, $0x0  }
0x407: {  	vm10 =	veq.f32 v12, v14;
	vm12 =	vlt.s32 v15, v13  }
0x408: {  	s21 =	simm.s32 $0x1;
	v16 =	vand.u32 $0x1, v16;
	vm11 =	vlt.f32 v12, v14;
	vm12 =	vmand vm10, vm12  }
.LBB2_37:
0x409: {  	p0 =	sne.s32 s21, $0xF  }
0x40a: {  	vm10 =	veq.s32 v16, $0x1;
	vm11 =	vmor vm11, vm12;
	s2 =	sadd.s32 $0x2, s2;
	s4 =	smov.u32 s21;
	s21 =	sadd.s32 $0x1, s21  }
0x40b: {  	s4 =	sand.u32 $0x7, s4;
	s22 =	sand.u32 $0x10, s2;
	vm10 =	vmxor vm10, vm11  }
0x40c: {  	s4 =	sor.u32 s4, s22;
	v17 =	vsel vm10, v14, v12;
	v18 =	vsel vm10, v13, v15;
	v13 =	vsel vm10, v15, v13  }
0x40d: {  	v14 =	vsel vm10, v12, v14;
	s4 =	sshll.u32 s4, $0x4;
	[tilespmem:s5+$0x4080] =	vst v17  }
0x40e: {  	v12 =	vld [tilespmem:s4+$0x4080];
	[tilespmem:s5+$0x4300] =	vst v13  }
0x40f: {  	v13 =	vld [tilespmem:s4+$0x4300];
	[tilespmem:s5+$0x4100] =	vst v14  }
0x410: {  	v14 =	vld [tilespmem:s4+$0x4100];
	[tilespmem:s5+$0x4280] =	vst v18;
	s5 =	smov.u32 s4  }
0x411: {  	v15 =	vld [tilespmem:s5+$0x4280];
	_ =	sdelay $0x1  }
.Ltmp17:
0x412: {  	(pc) =	sbr.rel @p0 .LBB2_37-.Ltmp17, $3  }
0x413: {  	_ =	sdelay $0x1  }
0x414: {  	vm11 =	vlt.f32 v12, v14;
	vm10 =	veq.f32 v12, v14;
	vm12 =	vlt.s32 v15, v13  }
0x415: {  	s4 =	simm.s32 $0x0;
	vm12 =	vmand vm10, vm12  }
0x416: {  	vm10 =	veq.s32 v16, $0x1;
	vm11 =	vmor vm11, vm12  }
0x417: {  	vm11 =	vmxor vm10, vm11  }
0x418: {  	v16 =	vsel vm11, v14, v12  }
0x419: {  	v17 =	vsel vm11, v15, v13;
	[tilespmem:s5+$0x4080] =	vst v16  }
0x41a: {  	s2 =	sand.u32 $0x3, s4;
	s21 =	sand.u32 $0x18, s4;
	v12 =	vsel vm11, v12, v14;
	[tilespmem:s5+$0x4300] =	vst v17  }
0x41b: {  	s2 =	sor.u32 s2, s21;
	v13 =	vsel vm11, v13, v15;
	[tilespmem:s5+$0x4100] =	vst v12  }
0x41c: {  	s2 =	sshll.u32 s2, $0x4;
	[tilespmem:s5+$0x4280] =	vst v13  }
0x41d: {  	v12 =	vld [tilespmem:s2+$0x4080]  }
0x41e: {  	v13 =	vld [tilespmem:s2+$0x40C0]  }
0x41f: {  	v14 =	vld [tilespmem:s2+$0x42C0]  }
0x420: {  	v15 =	vld [tilespmem:s2+$0x4280];
	_ =	sdelay $0x4  }
0x421: {  	vm12 =	veq.f32 v12, v13;
	vm13 =	vlt.s32 v15, v14  }
0x422: {  	s21 =	simm.s32 $0x0;
	s5 =	simm.s32 $0x1;
	vm11 =	vlt.f32 v12, v13;
	vm12 =	vmand vm12, vm13  }
.LBB2_39:
0x423: {  	p0 =	sne.s32 s5, $0xF  }
0x424: {  	vm11 =	vmor vm11, vm12;
	s21 =	sadd.s32 $0x2, s21;
	s22 =	smov.u32 s5;
	s5 =	sadd.s32 $0x1, s5  }
0x425: {  	s22 =	sand.u32 $0x3, s22;
	s25 =	sand.u32 $0x18, s21;
	vm11 =	vmxor vm10, vm11  }
0x426: {  	s22 =	sor.u32 s22, s25;
	v16 =	vsel vm11, v13, v12;
	v17 =	vsel vm11, v14, v15;
	v14 =	vsel vm11, v15, v14  }
0x427: {  	v13 =	vsel vm11, v12, v13;
	s22 =	sshll.u32 s22, $0x4;
	[tilespmem:s2+$0x4080] =	vst v16  }
0x428: {  	v12 =	vld [tilespmem:s22+$0x4080];
	[tilespmem:s2+$0x40C0] =	vst v13  }
0x429: {  	v13 =	vld [tilespmem:s22+$0x40C0];
	[tilespmem:s2+$0x42C0] =	vst v14  }
0x42a: {  	v14 =	vld [tilespmem:s22+$0x42C0];
	[tilespmem:s2+$0x4280] =	vst v17;
	s2 =	smov.u32 s22  }
0x42b: {  	v15 =	vld [tilespmem:s2+$0x4280];
	_ =	sdelay $0x1  }
.Ltmp18:
0x42c: {  	(pc) =	sbr.rel @p0 .LBB2_39-.Ltmp18, $4  }
0x42d: {  	_ = 	snop  }
0x42e: {  	vm11 =	vlt.f32 v12, v13;
	vm12 =	veq.f32 v12, v13  }
0x42f: {  	vm13 =	vlt.s32 v15, v14  }
0x430: {  	vm12 =	vmand vm12, vm13  }
0x431: {  	vm11 =	vmor vm11, vm12  }
0x432: {  	vm11 =	vmxor vm10, vm11  }
0x433: {  	v16 =	vsel vm11, v13, v12  }
0x434: {  	v12 =	vsel vm11, v12, v13;
	[tilespmem:s2+$0x4080] =	vst v16  }
0x435: {  	s5 =	sand.u32 $0x1, s4;
	s21 =	sand.u32 $0x1C, s4;
	v13 =	vsel vm11, v15, v14;
	[tilespmem:s2+$0x40C0] =	vst v12  }
0x436: {  	s5 =	sor.u32 s5, s21;
	v12 =	vsel vm11, v14, v15;
	[tilespmem:s2+$0x42C0] =	vst v13  }
0x437: {  	[tilespmem:s2+$0x4280] =	vst v12;
	s2 =	sshll.u32 s5, $0x4  }
0x438: {  	v12 =	vld [tilespmem:s2+$0x4080]  }
0x439: {  	v13 =	vld [tilespmem:s2+$0x40A0]  }
0x43a: {  	v14 =	vld [tilespmem:s2+$0x42A0]  }
0x43b: {  	v15 =	vld [tilespmem:s2+$0x4280];
	_ =	sdelay $0x4  }
0x43c: {  	vm12 =	veq.f32 v12, v13;
	vm13 =	vlt.s32 v15, v14  }
0x43d: {  	s5 =	simm.s32 $0x1;
	vm11 =	vlt.f32 v12, v13;
	vm12 =	vmand vm12, vm13  }
.LBB2_41:
0x43e: {  	p0 =	sne.s32 s5, $0xF  }
0x43f: {  	vm11 =	vmor vm11, vm12;
	s4 =	sadd.s32 $0x2, s4;
	s21 =	smov.u32 s5;
	s5 =	sadd.s32 $0x1, s5  }
0x440: {  	s21 =	sand.u32 $0x1, s21;
	s22 =	sand.u32 $0x1C, s4;
	vm11 =	vmxor vm10, vm11  }
0x441: {  	s21 =	sor.u32 s21, s22;
	v16 =	vsel vm11, v13, v12;
	v17 =	vsel vm11, v14, v15;
	v14 =	vsel vm11, v15, v14  }
0x442: {  	v13 =	vsel vm11, v12, v13;
	s21 =	sshll.u32 s21, $0x4;
	[tilespmem:s2+$0x4080] =	vst v16  }
0x443: {  	v12 =	vld [tilespmem:s21+$0x4080];
	[tilespmem:s2+$0x40A0] =	vst v13  }
0x444: {  	v13 =	vld [tilespmem:s21+$0x40A0];
	[tilespmem:s2+$0x42A0] =	vst v14  }
0x445: {  	v14 =	vld [tilespmem:s21+$0x42A0];
	[tilespmem:s2+$0x4280] =	vst v17;
	s2 =	smov.u32 s21  }
0x446: {  	v15 =	vld [tilespmem:s2+$0x4280];
	_ =	sdelay $0x1  }
.Ltmp19:
0x447: {  	(pc) =	sbr.rel @p0 .LBB2_41-.Ltmp19, $4  }
0x448: {  	_ = 	snop  }
0x449: {  	vm11 =	vlt.f32 v12, v13;
	vm12 =	veq.f32 v12, v13  }
0x44a: {  	vm13 =	vlt.s32 v15, v14  }
0x44b: {  	vm12 =	vmand vm12, vm13  }
0x44c: {  	vm11 =	vmor vm11, vm12  }
0x44d: {  	vm10 =	vmxor vm10, vm11  }
0x44e: {  	v16 =	vsel vm10, v13, v12  }
0x44f: {  	v12 =	vsel vm10, v12, v13;
	[tilespmem:s2+$0x4080] =	vst v16  }
0x450: {  	v13 =	vsel vm10, v15, v14;
	[tilespmem:s2+$0x40A0] =	vst v12  }
0x451: {  	v12 =	vsel vm10, v14, v15;
	[tilespmem:s2+$0x42A0] =	vst v13  }
0x452: {  	s4 =	simm.s32 $0x4290;
	[tilespmem:s2+$0x4280] =	vst v12  }
0x453: {  	v12 =	vld [tilespmem:s4+$0xFFFFFFF0]  }
0x454: {  	s2 =	simm.s32 $0x4090;
	v13 =	vld [tilespmem:s4+$0x0]  }
0x455: {  	s5 =	simm.s32 $0x0;
	v14 =	vld [tilespmem:s2+$0x0]  }
0x456: {  	v62 =	vmov s5;
	v15 =	vld [tilespmem:s2+$0xFFFFFFF0]  }
0x457: {  	v16 =	vand.u32 $0x200, v62  }
0x458: {  	vm10 =	veq.s32 v16, $0x0  }
0x459: {  	v16 =	vsel vm10, $0x1, v1  }
0x45a: {  	v16 =	vbroadcast v16, $0x0  }
0x45b: {  	vm10 =	veq.f32 v15, v14;
	vm11 =	vlt.s32 v12, v13  }
0x45c: {  	v16 =	vand.u32 $0x1, v16;
	vm12 =	vlt.f32 v15, v14;
	vm11 =	vmand vm10, vm11  }
0x45d: {  	vm10 =	veq.s32 v16, $0x1;
	vm11 =	vmor vm12, vm11  }
0x45e: {  	vm11 =	vmxor vm10, vm11  }
0x45f: {  	v63 =	vsel vm11, v14, v15  }
0x460: {  	v17 =	vsel vm11, v13, v12;
	[tilespmem:s2+$0xFFFFFFF0] =	vst v63  }
0x461: {  	v14 =	vsel vm11, v15, v14;
	[tilespmem:s4+$0xFFFFFFF0] =	vst v17  }
0x462: {  	s21 =	simm.s32 $0x42B0;
	s5 =	simm.s32 $0x20;
	v12 =	vsel vm11, v12, v13;
	[tilespmem:s2+$0x0] =	vst v14  }
.LBB2_43:
0x463: {  	p0 =	sne.s32 s5, $0x1E0;
	s2 =	sadd.s32 $0x20, s2  }
0x464: {  	v13 =	vld [tilespmem:s21+$0xFFFFFFF0];
	[tilespmem:s4+$0x0] =	vst v12;
	s22 =	smov.u32 s5;
	s5 =	sadd.s32 $0x20, s5;
	s4 =	smov.u32 s21  }
0x465: {  	v12 =	vld [tilespmem:s21+$0x0]  }
0x466: {  	v14 =	vld [tilespmem:s2+$0x0]  }
0x467: {  	v16 =	vmov s22;
	v15 =	vld [tilespmem:s2+$0xFFFFFFF0]  }
0x468: {  	v16 =	vand.u32 $0x200, v16  }
0x469: {  	vm11 =	veq.s32 v16, $0x0  }
0x46a: {  	v16 =	vsel vm11, $0x1, v1  }
0x46b: {  	v16 =	vbroadcast v16, $0x0  }
0x46c: {  	vm13 =	vlt.s32 v13, v12;
	vm11 =	vlt.f32 v15, v14;
	vm12 =	veq.f32 v15, v14  }
0x46d: {  	v16 =	vand.u32 $0x1, v16;
	vm12 =	vmand vm12, vm13  }
0x46e: {  	vm13 =	veq.s32 v16, $0x1;
	vm11 =	vmor vm11, vm12  }
.Ltmp20:
0x46f: {  	vm11 =	vmxor vm13, vm11;
	(pc) =	sbr.rel @p0 .LBB2_43-.Ltmp20, $4  }
0x470: {  	v16 =	vsel vm11, v14, v15;
	v17 =	vsel vm11, v12, v13;
	v14 =	vsel vm11, v15, v14  }
0x471: {  	v12 =	vsel vm11, v13, v12;
	[tilespmem:s2+$0xFFFFFFF0] =	vst v16  }
0x472: {  	[tilespmem:s21+$0xFFFFFFF0] =	vst v17  }
0x473: {  	s21 =	sadd.s32 $0x20, s21;
	[tilespmem:s2+$0x0] =	vst v14  }
0x474: {  	[tilespmem:s4+$0x0] =	vst v12;
	s4 =	simm.s32 $0x4080  }
0x475: {  	s2 =	simm.s32 $0x4280;
	v12 =	vld [tilespmem:s4+$0x0]  }
0x476: {  	v13 =	vld [tilespmem:s2+$0x0];
	_ =	sdelay $0x4  }
0x477: {  	v14 =	vperm.xlane v12, v6;
	v15 =	vperm.xlane v13, v6;
	_ =	sdelay $0x1  }
0x478: {  	vm11 =	veq.f32 v12, v14;
	vm12 =	vlt.s32 v13, v15  }
0x479: {  	vm13 =	vlt.f32 v12, v14;
	vm11 =	vmand vm11, vm12  }
0x47a: {  	vm11 =	vmor vm13, vm11  }
0x47b: {  	vm11 =	vmxor vm10, vm11  }
0x47c: {  	vm11 =	vmxor vm11, vm6  }
0x47d: {  	v12 =	vsel vm11, v12, v14  }
0x47e: {  	v13 =	vsel vm11, v13, v15;
	[tilespmem:s4+$0x0] =	vst v12  }
0x47f: {  	[tilespmem:s2+$0x0] =	vst v13  }
0x480: {  	v12 =	vld [tilespmem:s4+$0x0];
	_ =	sdelay $0x4  }
0x481: {  	v15 =	vperm.xlane v13, v5;
	v14 =	vperm.xlane v12, v5;
	_ =	sdelay $0x1  }
0x482: {  	vm12 =	vlt.s32 v13, v15;
	vm11 =	veq.f32 v12, v14  }
0x483: {  	vm13 =	vlt.f32 v12, v14;
	vm11 =	vmand vm11, vm12  }
0x484: {  	vm11 =	vmor vm13, vm11  }
0x485: {  	vm11 =	vmxor vm10, vm11  }
0x486: {  	vm11 =	vmxor vm11, vm7  }
0x487: {  	v12 =	vsel vm11, v12, v14  }
0x488: {  	v13 =	vsel vm11, v13, v15;
	[tilespmem:s4+$0x0] =	vst v12  }
0x489: {  	[tilespmem:s2+$0x0] =	vst v13  }
0x48a: {  	v12 =	vld [tilespmem:s4+$0x0];
	_ =	sdelay $0x4  }
0x48b: {  	v15 =	vperm.xlane v13, v4;
	v14 =	vperm.xlane v12, v4;
	_ =	sdelay $0x1  }
0x48c: {  	vm12 =	vlt.s32 v13, v15;
	vm11 =	veq.f32 v12, v14  }
0x48d: {  	vm13 =	vlt.f32 v12, v14;
	vm11 =	vmand vm11, vm12  }
0x48e: {  	vm11 =	vmor vm13, vm11  }
0x48f: {  	vm11 =	vmxor vm10, vm11  }
0x490: {  	vm11 =	vmxor vm11, vm8  }
0x491: {  	v12 =	vsel vm11, v12, v14  }
0x492: {  	v13 =	vsel vm11, v13, v15;
	[tilespmem:s4+$0x0] =	vst v12  }
0x493: {  	[tilespmem:s2+$0x0] =	vst v13  }
0x494: {  	v12 =	vld [tilespmem:s4+$0x0];
	_ =	sdelay $0x4  }
0x495: {  	v15 =	vperm.xlane v13, v3;
	v14 =	vperm.xlane v12, v3;
	_ =	sdelay $0x1  }
0x496: {  	vm12 =	vlt.s32 v13, v15;
	vm11 =	veq.f32 v12, v14  }
0x497: {  	vm13 =	vlt.f32 v12, v14;
	vm11 =	vmand vm11, vm12  }
0x498: {  	vm11 =	vmor vm13, vm11  }
0x499: {  	vm10 =	vmxor vm10, vm11  }
0x49a: {  	vm10 =	vmxor vm10, vm9  }
0x49b: {  	v14 =	vsel vm10, v12, v14  }
0x49c: {  	s5 =	simm.s32 $0x10;
	v12 =	vsel vm10, v13, v15;
	[tilespmem:s4+$0x0] =	vst v14  }
.LBB2_45:
0x49d: {  	p0 =	sne.s32 s5, $0x1F0;
	[tilespmem:s2+$0x0] =	vst v12;
	s4 =	sadd.s32 $0x10, s4;
	s2 =	sadd.s32 $0x10, s2  }
0x49e: {  	s21 =	smov.u32 s5;
	s5 =	sadd.s32 $0x10, s5;
	v12 =	vld [tilespmem:s4+$0x0]  }
0x49f: {  	v13 =	vld [tilespmem:s2+$0x0];
	_ =	sdelay $0x1  }
0x4a0: {  	v14 =	vmov s21  }
0x4a1: {  	v14 =	vand.u32 $0x200, v14  }
0x4a2: {  	vm10 =	veq.s32 v14, $0x0  }
0x4a3: {  	v16 =	vsel vm10, $0x1, v1;
	v14 =	vperm.xlane v12, v6;
	v15 =	vperm.xlane v13, v6  }
0x4a4: {  	v16 =	vbroadcast v16, $0x0  }
0x4a5: {  	vm11 =	vlt.f32 v12, v14;
	vm10 =	veq.f32 v12, v14;
	vm12 =	vlt.s32 v13, v15  }
0x4a6: {  	v16 =	vand.u32 $0x1, v16;
	vm12 =	vmand vm10, vm12  }
0x4a7: {  	vm10 =	veq.s32 v16, $0x1;
	vm11 =	vmor vm11, vm12  }
0x4a8: {  	vm11 =	vmxor vm10, vm11  }
0x4a9: {  	vm11 =	vmxor vm11, vm6  }
0x4aa: {  	v12 =	vsel vm11, v12, v14;
	v13 =	vsel vm11, v13, v15  }
0x4ab: {  	[tilespmem:s4+$0x0] =	vst v12  }
0x4ac: {  	[tilespmem:s2+$0x0] =	vst v13  }
0x4ad: {  	v12 =	vld [tilespmem:s4+$0x0];
	_ =	sdelay $0x4  }
0x4ae: {  	v15 =	vperm.xlane v13, v5;
	v14 =	vperm.xlane v12, v5;
	_ =	sdelay $0x1  }
0x4af: {  	vm13 =	vlt.s32 v13, v15;
	vm11 =	vlt.f32 v12, v14;
	vm12 =	veq.f32 v12, v14  }
0x4b0: {  	vm12 =	vmand vm12, vm13  }
0x4b1: {  	vm11 =	vmor vm11, vm12  }
0x4b2: {  	vm11 =	vmxor vm10, vm11  }
0x4b3: {  	vm11 =	vmxor vm11, vm7  }
0x4b4: {  	v12 =	vsel vm11, v12, v14;
	v13 =	vsel vm11, v13, v15  }
0x4b5: {  	[tilespmem:s4+$0x0] =	vst v12  }
0x4b6: {  	[tilespmem:s2+$0x0] =	vst v13  }
0x4b7: {  	v12 =	vld [tilespmem:s4+$0x0];
	_ =	sdelay $0x4  }
0x4b8: {  	v15 =	vperm.xlane v13, v4;
	v14 =	vperm.xlane v12, v4;
	_ =	sdelay $0x1  }
0x4b9: {  	vm13 =	vlt.s32 v13, v15;
	vm11 =	vlt.f32 v12, v14;
	vm12 =	veq.f32 v12, v14  }
0x4ba: {  	vm12 =	vmand vm12, vm13  }
0x4bb: {  	vm11 =	vmor vm11, vm12  }
0x4bc: {  	vm11 =	vmxor vm10, vm11  }
0x4bd: {  	vm11 =	vmxor vm11, vm8  }
0x4be: {  	v12 =	vsel vm11, v12, v14;
	v13 =	vsel vm11, v13, v15  }
0x4bf: {  	[tilespmem:s4+$0x0] =	vst v12  }
0x4c0: {  	[tilespmem:s2+$0x0] =	vst v13  }
0x4c1: {  	v12 =	vld [tilespmem:s4+$0x0];
	_ =	sdelay $0x4  }
0x4c2: {  	v15 =	vperm.xlane v13, v3;
	v14 =	vperm.xlane v12, v3;
	_ =	sdelay $0x1  }
0x4c3: {  	vm13 =	vlt.s32 v13, v15;
	vm11 =	vlt.f32 v12, v14;
	vm12 =	veq.f32 v12, v14  }
0x4c4: {  	vm12 =	vmand vm12, vm13  }
.Ltmp21:
0x4c5: {  	vm11 =	vmor vm11, vm12;
	(pc) =	sbr.rel @p0 .LBB2_45-.Ltmp21, $4  }
0x4c6: {  	vm10 =	vmxor vm10, vm11  }
0x4c7: {  	vm10 =	vmxor vm10, vm9  }
0x4c8: {  	v14 =	vsel vm10, v12, v14;
	v12 =	vsel vm10, v13, v15  }
0x4c9: {  	[tilespmem:s4+$0x0] =	vst v14  }
0x4ca: {  	[tilespmem:s2+$0x0] =	vst v12;
	s2 =	simm.s32 $0x0  }
0x4cb: {  	s4 =	simm.s32 $0x40;
	v12 =	vld [tilespmem:s2+$0x4280]  }
.LBB2_47:
0x4cc: {  	p0 =	sne.s32 s4, $0x7C0  }
.Ltmp22:
0x4cd: {  	_ = 	snop;
	(pc) =	sbr.rel @p0 .LBB2_47-.Ltmp22, $3  }
0x4ce: {  	_ =	sdelay $0x1  }
0x4cf: {  	s5 =	sshra.s32 s4, $0x2;
	s4 =	sadd.s32 $0x40, s4;
	v13 =	vadd.s32 v0, v12  }
0x4d0: {  	v12 =	vld [tilespmem:s5+$0x4280];
	[tilespmem:s2+$0x4480] =	vst v13;
	s2 =	smov.u32 s5  }
0x4d1: {  	_ =	sdelay $0x3  }
0x4d2: {  	v12 =	vadd.s32 v0, v12  }
0x4d3: {  	s4 =	simm.s32 $0x4480;
	[tilespmem:s2+$0x4480] =	vst v12  }
0x4d4: {  	[tilespmem:s23], [sflag:$0x1] =	stream.indirect.gather [hbm4b:s1+s16], $0x80, s4, s16, $0xb8;
	[tilespmem:$0x18C80] =	vst v63  }
0x4d5: {  	_ =	swait.ge [sflag:s24], $0x4000  }
0x4d6: {  	[sflag:s24] =	ssyncset.done $0x0  }
0x4d7: {  	s5 =	simm.s32 $0x4500;
	[sflag:s24] =	ssyncadd.s32 $0xFFFFC000  }
0x4d8: {  	[tilespmem:s26], [sflag:$0x2] =	stream.indirect.gather [hbm4b:s1+s16], $0x80, s5, s16, $0xb8;
	[tilespmem:$0x18C80] =	vst v63  }
0x4d9: {  	s4 =	sshll.u32 s15, $0xD;
	s21 =	rddreg [dreg:$0x3]  }
0x4da: {  	s2 =	simm.s32 $0x0;
	s5 =	sadd.s32 s21, s4  }
0x4db: {  	[hbm4b:s5+s2] =	stream.linear.scatter [tilespmem:s23], [sflag:$0x3], $0x4000, $0x38;
	[tilespmem:$0x18C80] =	vst v63  }
0x4dc: {  	_ =	swait.ge [sflag:s28], $0x4000  }
0x4dd: {  	[sflag:s28] =	ssyncset.done $0x0  }
0x4de: {  	[sflag:s28] =	ssyncadd.s32 $0xFFFFC000  }
0x4df: {  	_ =	swait.ge [sflag:s29], $0x4000  }
0x4e0: {  	[sflag:s29] =	ssyncset.done $0x0  }
0x4e1: {  	[sflag:s29] =	ssyncadd.s32 $0xFFFFC000  }
0x4e2: {  	[tilespmem:s23], [sflag:$0x1] =	stream.indirect.gather [hbm4b:s1+s16], $0x80, s30, s16, $0xb8;
	[tilespmem:$0x18C80] =	vst v63  }
0x4e3: {  	s22 =	sadd.s32 s4, s11  }
0x4e4: {  	[hbm4b:s22+s2] =	stream.linear.scatter [tilespmem:s26], [sflag:$0x4], $0x4000, $0x38;
	[tilespmem:$0x18C80] =	vst v63  }
0x4e5: {  	_ =	swait.ge [sflag:s24], $0x4000  }
0x4e6: {  	[sflag:s24] =	ssyncset.done $0x0  }
0x4e7: {  	[sflag:s24] =	ssyncadd.s32 $0xFFFFC000  }
0x4e8: {  	_ =	swait.ge [sflag:s31], $0x4000  }
0x4e9: {  	[sflag:s31] =	ssyncset.done $0x0  }
0x4ea: {  	[sflag:s31] =	ssyncadd.s32 $0xFFFFC000  }
0x4eb: {  	[tilespmem:s26], [sflag:$0x2] =	stream.indirect.gather [hbm4b:s1+s16], $0x80, s3, s16, $0xb8;
	[tilespmem:$0x18C80] =	vst v63  }
0x4ec: {  	s25 =	sadd.s32 s4, s12  }
0x4ed: {  	[hbm4b:s25+s2] =	stream.linear.scatter [tilespmem:s23], [sflag:$0x3], $0x4000, $0x38;
	[tilespmem:$0x18C80] =	vst v63  }
0x4ee: {  	_ =	swait.ge [sflag:s28], $0x4000  }
0x4ef: {  	[sflag:s28] =	ssyncset.done $0x0  }
0x4f0: {  	s4 =	sadd.s32 s4, s13;
	[sflag:s28] =	ssyncadd.s32 $0xFFFFC000  }
0x4f1: {  	[hbm4b:s4+s2] =	stream.linear.scatter [tilespmem:s26], [sflag:$0x4], $0x4000, $0x38;
	[tilespmem:$0x18C80] =	vst v63  }
0x4f2: {  	_ =	swait.ge [sflag:s29], $0x4000  }
0x4f3: {  	[sflag:s29] =	ssyncset.done $0x0  }
0x4f4: {  	[sflag:s29] =	ssyncadd.s32 $0xFFFFC000  }
0x4f5: {  	_ =	swait.ge [sflag:s31], $0x4000  }
0x4f6: {  	[sflag:s31] =	ssyncset.done $0x0  }
0x4f7: {  	s4 =	simm.s32 $0x4280;
	[sflag:s31] =	ssyncadd.s32 $0xFFFFC000  }
0x4f8: {  	v15 =	vld [tilespmem:s4+$0x0];
	_ =	sdelay $0x1  }
0x4f9: {  	s5 =	simm.s32 $0x10  }
.LBB2_49:
0x4fa: {  	p0 =	sne.s32 s5, $0x1F0;
	_ =	sdelay $0x1  }
0x4fb: {  	v12 =	vmul.u32 $0x3, v15;
	_ =	sdelay $0x1  }
0x4fc: {  	v13 =	vadd.s32 $0x2, v12;
	_ =	sdelay $0x3  }
0x4fd: {  	v14 =	vld.idx.msk [tilespmem:v12+s18+$0x0], $0xffff  }
0x4fe: {  	v15 =	vadd.s32 $0x1, v12;
	v13 =	vld.idx.msk [tilespmem:v13+s18+$0x0], $0xffff;
	_ =	sdelay $0x1  }
0x4ff: {  	v12 =	vmov s2;
	s2 =	smov.u32 s5  }
0x500: {  	v12 =	vmul.u32 $0x3, v12;
	_ =	sdelay $0x1  }
0x501: {  	v16 =	vbroadcast v12, $0x0;
	v12 =	vmul.u32 $0x3, v2;
	v15 =	vld.idx.msk [tilespmem:v15+s18+$0x0], $0xffff  }
0x502: {  	v17 =	vsub.f32 v14, v10;
	v18 =	vsub.f32 v13, v11  }
0x503: {  	v19 =	vadd.s32 v12, v16;
	v14 =	vadd.s32 $0x2, v12;
	v13 =	vadd.s32 $0x1, v12  }
0x504: {  	v20 =	vmul.f32 v17, v8;
	v22 =	vadd.s32 v13, v16;
	v21 =	vmul.f32 v18, v9  }
0x505: {  	v16 =	vadd.s32 v14, v16  }
0x506: {  	v17 =	vmul.f32 v17, v9;
	v18 =	vmul.f32 v18, v8;
	v20 =	vsub.f32 v20, v21  }
0x507: {  	v15 =	vsub.f32 v15, v7  }
0x508: {  	v17 =	vadd.f32 v18, v17;
	[tilespmem:v19+s0+$0x0] =	vst.idx.msk $0xffff, v20  }
.Ltmp23:
0x509: {  	[tilespmem:v22+s0+$0x0] =	vst.idx.msk $0xffff, v15;
	(pc) =	sbr.rel @p0 .LBB2_49-.Ltmp23, $3  }
0x50a: {  	s4 =	sadd.s32 $0x10, s4;
	[tilespmem:v16+s0+$0x0] =	vst.idx.msk $0xffff, v17  }
0x50b: {  	v15 =	vld [tilespmem:s4+$0x0];
	_ =	sdelay $0x1  }
0x50c: {  	s5 =	sadd.s32 $0x10, s5  }
0x50d: {  	_ =	sdelay $0x1  }
0x50e: {  	v15 =	vmul.u32 $0x3, v15;
	_ =	sdelay $0x1  }
0x50f: {  	v16 =	vadd.s32 $0x2, v15;
	_ =	sdelay $0x3  }
0x510: {  	v17 =	vld.idx.msk [tilespmem:v15+s18+$0x0], $0xffff  }
0x511: {  	v15 =	vadd.s32 $0x1, v15;
	v16 =	vld.idx.msk [tilespmem:v16+s18+$0x0], $0xffff  }
0x512: {  	v18 =	vmov s2  }
0x513: {  	v18 =	vmul.u32 $0x3, v18;
	_ =	sdelay $0x1  }
0x514: {  	v18 =	vbroadcast v18, $0x0  }
0x515: {  	v15 =	vld.idx.msk [tilespmem:v15+s18+$0x0], $0xffff;
	v10 =	vsub.f32 v17, v10;
	v11 =	vsub.f32 v16, v11  }
0x516: {  	v12 =	vadd.s32 v12, v18  }
0x517: {  	v13 =	vadd.s32 v13, v18;
	v61 =	vmul.f32 v10, v8;
	v62 =	vmul.f32 v11, v9  }
0x518: {  	v14 =	vadd.s32 v14, v18  }
0x519: {  	v63 =	vmul.f32 v10, v9;
	v8 =	vmul.f32 v11, v8;
	v16 =	vsub.f32 v61, v62  }
0x51a: {  	v7 =	vsub.f32 v15, v7  }
0x51b: {  	s25 =	sadd.s32 s14, s8;
	s17 =	sadd.s32 $0x1, s17;
	v8 =	vadd.f32 v8, v63;
	[tilespmem:v12+s0+$0x0] =	vst.idx.msk $0xffff, v16  }
0x51c: {  	s4 =	rddreg [dreg:$0x2];
	s2 =	sshrl.u32 s25, $0x3;
	p0 =	sne.s32 s17, $0x8;
	[tilespmem:v13+s0+$0x0] =	vst.idx.msk $0xffff, v7  }
.Ltmp24:
0x51d: {  	s2 =	sadd.s32 s4, s2;
	[tilespmem:v14+s0+$0x0] =	vst.idx.msk $0xffff, v8;
	(pc) =	sbr.rel @p0 .LBB2_2-.Ltmp24, $4  }
0x51e: {  	[hbm4b:s2+s16] =	stream.strided.scatter [tilespmem:s0], [sflag:$0x5], $0x600, s20, s16, $0x38;
	[tilespmem:$0x18C80] =	vst v63  }
0x51f: {  	_ =	swait.ge [sflag:s19], $0x600  }
0x520: {  	[sflag:s19] =	ssyncset.done $0x0  }
0x521: {  	[sflag:s19] =	ssyncadd.s32 $0xFFFFFA00  }
0x522: {  	s15 =	rddreg [dreg:$0x5]  }
0x523: {  	s2 =	rddreg [dreg:$0x7];
	s15 =	sadd.s32 $0x1, s15  }
0x524: {  	p0 =	sne.s32 s15, s2  }
.Ltmp25:
0x525: {  	_ = 	snop;
	(pc) =	sbr.rel @p0 .LBB2_1-.Ltmp25, $1  }
0x526: {  	_ =	sdelay $0x3  }
0x527: {  	_ =	sfence.sel $0x180000  }
0x528: {  	[bflag:$0x0] =	sbarrier.arrive $0xFFFF  }
0x529: {  	_ =	strace $0x90000047  }
0x52a: {  	s0 =	stileid.u32;
	[bflag:$0x2] =	sbarrier.arrive $0xFFFF  }
0x52b: {  	p0 =	sne.s32 s0, $0x0;
	s0 =	rddreg [dreg:$0x4]  }
0x52c: {  	s0 =	sadd.s32 @!p0 $0x100000, s0  }
0x52d: {  	[sflag:s0] =	ssyncadd.tile.s32 @!p0 $0x1;
	_ =	shalt  }
.Lfunc_end2:
_tile_overlayer_lowered:
.L_overlay_start_2:
0x52e: {  	(tag) =	ssettag $0x2  }
0x52f: {  	s0 =	rddreg [dreg:$0x0];
	s2 =	stileid.u32  }
0x530: {  	s1 =	rddreg [dreg:$0x1];
	p0 =	sne.s32 s2, $0x0  }
0x531: {  	s3 =	rddreg [dreg:$0x2];
	[bflag:$0x3] =	sbarrier.arrive $0xFFFF;
	s2 =	simm.s32 @!p0 $0x1C05  }
0x532: {  	[timem:s3], [sflag:s2] =	dma.local @!p0 [hbm:s0], s1  }
0x533: {  	s0 =	simm.s32 @!p0 $0x5  }
0x534: {  	_ =	swait.ge @!p0 [sflag:s0], s1  }
0x535: {  	s1 =	ssub.s32 @!p0 $0x0, s1;
	[sflag:s0] =	ssyncset.done @!p0 $0x0  }
0x536: {  	[sflag:s0] =	ssyncadd.s32 @!p0 s1  }
0x537: {  	[bflag:$0x3] =	sbarrier.arrive $0xFFFF  }
0x538: {  	_ =	shalt  }

</sc_bundles>
